<compile_context>
chip_gen: v7x
topology: tpu7x:2x2x1
jax: 0.10.2.dev20260603
libtpu: 0.0.44.dev20260713+nightly
codegen_flags: <defaults>
</compile_context>

<pallas_src>
import functools

import jax
import jax.numpy as jnp
from jax import lax
from jax.experimental import pallas as pl
from jax.experimental.pallas import tpu as pltpu
from jax.experimental.pallas import tpu_sc as plsc

_NC = 2
_NS = 16
_NW = _NC * _NS
_CHUNK = 128


def _rup(x, m):
    return (x + m - 1) // m * m


def _mm(x, w, *, wt=False, bias=None, act=None, bm=4096, bn=512):
    M, K = x.shape
    N = w.shape[0] if wt else w.shape[1]
    bm = min(bm, M)
    bn = min(bn, N)
    gm, gn = pl.cdiv(M, bm), pl.cdiv(N, bn)
    dn = (((1,), (1,)), ((), ())) if wt else (((1,), (0,)), ((), ()))
    have_bias = bias is not None

    def kern(x_ref, w_ref, *rest):
        if have_bias:
            b_ref, o_ref = rest
        else:
            (o_ref,) = rest
        acc = lax.dot_general(x_ref[...], w_ref[...], dn,
                              preferred_element_type=jnp.float32)
        if have_bias:
            acc = acc + b_ref[...]
        if act is not None:
            acc = act(acc)
        o_ref[...] = acc

    in_specs = [
        pl.BlockSpec((bm, K), lambda i, j: (i, 0)),
        pl.BlockSpec((bn, K) if wt else (K, bn),
                     (lambda i, j: (j, 0)) if wt else (lambda i, j: (0, j))),
    ]
    args = [x, w]
    if have_bias:
        in_specs.append(pl.BlockSpec((1, bn), lambda i, j: (0, j)))
        args.append(bias.reshape(1, -1))
    return pl.pallas_call(
        kern, grid=(gm, gn),
        in_specs=in_specs,
        out_specs=pl.BlockSpec((bm, bn), lambda i, j: (i, j)),
        out_shape=jax.ShapeDtypeStruct((M, N), jnp.float32),
    )(*args)


def _mm2(x1, w1, x2, w2, bias, bm=4096):
    M, k1 = x1.shape
    _, k2 = x2.shape
    n = w1.shape[1]
    gm = pl.cdiv(M, bm)

    def kern(x1_ref, w1_ref, x2_ref, w2_ref, b_ref, o_ref):
        acc = lax.dot_general(x1_ref[...], w1_ref[...],
                              (((1,), (0,)), ((), ())),
                              preferred_element_type=jnp.float32)
        acc = acc + lax.dot_general(x2_ref[...], w2_ref[...],
                                    (((1,), (0,)), ((), ())),
                                    preferred_element_type=jnp.float32)
        o_ref[...] = acc + b_ref[...]

    return pl.pallas_call(
        kern, grid=(gm,),
        in_specs=[
            pl.BlockSpec((bm, k1), lambda i: (i, 0)),
            pl.BlockSpec((k1, n), lambda i: (0, 0)),
            pl.BlockSpec((bm, k2), lambda i: (i, 0)),
            pl.BlockSpec((k2, n), lambda i: (0, 0)),
            pl.BlockSpec((1, n), lambda i: (0, 0)),
        ],
        out_specs=pl.BlockSpec((bm, n), lambda i: (i, 0)),
        out_shape=jax.ShapeDtypeStruct((M, n), jnp.float32),
    )(x1, w1, x2, w2, bias.reshape(1, -1))


def _bmm(u, xg, bs, f, bm=1024, ut=False):
    n_in, n_out = (u.shape if ut else u.shape[::-1])
    x3 = xg.reshape(bs, n_in, f)
    bm = min(bm, n_out)
    gm = pl.cdiv(n_out, bm)

    def kern(u_ref, x_ref, o_ref):
        b = pl.program_id(1)
        o_ref[0] = lax.dot_general(u_ref[...].astype(jnp.bfloat16),
                                   x_ref[b].astype(jnp.bfloat16),
                                   (((0,) if ut else (1,), (0,)), ((), ())),
                                   preferred_element_type=jnp.float32)

    out = pl.pallas_call(
        kern, grid=(gm, bs),
        in_specs=[pl.BlockSpec((n_in, bm) if ut else (bm, n_in),
                               (lambda i, b: (0, i)) if ut
                               else (lambda i, b: (i, 0))),
                  pl.BlockSpec((bs, n_in, f), lambda i, b: (0, 0, 0))],
        out_specs=pl.BlockSpec((1, bm, f), lambda i, b: (b, i, 0)),
        out_shape=jax.ShapeDtypeStruct((bs, n_out, f), jnp.float32),
    )(u, x3)
    return out.reshape(bs * n_out, f)


def _g0_outer(u2, t):
    n, _ = u2.shape
    bs, f = t.shape

    def kern(u_ref, t_ref, o_ref):
        s = jnp.sum(u_ref[...], axis=1, keepdims=True)
        o_ref[...] = t_ref[...][:, None, :] * s[None, :, :]

    out = pl.pallas_call(
        kern,
        in_specs=[pl.BlockSpec(u2.shape, lambda: (0, 0)),
                  pl.BlockSpec(t.shape, lambda: (0, 0))],
        out_specs=pl.BlockSpec((bs, n, f), lambda: (0, 0, 0)),
        out_shape=jax.ShapeDtypeStruct((bs, n, f), jnp.float32),
    )(u2, t)
    return out.reshape(bs * n, f)


def _sc_segsum(y128, srcp, dstp, np_rows):
    e_pad = srcp.shape[0]
    per_w = e_pad // _NW
    chunks = per_w // _CHUNK
    nb = 2
    assert chunks % nb == 0
    bulk = chunks % 8 == 0
    rows_pt = np_rows // _NS
    zeros = jnp.zeros((np_rows, 128), jnp.float32)
    src2 = srcp.reshape(-1, _CHUNK)
    dst2 = dstp.reshape(-1, _CHUNK)
    mesh = plsc.VectorSubcoreMesh(core_axis_name="c", subcore_axis_name="s")

    @functools.partial(
        pl.kernel, mesh=mesh,
        out_type=jax.ShapeDtypeStruct((_NC, np_rows, 128), jnp.float32),
        scratch_types=[
            pltpu.VMEM((chunks, _CHUNK), jnp.int32),
            pltpu.VMEM((chunks, _CHUNK), jnp.int32),
            pltpu.VMEM((nb, _CHUNK, 128), jnp.float32),
            pltpu.VMEM_SHARED((np_rows, 128), jnp.float32),
            [pltpu.SemaphoreType.DMA] * nb,
            pltpu.SemaphoreType.DMA,
        ],
    )
    def seg(y_hbm, src_hbm, dst_hbm, z_hbm, out_hbm,
            src_v, dst_v, rows_v, acc_sh, gsem, ssem):
        cid = lax.axis_index("c")
        sid = lax.axis_index("s")
        wid = sid * _NC + cid
        if bulk:
            pltpu.sync_copy(src_hbm.at[pl.ds(wid * chunks, chunks)], src_v)
            pltpu.sync_copy(dst_hbm.at[pl.ds(wid * chunks, chunks)], dst_v)
        else:
            def ld(i, carry):
                o = wid * chunks + i
                pltpu.sync_copy(src_hbm.at[pl.ds(o, 1)], src_v.at[pl.ds(i, 1)])
                pltpu.sync_copy(dst_hbm.at[pl.ds(o, 1)], dst_v.at[pl.ds(i, 1)])
                return carry
            lax.fori_loop(0, chunks, ld, 0)
        pltpu.sync_copy(z_hbm.at[pl.ds(sid * rows_pt, rows_pt)],
                        acc_sh.at[pl.ds(sid * rows_pt, rows_pt)])
        plsc.subcore_barrier()

        for b in range(nb):
            pltpu.async_copy(y_hbm.at[src_v.at[b]], rows_v.at[b], gsem[b])

        def rnd(r, carry):
            i0 = r * nb
            for b in range(nb):
                i = i0 + b
                pltpu.make_async_copy(y_hbm.at[src_v.at[b]], rows_v.at[b],
                                      gsem[b]).wait()
                pltpu.async_copy(rows_v.at[b], acc_sh.at[dst_v.at[i]],
                                 ssem, add=True).wait()

                @pl.when(i + nb < chunks)
                def _():
                    pltpu.async_copy(y_hbm.at[src_v.at[i + nb]],
                                     rows_v.at[b], gsem[b])
            return carry

        lax.fori_loop(0, chunks // nb, rnd, 0)
        plsc.subcore_barrier()
        pltpu.sync_copy(acc_sh.at[pl.ds(sid * rows_pt, rows_pt)],
                        out_hbm.at[cid, pl.ds(sid * rows_pt, rows_pt)])

    return seg(y128, src2, dst2, zeros)


def _sc_indeg(dstp, np_rows):
    e_pad = dstp.shape[0]
    per_w = e_pad // _NW
    chunks = per_w // _CHUNK
    rows_pt = np_rows // _NS
    zeros = jnp.zeros((np_rows, 128), jnp.float32)
    ones = jnp.ones((_CHUNK, 128), jnp.float32)
    mesh = plsc.VectorSubcoreMesh(core_axis_name="c", subcore_axis_name="s")

    @functools.partial(
        pl.kernel, mesh=mesh,
        out_type=jax.ShapeDtypeStruct((_NC, np_rows, 128), jnp.float32),
        scratch_types=[
            pltpu.VMEM((_CHUNK,), jnp.int32),
            pltpu.VMEM((_CHUNK, 128), jnp.float32),
            pltpu.VMEM_SHARED((np_rows, 128), jnp.float32),
            pltpu.SemaphoreType.DMA,
        ],
    )
    def deg(dst_hbm, z_hbm, one_hbm, out_hbm, dst_v, ones_v, acc_sh, sem):
        cid = lax.axis_index("c")
        sid = lax.axis_index("s")
        pltpu.sync_copy(one_hbm, ones_v)
        pltpu.sync_copy(z_hbm.at[pl.ds(sid * rows_pt, rows_pt)],
                        acc_sh.at[pl.ds(sid * rows_pt, rows_pt)])
        plsc.subcore_barrier()
        base = (sid * _NC + cid) * per_w

        def body(i, carry):
            off = base + i * _CHUNK
            pltpu.sync_copy(dst_hbm.at[pl.ds(off, _CHUNK)], dst_v)
            pltpu.async_copy(ones_v, acc_sh.at[dst_v], sem, add=True).wait()
            return carry

        lax.fori_loop(0, chunks, body, 0)
        plsc.subcore_barrier()
        pltpu.sync_copy(acc_sh.at[pl.ds(sid * rows_pt, rows_pt)],
                        out_hbm.at[cid, pl.ds(sid * rows_pt, rows_pt)])

    return deg(dstp, zeros, ones)


def _epi(y, agg, bias, n_graph, f_out, *, leaky, ident=None, ind=None,
         c0=0):
    n, fw = y.shape
    np_rows = agg.shape[1]
    r = min(4096, n, np_rows)
    gbm = pl.cdiv(np_rows, r) - 1
    g = pl.cdiv(n, r)
    have_id = ident is not None
    have_ind = ind is not None

    def kern(y_ref, a_ref, b_ref, *rest):
        rest = list(rest)
        d_ref = rest.pop(0) if have_ind else None
        id_ref = rest.pop(0) if have_id else None
        o_ref = rest.pop(0)
        i = pl.program_id(0)
        rows = lax.broadcasted_iota(jnp.int32, (r, 1), 0) + i * r
        mask = rows < n_graph
        aggs = jnp.where(mask, a_ref[0] + a_ref[1], 0.0)
        if have_ind:
            indeg = d_ref[0][:, 0:1] + d_ref[1][:, 0:1]
        else:
            indeg = a_ref[0][:, 127:128] + a_ref[1][:, 127:128]
        deg = jnp.where(mask, 1.0 + indeg, 1.0)
        v = (aggs + y_ref[...]) / deg
        v = v[:, c0:c0 + f_out] + b_ref[...]
        if leaky:
            v = jnp.where(v >= 0, v, 0.01 * v)
        if have_id:
            v = v + id_ref[...]
        o_ref[...] = v

    in_specs = [
        pl.BlockSpec((r, fw), lambda i: (i, 0)),
        pl.BlockSpec((2, r, fw), lambda i: (0, jnp.minimum(i, gbm), 0)),
        pl.BlockSpec((1, f_out), lambda i: (0, 0)),
    ]
    args = [y, agg, bias.reshape(1, -1)]
    if have_ind:
        in_specs.append(
            pl.BlockSpec((2, r, 128), lambda i: (0, jnp.minimum(i, gbm), 0)))
        args.append(ind)
    if have_id:
        in_specs.append(pl.BlockSpec((r, f_out), lambda i: (i, 0)))
        args.append(ident)
    return pl.pallas_call(
        kern, grid=(g,),
        in_specs=in_specs,
        out_specs=pl.BlockSpec((r, f_out), lambda i: (i, 0)),
        out_shape=jax.ShapeDtypeStruct((n, f_out), jnp.float32),
    )(*args)


def _epi2(y, agg, bias_g, bias_l, ident_l, n_graph):
    n, fw = y.shape
    np_rows = agg.shape[1]
    r = min(4096, n, np_rows)
    gbm = pl.cdiv(np_rows, r) - 1
    g = pl.cdiv(n, r)

    def kern(y_ref, a_ref, bg_ref, bl_ref, id_ref, og_ref, ol_ref):
        i = pl.program_id(0)
        rows = lax.broadcasted_iota(jnp.int32, (r, 1), 0) + i * r
        mask = rows < n_graph
        aggs = jnp.where(mask, a_ref[0] + a_ref[1], 0.0)
        indeg = a_ref[0][:, 127:128] + a_ref[1][:, 127:128]
        deg = jnp.where(mask, 1.0 + indeg, 1.0)
        v = (aggs + y_ref[...]) / deg
        og_ref[...] = v[:, :64] + bg_ref[...]
        vl = v[:, 64:96] + bl_ref[...]
        ol_ref[...] = jnp.where(vl >= 0, vl, 0.01 * vl) + id_ref[...]

    return pl.pallas_call(
        kern, grid=(g,),
        in_specs=[
            pl.BlockSpec((r, fw), lambda i: (i, 0)),
            pl.BlockSpec((2, r, fw), lambda i: (0, jnp.minimum(i, gbm), 0)),
            pl.BlockSpec((1, 64), lambda i: (0, 0)),
            pl.BlockSpec((1, 32), lambda i: (0, 0)),
            pl.BlockSpec((r, 32), lambda i: (i, 0)),
        ],
        out_specs=[pl.BlockSpec((r, 64), lambda i: (i, 0)),
                   pl.BlockSpec((r, 32), lambda i: (i, 0))],
        out_shape=[jax.ShapeDtypeStruct((n, 64), jnp.float32),
                   jax.ShapeDtypeStruct((n, 32), jnp.float32)],
    )(y, agg, bias_g.reshape(1, -1), bias_l.reshape(1, -1), ident_l)


def _attn(xg, xl, w1, b1, w2, b2, br=4096):
    n, f = xg.shape
    g = pl.cdiv(n, br)

    def kern(xg_ref, xl_ref, w1_ref, b1_ref, w2_ref, b2_ref, o_ref):
        cat = jnp.concatenate([xg_ref[...], xl_ref[...]], axis=1)
        h = lax.dot_general(cat, w1_ref[...], (((1,), (1,)), ((), ())),
                            preferred_element_type=jnp.float32) + b1_ref[...]
        h = jnp.maximum(h, 0.0)
        logit = lax.dot_general(h, w2_ref[...], (((1,), (1,)), ((), ())),
                                preferred_element_type=jnp.float32) + b2_ref[...]
        m = jnp.max(logit, axis=1, keepdims=True)
        e = jnp.exp(logit - m)
        w = e / jnp.sum(e, axis=1, keepdims=True)
        res = w[:, 0:1] * xg_ref[...] + w[:, 1:2] * xl_ref[...]
        o_ref[...] = res.T

    return pl.pallas_call(
        kern, grid=(g,),
        in_specs=[
            pl.BlockSpec((br, f), lambda i: (i, 0)),
            pl.BlockSpec((br, f), lambda i: (i, 0)),
            pl.BlockSpec(w1.shape, lambda i: (0, 0)),
            pl.BlockSpec((1, b1.shape[0]), lambda i: (0, 0)),
            pl.BlockSpec(w2.shape, lambda i: (0, 0)),
            pl.BlockSpec((1, b2.shape[0]), lambda i: (0, 0)),
        ],
        out_specs=pl.BlockSpec((f, br), lambda i: (0, i)),
        out_shape=jax.ShapeDtypeStruct((f, n), jnp.float32),
    )(xg, xl, w1, b1.reshape(1, -1), w2, b2.reshape(1, -1)).T


def _pad_edges(src, dst, n_src, dummy_dst):
    e = src.shape[0]
    e_pad = _rup(e, _NW * _CHUNK * 2)
    pad = e_pad - e
    pad_src = (jnp.arange(pad, dtype=src.dtype) * 61) % n_src
    pad_dst = dummy_dst + (jnp.arange(pad, dtype=dst.dtype) % 64)
    return (jnp.concatenate([src, pad_src]),
            jnp.concatenate([dst, pad_dst]))


def _nprows(n_graph):
    return _rup(n_graph + 64, _NS * 16)


def _ones_col_bias():
    return jnp.zeros((128,), jnp.float32).at[127].set(1.0)


def _pad_w128(w):
    k, f = w.shape
    return jnp.concatenate([w, jnp.zeros((k, 128 - f), jnp.float32)], axis=1)


def kernel(z, params, A, U, batch_size):
    p = params
    bs = z.shape[0]
    del batch_size

    nfg = [64, 128, 256, 512]
    nodes = [10000, 2500, 625, 157]

    np2 = _nprows(nodes[2])
    np1 = _nprows(nodes[1])
    np0 = _nprows(nodes[0])
    s1, d1 = _pad_edges(A[1][0], A[1][1], nodes[1], nodes[1])
    s0, d0 = _pad_edges(A[0][0], A[0][1], nodes[0], nodes[0])
    s2, d2 = _pad_edges(A[2][0], A[2][1], nodes[2], nodes[2])
    ind2 = _sc_indeg(d2, np2)
    ind1 = _sc_indeg(d1, np1)

    x = _mm(z, p['dec_lin_w'], wt=True, bias=p['dec_lin_b'])
    xg0 = x[:, :nfg[-1]]
    xl0 = x[:, nfg[-1]:]

    t = _mm(xg0, p['gconv0_W'])
    y = _g0_outer(U[2], t)
    sv, dv = _pad_edges(jnp.concatenate([A[2][0], A[2][0] + 2500]),
                        jnp.concatenate([A[2][1], A[2][1] + np2]),
                        2 * 2500, nodes[2])
    yv = y.reshape(2500, 2, 128).transpose(1, 0, 2).reshape(5000, 128)
    aggf = _sc_segsum(yv, sv, dv, 2 * np2)
    agg = jnp.concatenate([aggf[:, :np2], aggf[:, np2:]], axis=-1)
    xg = _epi(y, agg, p['gconv0_b'], nodes[2], 256, leaky=True, ind=ind2)

    xg = _bmm(U[1], xg, bs, 256)
    y = _mm(xg, p['gconv1_W'])
    agg = _sc_segsum(y, s1, d1, np1)
    xg = _epi(y, agg, p['gconv1_b'], nodes[1], 128, leaky=True, ind=ind1)

    xg = _bmm(U[0].T, xg, bs, 128, ut=True)
    xl = _mm(xl0, p['dec_loc_w'], wt=True, bias=p['dec_loc_b'], bn=8192)
    xl = xl.reshape(bs * nodes[0], 16)
    ident0 = _mm(xl, p['proj0_w'], wt=True, bias=p['proj0_b'])
    w_g2 = _pad_w128(p['gconv2_W'])
    w_l0 = jnp.concatenate(
        [jnp.zeros((16, 64), jnp.float32), p['lconv0_W'],
         jnp.zeros((16, 32), jnp.float32)], axis=1)
    y = _mm2(xg, w_g2, xl, w_l0, _ones_col_bias())
    agg = _sc_segsum(y, s0, d0, np0)
    xg, xl = _epi2(y, agg, p['gconv2_b'], p['lconv0_b'], ident0, nodes[0])

    for i in (1, 2):
        y = _mm(xl, _pad_w128(p['lconv%d_W' % i]), bias=_ones_col_bias())
        if ('proj%d_w' % i) in p:
            ident = _mm(xl, p['proj%d_w' % i], wt=True, bias=p['proj%d_b' % i])
        else:
            ident = xl
        agg = _sc_segsum(y, s0, d0, np0)
        xl = _epi(y, agg, p['lconv%d_b' % i], nodes[0], 64,
                  leaky=(i < 2), ident=ident)

    return _attn(xg, xl, p['att1_w'], p['att1_b'], p['att2_w'], p['att2_b'])

# --- scband reference (transcript-rebuilt; emitter-appended) ---
"""Pipeline reference for scband-fmgen-decoder-38439957299346 (READ-ONLY COPY).

The authoritative reference and input builder live on the scoring server;
editing this copy changes nothing except your own understanding.
"""

import jax, jax.numpy as jnp
import numpy as np

NFG = [64, 128, 256, 512]
NFL = [64, 64, 32, 16]
Z_LEN = 128
N_LAYERS = 3
NODES = [10000, 2500, 625, 157]
DEGREE = 16
BATCH = 4


def _edges(key, n, e):
    k1, k2 = jax.random.split(key)
    src = jax.random.randint(k1, (e,), 0, n)
    off = jax.random.randint(k2, (e,), 1, n)
    dst = (src + off) % n
    return jnp.stack([src, dst]).astype(jnp.int32)


def feast_conv(x, edge_index, W, u, c, b):
    # PyG FeaStConv with heads=1, mean aggregation, add_self_loops=True.
    n = x.shape[0]
    loop = jnp.arange(n, dtype=edge_index.dtype)
    src = jnp.concatenate([edge_index[0], loop])
    dst = jnp.concatenate([edge_index[1], loop])
    x_j = x[src]
    x_i = x[dst]
    q = jax.nn.softmax((x_j - x_i) @ u + c, axis=-1)  # [E,1]; softmax over 1 head -> ones
    m = (x_j @ W) * q
    agg = jax.ops.segment_sum(m, dst, num_segments=n)
    deg = jax.ops.segment_sum(jnp.ones((dst.shape[0],), x.dtype), dst, num_segments=n)
    return agg / jnp.maximum(deg, 1.0)[:, None] + b


def _forward(z, p, A, U, batch_size):
    bs = z.shape[0]
    z = z + jnp.asarray(batch_size).astype(z.dtype) * jnp.zeros((), z.dtype)
    x = z @ p['dec_lin_w'].T + p['dec_lin_b']
    xg = x[:, :NFG[-1]]
    xl = x[:, NFG[-1]:]
    xg = jnp.repeat(xg[:, None, :], U[-1].shape[1], axis=1)
    for i in range(N_LAYERS):
        f_in = NFG[-1 - i]
        xg = xg.reshape(bs, -1, f_in)
        xg = jnp.einsum('nc,bcf->bnf', U[-1 - i], xg)
        xg = xg.reshape(-1, f_in)
        xg = feast_conv(xg, A[-2 - i], p['gconv%d_W' % i], p['gconv%d_u' % i], p['gconv%d_c' % i], p['gconv%d_b' % i])
        if i < N_LAYERS - 1:
            xg = jax.nn.leaky_relu(xg, 0.01)
    xg = xg.reshape(-1, NFG[0])
    xl = xl @ p['dec_loc_w'].T + p['dec_loc_b']
    xl = xl.reshape(-1, NFL[-1])
    for i in range(N_LAYERS):
        ident = xl
        xl = feast_conv(xl, A[0], p['lconv%d_W' % i], p['lconv%d_u' % i], p['lconv%d_c' % i], p['lconv%d_b' % i])
        if i < N_LAYERS - 1:
            xl = jax.nn.leaky_relu(xl, 0.01)
        if ('proj%d_w' % i) in p:
            ident = ident @ p['proj%d_w' % i].T + p['proj%d_b' % i]
        xl = xl + ident
    cat = jnp.concatenate([xg, xl], axis=-1)
    h = jax.nn.relu(cat @ p['att1_w'].T + p['att1_b'])
    w = jax.nn.softmax(h @ p['att2_w'].T + p['att2_b'], axis=-1)
    return w[:, 0:1] * xg + w[:, 1:2] * xl


def setup_inputs(seed: int = 0):
    key = jax.random.key(seed)
    ks = jax.random.split(key, 64)
    A = [_edges(ks[i], NODES[i], NODES[i] * DEGREE) for i in range(4)]
    U = [jax.random.normal(ks[4 + i], (NODES[i], NODES[i + 1]), jnp.float32) * 0.02 for i in range(3)]
    p = {}
    p['dec_lin_w'] = jax.random.normal(ks[8], (Z_LEN + NFG[-1], Z_LEN), jnp.float32) * 0.1
    p['dec_lin_b'] = jnp.zeros((Z_LEN + NFG[-1],), jnp.float32)
    p['dec_loc_w'] = jax.random.normal(ks[9], (NFL[-1] * NODES[0], Z_LEN), jnp.float32) * 0.1
    p['dec_loc_b'] = jnp.zeros((NFL[-1] * NODES[0],), jnp.float32)
    ki = 10
    for k in range(N_LAYERS):
        fi, fo = NFG[-1 - k], NFG[-2 - k]
        p['gconv%d_W' % k] = jax.random.normal(ks[ki], (fi, fo), jnp.float32) * float(1.0 / np.sqrt(fi)); ki += 1
        p['gconv%d_u' % k] = jax.random.normal(ks[ki], (fi, 1), jnp.float32) * 0.1; ki += 1
        p['gconv%d_c' % k] = jnp.zeros((1,), jnp.float32)
        p['gconv%d_b' % k] = jnp.zeros((fo,), jnp.float32)
        fi, fo = NFL[-1 - k], NFL[-2 - k]
        p['lconv%d_W' % k] = jax.random.normal(ks[ki], (fi, fo), jnp.float32) * float(1.0 / np.sqrt(fi)); ki += 1
        p['lconv%d_u' % k] = jax.random.normal(ks[ki], (fi, 1), jnp.float32) * 0.1; ki += 1
        p['lconv%d_c' % k] = jnp.zeros((1,), jnp.float32)
        p['lconv%d_b' % k] = jnp.zeros((fo,), jnp.float32)
        if fi != fo:
            p['proj%d_w' % k] = jax.random.normal(ks[ki], (fo, fi), jnp.float32) * float(1.0 / np.sqrt(fi)); ki += 1
            p['proj%d_b' % k] = jnp.zeros((fo,), jnp.float32)
    p['att1_w'] = jax.random.normal(ks[ki], (64, NFG[0] + NFL[0]), jnp.float32) * 0.1; ki += 1
    p['att1_b'] = jnp.zeros((64,), jnp.float32)
    p['att2_w'] = jax.random.normal(ks[ki], (2, 64), jnp.float32) * 0.1; ki += 1
    p['att2_b'] = jnp.zeros((2,), jnp.float32)
    z = jax.random.normal(ks[ki + 1], (BATCH, Z_LEN), jnp.float32)
    return {'z': z, 'params': p, 'A': A, 'U': U, 'batch_size': BATCH}


def reference(z, params, A, U, batch_size):
    return _forward(z, params, A, U, batch_size)

if __name__ == "__main__":
    import jax
    _d = setup_inputs()
    print(jax.jit(kernel)(*tuple(_d.values())))

</pallas_src>

<mosaic_0001>
#map = affine_map<(d0, d1) -> (0)>
#map1 = affine_map<(d0, d1) -> (0, 0)>
#map2 = affine_map<(d0, d1) -> (0, 0, 0)>
module attributes {stable_mosaic.version = 14 : i64} {
  func.func @deg(%arg0: i32, %arg1: i32, %arg2: memref<40960xi32, #tpu.memory_space<hbm>>, %arg3: memref<2816x128xf32, #tpu.memory_space<hbm>>, %arg4: memref<128x128xf32, #tpu.memory_space<hbm>>, %arg5: memref<2x2816x128xf32, #tpu.memory_space<hbm>>, %arg6: memref<128xi32, #tpu.memory_space<vmem>>, %arg7: memref<128x128xf32, #tpu.memory_space<vmem>>, %arg8: memref<2816x128xf32, #tpu.memory_space<vmem_shared>>, %arg9: memref<!tpu.dma_semaphore, #tpu.memory_space<semaphore_mem>>) attributes {dimension_semantics = [#tpu.dimension_semantics<core_parallel>, #tpu.dimension_semantics<subcore_parallel>], iteration_bounds = array<i64: 2, 16>, scalar_prefetch = 0 : i64, scratch_operands = 4 : i64, tpu.core_type = #tpu.core_type<sc_vector_subcore>, window_params = [{transform_indices = #map}, {transform_indices = #map1}, {transform_indices = #map1}, {transform_indices = #map2}]} {
    "tpu.region"() ({
      %run_scoped3A = tpu.sem_alloc : memref<!tpu.dma_semaphore, #tpu.memory_space<semaphore_mem>>
      tpu.enqueue_dma source(%arg4 : memref<128x128xf32, #tpu.memory_space<hbm>>) target(%arg7 : memref<128x128xf32, #tpu.memory_space<vmem>>) target_semaphore(%run_scoped3A : memref<!tpu.dma_semaphore, #tpu.memory_space<semaphore_mem>>)
      tpu.wait_dma2 semaphore(%run_scoped3A : memref<!tpu.dma_semaphore, #tpu.memory_space<semaphore_mem>>) src(%arg4 : memref<128x128xf32, #tpu.memory_space<hbm>>) dst(%arg7 : memref<128x128xf32, #tpu.memory_space<vmem>>)
      tpu.yield
    }) : () -> ()
    %mul3A = arith.constant 176 : i32
    %mul3A_0 = arith.muli %arg1, %mul3A : i32
    %mul3A_1 = arith.constant 176 : i32
    %mul3A_2 = arith.muli %arg1, %mul3A_1 : i32
    "tpu.region"() ({
      %run_scoped3A = tpu.sem_alloc : memref<!tpu.dma_semaphore, #tpu.memory_space<semaphore_mem>>
      %dma_start3A = arith.constant 0 : i32
      %dma_start3A_17 = tpu.memref_slice %arg8[%mul3A_2, %dma_start3A] : memref<2816x128xf32, #tpu.memory_space<vmem_shared>> -> memref<176x128xf32, #tpu.memory_space<vmem_shared>>
      %dma_start3A_18 = arith.constant 0 : i32
      %dma_start3A_19 = tpu.memref_slice %arg3[%mul3A_0, %dma_start3A_18] : memref<2816x128xf32, #tpu.memory_space<hbm>> -> memref<176x128xf32, #tpu.memory_space<hbm>>
      tpu.enqueue_dma source(%dma_start3A_19 : memref<176x128xf32, #tpu.memory_space<hbm>>) target(%dma_start3A_17 : memref<176x128xf32, #tpu.memory_space<vmem_shared>>) target_semaphore(%run_scoped3A : memref<!tpu.dma_semaphore, #tpu.memory_space<semaphore_mem>>)
      %dma_wait3A = arith.constant 0 : i32
      %dma_wait3A_20 = tpu.memref_slice %arg8[%mul3A_2, %dma_wait3A] : memref<2816x128xf32, #tpu.memory_space<vmem_shared>> -> memref<176x128xf32, #tpu.memory_space<vmem_shared>>
      %dma_wait3A_21 = arith.constant 0 : i32
      %dma_wait3A_22 = tpu.memref_slice %arg3[%mul3A_0, %dma_wait3A_21] : memref<2816x128xf32, #tpu.memory_space<hbm>> -> memref<176x128xf32, #tpu.memory_space<hbm>>
      tpu.wait_dma2 semaphore(%run_scoped3A : memref<!tpu.dma_semaphore, #tpu.memory_space<semaphore_mem>>) src(%dma_wait3A_22 : memref<176x128xf32, #tpu.memory_space<hbm>>) dst(%dma_wait3A_20 : memref<176x128xf32, #tpu.memory_space<vmem_shared>>)
      tpu.yield
    }) : () -> ()
    %barrier3A = arith.constant 0 : index
    tpu.barrier barrier_id(%barrier3A)
    %mul3A_3 = arith.constant 2 : i32
    %mul3A_4 = arith.muli %arg1, %mul3A_3 : i32
    %add3A = arith.addi %mul3A_4, %arg0 : i32
    %mul3A_5 = arith.constant 1280 : i32
    %mul3A_6 = arith.muli %add3A, %mul3A_5 : i32
    %scan3A = arith.constant 0 : i32
    %scan3A_7 = arith.constant 0 : i32
    %scan3A_8 = arith.constant 10 : i32
    %scan3A_9 = arith.addi %scan3A_7, %scan3A_8 : i32
    %scan3A_10 = arith.constant 1 : i32
    scf.for %scan3A_17 = %scan3A_7 to %scan3A_9 step %scan3A_10  : i32 {
      %mul3A_18 = arith.constant 128 : i32
      %mul3A_19 = arith.muli %scan3A_17, %mul3A_18 : i32
      %add3A_20 = arith.addi %mul3A_6, %mul3A_19 : i32
      "tpu.region"() ({
        %run_scoped3A = tpu.sem_alloc : memref<!tpu.dma_semaphore, #tpu.memory_space<semaphore_mem>>
        %dma_start3A_25 = tpu.memref_slice %arg2[%add3A_20] : memref<40960xi32, #tpu.memory_space<hbm>> -> memref<128xi32, #tpu.memory_space<hbm>>
        %dma_start3A_26 = tpu.memref_slice %arg2[%add3A_20] : memref<40960xi32, #tpu.memory_space<hbm>> -> memref<128xi32, #tpu.memory_space<hbm>>
        tpu.enqueue_dma source(%dma_start3A_26 : memref<128xi32, #tpu.memory_space<hbm>>) target(%arg6 : memref<128xi32, #tpu.memory_space<vmem>>) target_semaphore(%run_scoped3A : memref<!tpu.dma_semaphore, #tpu.memory_space<semaphore_mem>>)
        %dma_wait3A_27 = tpu.memref_slice %arg2[%add3A_20] : memref<40960xi32, #tpu.memory_space<hbm>> -> memref<128xi32, #tpu.memory_space<hbm>>
        %dma_wait3A_28 = tpu.memref_slice %arg2[%add3A_20] : memref<40960xi32, #tpu.memory_space<hbm>> -> memref<128xi32, #tpu.memory_space<hbm>>
        tpu.wait_dma2 semaphore(%run_scoped3A : memref<!tpu.dma_semaphore, #tpu.memory_space<semaphore_mem>>) src(%dma_wait3A_28 : memref<128xi32, #tpu.memory_space<hbm>>) dst(%arg6 : memref<128xi32, #tpu.memory_space<vmem>>)
        tpu.yield
      }) : () -> ()
      %dma_start3A = arith.constant 0 : i32
      %dma_start3A_21 = arith.constant 0 : i32
      %dma_start3A_22 = tpu.memref_slice %arg8[%dma_start3A, %dma_start3A_21] : memref<2816x128xf32, #tpu.memory_space<vmem_shared>> -> memref<2816x128xf32, #tpu.memory_space<vmem_shared>>
      tpu.enqueue_indirect_dma source(%arg7 : memref<128x128xf32, #tpu.memory_space<vmem>>) target(%dma_start3A_22 : memref<2816x128xf32, #tpu.memory_space<vmem_shared>>) offsets(%arg6 : memref<128xi32, #tpu.memory_space<vmem>>) semaphore(%arg9 : memref<!tpu.dma_semaphore, #tpu.memory_space<semaphore_mem>>) {add = true}
      %dma_wait3A = arith.constant 0 : i32
      %dma_wait3A_23 = arith.constant 0 : i32
      %dma_wait3A_24 = tpu.memref_slice %arg8[%dma_wait3A, %dma_wait3A_23] : memref<2816x128xf32, #tpu.memory_space<vmem_shared>> -> memref<2816x128xf32, #tpu.memory_space<vmem_shared>>
      tpu.wait_indirect_dma semaphore(%arg9 : memref<!tpu.dma_semaphore, #tpu.memory_space<semaphore_mem>>) src(%arg7 : memref<128x128xf32, #tpu.memory_space<vmem>>) dst(%dma_wait3A_24 : memref<2816x128xf32, #tpu.memory_space<vmem_shared>>)
    }
    %scan3A_11 = arith.constant 10 : i32
    %barrier3A_12 = arith.constant 0 : index
    tpu.barrier barrier_id(%barrier3A_12)
    %mul3A_13 = arith.constant 176 : i32
    %mul3A_14 = arith.muli %arg1, %mul3A_13 : i32
    %mul3A_15 = arith.constant 176 : i32
    %mul3A_16 = arith.muli %arg1, %mul3A_15 : i32
    "tpu.region"() ({
      %run_scoped3A = tpu.sem_alloc : memref<!tpu.dma_semaphore, #tpu.memory_space<semaphore_mem>>
      %dma_start3A = arith.constant 0 : i32
      %dma_start3A_17 = tpu.memref_slice %arg5[%arg0, %mul3A_16, %dma_start3A] : memref<2x2816x128xf32, #tpu.memory_space<hbm>> -> memref<1x176x128xf32, #tpu.memory_space<hbm>>
      %dma_start3A_18 = tpu.memref_squeeze %dma_start3A_17 : memref<1x176x128xf32, #tpu.memory_space<hbm>> -> memref<176x128xf32, #tpu.memory_space<hbm>>
      %dma_start3A_19 = arith.constant 0 : i32
      %dma_start3A_20 = tpu.memref_slice %arg8[%mul3A_14, %dma_start3A_19] : memref<2816x128xf32, #tpu.memory_space<vmem_shared>> -> memref<176x128xf32, #tpu.memory_space<vmem_shared>>
      tpu.enqueue_dma source(%dma_start3A_20 : memref<176x128xf32, #tpu.memory_space<vmem_shared>>) target(%dma_start3A_18 : memref<176x128xf32, #tpu.memory_space<hbm>>) target_semaphore(%run_scoped3A : memref<!tpu.dma_semaphore, #tpu.memory_space<semaphore_mem>>)
      %dma_wait3A = arith.constant 0 : i32
      %dma_wait3A_21 = tpu.memref_slice %arg5[%arg0, %mul3A_16, %dma_wait3A] : memref<2x2816x128xf32, #tpu.memory_space<hbm>> -> memref<1x176x128xf32, #tpu.memory_space<hbm>>
      %dma_wait3A_22 = tpu.memref_squeeze %dma_wait3A_21 : memref<1x176x128xf32, #tpu.memory_space<hbm>> -> memref<176x128xf32, #tpu.memory_space<hbm>>
      %dma_wait3A_23 = arith.constant 0 : i32
      %dma_wait3A_24 = tpu.memref_slice %arg8[%mul3A_14, %dma_wait3A_23] : memref<2816x128xf32, #tpu.memory_space<vmem_shared>> -> memref<176x128xf32, #tpu.memory_space<vmem_shared>>
      tpu.wait_dma2 semaphore(%run_scoped3A : memref<!tpu.dma_semaphore, #tpu.memory_space<semaphore_mem>>) src(%dma_wait3A_24 : memref<176x128xf32, #tpu.memory_space<vmem_shared>>) dst(%dma_wait3A_22 : memref<176x128xf32, #tpu.memory_space<hbm>>)
      tpu.yield
    }) : () -> ()
    return
  }
}

#map = affine_map<(d0, d1) -> (0, 0)>
#map1 = affine_map<(d0, d1) -> (0, 0, 0)>
module attributes {stable_mosaic.version = 14 : i64} {
  func.func @seg(%arg0: i32, %arg1: i32, %arg2: memref<10000x128xf32, #tpu.memory_space<hbm>>, %arg3: memref<320x128xi32, #tpu.memory_space<hbm>>, %arg4: memref<320x128xi32, #tpu.memory_space<hbm>>, %arg5: memref<2816x128xf32, #tpu.memory_space<hbm>>, %arg6: memref<2x2816x128xf32, #tpu.memory_space<hbm>>, %arg7: memref<10x128xi32, #tpu.memory_space<vmem>>, %arg8: memref<10x128xi32, #tpu.memory_space<vmem>>, %arg9: memref<2x128x128xf32, #tpu.memory_space<vmem>>, %arg10: memref<2816x128xf32, #tpu.memory_space<vmem_shared>>, %arg11: memref<!tpu.dma_semaphore, #tpu.memory_space<semaphore_mem>>, %arg12: memref<!tpu.dma_semaphore, #tpu.memory_space<semaphore_mem>>, %arg13: memref<!tpu.dma_semaphore, #tpu.memory_space<semaphore_mem>>) attributes {dimension_semantics = [#tpu.dimension_semantics<core_parallel>, #tpu.dimension_semantics<subcore_parallel>], iteration_bounds = array<i64: 2, 16>, scalar_prefetch = 0 : i64, scratch_operands = 7 : i64, tpu.core_type = #tpu.core_type<sc_vector_subcore>, window_params = [{transform_indices = #map}, {transform_indices = #map}, {transform_indices = #map}, {transform_indices = #map}, {transform_indices = #map1}]} {
    %mul3A = arith.constant 2 : i32
    %mul3A_0 = arith.muli %arg1, %mul3A : i32
    %add3A = arith.addi %mul3A_0, %arg0 : i32
    %scan3A = arith.constant 0 : i32
    %scan3A_1 = arith.constant 0 : i32
    %scan3A_2 = arith.constant 10 : i32
    %scan3A_3 = arith.addi %scan3A_1, %scan3A_2 : i32
    %scan3A_4 = arith.constant 1 : i32
    scf.for %scan3A_44 = %scan3A_1 to %scan3A_3 step %scan3A_4  : i32 {
      %mul3A_45 = arith.constant 10 : i32
      %mul3A_46 = arith.muli %add3A, %mul3A_45 : i32
      %add3A_47 = arith.addi %mul3A_46, %scan3A_44 : i32
      "tpu.region"() ({
        %run_scoped3A = tpu.sem_alloc : memref<!tpu.dma_semaphore, #tpu.memory_space<semaphore_mem>>
        %dma_start3A_48 = arith.constant 0 : i32
        %dma_start3A_49 = tpu.memref_slice %arg7[%scan3A_44, %dma_start3A_48] : memref<10x128xi32, #tpu.memory_space<vmem>> -> memref<1x128xi32, #tpu.memory_space<vmem>>
        %dma_start3A_50 = arith.constant 0 : i32
        %dma_start3A_51 = tpu.memref_slice %arg3[%add3A_47, %dma_start3A_50] : memref<320x128xi32, #tpu.memory_space<hbm>> -> memref<1x128xi32, #tpu.memory_space<hbm>>
        %dma_start3A_52 = arith.constant 0 : i32
        %dma_start3A_53 = tpu.memref_slice %arg7[%scan3A_44, %dma_start3A_52] : memref<10x128xi32, #tpu.memory_space<vmem>> -> memref<1x128xi32, #tpu.memory_space<vmem>>
        %dma_start3A_54 = arith.constant 0 : i32
        %dma_start3A_55 = tpu.memref_slice %arg3[%add3A_47, %dma_start3A_54] : memref<320x128xi32, #tpu.memory_space<hbm>> -> memref<1x128xi32, #tpu.memory_space<hbm>>
        tpu.enqueue_dma source(%dma_start3A_55 : memref<1x128xi32, #tpu.memory_space<hbm>>) target(%dma_start3A_53 : memref<1x128xi32, #tpu.memory_space<vmem>>) target_semaphore(%run_scoped3A : memref<!tpu.dma_semaphore, #tpu.memory_space<semaphore_mem>>)
        %dma_wait3A = arith.constant 0 : i32
        %dma_wait3A_56 = tpu.memref_slice %arg7[%scan3A_44, %dma_wait3A] : memref<10x128xi32, #tpu.memory_space<vmem>> -> memref<1x128xi32, #tpu.memory_space<vmem>>
        %dma_wait3A_57 = arith.constant 0 : i32
        %dma_wait3A_58 = tpu.memref_slice %arg3[%add3A_47, %dma_wait3A_57] : memref<320x128xi32, #tpu.memory_space<hbm>> -> memref<1x128xi32, #tpu.memory_space<hbm>>
        %dma_wait3A_59 = arith.constant 0 : i32
        %dma_wait3A_60 = tpu.memref_slice %arg7[%scan3A_44, %dma_wait3A_59] : memref<10x128xi32, #tpu.memory_space<vmem>> -> memref<1x128xi32, #tpu.memory_space<vmem>>
        %dma_wait3A_61 = arith.constant 0 : i32
        %dma_wait3A_62 = tpu.memref_slice %arg3[%add3A_47, %dma_wait3A_61] : memref<320x128xi32, #tpu.memory_space<hbm>> -> memref<1x128xi32, #tpu.memory_space<hbm>>
        tpu.wait_dma2 semaphore(%run_scoped3A : memref<!tpu.dma_semaphore, #tpu.memory_space<semaphore_mem>>) src(%dma_wait3A_62 : memref<1x128xi32, #tpu.memory_space<hbm>>) dst(%dma_wait3A_60 : memref<1x128xi32, #tpu.memory_space<vmem>>)
        tpu.yield
      }) : () -> ()
      "tpu.region"() ({
        %run_scoped3A = tpu.sem_alloc : memref<!tpu.dma_semaphore, #tpu.memory_space<semaphore_mem>>
        %dma_start3A_48 = arith.constant 0 : i32
        %dma_start3A_49 = tpu.memref_slice %arg8[%scan3A_44, %dma_start3A_48] : memref<10x128xi32, #tpu.memory_space<vmem>> -> memref<1x128xi32, #tpu.memory_space<vmem>>
        %dma_start3A_50 = arith.constant 0 : i32
        %dma_start3A_51 = tpu.memref_slice %arg4[%add3A_47, %dma_start3A_50] : memref<320x128xi32, #tpu.memory_space<hbm>> -> memref<1x128xi32, #tpu.memory_space<hbm>>
        %dma_start3A_52 = arith.constant 0 : i32
        %dma_start3A_53 = tpu.memref_slice %arg8[%scan3A_44, %dma_start3A_52] : memref<10x128xi32, #tpu.memory_space<vmem>> -> memref<1x128xi32, #tpu.memory_space<vmem>>
        %dma_start3A_54 = arith.constant 0 : i32
        %dma_start3A_55 = tpu.memref_slice %arg4[%add3A_47, %dma_start3A_54] : memref<320x128xi32, #tpu.memory_space<hbm>> -> memref<1x128xi32, #tpu.memory_space<hbm>>
        tpu.enqueue_dma source(%dma_start3A_55 : memref<1x128xi32, #tpu.memory_space<hbm>>) target(%dma_start3A_53 : memref<1x128xi32, #tpu.memory_space<vmem>>) target_semaphore(%run_scoped3A : memref<!tpu.dma_semaphore, #tpu.memory_space<semaphore_mem>>)
        %dma_wait3A = arith.constant 0 : i32
        %dma_wait3A_56 = tpu.memref_slice %arg8[%scan3A_44, %dma_wait3A] : memref<10x128xi32, #tpu.memory_space<vmem>> -> memref<1x128xi32, #tpu.memory_space<vmem>>
        %dma_wait3A_57 = arith.constant 0 : i32
        %dma_wait3A_58 = tpu.memref_slice %arg4[%add3A_47, %dma_wait3A_57] : memref<320x128xi32, #tpu.memory_space<hbm>> -> memref<1x128xi32, #tpu.memory_space<hbm>>
        %dma_wait3A_59 = arith.constant 0 : i32
        %dma_wait3A_60 = tpu.memref_slice %arg8[%scan3A_44, %dma_wait3A_59] : memref<10x128xi32, #tpu.memory_space<vmem>> -> memref<1x128xi32, #tpu.memory_space<vmem>>
        %dma_wait3A_61 = arith.constant 0 : i32
        %dma_wait3A_62 = tpu.memref_slice %arg4[%add3A_47, %dma_wait3A_61] : memref<320x128xi32, #tpu.memory_space<hbm>> -> memref<1x128xi32, #tpu.memory_space<hbm>>
        tpu.wait_dma2 semaphore(%run_scoped3A : memref<!tpu.dma_semaphore, #tpu.memory_space<semaphore_mem>>) src(%dma_wait3A_62 : memref<1x128xi32, #tpu.memory_space<hbm>>) dst(%dma_wait3A_60 : memref<1x128xi32, #tpu.memory_space<vmem>>)
        tpu.yield
      }) : () -> ()
    }
    %scan3A_5 = arith.constant 10 : i32
    %mul3A_6 = arith.constant 176 : i32
    %mul3A_7 = arith.muli %arg1, %mul3A_6 : i32
    %mul3A_8 = arith.constant 176 : i32
    %mul3A_9 = arith.muli %arg1, %mul3A_8 : i32
    "tpu.region"() ({
      %run_scoped3A = tpu.sem_alloc : memref<!tpu.dma_semaphore, #tpu.memory_space<semaphore_mem>>
      %dma_start3A_44 = arith.constant 0 : i32
      %dma_start3A_45 = tpu.memref_slice %arg10[%mul3A_9, %dma_start3A_44] : memref<2816x128xf32, #tpu.memory_space<vmem_shared>> -> memref<176x128xf32, #tpu.memory_space<vmem_shared>>
      %dma_start3A_46 = arith.constant 0 : i32
      %dma_start3A_47 = tpu.memref_slice %arg5[%mul3A_7, %dma_start3A_46] : memref<2816x128xf32, #tpu.memory_space<hbm>> -> memref<176x128xf32, #tpu.memory_space<hbm>>
      tpu.enqueue_dma source(%dma_start3A_47 : memref<176x128xf32, #tpu.memory_space<hbm>>) target(%dma_start3A_45 : memref<176x128xf32, #tpu.memory_space<vmem_shared>>) target_semaphore(%run_scoped3A : memref<!tpu.dma_semaphore, #tpu.memory_space<semaphore_mem>>)
      %dma_wait3A = arith.constant 0 : i32
      %dma_wait3A_48 = tpu.memref_slice %arg10[%mul3A_9, %dma_wait3A] : memref<2816x128xf32, #tpu.memory_space<vmem_shared>> -> memref<176x128xf32, #tpu.memory_space<vmem_shared>>
      %dma_wait3A_49 = arith.constant 0 : i32
      %dma_wait3A_50 = tpu.memref_slice %arg5[%mul3A_7, %dma_wait3A_49] : memref<2816x128xf32, #tpu.memory_space<hbm>> -> memref<176x128xf32, #tpu.memory_space<hbm>>
      tpu.wait_dma2 semaphore(%run_scoped3A : memref<!tpu.dma_semaphore, #tpu.memory_space<semaphore_mem>>) src(%dma_wait3A_50 : memref<176x128xf32, #tpu.memory_space<hbm>>) dst(%dma_wait3A_48 : memref<176x128xf32, #tpu.memory_space<vmem_shared>>)
      tpu.yield
    }) : () -> ()
    %barrier3A = arith.constant 0 : index
    tpu.barrier barrier_id(%barrier3A)
    %dma_start3A = arith.constant 0 : i32
    %dma_start3A_10 = arith.constant 0 : i32
    %dma_start3A_11 = arith.constant 0 : i32
    %dma_start3A_12 = arith.constant 0 : i32
    %dma_start3A_13 = tpu.memref_slice %arg9[%dma_start3A_10, %dma_start3A_11, %dma_start3A_12] : memref<2x128x128xf32, #tpu.memory_space<vmem>> -> memref<1x128x128xf32, #tpu.memory_space<vmem>>
    %dma_start3A_14 = tpu.memref_squeeze %dma_start3A_13 : memref<1x128x128xf32, #tpu.memory_space<vmem>> -> memref<128x128xf32, #tpu.memory_space<vmem>>
    %dma_start3A_15 = arith.constant 0 : i32
    %dma_start3A_16 = tpu.memref_slice %arg7[%dma_start3A, %dma_start3A_15] : memref<10x128xi32, #tpu.memory_space<vmem>> -> memref<1x128xi32, #tpu.memory_space<vmem>>
    %dma_start3A_17 = tpu.memref_squeeze %dma_start3A_16 : memref<1x128xi32, #tpu.memory_space<vmem>> -> memref<128xi32, #tpu.memory_space<vmem>>
    %dma_start3A_18 = arith.constant 0 : i32
    %dma_start3A_19 = arith.constant 0 : i32
    %dma_start3A_20 = tpu.memref_slice %arg2[%dma_start3A_18, %dma_start3A_19] : memref<10000x128xf32, #tpu.memory_space<hbm>> -> memref<10000x128xf32, #tpu.memory_space<hbm>>
    tpu.enqueue_indirect_dma source(%dma_start3A_20 : memref<10000x128xf32, #tpu.memory_space<hbm>>) target(%dma_start3A_14 : memref<128x128xf32, #tpu.memory_space<vmem>>) offsets(%dma_start3A_17 : memref<128xi32, #tpu.memory_space<vmem>>) semaphore(%arg11 : memref<!tpu.dma_semaphore, #tpu.memory_space<semaphore_mem>>)
    %dma_start3A_21 = arith.constant 1 : i32
    %dma_start3A_22 = arith.constant 1 : i32
    %dma_start3A_23 = arith.constant 0 : i32
    %dma_start3A_24 = arith.constant 0 : i32
    %dma_start3A_25 = tpu.memref_slice %arg9[%dma_start3A_22, %dma_start3A_23, %dma_start3A_24] : memref<2x128x128xf32, #tpu.memory_space<vmem>> -> memref<1x128x128xf32, #tpu.memory_space<vmem>>
    %dma_start3A_26 = tpu.memref_squeeze %dma_start3A_25 : memref<1x128x128xf32, #tpu.memory_space<vmem>> -> memref<128x128xf32, #tpu.memory_space<vmem>>
    %dma_start3A_27 = arith.constant 0 : i32
    %dma_start3A_28 = tpu.memref_slice %arg7[%dma_start3A_21, %dma_start3A_27] : memref<10x128xi32, #tpu.memory_space<vmem>> -> memref<1x128xi32, #tpu.memory_space<vmem>>
    %dma_start3A_29 = tpu.memref_squeeze %dma_start3A_28 : memref<1x128xi32, #tpu.memory_space<vmem>> -> memref<128xi32, #tpu.memory_space<vmem>>
    %dma_start3A_30 = arith.constant 0 : i32
    %dma_start3A_31 = arith.constant 0 : i32
    %dma_start3A_32 = tpu.memref_slice %arg2[%dma_start3A_30, %dma_start3A_31] : memref<10000x128xf32, #tpu.memory_space<hbm>> -> memref<10000x128xf32, #tpu.memory_space<hbm>>
    tpu.enqueue_indirect_dma source(%dma_start3A_32 : memref<10000x128xf32, #tpu.memory_space<hbm>>) target(%dma_start3A_26 : memref<128x128xf32, #tpu.memory_space<vmem>>) offsets(%dma_start3A_29 : memref<128xi32, #tpu.memory_space<vmem>>) semaphore(%arg12 : memref<!tpu.dma_semaphore, #tpu.memory_space<semaphore_mem>>)
    %scan3A_33 = arith.constant 0 : i32
    %scan3A_34 = arith.constant 0 : i32
    %scan3A_35 = arith.constant 5 : i32
    %scan3A_36 = arith.addi %scan3A_34, %scan3A_35 : i32
    %scan3A_37 = arith.constant 1 : i32
    scf.for %scan3A_44 = %scan3A_34 to %scan3A_36 step %scan3A_37  : i32 {
      %mul3A_45 = arith.constant 2 : i32
      %mul3A_46 = arith.muli %scan3A_44, %mul3A_45 : i32
      %add3A_47 = arith.constant 0 : i32
      %add3A_48 = arith.addi %mul3A_46, %add3A_47 : i32
      %dma_wait3A = arith.constant 0 : i32
      %dma_wait3A_49 = arith.constant 0 : i32
      %dma_wait3A_50 = arith.constant 0 : i32
      %dma_wait3A_51 = arith.constant 0 : i32
      %dma_wait3A_52 = tpu.memref_slice %arg9[%dma_wait3A_49, %dma_wait3A_50, %dma_wait3A_51] : memref<2x128x128xf32, #tpu.memory_space<vmem>> -> memref<1x128x128xf32, #tpu.memory_space<vmem>>
      %dma_wait3A_53 = tpu.memref_squeeze %dma_wait3A_52 : memref<1x128x128xf32, #tpu.memory_space<vmem>> -> memref<128x128xf32, #tpu.memory_space<vmem>>
      %dma_wait3A_54 = arith.constant 0 : i32
      %dma_wait3A_55 = tpu.memref_slice %arg7[%dma_wait3A, %dma_wait3A_54] : memref<10x128xi32, #tpu.memory_space<vmem>> -> memref<1x128xi32, #tpu.memory_space<vmem>>
      %dma_wait3A_56 = tpu.memref_squeeze %dma_wait3A_55 : memref<1x128xi32, #tpu.memory_space<vmem>> -> memref<128xi32, #tpu.memory_space<vmem>>
      %dma_wait3A_57 = arith.constant 0 : i32
      %dma_wait3A_58 = arith.constant 0 : i32
      %dma_wait3A_59 = tpu.memref_slice %arg2[%dma_wait3A_57, %dma_wait3A_58] : memref<10000x128xf32, #tpu.memory_space<hbm>> -> memref<10000x128xf32, #tpu.memory_space<hbm>>
      tpu.wait_indirect_dma semaphore(%arg11 : memref<!tpu.dma_semaphore, #tpu.memory_space<semaphore_mem>>) src(%dma_wait3A_59 : memref<10000x128xf32, #tpu.memory_space<hbm>>) dst(%dma_wait3A_53 : memref<128x128xf32, #tpu.memory_space<vmem>>)
      %dma_start3A_60 = arith.constant 0 : i32
      %dma_start3A_61 = arith.constant 0 : i32
      %dma_start3A_62 = arith.constant 0 : i32
      %dma_start3A_63 = tpu.memref_slice %arg9[%dma_start3A_60, %dma_start3A_61, %dma_start3A_62] : memref<2x128x128xf32, #tpu.memory_space<vmem>> -> memref<1x128x128xf32, #tpu.memory_space<vmem>>
      %dma_start3A_64 = tpu.memref_squeeze %dma_start3A_63 : memref<1x128x128xf32, #tpu.memory_space<vmem>> -> memref<128x128xf32, #tpu.memory_space<vmem>>
      %dma_start3A_65 = arith.constant 0 : i32
      %dma_start3A_66 = tpu.memref_slice %arg8[%add3A_48, %dma_start3A_65] : memref<10x128xi32, #tpu.memory_space<vmem>> -> memref<1x128xi32, #tpu.memory_space<vmem>>
      %dma_start3A_67 = tpu.memref_squeeze %dma_start3A_66 : memref<1x128xi32, #tpu.memory_space<vmem>> -> memref<128xi32, #tpu.memory_space<vmem>>
      %dma_start3A_68 = arith.constant 0 : i32
      %dma_start3A_69 = arith.constant 0 : i32
      %dma_start3A_70 = tpu.memref_slice %arg10[%dma_start3A_68, %dma_start3A_69] : memref<2816x128xf32, #tpu.memory_space<vmem_shared>> -> memref<2816x128xf32, #tpu.memory_space<vmem_shared>>
      tpu.enqueue_indirect_dma source(%dma_start3A_64 : memref<128x128xf32, #tpu.memory_space<vmem>>) target(%dma_start3A_70 : memref<2816x128xf32, #tpu.memory_space<vmem_shared>>) offsets(%dma_start3A_67 : memref<128xi32, #tpu.memory_space<vmem>>) semaphore(%arg13 : memref<!tpu.dma_semaphore, #tpu.memory_space<semaphore_mem>>) {add = true}
      %dma_wait3A_71 = arith.constant 0 : i32
      %dma_wait3A_72 = arith.constant 0 : i32
      %dma_wait3A_73 = arith.constant 0 : i32
      %dma_wait3A_74 = tpu.memref_slice %arg9[%dma_wait3A_71, %dma_wait3A_72, %dma_wait3A_73] : memref<2x128x128xf32, #tpu.memory_space<vmem>> -> memref<1x128x128xf32, #tpu.memory_space<vmem>>
      %dma_wait3A_75 = tpu.memref_squeeze %dma_wait3A_74 : memref<1x128x128xf32, #tpu.memory_space<vmem>> -> memref<128x128xf32, #tpu.memory_space<vmem>>
      %dma_wait3A_76 = arith.constant 0 : i32
      %dma_wait3A_77 = tpu.memref_slice %arg8[%add3A_48, %dma_wait3A_76] : memref<10x128xi32, #tpu.memory_space<vmem>> -> memref<1x128xi32, #tpu.memory_space<vmem>>
      %dma_wait3A_78 = tpu.memref_squeeze %dma_wait3A_77 : memref<1x128xi32, #tpu.memory_space<vmem>> -> memref<128xi32, #tpu.memory_space<vmem>>
      %dma_wait3A_79 = arith.constant 0 : i32
      %dma_wait3A_80 = arith.constant 0 : i32
      %dma_wait3A_81 = tpu.memref_slice %arg10[%dma_wait3A_79, %dma_wait3A_80] : memref<2816x128xf32, #tpu.memory_space<vmem_shared>> -> memref<2816x128xf32, #tpu.memory_space<vmem_shared>>
      tpu.wait_indirect_dma semaphore(%arg13 : memref<!tpu.dma_semaphore, #tpu.memory_space<semaphore_mem>>) src(%dma_wait3A_75 : memref<128x128xf32, #tpu.memory_space<vmem>>) dst(%dma_wait3A_81 : memref<2816x128xf32, #tpu.memory_space<vmem_shared>>)
      %add3A_82 = arith.constant 2 : i32
      %add3A_83 = arith.addi %add3A_48, %add3A_82 : i32
      %lt3A = arith.constant 10 : i32
      %lt3A_84 = arith.cmpi slt, %add3A_83, %lt3A : i32
      %convert_element_type3A = arith.extui %lt3A_84 : i1 to i32
      %cond3A = arith.constant 0 : i32
      %cond3A_85 = arith.cmpi ne, %convert_element_type3A, %cond3A : i32
      scf.if %cond3A_85 {
        %add3A_129 = arith.constant 2 : i32
        %add3A_130 = arith.addi %add3A_48, %add3A_129 : i32
        %dma_start3A_131 = arith.constant 0 : i32
        %dma_start3A_132 = arith.constant 0 : i32
        %dma_start3A_133 = arith.constant 0 : i32
        %dma_start3A_134 = tpu.memref_slice %arg9[%dma_start3A_131, %dma_start3A_132, %dma_start3A_133] : memref<2x128x128xf32, #tpu.memory_space<vmem>> -> memref<1x128x128xf32, #tpu.memory_space<vmem>>
        %dma_start3A_135 = tpu.memref_squeeze %dma_start3A_134 : memref<1x128x128xf32, #tpu.memory_space<vmem>> -> memref<128x128xf32, #tpu.memory_space<vmem>>
        %dma_start3A_136 = arith.constant 0 : i32
        %dma_start3A_137 = tpu.memref_slice %arg7[%add3A_130, %dma_start3A_136] : memref<10x128xi32, #tpu.memory_space<vmem>> -> memref<1x128xi32, #tpu.memory_space<vmem>>
        %dma_start3A_138 = tpu.memref_squeeze %dma_start3A_137 : memref<1x128xi32, #tpu.memory_space<vmem>> -> memref<128xi32, #tpu.memory_space<vmem>>
        %dma_start3A_139 = arith.constant 0 : i32
        %dma_start3A_140 = arith.constant 0 : i32
        %dma_start3A_141 = tpu.memref_slice %arg2[%dma_start3A_139, %dma_start3A_140] : memref<10000x128xf32, #tpu.memory_space<hbm>> -> memref<10000x128xf32, #tpu.memory_space<hbm>>
        tpu.enqueue_indirect_dma source(%dma_start3A_141 : memref<10000x128xf32, #tpu.memory_space<hbm>>) target(%dma_start3A_135 : memref<128x128xf32, #tpu.memory_space<vmem>>) offsets(%dma_start3A_138 : memref<128xi32, #tpu.memory_space<vmem>>) semaphore(%arg11 : memref<!tpu.dma_semaphore, #tpu.memory_space<semaphore_mem>>)
      } else {
      }
      %add3A_86 = arith.constant 1 : i32
      %add3A_87 = arith.addi %mul3A_46, %add3A_86 : i32
      %dma_wait3A_88 = arith.constant 1 : i32
      %dma_wait3A_89 = arith.constant 1 : i32
      %dma_wait3A_90 = arith.constant 0 : i32
      %dma_wait3A_91 = arith.constant 0 : i32
      %dma_wait3A_92 = tpu.memref_slice %arg9[%dma_wait3A_89, %dma_wait3A_90, %dma_wait3A_91] : memref<2x128x128xf32, #tpu.memory_space<vmem>> -> memref<1x128x128xf32, #tpu.memory_space<vmem>>
      %dma_wait3A_93 = tpu.memref_squeeze %dma_wait3A_92 : memref<1x128x128xf32, #tpu.memory_space<vmem>> -> memref<128x128xf32, #tpu.memory_space<vmem>>
      %dma_wait3A_94 = arith.constant 0 : i32
      %dma_wait3A_95 = tpu.memref_slice %arg7[%dma_wait3A_88, %dma_wait3A_94] : memref<10x128xi32, #tpu.memory_space<vmem>> -> memref<1x128xi32, #tpu.memory_space<vmem>>
      %dma_wait3A_96 = tpu.memref_squeeze %dma_wait3A_95 : memref<1x128xi32, #tpu.memory_space<vmem>> -> memref<128xi32, #tpu.memory_space<vmem>>
      %dma_wait3A_97 = arith.constant 0 : i32
      %dma_wait3A_98 = arith.constant 0 : i32
      %dma_wait3A_99 = tpu.memref_slice %arg2[%dma_wait3A_97, %dma_wait3A_98] : memref<10000x128xf32, #tpu.memory_space<hbm>> -> memref<10000x128xf32, #tpu.memory_space<hbm>>
      tpu.wait_indirect_dma semaphore(%arg12 : memref<!tpu.dma_semaphore, #tpu.memory_space<semaphore_mem>>) src(%dma_wait3A_99 : memref<10000x128xf32, #tpu.memory_space<hbm>>) dst(%dma_wait3A_93 : memref<128x128xf32, #tpu.memory_space<vmem>>)
      %dma_start3A_100 = arith.constant 1 : i32
      %dma_start3A_101 = arith.constant 0 : i32
      %dma_start3A_102 = arith.constant 0 : i32
      %dma_start3A_103 = tpu.memref_slice %arg9[%dma_start3A_100, %dma_start3A_101, %dma_start3A_102] : memref<2x128x128xf32, #tpu.memory_space<vmem>> -> memref<1x128x128xf32, #tpu.memory_space<vmem>>
      %dma_start3A_104 = tpu.memref_squeeze %dma_start3A_103 : memref<1x128x128xf32, #tpu.memory_space<vmem>> -> memref<128x128xf32, #tpu.memory_space<vmem>>
      %dma_start3A_105 = arith.constant 0 : i32
      %dma_start3A_106 = tpu.memref_slice %arg8[%add3A_87, %dma_start3A_105] : memref<10x128xi32, #tpu.memory_space<vmem>> -> memref<1x128xi32, #tpu.memory_space<vmem>>
      %dma_start3A_107 = tpu.memref_squeeze %dma_start3A_106 : memref<1x128xi32, #tpu.memory_space<vmem>> -> memref<128xi32, #tpu.memory_space<vmem>>
      %dma_start3A_108 = arith.constant 0 : i32
      %dma_start3A_109 = arith.constant 0 : i32
      %dma_start3A_110 = tpu.memref_slice %arg10[%dma_start3A_108, %dma_start3A_109] : memref<2816x128xf32, #tpu.memory_space<vmem_shared>> -> memref<2816x128xf32, #tpu.memory_space<vmem_shared>>
      tpu.enqueue_indirect_dma source(%dma_start3A_104 : memref<128x128xf32, #tpu.memory_space<vmem>>) target(%dma_start3A_110 : memref<2816x128xf32, #tpu.memory_space<vmem_shared>>) offsets(%dma_start3A_107 : memref<128xi32, #tpu.memory_space<vmem>>) semaphore(%arg13 : memref<!tpu.dma_semaphore, #tpu.memory_space<semaphore_mem>>) {add = true}
      %dma_wait3A_111 = arith.constant 1 : i32
      %dma_wait3A_112 = arith.constant 0 : i32
      %dma_wait3A_113 = arith.constant 0 : i32
      %dma_wait3A_114 = tpu.memref_slice %arg9[%dma_wait3A_111, %dma_wait3A_112, %dma_wait3A_113] : memref<2x128x128xf32, #tpu.memory_space<vmem>> -> memref<1x128x128xf32, #tpu.memory_space<vmem>>
      %dma_wait3A_115 = tpu.memref_squeeze %dma_wait3A_114 : memref<1x128x128xf32, #tpu.memory_space<vmem>> -> memref<128x128xf32, #tpu.memory_space<vmem>>
      %dma_wait3A_116 = arith.constant 0 : i32
      %dma_wait3A_117 = tpu.memref_slice %arg8[%add3A_87, %dma_wait3A_116] : memref<10x128xi32, #tpu.memory_space<vmem>> -> memref<1x128xi32, #tpu.memory_space<vmem>>
      %dma_wait3A_118 = tpu.memref_squeeze %dma_wait3A_117 : memref<1x128xi32, #tpu.memory_space<vmem>> -> memref<128xi32, #tpu.memory_space<vmem>>
      %dma_wait3A_119 = arith.constant 0 : i32
      %dma_wait3A_120 = arith.constant 0 : i32
      %dma_wait3A_121 = tpu.memref_slice %arg10[%dma_wait3A_119, %dma_wait3A_120] : memref<2816x128xf32, #tpu.memory_space<vmem_shared>> -> memref<2816x128xf32, #tpu.memory_space<vmem_shared>>
      tpu.wait_indirect_dma semaphore(%arg13 : memref<!tpu.dma_semaphore, #tpu.memory_space<semaphore_mem>>) src(%dma_wait3A_115 : memref<128x128xf32, #tpu.memory_space<vmem>>) dst(%dma_wait3A_121 : memref<2816x128xf32, #tpu.memory_space<vmem_shared>>)
      %add3A_122 = arith.constant 2 : i32
      %add3A_123 = arith.addi %add3A_87, %add3A_122 : i32
      %lt3A_124 = arith.constant 10 : i32
      %lt3A_125 = arith.cmpi slt, %add3A_123, %lt3A_124 : i32
      %convert_element_type3A_126 = arith.extui %lt3A_125 : i1 to i32
      %cond3A_127 = arith.constant 0 : i32
      %cond3A_128 = arith.cmpi ne, %convert_element_type3A_126, %cond3A_127 : i32
      scf.if %cond3A_128 {
        %add3A_129 = arith.constant 2 : i32
        %add3A_130 = arith.addi %add3A_87, %add3A_129 : i32
        %dma_start3A_131 = arith.constant 1 : i32
        %dma_start3A_132 = arith.constant 0 : i32
        %dma_start3A_133 = arith.constant 0 : i32
        %dma_start3A_134 = tpu.memref_slice %arg9[%dma_start3A_131, %dma_start3A_132, %dma_start3A_133] : memref<2x128x128xf32, #tpu.memory_space<vmem>> -> memref<1x128x128xf32, #tpu.memory_space<vmem>>
        %dma_start3A_135 = tpu.memref_squeeze %dma_start3A_134 : memref<1x128x128xf32, #tpu.memory_space<vmem>> -> memref<128x128xf32, #tpu.memory_space<vmem>>
        %dma_start3A_136 = arith.constant 0 : i32
        %dma_start3A_137 = tpu.memref_slice %arg7[%add3A_130, %dma_start3A_136] : memref<10x128xi32, #tpu.memory_space<vmem>> -> memref<1x128xi32, #tpu.memory_space<vmem>>
        %dma_start3A_138 = tpu.memref_squeeze %dma_start3A_137 : memref<1x128xi32, #tpu.memory_space<vmem>> -> memref<128xi32, #tpu.memory_space<vmem>>
        %dma_start3A_139 = arith.constant 0 : i32
        %dma_start3A_140 = arith.constant 0 : i32
        %dma_start3A_141 = tpu.memref_slice %arg2[%dma_start3A_139, %dma_start3A_140] : memref<10000x128xf32, #tpu.memory_space<hbm>> -> memref<10000x128xf32, #tpu.memory_space<hbm>>
        tpu.enqueue_indirect_dma source(%dma_start3A_141 : memref<10000x128xf32, #tpu.memory_space<hbm>>) target(%dma_start3A_135 : memref<128x128xf32, #tpu.memory_space<vmem>>) offsets(%dma_start3A_138 : memref<128xi32, #tpu.memory_space<vmem>>) semaphore(%arg12 : memref<!tpu.dma_semaphore, #tpu.memory_space<semaphore_mem>>)
      } else {
      }
    }
    %scan3A_38 = arith.constant 5 : i32
    %barrier3A_39 = arith.constant 0 : index
    tpu.barrier barrier_id(%barrier3A_39)
    %mul3A_40 = arith.constant 176 : i32
    %mul3A_41 = arith.muli %arg1, %mul3A_40 : i32
    %mul3A_42 = arith.constant 176 : i32
    %mul3A_43 = arith.muli %arg1, %mul3A_42 : i32
    "tpu.region"() ({
      %run_scoped3A = tpu.sem_alloc : memref<!tpu.dma_semaphore, #tpu.memory_space<semaphore_mem>>
      %dma_start3A_44 = arith.constant 0 : i32
      %dma_start3A_45 = tpu.memref_slice %arg6[%arg0, %mul3A_43, %dma_start3A_44] : memref<2x2816x128xf32, #tpu.memory_space<hbm>> -> memref<1x176x128xf32, #tpu.memory_space<hbm>>
      %dma_start3A_46 = tpu.memref_squeeze %dma_start3A_45 : memref<1x176x128xf32, #tpu.memory_space<hbm>> -> memref<176x128xf32, #tpu.memory_space<hbm>>
      %dma_start3A_47 = arith.constant 0 : i32
      %dma_start3A_48 = tpu.memref_slice %arg10[%mul3A_41, %dma_start3A_47] : memref<2816x128xf32, #tpu.memory_space<vmem_shared>> -> memref<176x128xf32, #tpu.memory_space<vmem_shared>>
      tpu.enqueue_dma source(%dma_start3A_48 : memref<176x128xf32, #tpu.memory_space<vmem_shared>>) target(%dma_start3A_46 : memref<176x128xf32, #tpu.memory_space<hbm>>) target_semaphore(%run_scoped3A : memref<!tpu.dma_semaphore, #tpu.memory_space<semaphore_mem>>)
      %dma_wait3A = arith.constant 0 : i32
      %dma_wait3A_49 = tpu.memref_slice %arg6[%arg0, %mul3A_43, %dma_wait3A] : memref<2x2816x128xf32, #tpu.memory_space<hbm>> -> memref<1x176x128xf32, #tpu.memory_space<hbm>>
      %dma_wait3A_50 = tpu.memref_squeeze %dma_wait3A_49 : memref<1x176x128xf32, #tpu.memory_space<hbm>> -> memref<176x128xf32, #tpu.memory_space<hbm>>
      %dma_wait3A_51 = arith.constant 0 : i32
      %dma_wait3A_52 = tpu.memref_slice %arg10[%mul3A_41, %dma_wait3A_51] : memref<2816x128xf32, #tpu.memory_space<vmem_shared>> -> memref<176x128xf32, #tpu.memory_space<vmem_shared>>
      tpu.wait_dma2 semaphore(%run_scoped3A : memref<!tpu.dma_semaphore, #tpu.memory_space<semaphore_mem>>) src(%dma_wait3A_52 : memref<176x128xf32, #tpu.memory_space<vmem_shared>>) dst(%dma_wait3A_50 : memref<176x128xf32, #tpu.memory_space<hbm>>)
      tpu.yield
    }) : () -> ()
    return
  }
}

#map = affine_map<(d0, d1) -> (0)>
#map1 = affine_map<(d0, d1) -> (0, 0)>
#map2 = affine_map<(d0, d1) -> (0, 0, 0)>
module attributes {stable_mosaic.version = 14 : i64} {
  func.func @deg(%arg0: i32, %arg1: i32, %arg2: memref<16384xi32, #tpu.memory_space<hbm>>, %arg3: memref<768x128xf32, #tpu.memory_space<hbm>>, %arg4: memref<128x128xf32, #tpu.memory_space<hbm>>, %arg5: memref<2x768x128xf32, #tpu.memory_space<hbm>>, %arg6: memref<128xi32, #tpu.memory_space<vmem>>, %arg7: memref<128x128xf32, #tpu.memory_space<vmem>>, %arg8: memref<768x128xf32, #tpu.memory_space<vmem_shared>>, %arg9: memref<!tpu.dma_semaphore, #tpu.memory_space<semaphore_mem>>) attributes {dimension_semantics = [#tpu.dimension_semantics<core_parallel>, #tpu.dimension_semantics<subcore_parallel>], iteration_bounds = array<i64: 2, 16>, scalar_prefetch = 0 : i64, scratch_operands = 4 : i64, tpu.core_type = #tpu.core_type<sc_vector_subcore>, window_params = [{transform_indices = #map}, {transform_indices = #map1}, {transform_indices = #map1}, {transform_indices = #map2}]} {
    "tpu.region"() ({
      %run_scoped3A = tpu.sem_alloc : memref<!tpu.dma_semaphore, #tpu.memory_space<semaphore_mem>>
      tpu.enqueue_dma source(%arg4 : memref<128x128xf32, #tpu.memory_space<hbm>>) target(%arg7 : memref<128x128xf32, #tpu.memory_space<vmem>>) target_semaphore(%run_scoped3A : memref<!tpu.dma_semaphore, #tpu.memory_space<semaphore_mem>>)
      tpu.wait_dma2 semaphore(%run_scoped3A : memref<!tpu.dma_semaphore, #tpu.memory_space<semaphore_mem>>) src(%arg4 : memref<128x128xf32, #tpu.memory_space<hbm>>) dst(%arg7 : memref<128x128xf32, #tpu.memory_space<vmem>>)
      tpu.yield
    }) : () -> ()
    %mul3A = arith.constant 48 : i32
    %mul3A_0 = arith.muli %arg1, %mul3A : i32
    %mul3A_1 = arith.constant 48 : i32
    %mul3A_2 = arith.muli %arg1, %mul3A_1 : i32
    "tpu.region"() ({
      %run_scoped3A = tpu.sem_alloc : memref<!tpu.dma_semaphore, #tpu.memory_space<semaphore_mem>>
      %dma_start3A = arith.constant 0 : i32
      %dma_start3A_17 = tpu.memref_slice %arg8[%mul3A_2, %dma_start3A] : memref<768x128xf32, #tpu.memory_space<vmem_shared>> -> memref<48x128xf32, #tpu.memory_space<vmem_shared>>
      %dma_start3A_18 = arith.constant 0 : i32
      %dma_start3A_19 = tpu.memref_slice %arg3[%mul3A_0, %dma_start3A_18] : memref<768x128xf32, #tpu.memory_space<hbm>> -> memref<48x128xf32, #tpu.memory_space<hbm>>
      tpu.enqueue_dma source(%dma_start3A_19 : memref<48x128xf32, #tpu.memory_space<hbm>>) target(%dma_start3A_17 : memref<48x128xf32, #tpu.memory_space<vmem_shared>>) target_semaphore(%run_scoped3A : memref<!tpu.dma_semaphore, #tpu.memory_space<semaphore_mem>>)
      %dma_wait3A = arith.constant 0 : i32
      %dma_wait3A_20 = tpu.memref_slice %arg8[%mul3A_2, %dma_wait3A] : memref<768x128xf32, #tpu.memory_space<vmem_shared>> -> memref<48x128xf32, #tpu.memory_space<vmem_shared>>
      %dma_wait3A_21 = arith.constant 0 : i32
      %dma_wait3A_22 = tpu.memref_slice %arg3[%mul3A_0, %dma_wait3A_21] : memref<768x128xf32, #tpu.memory_space<hbm>> -> memref<48x128xf32, #tpu.memory_space<hbm>>
      tpu.wait_dma2 semaphore(%run_scoped3A : memref<!tpu.dma_semaphore, #tpu.memory_space<semaphore_mem>>) src(%dma_wait3A_22 : memref<48x128xf32, #tpu.memory_space<hbm>>) dst(%dma_wait3A_20 : memref<48x128xf32, #tpu.memory_space<vmem_shared>>)
      tpu.yield
    }) : () -> ()
    %barrier3A = arith.constant 0 : index
    tpu.barrier barrier_id(%barrier3A)
    %mul3A_3 = arith.constant 2 : i32
    %mul3A_4 = arith.muli %arg1, %mul3A_3 : i32
    %add3A = arith.addi %mul3A_4, %arg0 : i32
    %mul3A_5 = arith.constant 512 : i32
    %mul3A_6 = arith.muli %add3A, %mul3A_5 : i32
    %scan3A = arith.constant 0 : i32
    %scan3A_7 = arith.constant 0 : i32
    %scan3A_8 = arith.constant 4 : i32
    %scan3A_9 = arith.addi %scan3A_7, %scan3A_8 : i32
    %scan3A_10 = arith.constant 1 : i32
    scf.for %scan3A_17 = %scan3A_7 to %scan3A_9 step %scan3A_10  : i32 {
      %mul3A_18 = arith.constant 128 : i32
      %mul3A_19 = arith.muli %scan3A_17, %mul3A_18 : i32
      %add3A_20 = arith.addi %mul3A_6, %mul3A_19 : i32
      "tpu.region"() ({
        %run_scoped3A = tpu.sem_alloc : memref<!tpu.dma_semaphore, #tpu.memory_space<semaphore_mem>>
        %dma_start3A_25 = tpu.memref_slice %arg2[%add3A_20] : memref<16384xi32, #tpu.memory_space<hbm>> -> memref<128xi32, #tpu.memory_space<hbm>>
        %dma_start3A_26 = tpu.memref_slice %arg2[%add3A_20] : memref<16384xi32, #tpu.memory_space<hbm>> -> memref<128xi32, #tpu.memory_space<hbm>>
        tpu.enqueue_dma source(%dma_start3A_26 : memref<128xi32, #tpu.memory_space<hbm>>) target(%arg6 : memref<128xi32, #tpu.memory_space<vmem>>) target_semaphore(%run_scoped3A : memref<!tpu.dma_semaphore, #tpu.memory_space<semaphore_mem>>)
        %dma_wait3A_27 = tpu.memref_slice %arg2[%add3A_20] : memref<16384xi32, #tpu.memory_space<hbm>> -> memref<128xi32, #tpu.memory_space<hbm>>
        %dma_wait3A_28 = tpu.memref_slice %arg2[%add3A_20] : memref<16384xi32, #tpu.memory_space<hbm>> -> memref<128xi32, #tpu.memory_space<hbm>>
        tpu.wait_dma2 semaphore(%run_scoped3A : memref<!tpu.dma_semaphore, #tpu.memory_space<semaphore_mem>>) src(%dma_wait3A_28 : memref<128xi32, #tpu.memory_space<hbm>>) dst(%arg6 : memref<128xi32, #tpu.memory_space<vmem>>)
        tpu.yield
      }) : () -> ()
      %dma_start3A = arith.constant 0 : i32
      %dma_start3A_21 = arith.constant 0 : i32
      %dma_start3A_22 = tpu.memref_slice %arg8[%dma_start3A, %dma_start3A_21] : memref<768x128xf32, #tpu.memory_space<vmem_shared>> -> memref<768x128xf32, #tpu.memory_space<vmem_shared>>
      tpu.enqueue_indirect_dma source(%arg7 : memref<128x128xf32, #tpu.memory_space<vmem>>) target(%dma_start3A_22 : memref<768x128xf32, #tpu.memory_space<vmem_shared>>) offsets(%arg6 : memref<128xi32, #tpu.memory_space<vmem>>) semaphore(%arg9 : memref<!tpu.dma_semaphore, #tpu.memory_space<semaphore_mem>>) {add = true}
      %dma_wait3A = arith.constant 0 : i32
      %dma_wait3A_23 = arith.constant 0 : i32
      %dma_wait3A_24 = tpu.memref_slice %arg8[%dma_wait3A, %dma_wait3A_23] : memref<768x128xf32, #tpu.memory_space<vmem_shared>> -> memref<768x128xf32, #tpu.memory_space<vmem_shared>>
      tpu.wait_indirect_dma semaphore(%arg9 : memref<!tpu.dma_semaphore, #tpu.memory_space<semaphore_mem>>) src(%arg7 : memref<128x128xf32, #tpu.memory_space<vmem>>) dst(%dma_wait3A_24 : memref<768x128xf32, #tpu.memory_space<vmem_shared>>)
    }
    %scan3A_11 = arith.constant 4 : i32
    %barrier3A_12 = arith.constant 0 : index
    tpu.barrier barrier_id(%barrier3A_12)
    %mul3A_13 = arith.constant 48 : i32
    %mul3A_14 = arith.muli %arg1, %mul3A_13 : i32
    %mul3A_15 = arith.constant 48 : i32
    %mul3A_16 = arith.muli %arg1, %mul3A_15 : i32
    "tpu.region"() ({
      %run_scoped3A = tpu.sem_alloc : memref<!tpu.dma_semaphore, #tpu.memory_space<semaphore_mem>>
      %dma_start3A = arith.constant 0 : i32
      %dma_start3A_17 = tpu.memref_slice %arg5[%arg0, %mul3A_16, %dma_start3A] : memref<2x768x128xf32, #tpu.memory_space<hbm>> -> memref<1x48x128xf32, #tpu.memory_space<hbm>>
      %dma_start3A_18 = tpu.memref_squeeze %dma_start3A_17 : memref<1x48x128xf32, #tpu.memory_space<hbm>> -> memref<48x128xf32, #tpu.memory_space<hbm>>
      %dma_start3A_19 = arith.constant 0 : i32
      %dma_start3A_20 = tpu.memref_slice %arg8[%mul3A_14, %dma_start3A_19] : memref<768x128xf32, #tpu.memory_space<vmem_shared>> -> memref<48x128xf32, #tpu.memory_space<vmem_shared>>
      tpu.enqueue_dma source(%dma_start3A_20 : memref<48x128xf32, #tpu.memory_space<vmem_shared>>) target(%dma_start3A_18 : memref<48x128xf32, #tpu.memory_space<hbm>>) target_semaphore(%run_scoped3A : memref<!tpu.dma_semaphore, #tpu.memory_space<semaphore_mem>>)
      %dma_wait3A = arith.constant 0 : i32
      %dma_wait3A_21 = tpu.memref_slice %arg5[%arg0, %mul3A_16, %dma_wait3A] : memref<2x768x128xf32, #tpu.memory_space<hbm>> -> memref<1x48x128xf32, #tpu.memory_space<hbm>>
      %dma_wait3A_22 = tpu.memref_squeeze %dma_wait3A_21 : memref<1x48x128xf32, #tpu.memory_space<hbm>> -> memref<48x128xf32, #tpu.memory_space<hbm>>
      %dma_wait3A_23 = arith.constant 0 : i32
      %dma_wait3A_24 = tpu.memref_slice %arg8[%mul3A_14, %dma_wait3A_23] : memref<768x128xf32, #tpu.memory_space<vmem_shared>> -> memref<48x128xf32, #tpu.memory_space<vmem_shared>>
      tpu.wait_dma2 semaphore(%run_scoped3A : memref<!tpu.dma_semaphore, #tpu.memory_space<semaphore_mem>>) src(%dma_wait3A_24 : memref<48x128xf32, #tpu.memory_space<vmem_shared>>) dst(%dma_wait3A_22 : memref<48x128xf32, #tpu.memory_space<hbm>>)
      tpu.yield
    }) : () -> ()
    return
  }
}

#map = affine_map<(d0, d1) -> (0, 0)>
#map1 = affine_map<(d0, d1) -> (0, 0, 0)>
module attributes {stable_mosaic.version = 14 : i64} {
  func.func @seg(%arg0: i32, %arg1: i32, %arg2: memref<5000x128xf32, #tpu.memory_space<hbm>>, %arg3: memref<192x128xi32, #tpu.memory_space<hbm>>, %arg4: memref<192x128xi32, #tpu.memory_space<hbm>>, %arg5: memref<1536x128xf32, #tpu.memory_space<hbm>>, %arg6: memref<2x1536x128xf32, #tpu.memory_space<hbm>>, %arg7: memref<6x128xi32, #tpu.memory_space<vmem>>, %arg8: memref<6x128xi32, #tpu.memory_space<vmem>>, %arg9: memref<2x128x128xf32, #tpu.memory_space<vmem>>, %arg10: memref<1536x128xf32, #tpu.memory_space<vmem_shared>>, %arg11: memref<!tpu.dma_semaphore, #tpu.memory_space<semaphore_mem>>, %arg12: memref<!tpu.dma_semaphore, #tpu.memory_space<semaphore_mem>>, %arg13: memref<!tpu.dma_semaphore, #tpu.memory_space<semaphore_mem>>) attributes {dimension_semantics = [#tpu.dimension_semantics<core_parallel>, #tpu.dimension_semantics<subcore_parallel>], iteration_bounds = array<i64: 2, 16>, scalar_prefetch = 0 : i64, scratch_operands = 7 : i64, tpu.core_type = #tpu.core_type<sc_vector_subcore>, window_params = [{transform_indices = #map}, {transform_indices = #map}, {transform_indices = #map}, {transform_indices = #map}, {transform_indices = #map1}]} {
    %mul3A = arith.constant 2 : i32
    %mul3A_0 = arith.muli %arg1, %mul3A : i32
    %add3A = arith.addi %mul3A_0, %arg0 : i32
    %scan3A = arith.constant 0 : i32
    %scan3A_1 = arith.constant 0 : i32
    %scan3A_2 = arith.constant 6 : i32
    %scan3A_3 = arith.addi %scan3A_1, %scan3A_2 : i32
    %scan3A_4 = arith.constant 1 : i32
    scf.for %scan3A_44 = %scan3A_1 to %scan3A_3 step %scan3A_4  : i32 {
      %mul3A_45 = arith.constant 6 : i32
      %mul3A_46 = arith.muli %add3A, %mul3A_45 : i32
      %add3A_47 = arith.addi %mul3A_46, %scan3A_44 : i32
      "tpu.region"() ({
        %run_scoped3A = tpu.sem_alloc : memref<!tpu.dma_semaphore, #tpu.memory_space<semaphore_mem>>
        %dma_start3A_48 = arith.constant 0 : i32
        %dma_start3A_49 = tpu.memref_slice %arg7[%scan3A_44, %dma_start3A_48] : memref<6x128xi32, #tpu.memory_space<vmem>> -> memref<1x128xi32, #tpu.memory_space<vmem>>
        %dma_start3A_50 = arith.constant 0 : i32
        %dma_start3A_51 = tpu.memref_slice %arg3[%add3A_47, %dma_start3A_50] : memref<192x128xi32, #tpu.memory_space<hbm>> -> memref<1x128xi32, #tpu.memory_space<hbm>>
        %dma_start3A_52 = arith.constant 0 : i32
        %dma_start3A_53 = tpu.memref_slice %arg7[%scan3A_44, %dma_start3A_52] : memref<6x128xi32, #tpu.memory_space<vmem>> -> memref<1x128xi32, #tpu.memory_space<vmem>>
        %dma_start3A_54 = arith.constant 0 : i32
        %dma_start3A_55 = tpu.memref_slice %arg3[%add3A_47, %dma_start3A_54] : memref<192x128xi32, #tpu.memory_space<hbm>> -> memref<1x128xi32, #tpu.memory_space<hbm>>
        tpu.enqueue_dma source(%dma_start3A_55 : memref<1x128xi32, #tpu.memory_space<hbm>>) target(%dma_start3A_53 : memref<1x128xi32, #tpu.memory_space<vmem>>) target_semaphore(%run_scoped3A : memref<!tpu.dma_semaphore, #tpu.memory_space<semaphore_mem>>)
        %dma_wait3A = arith.constant 0 : i32
        %dma_wait3A_56 = tpu.memref_slice %arg7[%scan3A_44, %dma_wait3A] : memref<6x128xi32, #tpu.memory_space<vmem>> -> memref<1x128xi32, #tpu.memory_space<vmem>>
        %dma_wait3A_57 = arith.constant 0 : i32
        %dma_wait3A_58 = tpu.memref_slice %arg3[%add3A_47, %dma_wait3A_57] : memref<192x128xi32, #tpu.memory_space<hbm>> -> memref<1x128xi32, #tpu.memory_space<hbm>>
        %dma_wait3A_59 = arith.constant 0 : i32
        %dma_wait3A_60 = tpu.memref_slice %arg7[%scan3A_44, %dma_wait3A_59] : memref<6x128xi32, #tpu.memory_space<vmem>> -> memref<1x128xi32, #tpu.memory_space<vmem>>
        %dma_wait3A_61 = arith.constant 0 : i32
        %dma_wait3A_62 = tpu.memref_slice %arg3[%add3A_47, %dma_wait3A_61] : memref<192x128xi32, #tpu.memory_space<hbm>> -> memref<1x128xi32, #tpu.memory_space<hbm>>
        tpu.wait_dma2 semaphore(%run_scoped3A : memref<!tpu.dma_semaphore, #tpu.memory_space<semaphore_mem>>) src(%dma_wait3A_62 : memref<1x128xi32, #tpu.memory_space<hbm>>) dst(%dma_wait3A_60 : memref<1x128xi32, #tpu.memory_space<vmem>>)
        tpu.yield
      }) : () -> ()
      "tpu.region"() ({
        %run_scoped3A = tpu.sem_alloc : memref<!tpu.dma_semaphore, #tpu.memory_space<semaphore_mem>>
        %dma_start3A_48 = arith.constant 0 : i32
        %dma_start3A_49 = tpu.memref_slice %arg8[%scan3A_44, %dma_start3A_48] : memref<6x128xi32, #tpu.memory_space<vmem>> -> memref<1x128xi32, #tpu.memory_space<vmem>>
        %dma_start3A_50 = arith.constant 0 : i32
        %dma_start3A_51 = tpu.memref_slice %arg4[%add3A_47, %dma_start3A_50] : memref<192x128xi32, #tpu.memory_space<hbm>> -> memref<1x128xi32, #tpu.memory_space<hbm>>
        %dma_start3A_52 = arith.constant 0 : i32
        %dma_start3A_53 = tpu.memref_slice %arg8[%scan3A_44, %dma_start3A_52] : memref<6x128xi32, #tpu.memory_space<vmem>> -> memref<1x128xi32, #tpu.memory_space<vmem>>
        %dma_start3A_54 = arith.constant 0 : i32
        %dma_start3A_55 = tpu.memref_slice %arg4[%add3A_47, %dma_start3A_54] : memref<192x128xi32, #tpu.memory_space<hbm>> -> memref<1x128xi32, #tpu.memory_space<hbm>>
        tpu.enqueue_dma source(%dma_start3A_55 : memref<1x128xi32, #tpu.memory_space<hbm>>) target(%dma_start3A_53 : memref<1x128xi32, #tpu.memory_space<vmem>>) target_semaphore(%run_scoped3A : memref<!tpu.dma_semaphore, #tpu.memory_space<semaphore_mem>>)
        %dma_wait3A = arith.constant 0 : i32
        %dma_wait3A_56 = tpu.memref_slice %arg8[%scan3A_44, %dma_wait3A] : memref<6x128xi32, #tpu.memory_space<vmem>> -> memref<1x128xi32, #tpu.memory_space<vmem>>
        %dma_wait3A_57 = arith.constant 0 : i32
        %dma_wait3A_58 = tpu.memref_slice %arg4[%add3A_47, %dma_wait3A_57] : memref<192x128xi32, #tpu.memory_space<hbm>> -> memref<1x128xi32, #tpu.memory_space<hbm>>
        %dma_wait3A_59 = arith.constant 0 : i32
        %dma_wait3A_60 = tpu.memref_slice %arg8[%scan3A_44, %dma_wait3A_59] : memref<6x128xi32, #tpu.memory_space<vmem>> -> memref<1x128xi32, #tpu.memory_space<vmem>>
        %dma_wait3A_61 = arith.constant 0 : i32
        %dma_wait3A_62 = tpu.memref_slice %arg4[%add3A_47, %dma_wait3A_61] : memref<192x128xi32, #tpu.memory_space<hbm>> -> memref<1x128xi32, #tpu.memory_space<hbm>>
        tpu.wait_dma2 semaphore(%run_scoped3A : memref<!tpu.dma_semaphore, #tpu.memory_space<semaphore_mem>>) src(%dma_wait3A_62 : memref<1x128xi32, #tpu.memory_space<hbm>>) dst(%dma_wait3A_60 : memref<1x128xi32, #tpu.memory_space<vmem>>)
        tpu.yield
      }) : () -> ()
    }
    %scan3A_5 = arith.constant 6 : i32
    %mul3A_6 = arith.constant 96 : i32
    %mul3A_7 = arith.muli %arg1, %mul3A_6 : i32
    %mul3A_8 = arith.constant 96 : i32
    %mul3A_9 = arith.muli %arg1, %mul3A_8 : i32
    "tpu.region"() ({
      %run_scoped3A = tpu.sem_alloc : memref<!tpu.dma_semaphore, #tpu.memory_space<semaphore_mem>>
      %dma_start3A_44 = arith.constant 0 : i32
      %dma_start3A_45 = tpu.memref_slice %arg10[%mul3A_9, %dma_start3A_44] : memref<1536x128xf32, #tpu.memory_space<vmem_shared>> -> memref<96x128xf32, #tpu.memory_space<vmem_shared>>
      %dma_start3A_46 = arith.constant 0 : i32
      %dma_start3A_47 = tpu.memref_slice %arg5[%mul3A_7, %dma_start3A_46] : memref<1536x128xf32, #tpu.memory_space<hbm>> -> memref<96x128xf32, #tpu.memory_space<hbm>>
      tpu.enqueue_dma source(%dma_start3A_47 : memref<96x128xf32, #tpu.memory_space<hbm>>) target(%dma_start3A_45 : memref<96x128xf32, #tpu.memory_space<vmem_shared>>) target_semaphore(%run_scoped3A : memref<!tpu.dma_semaphore, #tpu.memory_space<semaphore_mem>>)
      %dma_wait3A = arith.constant 0 : i32
      %dma_wait3A_48 = tpu.memref_slice %arg10[%mul3A_9, %dma_wait3A] : memref<1536x128xf32, #tpu.memory_space<vmem_shared>> -> memref<96x128xf32, #tpu.memory_space<vmem_shared>>
      %dma_wait3A_49 = arith.constant 0 : i32
      %dma_wait3A_50 = tpu.memref_slice %arg5[%mul3A_7, %dma_wait3A_49] : memref<1536x128xf32, #tpu.memory_space<hbm>> -> memref<96x128xf32, #tpu.memory_space<hbm>>
      tpu.wait_dma2 semaphore(%run_scoped3A : memref<!tpu.dma_semaphore, #tpu.memory_space<semaphore_mem>>) src(%dma_wait3A_50 : memref<96x128xf32, #tpu.memory_space<hbm>>) dst(%dma_wait3A_48 : memref<96x128xf32, #tpu.memory_space<vmem_shared>>)
      tpu.yield
    }) : () -> ()
    %barrier3A = arith.constant 0 : index
    tpu.barrier barrier_id(%barrier3A)
    %dma_start3A = arith.constant 0 : i32
    %dma_start3A_10 = arith.constant 0 : i32
    %dma_start3A_11 = arith.constant 0 : i32
    %dma_start3A_12 = arith.constant 0 : i32
    %dma_start3A_13 = tpu.memref_slice %arg9[%dma_start3A_10, %dma_start3A_11, %dma_start3A_12] : memref<2x128x128xf32, #tpu.memory_space<vmem>> -> memref<1x128x128xf32, #tpu.memory_space<vmem>>
    %dma_start3A_14 = tpu.memref_squeeze %dma_start3A_13 : memref<1x128x128xf32, #tpu.memory_space<vmem>> -> memref<128x128xf32, #tpu.memory_space<vmem>>
    %dma_start3A_15 = arith.constant 0 : i32
    %dma_start3A_16 = tpu.memref_slice %arg7[%dma_start3A, %dma_start3A_15] : memref<6x128xi32, #tpu.memory_space<vmem>> -> memref<1x128xi32, #tpu.memory_space<vmem>>
    %dma_start3A_17 = tpu.memref_squeeze %dma_start3A_16 : memref<1x128xi32, #tpu.memory_space<vmem>> -> memref<128xi32, #tpu.memory_space<vmem>>
    %dma_start3A_18 = arith.constant 0 : i32
    %dma_start3A_19 = arith.constant 0 : i32
    %dma_start3A_20 = tpu.memref_slice %arg2[%dma_start3A_18, %dma_start3A_19] : memref<5000x128xf32, #tpu.memory_space<hbm>> -> memref<5000x128xf32, #tpu.memory_space<hbm>>
    tpu.enqueue_indirect_dma source(%dma_start3A_20 : memref<5000x128xf32, #tpu.memory_space<hbm>>) target(%dma_start3A_14 : memref<128x128xf32, #tpu.memory_space<vmem>>) offsets(%dma_start3A_17 : memref<128xi32, #tpu.memory_space<vmem>>) semaphore(%arg11 : memref<!tpu.dma_semaphore, #tpu.memory_space<semaphore_mem>>)
    %dma_start3A_21 = arith.constant 1 : i32
    %dma_start3A_22 = arith.constant 1 : i32
    %dma_start3A_23 = arith.constant 0 : i32
    %dma_start3A_24 = arith.constant 0 : i32
    %dma_start3A_25 = tpu.memref_slice %arg9[%dma_start3A_22, %dma_start3A_23, %dma_start3A_24] : memref<2x128x128xf32, #tpu.memory_space<vmem>> -> memref<1x128x128xf32, #tpu.memory_space<vmem>>
    %dma_start3A_26 = tpu.memref_squeeze %dma_start3A_25 : memref<1x128x128xf32, #tpu.memory_space<vmem>> -> memref<128x128xf32, #tpu.memory_space<vmem>>
    %dma_start3A_27 = arith.constant 0 : i32
    %dma_start3A_28 = tpu.memref_slice %arg7[%dma_start3A_21, %dma_start3A_27] : memref<6x128xi32, #tpu.memory_space<vmem>> -> memref<1x128xi32, #tpu.memory_space<vmem>>
    %dma_start3A_29 = tpu.memref_squeeze %dma_start3A_28 : memref<1x128xi32, #tpu.memory_space<vmem>> -> memref<128xi32, #tpu.memory_space<vmem>>
    %dma_start3A_30 = arith.constant 0 : i32
    %dma_start3A_31 = arith.constant 0 : i32
    %dma_start3A_32 = tpu.memref_slice %arg2[%dma_start3A_30, %dma_start3A_31] : memref<5000x128xf32, #tpu.memory_space<hbm>> -> memref<5000x128xf32, #tpu.memory_space<hbm>>
    tpu.enqueue_indirect_dma source(%dma_start3A_32 : memref<5000x128xf32, #tpu.memory_space<hbm>>) target(%dma_start3A_26 : memref<128x128xf32, #tpu.memory_space<vmem>>) offsets(%dma_start3A_29 : memref<128xi32, #tpu.memory_space<vmem>>) semaphore(%arg12 : memref<!tpu.dma_semaphore, #tpu.memory_space<semaphore_mem>>)
    %scan3A_33 = arith.constant 0 : i32
    %scan3A_34 = arith.constant 0 : i32
    %scan3A_35 = arith.constant 3 : i32
    %scan3A_36 = arith.addi %scan3A_34, %scan3A_35 : i32
    %scan3A_37 = arith.constant 1 : i32
    scf.for %scan3A_44 = %scan3A_34 to %scan3A_36 step %scan3A_37  : i32 {
      %mul3A_45 = arith.constant 2 : i32
      %mul3A_46 = arith.muli %scan3A_44, %mul3A_45 : i32
      %add3A_47 = arith.constant 0 : i32
      %add3A_48 = arith.addi %mul3A_46, %add3A_47 : i32
      %dma_wait3A = arith.constant 0 : i32
      %dma_wait3A_49 = arith.constant 0 : i32
      %dma_wait3A_50 = arith.constant 0 : i32
      %dma_wait3A_51 = arith.constant 0 : i32
      %dma_wait3A_52 = tpu.memref_slice %arg9[%dma_wait3A_49, %dma_wait3A_50, %dma_wait3A_51] : memref<2x128x128xf32, #tpu.memory_space<vmem>> -> memref<1x128x128xf32, #tpu.memory_space<vmem>>
      %dma_wait3A_53 = tpu.memref_squeeze %dma_wait3A_52 : memref<1x128x128xf32, #tpu.memory_space<vmem>> -> memref<128x128xf32, #tpu.memory_space<vmem>>
      %dma_wait3A_54 = arith.constant 0 : i32
      %dma_wait3A_55 = tpu.memref_slice %arg7[%dma_wait3A, %dma_wait3A_54] : memref<6x128xi32, #tpu.memory_space<vmem>> -> memref<1x128xi32, #tpu.memory_space<vmem>>
      %dma_wait3A_56 = tpu.memref_squeeze %dma_wait3A_55 : memref<1x128xi32, #tpu.memory_space<vmem>> -> memref<128xi32, #tpu.memory_space<vmem>>
      %dma_wait3A_57 = arith.constant 0 : i32
      %dma_wait3A_58 = arith.constant 0 : i32
      %dma_wait3A_59 = tpu.memref_slice %arg2[%dma_wait3A_57, %dma_wait3A_58] : memref<5000x128xf32, #tpu.memory_space<hbm>> -> memref<5000x128xf32, #tpu.memory_space<hbm>>
      tpu.wait_indirect_dma semaphore(%arg11 : memref<!tpu.dma_semaphore, #tpu.memory_space<semaphore_mem>>) src(%dma_wait3A_59 : memref<5000x128xf32, #tpu.memory_space<hbm>>) dst(%dma_wait3A_53 : memref<128x128xf32, #tpu.memory_space<vmem>>)
      %dma_start3A_60 = arith.constant 0 : i32
      %dma_start3A_61 = arith.constant 0 : i32
      %dma_start3A_62 = arith.constant 0 : i32
      %dma_start3A_63 = tpu.memref_slice %arg9[%dma_start3A_60, %dma_start3A_61, %dma_start3A_62] : memref<2x128x128xf32, #tpu.memory_space<vmem>> -> memref<1x128x128xf32, #tpu.memory_space<vmem>>
      %dma_start3A_64 = tpu.memref_squeeze %dma_start3A_63 : memref<1x128x128xf32, #tpu.memory_space<vmem>> -> memref<128x128xf32, #tpu.memory_space<vmem>>
      %dma_start3A_65 = arith.constant 0 : i32
      %dma_start3A_66 = tpu.memref_slice %arg8[%add3A_48, %dma_start3A_65] : memref<6x128xi32, #tpu.memory_space<vmem>> -> memref<1x128xi32, #tpu.memory_space<vmem>>
      %dma_start3A_67 = tpu.memref_squeeze %dma_start3A_66 : memref<1x128xi32, #tpu.memory_space<vmem>> -> memref<128xi32, #tpu.memory_space<vmem>>
      %dma_start3A_68 = arith.constant 0 : i32
      %dma_start3A_69 = arith.constant 0 : i32
      %dma_start3A_70 = tpu.memref_slice %arg10[%dma_start3A_68, %dma_start3A_69] : memref<1536x128xf32, #tpu.memory_space<vmem_shared>> -> memref<1536x128xf32, #tpu.memory_space<vmem_shared>>
      tpu.enqueue_indirect_dma source(%dma_start3A_64 : memref<128x128xf32, #tpu.memory_space<vmem>>) target(%dma_start3A_70 : memref<1536x128xf32, #tpu.memory_space<vmem_shared>>) offsets(%dma_start3A_67 : memref<128xi32, #tpu.memory_space<vmem>>) semaphore(%arg13 : memref<!tpu.dma_semaphore, #tpu.memory_space<semaphore_mem>>) {add = true}
      %dma_wait3A_71 = arith.constant 0 : i32
      %dma_wait3A_72 = arith.constant 0 : i32
      %dma_wait3A_73 = arith.constant 0 : i32
      %dma_wait3A_74 = tpu.memref_slice %arg9[%dma_wait3A_71, %dma_wait3A_72, %dma_wait3A_73] : memref<2x128x128xf32, #tpu.memory_space<vmem>> -> memref<1x128x128xf32, #tpu.memory_space<vmem>>
      %dma_wait3A_75 = tpu.memref_squeeze %dma_wait3A_74 : memref<1x128x128xf32, #tpu.memory_space<vmem>> -> memref<128x128xf32, #tpu.memory_space<vmem>>
      %dma_wait3A_76 = arith.constant 0 : i32
      %dma_wait3A_77 = tpu.memref_slice %arg8[%add3A_48, %dma_wait3A_76] : memref<6x128xi32, #tpu.memory_space<vmem>> -> memref<1x128xi32, #tpu.memory_space<vmem>>
      %dma_wait3A_78 = tpu.memref_squeeze %dma_wait3A_77 : memref<1x128xi32, #tpu.memory_space<vmem>> -> memref<128xi32, #tpu.memory_space<vmem>>
      %dma_wait3A_79 = arith.constant 0 : i32
      %dma_wait3A_80 = arith.constant 0 : i32
      %dma_wait3A_81 = tpu.memref_slice %arg10[%dma_wait3A_79, %dma_wait3A_80] : memref<1536x128xf32, #tpu.memory_space<vmem_shared>> -> memref<1536x128xf32, #tpu.memory_space<vmem_shared>>
      tpu.wait_indirect_dma semaphore(%arg13 : memref<!tpu.dma_semaphore, #tpu.memory_space<semaphore_mem>>) src(%dma_wait3A_75 : memref<128x128xf32, #tpu.memory_space<vmem>>) dst(%dma_wait3A_81 : memref<1536x128xf32, #tpu.memory_space<vmem_shared>>)
      %add3A_82 = arith.constant 2 : i32
      %add3A_83 = arith.addi %add3A_48, %add3A_82 : i32
      %lt3A = arith.constant 6 : i32
      %lt3A_84 = arith.cmpi slt, %add3A_83, %lt3A : i32
      %convert_element_type3A = arith.extui %lt3A_84 : i1 to i32
      %cond3A = arith.constant 0 : i32
      %cond3A_85 = arith.cmpi ne, %convert_element_type3A, %cond3A : i32
      scf.if %cond3A_85 {
        %add3A_129 = arith.constant 2 : i32
        %add3A_130 = arith.addi %add3A_48, %add3A_129 : i32
        %dma_start3A_131 = arith.constant 0 : i32
        %dma_start3A_132 = arith.constant 0 : i32
        %dma_start3A_133 = arith.constant 0 : i32
        %dma_start3A_134 = tpu.memref_slice %arg9[%dma_start3A_131, %dma_start3A_132, %dma_start3A_133] : memref<2x128x128xf32, #tpu.memory_space<vmem>> -> memref<1x128x128xf32, #tpu.memory_space<vmem>>
        %dma_start3A_135 = tpu.memref_squeeze %dma_start3A_134 : memref<1x128x128xf32, #tpu.memory_space<vmem>> -> memref<128x128xf32, #tpu.memory_space<vmem>>
        %dma_start3A_136 = arith.constant 0 : i32
        %dma_start3A_137 = tpu.memref_slice %arg7[%add3A_130, %dma_start3A_136] : memref<6x128xi32, #tpu.memory_space<vmem>> -> memref<1x128xi32, #tpu.memory_space<vmem>>
        %dma_start3A_138 = tpu.memref_squeeze %dma_start3A_137 : memref<1x128xi32, #tpu.memory_space<vmem>> -> memref<128xi32, #tpu.memory_space<vmem>>
        %dma_start3A_139 = arith.constant 0 : i32
        %dma_start3A_140 = arith.constant 0 : i32
        %dma_start3A_141 = tpu.memref_slice %arg2[%dma_start3A_139, %dma_start3A_140] : memref<5000x128xf32, #tpu.memory_space<hbm>> -> memref<5000x128xf32, #tpu.memory_space<hbm>>
        tpu.enqueue_indirect_dma source(%dma_start3A_141 : memref<5000x128xf32, #tpu.memory_space<hbm>>) target(%dma_start3A_135 : memref<128x128xf32, #tpu.memory_space<vmem>>) offsets(%dma_start3A_138 : memref<128xi32, #tpu.memory_space<vmem>>) semaphore(%arg11 : memref<!tpu.dma_semaphore, #tpu.memory_space<semaphore_mem>>)
      } else {
      }
      %add3A_86 = arith.constant 1 : i32
      %add3A_87 = arith.addi %mul3A_46, %add3A_86 : i32
      %dma_wait3A_88 = arith.constant 1 : i32
      %dma_wait3A_89 = arith.constant 1 : i32
      %dma_wait3A_90 = arith.constant 0 : i32
      %dma_wait3A_91 = arith.constant 0 : i32
      %dma_wait3A_92 = tpu.memref_slice %arg9[%dma_wait3A_89, %dma_wait3A_90, %dma_wait3A_91] : memref<2x128x128xf32, #tpu.memory_space<vmem>> -> memref<1x128x128xf32, #tpu.memory_space<vmem>>
      %dma_wait3A_93 = tpu.memref_squeeze %dma_wait3A_92 : memref<1x128x128xf32, #tpu.memory_space<vmem>> -> memref<128x128xf32, #tpu.memory_space<vmem>>
      %dma_wait3A_94 = arith.constant 0 : i32
      %dma_wait3A_95 = tpu.memref_slice %arg7[%dma_wait3A_88, %dma_wait3A_94] : memref<6x128xi32, #tpu.memory_space<vmem>> -> memref<1x128xi32, #tpu.memory_space<vmem>>
      %dma_wait3A_96 = tpu.memref_squeeze %dma_wait3A_95 : memref<1x128xi32, #tpu.memory_space<vmem>> -> memref<128xi32, #tpu.memory_space<vmem>>
      %dma_wait3A_97 = arith.constant 0 : i32
      %dma_wait3A_98 = arith.constant 0 : i32
      %dma_wait3A_99 = tpu.memref_slice %arg2[%dma_wait3A_97, %dma_wait3A_98] : memref<5000x128xf32, #tpu.memory_space<hbm>> -> memref<5000x128xf32, #tpu.memory_space<hbm>>
      tpu.wait_indirect_dma semaphore(%arg12 : memref<!tpu.dma_semaphore, #tpu.memory_space<semaphore_mem>>) src(%dma_wait3A_99 : memref<5000x128xf32, #tpu.memory_space<hbm>>) dst(%dma_wait3A_93 : memref<128x128xf32, #tpu.memory_space<vmem>>)
      %dma_start3A_100 = arith.constant 1 : i32
      %dma_start3A_101 = arith.constant 0 : i32
      %dma_start3A_102 = arith.constant 0 : i32
      %dma_start3A_103 = tpu.memref_slice %arg9[%dma_start3A_100, %dma_start3A_101, %dma_start3A_102] : memref<2x128x128xf32, #tpu.memory_space<vmem>> -> memref<1x128x128xf32, #tpu.memory_space<vmem>>
      %dma_start3A_104 = tpu.memref_squeeze %dma_start3A_103 : memref<1x128x128xf32, #tpu.memory_space<vmem>> -> memref<128x128xf32, #tpu.memory_space<vmem>>
      %dma_start3A_105 = arith.constant 0 : i32
      %dma_start3A_106 = tpu.memref_slice %arg8[%add3A_87, %dma_start3A_105] : memref<6x128xi32, #tpu.memory_space<vmem>> -> memref<1x128xi32, #tpu.memory_space<vmem>>
      %dma_start3A_107 = tpu.memref_squeeze %dma_start3A_106 : memref<1x128xi32, #tpu.memory_space<vmem>> -> memref<128xi32, #tpu.memory_space<vmem>>
      %dma_start3A_108 = arith.constant 0 : i32
      %dma_start3A_109 = arith.constant 0 : i32
      %dma_start3A_110 = tpu.memref_slice %arg10[%dma_start3A_108, %dma_start3A_109] : memref<1536x128xf32, #tpu.memory_space<vmem_shared>> -> memref<1536x128xf32, #tpu.memory_space<vmem_shared>>
      tpu.enqueue_indirect_dma source(%dma_start3A_104 : memref<128x128xf32, #tpu.memory_space<vmem>>) target(%dma_start3A_110 : memref<1536x128xf32, #tpu.memory_space<vmem_shared>>) offsets(%dma_start3A_107 : memref<128xi32, #tpu.memory_space<vmem>>) semaphore(%arg13 : memref<!tpu.dma_semaphore, #tpu.memory_space<semaphore_mem>>) {add = true}
      %dma_wait3A_111 = arith.constant 1 : i32
      %dma_wait3A_112 = arith.constant 0 : i32
      %dma_wait3A_113 = arith.constant 0 : i32
      %dma_wait3A_114 = tpu.memref_slice %arg9[%dma_wait3A_111, %dma_wait3A_112, %dma_wait3A_113] : memref<2x128x128xf32, #tpu.memory_space<vmem>> -> memref<1x128x128xf32, #tpu.memory_space<vmem>>
      %dma_wait3A_115 = tpu.memref_squeeze %dma_wait3A_114 : memref<1x128x128xf32, #tpu.memory_space<vmem>> -> memref<128x128xf32, #tpu.memory_space<vmem>>
      %dma_wait3A_116 = arith.constant 0 : i32
      %dma_wait3A_117 = tpu.memref_slice %arg8[%add3A_87, %dma_wait3A_116] : memref<6x128xi32, #tpu.memory_space<vmem>> -> memref<1x128xi32, #tpu.memory_space<vmem>>
      %dma_wait3A_118 = tpu.memref_squeeze %dma_wait3A_117 : memref<1x128xi32, #tpu.memory_space<vmem>> -> memref<128xi32, #tpu.memory_space<vmem>>
      %dma_wait3A_119 = arith.constant 0 : i32
      %dma_wait3A_120 = arith.constant 0 : i32
      %dma_wait3A_121 = tpu.memref_slice %arg10[%dma_wait3A_119, %dma_wait3A_120] : memref<1536x128xf32, #tpu.memory_space<vmem_shared>> -> memref<1536x128xf32, #tpu.memory_space<vmem_shared>>
      tpu.wait_indirect_dma semaphore(%arg13 : memref<!tpu.dma_semaphore, #tpu.memory_space<semaphore_mem>>) src(%dma_wait3A_115 : memref<128x128xf32, #tpu.memory_space<vmem>>) dst(%dma_wait3A_121 : memref<1536x128xf32, #tpu.memory_space<vmem_shared>>)
      %add3A_122 = arith.constant 2 : i32
      %add3A_123 = arith.addi %add3A_87, %add3A_122 : i32
      %lt3A_124 = arith.constant 6 : i32
      %lt3A_125 = arith.cmpi slt, %add3A_123, %lt3A_124 : i32
      %convert_element_type3A_126 = arith.extui %lt3A_125 : i1 to i32
      %cond3A_127 = arith.constant 0 : i32
      %cond3A_128 = arith.cmpi ne, %convert_element_type3A_126, %cond3A_127 : i32
      scf.if %cond3A_128 {
        %add3A_129 = arith.constant 2 : i32
        %add3A_130 = arith.addi %add3A_87, %add3A_129 : i32
        %dma_start3A_131 = arith.constant 1 : i32
        %dma_start3A_132 = arith.constant 0 : i32
        %dma_start3A_133 = arith.constant 0 : i32
        %dma_start3A_134 = tpu.memref_slice %arg9[%dma_start3A_131, %dma_start3A_132, %dma_start3A_133] : memref<2x128x128xf32, #tpu.memory_space<vmem>> -> memref<1x128x128xf32, #tpu.memory_space<vmem>>
        %dma_start3A_135 = tpu.memref_squeeze %dma_start3A_134 : memref<1x128x128xf32, #tpu.memory_space<vmem>> -> memref<128x128xf32, #tpu.memory_space<vmem>>
        %dma_start3A_136 = arith.constant 0 : i32
        %dma_start3A_137 = tpu.memref_slice %arg7[%add3A_130, %dma_start3A_136] : memref<6x128xi32, #tpu.memory_space<vmem>> -> memref<1x128xi32, #tpu.memory_space<vmem>>
        %dma_start3A_138 = tpu.memref_squeeze %dma_start3A_137 : memref<1x128xi32, #tpu.memory_space<vmem>> -> memref<128xi32, #tpu.memory_space<vmem>>
        %dma_start3A_139 = arith.constant 0 : i32
        %dma_start3A_140 = arith.constant 0 : i32
        %dma_start3A_141 = tpu.memref_slice %arg2[%dma_start3A_139, %dma_start3A_140] : memref<5000x128xf32, #tpu.memory_space<hbm>> -> memref<5000x128xf32, #tpu.memory_space<hbm>>
        tpu.enqueue_indirect_dma source(%dma_start3A_141 : memref<5000x128xf32, #tpu.memory_space<hbm>>) target(%dma_start3A_135 : memref<128x128xf32, #tpu.memory_space<vmem>>) offsets(%dma_start3A_138 : memref<128xi32, #tpu.memory_space<vmem>>) semaphore(%arg12 : memref<!tpu.dma_semaphore, #tpu.memory_space<semaphore_mem>>)
      } else {
      }
    }
    %scan3A_38 = arith.constant 3 : i32
    %barrier3A_39 = arith.constant 0 : index
    tpu.barrier barrier_id(%barrier3A_39)
    %mul3A_40 = arith.constant 96 : i32
    %mul3A_41 = arith.muli %arg1, %mul3A_40 : i32
    %mul3A_42 = arith.constant 96 : i32
    %mul3A_43 = arith.muli %arg1, %mul3A_42 : i32
    "tpu.region"() ({
      %run_scoped3A = tpu.sem_alloc : memref<!tpu.dma_semaphore, #tpu.memory_space<semaphore_mem>>
      %dma_start3A_44 = arith.constant 0 : i32
      %dma_start3A_45 = tpu.memref_slice %arg6[%arg0, %mul3A_43, %dma_start3A_44] : memref<2x1536x128xf32, #tpu.memory_space<hbm>> -> memref<1x96x128xf32, #tpu.memory_space<hbm>>
      %dma_start3A_46 = tpu.memref_squeeze %dma_start3A_45 : memref<1x96x128xf32, #tpu.memory_space<hbm>> -> memref<96x128xf32, #tpu.memory_space<hbm>>
      %dma_start3A_47 = arith.constant 0 : i32
      %dma_start3A_48 = tpu.memref_slice %arg10[%mul3A_41, %dma_start3A_47] : memref<1536x128xf32, #tpu.memory_space<vmem_shared>> -> memref<96x128xf32, #tpu.memory_space<vmem_shared>>
      tpu.enqueue_dma source(%dma_start3A_48 : memref<96x128xf32, #tpu.memory_space<vmem_shared>>) target(%dma_start3A_46 : memref<96x128xf32, #tpu.memory_space<hbm>>) target_semaphore(%run_scoped3A : memref<!tpu.dma_semaphore, #tpu.memory_space<semaphore_mem>>)
      %dma_wait3A = arith.constant 0 : i32
      %dma_wait3A_49 = tpu.memref_slice %arg6[%arg0, %mul3A_43, %dma_wait3A] : memref<2x1536x128xf32, #tpu.memory_space<hbm>> -> memref<1x96x128xf32, #tpu.memory_space<hbm>>
      %dma_wait3A_50 = tpu.memref_squeeze %dma_wait3A_49 : memref<1x96x128xf32, #tpu.memory_space<hbm>> -> memref<96x128xf32, #tpu.memory_space<hbm>>
      %dma_wait3A_51 = arith.constant 0 : i32
      %dma_wait3A_52 = tpu.memref_slice %arg10[%mul3A_41, %dma_wait3A_51] : memref<1536x128xf32, #tpu.memory_space<vmem_shared>> -> memref<96x128xf32, #tpu.memory_space<vmem_shared>>
      tpu.wait_dma2 semaphore(%run_scoped3A : memref<!tpu.dma_semaphore, #tpu.memory_space<semaphore_mem>>) src(%dma_wait3A_52 : memref<96x128xf32, #tpu.memory_space<vmem_shared>>) dst(%dma_wait3A_50 : memref<96x128xf32, #tpu.memory_space<hbm>>)
      tpu.yield
    }) : () -> ()
    return
  }
}

#map = affine_map<(d0, d1) -> (0, 0)>
#map1 = affine_map<(d0, d1) -> (0, 0, 0)>
module attributes {stable_mosaic.version = 14 : i64} {
  func.func @seg(%arg0: i32, %arg1: i32, %arg2: memref<40000x128xf32, #tpu.memory_space<hbm>>, %arg3: memref<1280x128xi32, #tpu.memory_space<hbm>>, %arg4: memref<1280x128xi32, #tpu.memory_space<hbm>>, %arg5: memref<10240x128xf32, #tpu.memory_space<hbm>>, %arg6: memref<2x10240x128xf32, #tpu.memory_space<hbm>>, %arg7: memref<40x128xi32, #tpu.memory_space<vmem>>, %arg8: memref<40x128xi32, #tpu.memory_space<vmem>>, %arg9: memref<2x128x128xf32, #tpu.memory_space<vmem>>, %arg10: memref<10240x128xf32, #tpu.memory_space<vmem_shared>>, %arg11: memref<!tpu.dma_semaphore, #tpu.memory_space<semaphore_mem>>, %arg12: memref<!tpu.dma_semaphore, #tpu.memory_space<semaphore_mem>>, %arg13: memref<!tpu.dma_semaphore, #tpu.memory_space<semaphore_mem>>) attributes {dimension_semantics = [#tpu.dimension_semantics<core_parallel>, #tpu.dimension_semantics<subcore_parallel>], iteration_bounds = array<i64: 2, 16>, scalar_prefetch = 0 : i64, scratch_operands = 7 : i64, tpu.core_type = #tpu.core_type<sc_vector_subcore>, window_params = [{transform_indices = #map}, {transform_indices = #map}, {transform_indices = #map}, {transform_indices = #map}, {transform_indices = #map1}]} {
    %mul3A = arith.constant 2 : i32
    %mul3A_0 = arith.muli %arg1, %mul3A : i32
    %add3A = arith.addi %mul3A_0, %arg0 : i32
    %mul3A_1 = arith.constant 40 : i32
    %mul3A_2 = arith.muli %add3A, %mul3A_1 : i32
    "tpu.region"() ({
      %run_scoped3A = tpu.sem_alloc : memref<!tpu.dma_semaphore, #tpu.memory_space<semaphore_mem>>
      %dma_start3A_42 = arith.constant 0 : i32
      %dma_start3A_43 = tpu.memref_slice %arg3[%mul3A_2, %dma_start3A_42] : memref<1280x128xi32, #tpu.memory_space<hbm>> -> memref<40x128xi32, #tpu.memory_space<hbm>>
      %dma_start3A_44 = arith.constant 0 : i32
      %dma_start3A_45 = tpu.memref_slice %arg3[%mul3A_2, %dma_start3A_44] : memref<1280x128xi32, #tpu.memory_space<hbm>> -> memref<40x128xi32, #tpu.memory_space<hbm>>
      tpu.enqueue_dma source(%dma_start3A_45 : memref<40x128xi32, #tpu.memory_space<hbm>>) target(%arg7 : memref<40x128xi32, #tpu.memory_space<vmem>>) target_semaphore(%run_scoped3A : memref<!tpu.dma_semaphore, #tpu.memory_space<semaphore_mem>>)
      %dma_wait3A = arith.constant 0 : i32
      %dma_wait3A_46 = tpu.memref_slice %arg3[%mul3A_2, %dma_wait3A] : memref<1280x128xi32, #tpu.memory_space<hbm>> -> memref<40x128xi32, #tpu.memory_space<hbm>>
      %dma_wait3A_47 = arith.constant 0 : i32
      %dma_wait3A_48 = tpu.memref_slice %arg3[%mul3A_2, %dma_wait3A_47] : memref<1280x128xi32, #tpu.memory_space<hbm>> -> memref<40x128xi32, #tpu.memory_space<hbm>>
      tpu.wait_dma2 semaphore(%run_scoped3A : memref<!tpu.dma_semaphore, #tpu.memory_space<semaphore_mem>>) src(%dma_wait3A_48 : memref<40x128xi32, #tpu.memory_space<hbm>>) dst(%arg7 : memref<40x128xi32, #tpu.memory_space<vmem>>)
      tpu.yield
    }) : () -> ()
    %mul3A_3 = arith.constant 40 : i32
    %mul3A_4 = arith.muli %add3A, %mul3A_3 : i32
    "tpu.region"() ({
      %run_scoped3A = tpu.sem_alloc : memref<!tpu.dma_semaphore, #tpu.memory_space<semaphore_mem>>
      %dma_start3A_42 = arith.constant 0 : i32
      %dma_start3A_43 = tpu.memref_slice %arg4[%mul3A_4, %dma_start3A_42] : memref<1280x128xi32, #tpu.memory_space<hbm>> -> memref<40x128xi32, #tpu.memory_space<hbm>>
      %dma_start3A_44 = arith.constant 0 : i32
      %dma_start3A_45 = tpu.memref_slice %arg4[%mul3A_4, %dma_start3A_44] : memref<1280x128xi32, #tpu.memory_space<hbm>> -> memref<40x128xi32, #tpu.memory_space<hbm>>
      tpu.enqueue_dma source(%dma_start3A_45 : memref<40x128xi32, #tpu.memory_space<hbm>>) target(%arg8 : memref<40x128xi32, #tpu.memory_space<vmem>>) target_semaphore(%run_scoped3A : memref<!tpu.dma_semaphore, #tpu.memory_space<semaphore_mem>>)
      %dma_wait3A = arith.constant 0 : i32
      %dma_wait3A_46 = tpu.memref_slice %arg4[%mul3A_4, %dma_wait3A] : memref<1280x128xi32, #tpu.memory_space<hbm>> -> memref<40x128xi32, #tpu.memory_space<hbm>>
      %dma_wait3A_47 = arith.constant 0 : i32
      %dma_wait3A_48 = tpu.memref_slice %arg4[%mul3A_4, %dma_wait3A_47] : memref<1280x128xi32, #tpu.memory_space<hbm>> -> memref<40x128xi32, #tpu.memory_space<hbm>>
      tpu.wait_dma2 semaphore(%run_scoped3A : memref<!tpu.dma_semaphore, #tpu.memory_space<semaphore_mem>>) src(%dma_wait3A_48 : memref<40x128xi32, #tpu.memory_space<hbm>>) dst(%arg8 : memref<40x128xi32, #tpu.memory_space<vmem>>)
      tpu.yield
    }) : () -> ()
    %mul3A_5 = arith.constant 640 : i32
    %mul3A_6 = arith.muli %arg1, %mul3A_5 : i32
    %mul3A_7 = arith.constant 640 : i32
    %mul3A_8 = arith.muli %arg1, %mul3A_7 : i32
    "tpu.region"() ({
      %run_scoped3A = tpu.sem_alloc : memref<!tpu.dma_semaphore, #tpu.memory_space<semaphore_mem>>
      %dma_start3A_42 = arith.constant 0 : i32
      %dma_start3A_43 = tpu.memref_slice %arg10[%mul3A_8, %dma_start3A_42] : memref<10240x128xf32, #tpu.memory_space<vmem_shared>> -> memref<640x128xf32, #tpu.memory_space<vmem_shared>>
      %dma_start3A_44 = arith.constant 0 : i32
      %dma_start3A_45 = tpu.memref_slice %arg5[%mul3A_6, %dma_start3A_44] : memref<10240x128xf32, #tpu.memory_space<hbm>> -> memref<640x128xf32, #tpu.memory_space<hbm>>
      tpu.enqueue_dma source(%dma_start3A_45 : memref<640x128xf32, #tpu.memory_space<hbm>>) target(%dma_start3A_43 : memref<640x128xf32, #tpu.memory_space<vmem_shared>>) target_semaphore(%run_scoped3A : memref<!tpu.dma_semaphore, #tpu.memory_space<semaphore_mem>>)
      %dma_wait3A = arith.constant 0 : i32
      %dma_wait3A_46 = tpu.memref_slice %arg10[%mul3A_8, %dma_wait3A] : memref<10240x128xf32, #tpu.memory_space<vmem_shared>> -> memref<640x128xf32, #tpu.memory_space<vmem_shared>>
      %dma_wait3A_47 = arith.constant 0 : i32
      %dma_wait3A_48 = tpu.memref_slice %arg5[%mul3A_6, %dma_wait3A_47] : memref<10240x128xf32, #tpu.memory_space<hbm>> -> memref<640x128xf32, #tpu.memory_space<hbm>>
      tpu.wait_dma2 semaphore(%run_scoped3A : memref<!tpu.dma_semaphore, #tpu.memory_space<semaphore_mem>>) src(%dma_wait3A_48 : memref<640x128xf32, #tpu.memory_space<hbm>>) dst(%dma_wait3A_46 : memref<640x128xf32, #tpu.memory_space<vmem_shared>>)
      tpu.yield
    }) : () -> ()
    %barrier3A = arith.constant 0 : index
    tpu.barrier barrier_id(%barrier3A)
    %dma_start3A = arith.constant 0 : i32
    %dma_start3A_9 = arith.constant 0 : i32
    %dma_start3A_10 = arith.constant 0 : i32
    %dma_start3A_11 = arith.constant 0 : i32
    %dma_start3A_12 = tpu.memref_slice %arg9[%dma_start3A_9, %dma_start3A_10, %dma_start3A_11] : memref<2x128x128xf32, #tpu.memory_space<vmem>> -> memref<1x128x128xf32, #tpu.memory_space<vmem>>
    %dma_start3A_13 = tpu.memref_squeeze %dma_start3A_12 : memref<1x128x128xf32, #tpu.memory_space<vmem>> -> memref<128x128xf32, #tpu.memory_space<vmem>>
    %dma_start3A_14 = arith.constant 0 : i32
    %dma_start3A_15 = tpu.memref_slice %arg7[%dma_start3A, %dma_start3A_14] : memref<40x128xi32, #tpu.memory_space<vmem>> -> memref<1x128xi32, #tpu.memory_space<vmem>>
    %dma_start3A_16 = tpu.memref_squeeze %dma_start3A_15 : memref<1x128xi32, #tpu.memory_space<vmem>> -> memref<128xi32, #tpu.memory_space<vmem>>
    %dma_start3A_17 = arith.constant 0 : i32
    %dma_start3A_18 = arith.constant 0 : i32
    %dma_start3A_19 = tpu.memref_slice %arg2[%dma_start3A_17, %dma_start3A_18] : memref<40000x128xf32, #tpu.memory_space<hbm>> -> memref<40000x128xf32, #tpu.memory_space<hbm>>
    tpu.enqueue_indirect_dma source(%dma_start3A_19 : memref<40000x128xf32, #tpu.memory_space<hbm>>) target(%dma_start3A_13 : memref<128x128xf32, #tpu.memory_space<vmem>>) offsets(%dma_start3A_16 : memref<128xi32, #tpu.memory_space<vmem>>) semaphore(%arg11 : memref<!tpu.dma_semaphore, #tpu.memory_space<semaphore_mem>>)
    %dma_start3A_20 = arith.constant 1 : i32
    %dma_start3A_21 = arith.constant 1 : i32
    %dma_start3A_22 = arith.constant 0 : i32
    %dma_start3A_23 = arith.constant 0 : i32
    %dma_start3A_24 = tpu.memref_slice %arg9[%dma_start3A_21, %dma_start3A_22, %dma_start3A_23] : memref<2x128x128xf32, #tpu.memory_space<vmem>> -> memref<1x128x128xf32, #tpu.memory_space<vmem>>
    %dma_start3A_25 = tpu.memref_squeeze %dma_start3A_24 : memref<1x128x128xf32, #tpu.memory_space<vmem>> -> memref<128x128xf32, #tpu.memory_space<vmem>>
    %dma_start3A_26 = arith.constant 0 : i32
    %dma_start3A_27 = tpu.memref_slice %arg7[%dma_start3A_20, %dma_start3A_26] : memref<40x128xi32, #tpu.memory_space<vmem>> -> memref<1x128xi32, #tpu.memory_space<vmem>>
    %dma_start3A_28 = tpu.memref_squeeze %dma_start3A_27 : memref<1x128xi32, #tpu.memory_space<vmem>> -> memref<128xi32, #tpu.memory_space<vmem>>
    %dma_start3A_29 = arith.constant 0 : i32
    %dma_start3A_30 = arith.constant 0 : i32
    %dma_start3A_31 = tpu.memref_slice %arg2[%dma_start3A_29, %dma_start3A_30] : memref<40000x128xf32, #tpu.memory_space<hbm>> -> memref<40000x128xf32, #tpu.memory_space<hbm>>
    tpu.enqueue_indirect_dma source(%dma_start3A_31 : memref<40000x128xf32, #tpu.memory_space<hbm>>) target(%dma_start3A_25 : memref<128x128xf32, #tpu.memory_space<vmem>>) offsets(%dma_start3A_28 : memref<128xi32, #tpu.memory_space<vmem>>) semaphore(%arg12 : memref<!tpu.dma_semaphore, #tpu.memory_space<semaphore_mem>>)
    %scan3A = arith.constant 0 : i32
    %scan3A_32 = arith.constant 0 : i32
    %scan3A_33 = arith.constant 20 : i32
    %scan3A_34 = arith.addi %scan3A_32, %scan3A_33 : i32
    %scan3A_35 = arith.constant 1 : i32
    scf.for %scan3A_42 = %scan3A_32 to %scan3A_34 step %scan3A_35  : i32 {
      %mul3A_43 = arith.constant 2 : i32
      %mul3A_44 = arith.muli %scan3A_42, %mul3A_43 : i32
      %add3A_45 = arith.constant 0 : i32
      %add3A_46 = arith.addi %mul3A_44, %add3A_45 : i32
      %dma_wait3A = arith.constant 0 : i32
      %dma_wait3A_47 = arith.constant 0 : i32
      %dma_wait3A_48 = arith.constant 0 : i32
      %dma_wait3A_49 = arith.constant 0 : i32
      %dma_wait3A_50 = tpu.memref_slice %arg9[%dma_wait3A_47, %dma_wait3A_48, %dma_wait3A_49] : memref<2x128x128xf32, #tpu.memory_space<vmem>> -> memref<1x128x128xf32, #tpu.memory_space<vmem>>
      %dma_wait3A_51 = tpu.memref_squeeze %dma_wait3A_50 : memref<1x128x128xf32, #tpu.memory_space<vmem>> -> memref<128x128xf32, #tpu.memory_space<vmem>>
      %dma_wait3A_52 = arith.constant 0 : i32
      %dma_wait3A_53 = tpu.memref_slice %arg7[%dma_wait3A, %dma_wait3A_52] : memref<40x128xi32, #tpu.memory_space<vmem>> -> memref<1x128xi32, #tpu.memory_space<vmem>>
      %dma_wait3A_54 = tpu.memref_squeeze %dma_wait3A_53 : memref<1x128xi32, #tpu.memory_space<vmem>> -> memref<128xi32, #tpu.memory_space<vmem>>
      %dma_wait3A_55 = arith.constant 0 : i32
      %dma_wait3A_56 = arith.constant 0 : i32
      %dma_wait3A_57 = tpu.memref_slice %arg2[%dma_wait3A_55, %dma_wait3A_56] : memref<40000x128xf32, #tpu.memory_space<hbm>> -> memref<40000x128xf32, #tpu.memory_space<hbm>>
      tpu.wait_indirect_dma semaphore(%arg11 : memref<!tpu.dma_semaphore, #tpu.memory_space<semaphore_mem>>) src(%dma_wait3A_57 : memref<40000x128xf32, #tpu.memory_space<hbm>>) dst(%dma_wait3A_51 : memref<128x128xf32, #tpu.memory_space<vmem>>)
      %dma_start3A_58 = arith.constant 0 : i32
      %dma_start3A_59 = arith.constant 0 : i32
      %dma_start3A_60 = arith.constant 0 : i32
      %dma_start3A_61 = tpu.memref_slice %arg9[%dma_start3A_58, %dma_start3A_59, %dma_start3A_60] : memref<2x128x128xf32, #tpu.memory_space<vmem>> -> memref<1x128x128xf32, #tpu.memory_space<vmem>>
      %dma_start3A_62 = tpu.memref_squeeze %dma_start3A_61 : memref<1x128x128xf32, #tpu.memory_space<vmem>> -> memref<128x128xf32, #tpu.memory_space<vmem>>
      %dma_start3A_63 = arith.constant 0 : i32
      %dma_start3A_64 = tpu.memref_slice %arg8[%add3A_46, %dma_start3A_63] : memref<40x128xi32, #tpu.memory_space<vmem>> -> memref<1x128xi32, #tpu.memory_space<vmem>>
      %dma_start3A_65 = tpu.memref_squeeze %dma_start3A_64 : memref<1x128xi32, #tpu.memory_space<vmem>> -> memref<128xi32, #tpu.memory_space<vmem>>
      %dma_start3A_66 = arith.constant 0 : i32
      %dma_start3A_67 = arith.constant 0 : i32
      %dma_start3A_68 = tpu.memref_slice %arg10[%dma_start3A_66, %dma_start3A_67] : memref<10240x128xf32, #tpu.memory_space<vmem_shared>> -> memref<10240x128xf32, #tpu.memory_space<vmem_shared>>
      tpu.enqueue_indirect_dma source(%dma_start3A_62 : memref<128x128xf32, #tpu.memory_space<vmem>>) target(%dma_start3A_68 : memref<10240x128xf32, #tpu.memory_space<vmem_shared>>) offsets(%dma_start3A_65 : memref<128xi32, #tpu.memory_space<vmem>>) semaphore(%arg13 : memref<!tpu.dma_semaphore, #tpu.memory_space<semaphore_mem>>) {add = true}
      %dma_wait3A_69 = arith.constant 0 : i32
      %dma_wait3A_70 = arith.constant 0 : i32
      %dma_wait3A_71 = arith.constant 0 : i32
      %dma_wait3A_72 = tpu.memref_slice %arg9[%dma_wait3A_69, %dma_wait3A_70, %dma_wait3A_71] : memref<2x128x128xf32, #tpu.memory_space<vmem>> -> memref<1x128x128xf32, #tpu.memory_space<vmem>>
      %dma_wait3A_73 = tpu.memref_squeeze %dma_wait3A_72 : memref<1x128x128xf32, #tpu.memory_space<vmem>> -> memref<128x128xf32, #tpu.memory_space<vmem>>
      %dma_wait3A_74 = arith.constant 0 : i32
      %dma_wait3A_75 = tpu.memref_slice %arg8[%add3A_46, %dma_wait3A_74] : memref<40x128xi32, #tpu.memory_space<vmem>> -> memref<1x128xi32, #tpu.memory_space<vmem>>
      %dma_wait3A_76 = tpu.memref_squeeze %dma_wait3A_75 : memref<1x128xi32, #tpu.memory_space<vmem>> -> memref<128xi32, #tpu.memory_space<vmem>>
      %dma_wait3A_77 = arith.constant 0 : i32
      %dma_wait3A_78 = arith.constant 0 : i32
      %dma_wait3A_79 = tpu.memref_slice %arg10[%dma_wait3A_77, %dma_wait3A_78] : memref<10240x128xf32, #tpu.memory_space<vmem_shared>> -> memref<10240x128xf32, #tpu.memory_space<vmem_shared>>
      tpu.wait_indirect_dma semaphore(%arg13 : memref<!tpu.dma_semaphore, #tpu.memory_space<semaphore_mem>>) src(%dma_wait3A_73 : memref<128x128xf32, #tpu.memory_space<vmem>>) dst(%dma_wait3A_79 : memref<10240x128xf32, #tpu.memory_space<vmem_shared>>)
      %add3A_80 = arith.constant 2 : i32
      %add3A_81 = arith.addi %add3A_46, %add3A_80 : i32
      %lt3A = arith.constant 40 : i32
      %lt3A_82 = arith.cmpi slt, %add3A_81, %lt3A : i32
      %convert_element_type3A = arith.extui %lt3A_82 : i1 to i32
      %cond3A = arith.constant 0 : i32
      %cond3A_83 = arith.cmpi ne, %convert_element_type3A, %cond3A : i32
      scf.if %cond3A_83 {
        %add3A_127 = arith.constant 2 : i32
        %add3A_128 = arith.addi %add3A_46, %add3A_127 : i32
        %dma_start3A_129 = arith.constant 0 : i32
        %dma_start3A_130 = arith.constant 0 : i32
        %dma_start3A_131 = arith.constant 0 : i32
        %dma_start3A_132 = tpu.memref_slice %arg9[%dma_start3A_129, %dma_start3A_130, %dma_start3A_131] : memref<2x128x128xf32, #tpu.memory_space<vmem>> -> memref<1x128x128xf32, #tpu.memory_space<vmem>>
        %dma_start3A_133 = tpu.memref_squeeze %dma_start3A_132 : memref<1x128x128xf32, #tpu.memory_space<vmem>> -> memref<128x128xf32, #tpu.memory_space<vmem>>
        %dma_start3A_134 = arith.constant 0 : i32
        %dma_start3A_135 = tpu.memref_slice %arg7[%add3A_128, %dma_start3A_134] : memref<40x128xi32, #tpu.memory_space<vmem>> -> memref<1x128xi32, #tpu.memory_space<vmem>>
        %dma_start3A_136 = tpu.memref_squeeze %dma_start3A_135 : memref<1x128xi32, #tpu.memory_space<vmem>> -> memref<128xi32, #tpu.memory_space<vmem>>
        %dma_start3A_137 = arith.constant 0 : i32
        %dma_start3A_138 = arith.constant 0 : i32
        %dma_start3A_139 = tpu.memref_slice %arg2[%dma_start3A_137, %dma_start3A_138] : memref<40000x128xf32, #tpu.memory_space<hbm>> -> memref<40000x128xf32, #tpu.memory_space<hbm>>
        tpu.enqueue_indirect_dma source(%dma_start3A_139 : memref<40000x128xf32, #tpu.memory_space<hbm>>) target(%dma_start3A_133 : memref<128x128xf32, #tpu.memory_space<vmem>>) offsets(%dma_start3A_136 : memref<128xi32, #tpu.memory_space<vmem>>) semaphore(%arg11 : memref<!tpu.dma_semaphore, #tpu.memory_space<semaphore_mem>>)
      } else {
      }
      %add3A_84 = arith.constant 1 : i32
      %add3A_85 = arith.addi %mul3A_44, %add3A_84 : i32
      %dma_wait3A_86 = arith.constant 1 : i32
      %dma_wait3A_87 = arith.constant 1 : i32
      %dma_wait3A_88 = arith.constant 0 : i32
      %dma_wait3A_89 = arith.constant 0 : i32
      %dma_wait3A_90 = tpu.memref_slice %arg9[%dma_wait3A_87, %dma_wait3A_88, %dma_wait3A_89] : memref<2x128x128xf32, #tpu.memory_space<vmem>> -> memref<1x128x128xf32, #tpu.memory_space<vmem>>
      %dma_wait3A_91 = tpu.memref_squeeze %dma_wait3A_90 : memref<1x128x128xf32, #tpu.memory_space<vmem>> -> memref<128x128xf32, #tpu.memory_space<vmem>>
      %dma_wait3A_92 = arith.constant 0 : i32
      %dma_wait3A_93 = tpu.memref_slice %arg7[%dma_wait3A_86, %dma_wait3A_92] : memref<40x128xi32, #tpu.memory_space<vmem>> -> memref<1x128xi32, #tpu.memory_space<vmem>>
      %dma_wait3A_94 = tpu.memref_squeeze %dma_wait3A_93 : memref<1x128xi32, #tpu.memory_space<vmem>> -> memref<128xi32, #tpu.memory_space<vmem>>
      %dma_wait3A_95 = arith.constant 0 : i32
      %dma_wait3A_96 = arith.constant 0 : i32
      %dma_wait3A_97 = tpu.memref_slice %arg2[%dma_wait3A_95, %dma_wait3A_96] : memref<40000x128xf32, #tpu.memory_space<hbm>> -> memref<40000x128xf32, #tpu.memory_space<hbm>>
      tpu.wait_indirect_dma semaphore(%arg12 : memref<!tpu.dma_semaphore, #tpu.memory_space<semaphore_mem>>) src(%dma_wait3A_97 : memref<40000x128xf32, #tpu.memory_space<hbm>>) dst(%dma_wait3A_91 : memref<128x128xf32, #tpu.memory_space<vmem>>)
      %dma_start3A_98 = arith.constant 1 : i32
      %dma_start3A_99 = arith.constant 0 : i32
      %dma_start3A_100 = arith.constant 0 : i32
      %dma_start3A_101 = tpu.memref_slice %arg9[%dma_start3A_98, %dma_start3A_99, %dma_start3A_100] : memref<2x128x128xf32, #tpu.memory_space<vmem>> -> memref<1x128x128xf32, #tpu.memory_space<vmem>>
      %dma_start3A_102 = tpu.memref_squeeze %dma_start3A_101 : memref<1x128x128xf32, #tpu.memory_space<vmem>> -> memref<128x128xf32, #tpu.memory_space<vmem>>
      %dma_start3A_103 = arith.constant 0 : i32
      %dma_start3A_104 = tpu.memref_slice %arg8[%add3A_85, %dma_start3A_103] : memref<40x128xi32, #tpu.memory_space<vmem>> -> memref<1x128xi32, #tpu.memory_space<vmem>>
      %dma_start3A_105 = tpu.memref_squeeze %dma_start3A_104 : memref<1x128xi32, #tpu.memory_space<vmem>> -> memref<128xi32, #tpu.memory_space<vmem>>
      %dma_start3A_106 = arith.constant 0 : i32
      %dma_start3A_107 = arith.constant 0 : i32
      %dma_start3A_108 = tpu.memref_slice %arg10[%dma_start3A_106, %dma_start3A_107] : memref<10240x128xf32, #tpu.memory_space<vmem_shared>> -> memref<10240x128xf32, #tpu.memory_space<vmem_shared>>
      tpu.enqueue_indirect_dma source(%dma_start3A_102 : memref<128x128xf32, #tpu.memory_space<vmem>>) target(%dma_start3A_108 : memref<10240x128xf32, #tpu.memory_space<vmem_shared>>) offsets(%dma_start3A_105 : memref<128xi32, #tpu.memory_space<vmem>>) semaphore(%arg13 : memref<!tpu.dma_semaphore, #tpu.memory_space<semaphore_mem>>) {add = true}
      %dma_wait3A_109 = arith.constant 1 : i32
      %dma_wait3A_110 = arith.constant 0 : i32
      %dma_wait3A_111 = arith.constant 0 : i32
      %dma_wait3A_112 = tpu.memref_slice %arg9[%dma_wait3A_109, %dma_wait3A_110, %dma_wait3A_111] : memref<2x128x128xf32, #tpu.memory_space<vmem>> -> memref<1x128x128xf32, #tpu.memory_space<vmem>>
      %dma_wait3A_113 = tpu.memref_squeeze %dma_wait3A_112 : memref<1x128x128xf32, #tpu.memory_space<vmem>> -> memref<128x128xf32, #tpu.memory_space<vmem>>
      %dma_wait3A_114 = arith.constant 0 : i32
      %dma_wait3A_115 = tpu.memref_slice %arg8[%add3A_85, %dma_wait3A_114] : memref<40x128xi32, #tpu.memory_space<vmem>> -> memref<1x128xi32, #tpu.memory_space<vmem>>
      %dma_wait3A_116 = tpu.memref_squeeze %dma_wait3A_115 : memref<1x128xi32, #tpu.memory_space<vmem>> -> memref<128xi32, #tpu.memory_space<vmem>>
      %dma_wait3A_117 = arith.constant 0 : i32
      %dma_wait3A_118 = arith.constant 0 : i32
      %dma_wait3A_119 = tpu.memref_slice %arg10[%dma_wait3A_117, %dma_wait3A_118] : memref<10240x128xf32, #tpu.memory_space<vmem_shared>> -> memref<10240x128xf32, #tpu.memory_space<vmem_shared>>
      tpu.wait_indirect_dma semaphore(%arg13 : memref<!tpu.dma_semaphore, #tpu.memory_space<semaphore_mem>>) src(%dma_wait3A_113 : memref<128x128xf32, #tpu.memory_space<vmem>>) dst(%dma_wait3A_119 : memref<10240x128xf32, #tpu.memory_space<vmem_shared>>)
      %add3A_120 = arith.constant 2 : i32
      %add3A_121 = arith.addi %add3A_85, %add3A_120 : i32
      %lt3A_122 = arith.constant 40 : i32
      %lt3A_123 = arith.cmpi slt, %add3A_121, %lt3A_122 : i32
      %convert_element_type3A_124 = arith.extui %lt3A_123 : i1 to i32
      %cond3A_125 = arith.constant 0 : i32
      %cond3A_126 = arith.cmpi ne, %convert_element_type3A_124, %cond3A_125 : i32
      scf.if %cond3A_126 {
        %add3A_127 = arith.constant 2 : i32
        %add3A_128 = arith.addi %add3A_85, %add3A_127 : i32
        %dma_start3A_129 = arith.constant 1 : i32
        %dma_start3A_130 = arith.constant 0 : i32
        %dma_start3A_131 = arith.constant 0 : i32
        %dma_start3A_132 = tpu.memref_slice %arg9[%dma_start3A_129, %dma_start3A_130, %dma_start3A_131] : memref<2x128x128xf32, #tpu.memory_space<vmem>> -> memref<1x128x128xf32, #tpu.memory_space<vmem>>
        %dma_start3A_133 = tpu.memref_squeeze %dma_start3A_132 : memref<1x128x128xf32, #tpu.memory_space<vmem>> -> memref<128x128xf32, #tpu.memory_space<vmem>>
        %dma_start3A_134 = arith.constant 0 : i32
        %dma_start3A_135 = tpu.memref_slice %arg7[%add3A_128, %dma_start3A_134] : memref<40x128xi32, #tpu.memory_space<vmem>> -> memref<1x128xi32, #tpu.memory_space<vmem>>
        %dma_start3A_136 = tpu.memref_squeeze %dma_start3A_135 : memref<1x128xi32, #tpu.memory_space<vmem>> -> memref<128xi32, #tpu.memory_space<vmem>>
        %dma_start3A_137 = arith.constant 0 : i32
        %dma_start3A_138 = arith.constant 0 : i32
        %dma_start3A_139 = tpu.memref_slice %arg2[%dma_start3A_137, %dma_start3A_138] : memref<40000x128xf32, #tpu.memory_space<hbm>> -> memref<40000x128xf32, #tpu.memory_space<hbm>>
        tpu.enqueue_indirect_dma source(%dma_start3A_139 : memref<40000x128xf32, #tpu.memory_space<hbm>>) target(%dma_start3A_133 : memref<128x128xf32, #tpu.memory_space<vmem>>) offsets(%dma_start3A_136 : memref<128xi32, #tpu.memory_space<vmem>>) semaphore(%arg12 : memref<!tpu.dma_semaphore, #tpu.memory_space<semaphore_mem>>)
      } else {
      }
    }
    %scan3A_36 = arith.constant 20 : i32
    %barrier3A_37 = arith.constant 0 : index
    tpu.barrier barrier_id(%barrier3A_37)
    %mul3A_38 = arith.constant 640 : i32
    %mul3A_39 = arith.muli %arg1, %mul3A_38 : i32
    %mul3A_40 = arith.constant 640 : i32
    %mul3A_41 = arith.muli %arg1, %mul3A_40 : i32
    "tpu.region"() ({
      %run_scoped3A = tpu.sem_alloc : memref<!tpu.dma_semaphore, #tpu.memory_space<semaphore_mem>>
      %dma_start3A_42 = arith.constant 0 : i32
      %dma_start3A_43 = tpu.memref_slice %arg6[%arg0, %mul3A_41, %dma_start3A_42] : memref<2x10240x128xf32, #tpu.memory_space<hbm>> -> memref<1x640x128xf32, #tpu.memory_space<hbm>>
      %dma_start3A_44 = tpu.memref_squeeze %dma_start3A_43 : memref<1x640x128xf32, #tpu.memory_space<hbm>> -> memref<640x128xf32, #tpu.memory_space<hbm>>
      %dma_start3A_45 = arith.constant 0 : i32
      %dma_start3A_46 = tpu.memref_slice %arg10[%mul3A_39, %dma_start3A_45] : memref<10240x128xf32, #tpu.memory_space<vmem_shared>> -> memref<640x128xf32, #tpu.memory_space<vmem_shared>>
      tpu.enqueue_dma source(%dma_start3A_46 : memref<640x128xf32, #tpu.memory_space<vmem_shared>>) target(%dma_start3A_44 : memref<640x128xf32, #tpu.memory_space<hbm>>) target_semaphore(%run_scoped3A : memref<!tpu.dma_semaphore, #tpu.memory_space<semaphore_mem>>)
      %dma_wait3A = arith.constant 0 : i32
      %dma_wait3A_47 = tpu.memref_slice %arg6[%arg0, %mul3A_41, %dma_wait3A] : memref<2x10240x128xf32, #tpu.memory_space<hbm>> -> memref<1x640x128xf32, #tpu.memory_space<hbm>>
      %dma_wait3A_48 = tpu.memref_squeeze %dma_wait3A_47 : memref<1x640x128xf32, #tpu.memory_space<hbm>> -> memref<640x128xf32, #tpu.memory_space<hbm>>
      %dma_wait3A_49 = arith.constant 0 : i32
      %dma_wait3A_50 = tpu.memref_slice %arg10[%mul3A_39, %dma_wait3A_49] : memref<10240x128xf32, #tpu.memory_space<vmem_shared>> -> memref<640x128xf32, #tpu.memory_space<vmem_shared>>
      tpu.wait_dma2 semaphore(%run_scoped3A : memref<!tpu.dma_semaphore, #tpu.memory_space<semaphore_mem>>) src(%dma_wait3A_50 : memref<640x128xf32, #tpu.memory_space<vmem_shared>>) dst(%dma_wait3A_48 : memref<640x128xf32, #tpu.memory_space<hbm>>)
      tpu.yield
    }) : () -> ()
    return
  }
}

#map = affine_map<(d0, d1) -> (0, 0)>
#map1 = affine_map<(d0, d1) -> (0, 0, 0)>
module attributes {stable_mosaic.version = 14 : i64} {
  func.func @seg(%arg0: i32, %arg1: i32, %arg2: memref<40000x128xf32, #tpu.memory_space<hbm>>, %arg3: memref<1280x128xi32, #tpu.memory_space<hbm>>, %arg4: memref<1280x128xi32, #tpu.memory_space<hbm>>, %arg5: memref<10240x128xf32, #tpu.memory_space<hbm>>, %arg6: memref<2x10240x128xf32, #tpu.memory_space<hbm>>, %arg7: memref<40x128xi32, #tpu.memory_space<vmem>>, %arg8: memref<40x128xi32, #tpu.memory_space<vmem>>, %arg9: memref<2x128x128xf32, #tpu.memory_space<vmem>>, %arg10: memref<10240x128xf32, #tpu.memory_space<vmem_shared>>, %arg11: memref<!tpu.dma_semaphore, #tpu.memory_space<semaphore_mem>>, %arg12: memref<!tpu.dma_semaphore, #tpu.memory_space<semaphore_mem>>, %arg13: memref<!tpu.dma_semaphore, #tpu.memory_space<semaphore_mem>>) attributes {dimension_semantics = [#tpu.dimension_semantics<core_parallel>, #tpu.dimension_semantics<subcore_parallel>], iteration_bounds = array<i64: 2, 16>, scalar_prefetch = 0 : i64, scratch_operands = 7 : i64, tpu.core_type = #tpu.core_type<sc_vector_subcore>, window_params = [{transform_indices = #map}, {transform_indices = #map}, {transform_indices = #map}, {transform_indices = #map}, {transform_indices = #map1}]} {
    %mul3A = arith.constant 2 : i32
    %mul3A_0 = arith.muli %arg1, %mul3A : i32
    %add3A = arith.addi %mul3A_0, %arg0 : i32
    %mul3A_1 = arith.constant 40 : i32
    %mul3A_2 = arith.muli %add3A, %mul3A_1 : i32
    "tpu.region"() ({
      %run_scoped3A = tpu.sem_alloc : memref<!tpu.dma_semaphore, #tpu.memory_space<semaphore_mem>>
      %dma_start3A_42 = arith.constant 0 : i32
      %dma_start3A_43 = tpu.memref_slice %arg3[%mul3A_2, %dma_start3A_42] : memref<1280x128xi32, #tpu.memory_space<hbm>> -> memref<40x128xi32, #tpu.memory_space<hbm>>
      %dma_start3A_44 = arith.constant 0 : i32
      %dma_start3A_45 = tpu.memref_slice %arg3[%mul3A_2, %dma_start3A_44] : memref<1280x128xi32, #tpu.memory_space<hbm>> -> memref<40x128xi32, #tpu.memory_space<hbm>>
      tpu.enqueue_dma source(%dma_start3A_45 : memref<40x128xi32, #tpu.memory_space<hbm>>) target(%arg7 : memref<40x128xi32, #tpu.memory_space<vmem>>) target_semaphore(%run_scoped3A : memref<!tpu.dma_semaphore, #tpu.memory_space<semaphore_mem>>)
      %dma_wait3A = arith.constant 0 : i32
      %dma_wait3A_46 = tpu.memref_slice %arg3[%mul3A_2, %dma_wait3A] : memref<1280x128xi32, #tpu.memory_space<hbm>> -> memref<40x128xi32, #tpu.memory_space<hbm>>
      %dma_wait3A_47 = arith.constant 0 : i32
      %dma_wait3A_48 = tpu.memref_slice %arg3[%mul3A_2, %dma_wait3A_47] : memref<1280x128xi32, #tpu.memory_space<hbm>> -> memref<40x128xi32, #tpu.memory_space<hbm>>
      tpu.wait_dma2 semaphore(%run_scoped3A : memref<!tpu.dma_semaphore, #tpu.memory_space<semaphore_mem>>) src(%dma_wait3A_48 : memref<40x128xi32, #tpu.memory_space<hbm>>) dst(%arg7 : memref<40x128xi32, #tpu.memory_space<vmem>>)
      tpu.yield
    }) : () -> ()
    %mul3A_3 = arith.constant 40 : i32
    %mul3A_4 = arith.muli %add3A, %mul3A_3 : i32
    "tpu.region"() ({
      %run_scoped3A = tpu.sem_alloc : memref<!tpu.dma_semaphore, #tpu.memory_space<semaphore_mem>>
      %dma_start3A_42 = arith.constant 0 : i32
      %dma_start3A_43 = tpu.memref_slice %arg4[%mul3A_4, %dma_start3A_42] : memref<1280x128xi32, #tpu.memory_space<hbm>> -> memref<40x128xi32, #tpu.memory_space<hbm>>
      %dma_start3A_44 = arith.constant 0 : i32
      %dma_start3A_45 = tpu.memref_slice %arg4[%mul3A_4, %dma_start3A_44] : memref<1280x128xi32, #tpu.memory_space<hbm>> -> memref<40x128xi32, #tpu.memory_space<hbm>>
      tpu.enqueue_dma source(%dma_start3A_45 : memref<40x128xi32, #tpu.memory_space<hbm>>) target(%arg8 : memref<40x128xi32, #tpu.memory_space<vmem>>) target_semaphore(%run_scoped3A : memref<!tpu.dma_semaphore, #tpu.memory_space<semaphore_mem>>)
      %dma_wait3A = arith.constant 0 : i32
      %dma_wait3A_46 = tpu.memref_slice %arg4[%mul3A_4, %dma_wait3A] : memref<1280x128xi32, #tpu.memory_space<hbm>> -> memref<40x128xi32, #tpu.memory_space<hbm>>
      %dma_wait3A_47 = arith.constant 0 : i32
      %dma_wait3A_48 = tpu.memref_slice %arg4[%mul3A_4, %dma_wait3A_47] : memref<1280x128xi32, #tpu.memory_space<hbm>> -> memref<40x128xi32, #tpu.memory_space<hbm>>
      tpu.wait_dma2 semaphore(%run_scoped3A : memref<!tpu.dma_semaphore, #tpu.memory_space<semaphore_mem>>) src(%dma_wait3A_48 : memref<40x128xi32, #tpu.memory_space<hbm>>) dst(%arg8 : memref<40x128xi32, #tpu.memory_space<vmem>>)
      tpu.yield
    }) : () -> ()
    %mul3A_5 = arith.constant 640 : i32
    %mul3A_6 = arith.muli %arg1, %mul3A_5 : i32
    %mul3A_7 = arith.constant 640 : i32
    %mul3A_8 = arith.muli %arg1, %mul3A_7 : i32
    "tpu.region"() ({
      %run_scoped3A = tpu.sem_alloc : memref<!tpu.dma_semaphore, #tpu.memory_space<semaphore_mem>>
      %dma_start3A_42 = arith.constant 0 : i32
      %dma_start3A_43 = tpu.memref_slice %arg10[%mul3A_8, %dma_start3A_42] : memref<10240x128xf32, #tpu.memory_space<vmem_shared>> -> memref<640x128xf32, #tpu.memory_space<vmem_shared>>
      %dma_start3A_44 = arith.constant 0 : i32
      %dma_start3A_45 = tpu.memref_slice %arg5[%mul3A_6, %dma_start3A_44] : memref<10240x128xf32, #tpu.memory_space<hbm>> -> memref<640x128xf32, #tpu.memory_space<hbm>>
      tpu.enqueue_dma source(%dma_start3A_45 : memref<640x128xf32, #tpu.memory_space<hbm>>) target(%dma_start3A_43 : memref<640x128xf32, #tpu.memory_space<vmem_shared>>) target_semaphore(%run_scoped3A : memref<!tpu.dma_semaphore, #tpu.memory_space<semaphore_mem>>)
      %dma_wait3A = arith.constant 0 : i32
      %dma_wait3A_46 = tpu.memref_slice %arg10[%mul3A_8, %dma_wait3A] : memref<10240x128xf32, #tpu.memory_space<vmem_shared>> -> memref<640x128xf32, #tpu.memory_space<vmem_shared>>
      %dma_wait3A_47 = arith.constant 0 : i32
      %dma_wait3A_48 = tpu.memref_slice %arg5[%mul3A_6, %dma_wait3A_47] : memref<10240x128xf32, #tpu.memory_space<hbm>> -> memref<640x128xf32, #tpu.memory_space<hbm>>
      tpu.wait_dma2 semaphore(%run_scoped3A : memref<!tpu.dma_semaphore, #tpu.memory_space<semaphore_mem>>) src(%dma_wait3A_48 : memref<640x128xf32, #tpu.memory_space<hbm>>) dst(%dma_wait3A_46 : memref<640x128xf32, #tpu.memory_space<vmem_shared>>)
      tpu.yield
    }) : () -> ()
    %barrier3A = arith.constant 0 : index
    tpu.barrier barrier_id(%barrier3A)
    %dma_start3A = arith.constant 0 : i32
    %dma_start3A_9 = arith.constant 0 : i32
    %dma_start3A_10 = arith.constant 0 : i32
    %dma_start3A_11 = arith.constant 0 : i32
    %dma_start3A_12 = tpu.memref_slice %arg9[%dma_start3A_9, %dma_start3A_10, %dma_start3A_11] : memref<2x128x128xf32, #tpu.memory_space<vmem>> -> memref<1x128x128xf32, #tpu.memory_space<vmem>>
    %dma_start3A_13 = tpu.memref_squeeze %dma_start3A_12 : memref<1x128x128xf32, #tpu.memory_space<vmem>> -> memref<128x128xf32, #tpu.memory_space<vmem>>
    %dma_start3A_14 = arith.constant 0 : i32
    %dma_start3A_15 = tpu.memref_slice %arg7[%dma_start3A, %dma_start3A_14] : memref<40x128xi32, #tpu.memory_space<vmem>> -> memref<1x128xi32, #tpu.memory_space<vmem>>
    %dma_start3A_16 = tpu.memref_squeeze %dma_start3A_15 : memref<1x128xi32, #tpu.memory_space<vmem>> -> memref<128xi32, #tpu.memory_space<vmem>>
    %dma_start3A_17 = arith.constant 0 : i32
    %dma_start3A_18 = arith.constant 0 : i32
    %dma_start3A_19 = tpu.memref_slice %arg2[%dma_start3A_17, %dma_start3A_18] : memref<40000x128xf32, #tpu.memory_space<hbm>> -> memref<40000x128xf32, #tpu.memory_space<hbm>>
    tpu.enqueue_indirect_dma source(%dma_start3A_19 : memref<40000x128xf32, #tpu.memory_space<hbm>>) target(%dma_start3A_13 : memref<128x128xf32, #tpu.memory_space<vmem>>) offsets(%dma_start3A_16 : memref<128xi32, #tpu.memory_space<vmem>>) semaphore(%arg11 : memref<!tpu.dma_semaphore, #tpu.memory_space<semaphore_mem>>)
    %dma_start3A_20 = arith.constant 1 : i32
    %dma_start3A_21 = arith.constant 1 : i32
    %dma_start3A_22 = arith.constant 0 : i32
    %dma_start3A_23 = arith.constant 0 : i32
    %dma_start3A_24 = tpu.memref_slice %arg9[%dma_start3A_21, %dma_start3A_22, %dma_start3A_23] : memref<2x128x128xf32, #tpu.memory_space<vmem>> -> memref<1x128x128xf32, #tpu.memory_space<vmem>>
    %dma_start3A_25 = tpu.memref_squeeze %dma_start3A_24 : memref<1x128x128xf32, #tpu.memory_space<vmem>> -> memref<128x128xf32, #tpu.memory_space<vmem>>
    %dma_start3A_26 = arith.constant 0 : i32
    %dma_start3A_27 = tpu.memref_slice %arg7[%dma_start3A_20, %dma_start3A_26] : memref<40x128xi32, #tpu.memory_space<vmem>> -> memref<1x128xi32, #tpu.memory_space<vmem>>
    %dma_start3A_28 = tpu.memref_squeeze %dma_start3A_27 : memref<1x128xi32, #tpu.memory_space<vmem>> -> memref<128xi32, #tpu.memory_space<vmem>>
    %dma_start3A_29 = arith.constant 0 : i32
    %dma_start3A_30 = arith.constant 0 : i32
    %dma_start3A_31 = tpu.memref_slice %arg2[%dma_start3A_29, %dma_start3A_30] : memref<40000x128xf32, #tpu.memory_space<hbm>> -> memref<40000x128xf32, #tpu.memory_space<hbm>>
    tpu.enqueue_indirect_dma source(%dma_start3A_31 : memref<40000x128xf32, #tpu.memory_space<hbm>>) target(%dma_start3A_25 : memref<128x128xf32, #tpu.memory_space<vmem>>) offsets(%dma_start3A_28 : memref<128xi32, #tpu.memory_space<vmem>>) semaphore(%arg12 : memref<!tpu.dma_semaphore, #tpu.memory_space<semaphore_mem>>)
    %scan3A = arith.constant 0 : i32
    %scan3A_32 = arith.constant 0 : i32
    %scan3A_33 = arith.constant 20 : i32
    %scan3A_34 = arith.addi %scan3A_32, %scan3A_33 : i32
    %scan3A_35 = arith.constant 1 : i32
    scf.for %scan3A_42 = %scan3A_32 to %scan3A_34 step %scan3A_35  : i32 {
      %mul3A_43 = arith.constant 2 : i32
      %mul3A_44 = arith.muli %scan3A_42, %mul3A_43 : i32
      %add3A_45 = arith.constant 0 : i32
      %add3A_46 = arith.addi %mul3A_44, %add3A_45 : i32
      %dma_wait3A = arith.constant 0 : i32
      %dma_wait3A_47 = arith.constant 0 : i32
      %dma_wait3A_48 = arith.constant 0 : i32
      %dma_wait3A_49 = arith.constant 0 : i32
      %dma_wait3A_50 = tpu.memref_slice %arg9[%dma_wait3A_47, %dma_wait3A_48, %dma_wait3A_49] : memref<2x128x128xf32, #tpu.memory_space<vmem>> -> memref<1x128x128xf32, #tpu.memory_space<vmem>>
      %dma_wait3A_51 = tpu.memref_squeeze %dma_wait3A_50 : memref<1x128x128xf32, #tpu.memory_space<vmem>> -> memref<128x128xf32, #tpu.memory_space<vmem>>
      %dma_wait3A_52 = arith.constant 0 : i32
      %dma_wait3A_53 = tpu.memref_slice %arg7[%dma_wait3A, %dma_wait3A_52] : memref<40x128xi32, #tpu.memory_space<vmem>> -> memref<1x128xi32, #tpu.memory_space<vmem>>
      %dma_wait3A_54 = tpu.memref_squeeze %dma_wait3A_53 : memref<1x128xi32, #tpu.memory_space<vmem>> -> memref<128xi32, #tpu.memory_space<vmem>>
      %dma_wait3A_55 = arith.constant 0 : i32
      %dma_wait3A_56 = arith.constant 0 : i32
      %dma_wait3A_57 = tpu.memref_slice %arg2[%dma_wait3A_55, %dma_wait3A_56] : memref<40000x128xf32, #tpu.memory_space<hbm>> -> memref<40000x128xf32, #tpu.memory_space<hbm>>
      tpu.wait_indirect_dma semaphore(%arg11 : memref<!tpu.dma_semaphore, #tpu.memory_space<semaphore_mem>>) src(%dma_wait3A_57 : memref<40000x128xf32, #tpu.memory_space<hbm>>) dst(%dma_wait3A_51 : memref<128x128xf32, #tpu.memory_space<vmem>>)
      %dma_start3A_58 = arith.constant 0 : i32
      %dma_start3A_59 = arith.constant 0 : i32
      %dma_start3A_60 = arith.constant 0 : i32
      %dma_start3A_61 = tpu.memref_slice %arg9[%dma_start3A_58, %dma_start3A_59, %dma_start3A_60] : memref<2x128x128xf32, #tpu.memory_space<vmem>> -> memref<1x128x128xf32, #tpu.memory_space<vmem>>
      %dma_start3A_62 = tpu.memref_squeeze %dma_start3A_61 : memref<1x128x128xf32, #tpu.memory_space<vmem>> -> memref<128x128xf32, #tpu.memory_space<vmem>>
      %dma_start3A_63 = arith.constant 0 : i32
      %dma_start3A_64 = tpu.memref_slice %arg8[%add3A_46, %dma_start3A_63] : memref<40x128xi32, #tpu.memory_space<vmem>> -> memref<1x128xi32, #tpu.memory_space<vmem>>
      %dma_start3A_65 = tpu.memref_squeeze %dma_start3A_64 : memref<1x128xi32, #tpu.memory_space<vmem>> -> memref<128xi32, #tpu.memory_space<vmem>>
      %dma_start3A_66 = arith.constant 0 : i32
      %dma_start3A_67 = arith.constant 0 : i32
      %dma_start3A_68 = tpu.memref_slice %arg10[%dma_start3A_66, %dma_start3A_67] : memref<10240x128xf32, #tpu.memory_space<vmem_shared>> -> memref<10240x128xf32, #tpu.memory_space<vmem_shared>>
      tpu.enqueue_indirect_dma source(%dma_start3A_62 : memref<128x128xf32, #tpu.memory_space<vmem>>) target(%dma_start3A_68 : memref<10240x128xf32, #tpu.memory_space<vmem_shared>>) offsets(%dma_start3A_65 : memref<128xi32, #tpu.memory_space<vmem>>) semaphore(%arg13 : memref<!tpu.dma_semaphore, #tpu.memory_space<semaphore_mem>>) {add = true}
      %dma_wait3A_69 = arith.constant 0 : i32
      %dma_wait3A_70 = arith.constant 0 : i32
      %dma_wait3A_71 = arith.constant 0 : i32
      %dma_wait3A_72 = tpu.memref_slice %arg9[%dma_wait3A_69, %dma_wait3A_70, %dma_wait3A_71] : memref<2x128x128xf32, #tpu.memory_space<vmem>> -> memref<1x128x128xf32, #tpu.memory_space<vmem>>
      %dma_wait3A_73 = tpu.memref_squeeze %dma_wait3A_72 : memref<1x128x128xf32, #tpu.memory_space<vmem>> -> memref<128x128xf32, #tpu.memory_space<vmem>>
      %dma_wait3A_74 = arith.constant 0 : i32
      %dma_wait3A_75 = tpu.memref_slice %arg8[%add3A_46, %dma_wait3A_74] : memref<40x128xi32, #tpu.memory_space<vmem>> -> memref<1x128xi32, #tpu.memory_space<vmem>>
      %dma_wait3A_76 = tpu.memref_squeeze %dma_wait3A_75 : memref<1x128xi32, #tpu.memory_space<vmem>> -> memref<128xi32, #tpu.memory_space<vmem>>
      %dma_wait3A_77 = arith.constant 0 : i32
      %dma_wait3A_78 = arith.constant 0 : i32
      %dma_wait3A_79 = tpu.memref_slice %arg10[%dma_wait3A_77, %dma_wait3A_78] : memref<10240x128xf32, #tpu.memory_space<vmem_shared>> -> memref<10240x128xf32, #tpu.memory_space<vmem_shared>>
      tpu.wait_indirect_dma semaphore(%arg13 : memref<!tpu.dma_semaphore, #tpu.memory_space<semaphore_mem>>) src(%dma_wait3A_73 : memref<128x128xf32, #tpu.memory_space<vmem>>) dst(%dma_wait3A_79 : memref<10240x128xf32, #tpu.memory_space<vmem_shared>>)
      %add3A_80 = arith.constant 2 : i32
      %add3A_81 = arith.addi %add3A_46, %add3A_80 : i32
      %lt3A = arith.constant 40 : i32
      %lt3A_82 = arith.cmpi slt, %add3A_81, %lt3A : i32
      %convert_element_type3A = arith.extui %lt3A_82 : i1 to i32
      %cond3A = arith.constant 0 : i32
      %cond3A_83 = arith.cmpi ne, %convert_element_type3A, %cond3A : i32
      scf.if %cond3A_83 {
        %add3A_127 = arith.constant 2 : i32
        %add3A_128 = arith.addi %add3A_46, %add3A_127 : i32
        %dma_start3A_129 = arith.constant 0 : i32
        %dma_start3A_130 = arith.constant 0 : i32
        %dma_start3A_131 = arith.constant 0 : i32
        %dma_start3A_132 = tpu.memref_slice %arg9[%dma_start3A_129, %dma_start3A_130, %dma_start3A_131] : memref<2x128x128xf32, #tpu.memory_space<vmem>> -> memref<1x128x128xf32, #tpu.memory_space<vmem>>
        %dma_start3A_133 = tpu.memref_squeeze %dma_start3A_132 : memref<1x128x128xf32, #tpu.memory_space<vmem>> -> memref<128x128xf32, #tpu.memory_space<vmem>>
        %dma_start3A_134 = arith.constant 0 : i32
        %dma_start3A_135 = tpu.memref_slice %arg7[%add3A_128, %dma_start3A_134] : memref<40x128xi32, #tpu.memory_space<vmem>> -> memref<1x128xi32, #tpu.memory_space<vmem>>
        %dma_start3A_136 = tpu.memref_squeeze %dma_start3A_135 : memref<1x128xi32, #tpu.memory_space<vmem>> -> memref<128xi32, #tpu.memory_space<vmem>>
        %dma_start3A_137 = arith.constant 0 : i32
        %dma_start3A_138 = arith.constant 0 : i32
        %dma_start3A_139 = tpu.memref_slice %arg2[%dma_start3A_137, %dma_start3A_138] : memref<40000x128xf32, #tpu.memory_space<hbm>> -> memref<40000x128xf32, #tpu.memory_space<hbm>>
        tpu.enqueue_indirect_dma source(%dma_start3A_139 : memref<40000x128xf32, #tpu.memory_space<hbm>>) target(%dma_start3A_133 : memref<128x128xf32, #tpu.memory_space<vmem>>) offsets(%dma_start3A_136 : memref<128xi32, #tpu.memory_space<vmem>>) semaphore(%arg11 : memref<!tpu.dma_semaphore, #tpu.memory_space<semaphore_mem>>)
      } else {
      }
      %add3A_84 = arith.constant 1 : i32
      %add3A_85 = arith.addi %mul3A_44, %add3A_84 : i32
      %dma_wait3A_86 = arith.constant 1 : i32
      %dma_wait3A_87 = arith.constant 1 : i32
      %dma_wait3A_88 = arith.constant 0 : i32
      %dma_wait3A_89 = arith.constant 0 : i32
      %dma_wait3A_90 = tpu.memref_slice %arg9[%dma_wait3A_87, %dma_wait3A_88, %dma_wait3A_89] : memref<2x128x128xf32, #tpu.memory_space<vmem>> -> memref<1x128x128xf32, #tpu.memory_space<vmem>>
      %dma_wait3A_91 = tpu.memref_squeeze %dma_wait3A_90 : memref<1x128x128xf32, #tpu.memory_space<vmem>> -> memref<128x128xf32, #tpu.memory_space<vmem>>
      %dma_wait3A_92 = arith.constant 0 : i32
      %dma_wait3A_93 = tpu.memref_slice %arg7[%dma_wait3A_86, %dma_wait3A_92] : memref<40x128xi32, #tpu.memory_space<vmem>> -> memref<1x128xi32, #tpu.memory_space<vmem>>
      %dma_wait3A_94 = tpu.memref_squeeze %dma_wait3A_93 : memref<1x128xi32, #tpu.memory_space<vmem>> -> memref<128xi32, #tpu.memory_space<vmem>>
      %dma_wait3A_95 = arith.constant 0 : i32
      %dma_wait3A_96 = arith.constant 0 : i32
      %dma_wait3A_97 = tpu.memref_slice %arg2[%dma_wait3A_95, %dma_wait3A_96] : memref<40000x128xf32, #tpu.memory_space<hbm>> -> memref<40000x128xf32, #tpu.memory_space<hbm>>
      tpu.wait_indirect_dma semaphore(%arg12 : memref<!tpu.dma_semaphore, #tpu.memory_space<semaphore_mem>>) src(%dma_wait3A_97 : memref<40000x128xf32, #tpu.memory_space<hbm>>) dst(%dma_wait3A_91 : memref<128x128xf32, #tpu.memory_space<vmem>>)
      %dma_start3A_98 = arith.constant 1 : i32
      %dma_start3A_99 = arith.constant 0 : i32
      %dma_start3A_100 = arith.constant 0 : i32
      %dma_start3A_101 = tpu.memref_slice %arg9[%dma_start3A_98, %dma_start3A_99, %dma_start3A_100] : memref<2x128x128xf32, #tpu.memory_space<vmem>> -> memref<1x128x128xf32, #tpu.memory_space<vmem>>
      %dma_start3A_102 = tpu.memref_squeeze %dma_start3A_101 : memref<1x128x128xf32, #tpu.memory_space<vmem>> -> memref<128x128xf32, #tpu.memory_space<vmem>>
      %dma_start3A_103 = arith.constant 0 : i32
      %dma_start3A_104 = tpu.memref_slice %arg8[%add3A_85, %dma_start3A_103] : memref<40x128xi32, #tpu.memory_space<vmem>> -> memref<1x128xi32, #tpu.memory_space<vmem>>
      %dma_start3A_105 = tpu.memref_squeeze %dma_start3A_104 : memref<1x128xi32, #tpu.memory_space<vmem>> -> memref<128xi32, #tpu.memory_space<vmem>>
      %dma_start3A_106 = arith.constant 0 : i32
      %dma_start3A_107 = arith.constant 0 : i32
      %dma_start3A_108 = tpu.memref_slice %arg10[%dma_start3A_106, %dma_start3A_107] : memref<10240x128xf32, #tpu.memory_space<vmem_shared>> -> memref<10240x128xf32, #tpu.memory_space<vmem_shared>>
      tpu.enqueue_indirect_dma source(%dma_start3A_102 : memref<128x128xf32, #tpu.memory_space<vmem>>) target(%dma_start3A_108 : memref<10240x128xf32, #tpu.memory_space<vmem_shared>>) offsets(%dma_start3A_105 : memref<128xi32, #tpu.memory_space<vmem>>) semaphore(%arg13 : memref<!tpu.dma_semaphore, #tpu.memory_space<semaphore_mem>>) {add = true}
      %dma_wait3A_109 = arith.constant 1 : i32
      %dma_wait3A_110 = arith.constant 0 : i32
      %dma_wait3A_111 = arith.constant 0 : i32
      %dma_wait3A_112 = tpu.memref_slice %arg9[%dma_wait3A_109, %dma_wait3A_110, %dma_wait3A_111] : memref<2x128x128xf32, #tpu.memory_space<vmem>> -> memref<1x128x128xf32, #tpu.memory_space<vmem>>
      %dma_wait3A_113 = tpu.memref_squeeze %dma_wait3A_112 : memref<1x128x128xf32, #tpu.memory_space<vmem>> -> memref<128x128xf32, #tpu.memory_space<vmem>>
      %dma_wait3A_114 = arith.constant 0 : i32
      %dma_wait3A_115 = tpu.memref_slice %arg8[%add3A_85, %dma_wait3A_114] : memref<40x128xi32, #tpu.memory_space<vmem>> -> memref<1x128xi32, #tpu.memory_space<vmem>>
      %dma_wait3A_116 = tpu.memref_squeeze %dma_wait3A_115 : memref<1x128xi32, #tpu.memory_space<vmem>> -> memref<128xi32, #tpu.memory_space<vmem>>
      %dma_wait3A_117 = arith.constant 0 : i32
      %dma_wait3A_118 = arith.constant 0 : i32
      %dma_wait3A_119 = tpu.memref_slice %arg10[%dma_wait3A_117, %dma_wait3A_118] : memref<10240x128xf32, #tpu.memory_space<vmem_shared>> -> memref<10240x128xf32, #tpu.memory_space<vmem_shared>>
      tpu.wait_indirect_dma semaphore(%arg13 : memref<!tpu.dma_semaphore, #tpu.memory_space<semaphore_mem>>) src(%dma_wait3A_113 : memref<128x128xf32, #tpu.memory_space<vmem>>) dst(%dma_wait3A_119 : memref<10240x128xf32, #tpu.memory_space<vmem_shared>>)
      %add3A_120 = arith.constant 2 : i32
      %add3A_121 = arith.addi %add3A_85, %add3A_120 : i32
      %lt3A_122 = arith.constant 40 : i32
      %lt3A_123 = arith.cmpi slt, %add3A_121, %lt3A_122 : i32
      %convert_element_type3A_124 = arith.extui %lt3A_123 : i1 to i32
      %cond3A_125 = arith.constant 0 : i32
      %cond3A_126 = arith.cmpi ne, %convert_element_type3A_124, %cond3A_125 : i32
      scf.if %cond3A_126 {
        %add3A_127 = arith.constant 2 : i32
        %add3A_128 = arith.addi %add3A_85, %add3A_127 : i32
        %dma_start3A_129 = arith.constant 1 : i32
        %dma_start3A_130 = arith.constant 0 : i32
        %dma_start3A_131 = arith.constant 0 : i32
        %dma_start3A_132 = tpu.memref_slice %arg9[%dma_start3A_129, %dma_start3A_130, %dma_start3A_131] : memref<2x128x128xf32, #tpu.memory_space<vmem>> -> memref<1x128x128xf32, #tpu.memory_space<vmem>>
        %dma_start3A_133 = tpu.memref_squeeze %dma_start3A_132 : memref<1x128x128xf32, #tpu.memory_space<vmem>> -> memref<128x128xf32, #tpu.memory_space<vmem>>
        %dma_start3A_134 = arith.constant 0 : i32
        %dma_start3A_135 = tpu.memref_slice %arg7[%add3A_128, %dma_start3A_134] : memref<40x128xi32, #tpu.memory_space<vmem>> -> memref<1x128xi32, #tpu.memory_space<vmem>>
        %dma_start3A_136 = tpu.memref_squeeze %dma_start3A_135 : memref<1x128xi32, #tpu.memory_space<vmem>> -> memref<128xi32, #tpu.memory_space<vmem>>
        %dma_start3A_137 = arith.constant 0 : i32
        %dma_start3A_138 = arith.constant 0 : i32
        %dma_start3A_139 = tpu.memref_slice %arg2[%dma_start3A_137, %dma_start3A_138] : memref<40000x128xf32, #tpu.memory_space<hbm>> -> memref<40000x128xf32, #tpu.memory_space<hbm>>
        tpu.enqueue_indirect_dma source(%dma_start3A_139 : memref<40000x128xf32, #tpu.memory_space<hbm>>) target(%dma_start3A_133 : memref<128x128xf32, #tpu.memory_space<vmem>>) offsets(%dma_start3A_136 : memref<128xi32, #tpu.memory_space<vmem>>) semaphore(%arg12 : memref<!tpu.dma_semaphore, #tpu.memory_space<semaphore_mem>>)
      } else {
      }
    }
    %scan3A_36 = arith.constant 20 : i32
    %barrier3A_37 = arith.constant 0 : index
    tpu.barrier barrier_id(%barrier3A_37)
    %mul3A_38 = arith.constant 640 : i32
    %mul3A_39 = arith.muli %arg1, %mul3A_38 : i32
    %mul3A_40 = arith.constant 640 : i32
    %mul3A_41 = arith.muli %arg1, %mul3A_40 : i32
    "tpu.region"() ({
      %run_scoped3A = tpu.sem_alloc : memref<!tpu.dma_semaphore, #tpu.memory_space<semaphore_mem>>
      %dma_start3A_42 = arith.constant 0 : i32
      %dma_start3A_43 = tpu.memref_slice %arg6[%arg0, %mul3A_41, %dma_start3A_42] : memref<2x10240x128xf32, #tpu.memory_space<hbm>> -> memref<1x640x128xf32, #tpu.memory_space<hbm>>
      %dma_start3A_44 = tpu.memref_squeeze %dma_start3A_43 : memref<1x640x128xf32, #tpu.memory_space<hbm>> -> memref<640x128xf32, #tpu.memory_space<hbm>>
      %dma_start3A_45 = arith.constant 0 : i32
      %dma_start3A_46 = tpu.memref_slice %arg10[%mul3A_39, %dma_start3A_45] : memref<10240x128xf32, #tpu.memory_space<vmem_shared>> -> memref<640x128xf32, #tpu.memory_space<vmem_shared>>
      tpu.enqueue_dma source(%dma_start3A_46 : memref<640x128xf32, #tpu.memory_space<vmem_shared>>) target(%dma_start3A_44 : memref<640x128xf32, #tpu.memory_space<hbm>>) target_semaphore(%run_scoped3A : memref<!tpu.dma_semaphore, #tpu.memory_space<semaphore_mem>>)
      %dma_wait3A = arith.constant 0 : i32
      %dma_wait3A_47 = tpu.memref_slice %arg6[%arg0, %mul3A_41, %dma_wait3A] : memref<2x10240x128xf32, #tpu.memory_space<hbm>> -> memref<1x640x128xf32, #tpu.memory_space<hbm>>
      %dma_wait3A_48 = tpu.memref_squeeze %dma_wait3A_47 : memref<1x640x128xf32, #tpu.memory_space<hbm>> -> memref<640x128xf32, #tpu.memory_space<hbm>>
      %dma_wait3A_49 = arith.constant 0 : i32
      %dma_wait3A_50 = tpu.memref_slice %arg10[%mul3A_39, %dma_wait3A_49] : memref<10240x128xf32, #tpu.memory_space<vmem_shared>> -> memref<640x128xf32, #tpu.memory_space<vmem_shared>>
      tpu.wait_dma2 semaphore(%run_scoped3A : memref<!tpu.dma_semaphore, #tpu.memory_space<semaphore_mem>>) src(%dma_wait3A_50 : memref<640x128xf32, #tpu.memory_space<vmem_shared>>) dst(%dma_wait3A_48 : memref<640x128xf32, #tpu.memory_space<hbm>>)
      tpu.yield
    }) : () -> ()
    return
  }
}

#map = affine_map<(d0, d1) -> (0, 0)>
#map1 = affine_map<(d0, d1) -> (0, 0, 0)>
module attributes {stable_mosaic.version = 14 : i64} {
  func.func @seg(%arg0: i32, %arg1: i32, %arg2: memref<40000x128xf32, #tpu.memory_space<hbm>>, %arg3: memref<1280x128xi32, #tpu.memory_space<hbm>>, %arg4: memref<1280x128xi32, #tpu.memory_space<hbm>>, %arg5: memref<10240x128xf32, #tpu.memory_space<hbm>>, %arg6: memref<2x10240x128xf32, #tpu.memory_space<hbm>>, %arg7: memref<40x128xi32, #tpu.memory_space<vmem>>, %arg8: memref<40x128xi32, #tpu.memory_space<vmem>>, %arg9: memref<2x128x128xf32, #tpu.memory_space<vmem>>, %arg10: memref<10240x128xf32, #tpu.memory_space<vmem_shared>>, %arg11: memref<!tpu.dma_semaphore, #tpu.memory_space<semaphore_mem>>, %arg12: memref<!tpu.dma_semaphore, #tpu.memory_space<semaphore_mem>>, %arg13: memref<!tpu.dma_semaphore, #tpu.memory_space<semaphore_mem>>) attributes {dimension_semantics = [#tpu.dimension_semantics<core_parallel>, #tpu.dimension_semantics<subcore_parallel>], iteration_bounds = array<i64: 2, 16>, scalar_prefetch = 0 : i64, scratch_operands = 7 : i64, tpu.core_type = #tpu.core_type<sc_vector_subcore>, window_params = [{transform_indices = #map}, {transform_indices = #map}, {transform_indices = #map}, {transform_indices = #map}, {transform_indices = #map1}]} {
    %mul3A = arith.constant 2 : i32
    %mul3A_0 = arith.muli %arg1, %mul3A : i32
    %add3A = arith.addi %mul3A_0, %arg0 : i32
    %mul3A_1 = arith.constant 40 : i32
    %mul3A_2 = arith.muli %add3A, %mul3A_1 : i32
    "tpu.region"() ({
      %run_scoped3A = tpu.sem_alloc : memref<!tpu.dma_semaphore, #tpu.memory_space<semaphore_mem>>
      %dma_start3A_42 = arith.constant 0 : i32
      %dma_start3A_43 = tpu.memref_slice %arg3[%mul3A_2, %dma_start3A_42] : memref<1280x128xi32, #tpu.memory_space<hbm>> -> memref<40x128xi32, #tpu.memory_space<hbm>>
      %dma_start3A_44 = arith.constant 0 : i32
      %dma_start3A_45 = tpu.memref_slice %arg3[%mul3A_2, %dma_start3A_44] : memref<1280x128xi32, #tpu.memory_space<hbm>> -> memref<40x128xi32, #tpu.memory_space<hbm>>
      tpu.enqueue_dma source(%dma_start3A_45 : memref<40x128xi32, #tpu.memory_space<hbm>>) target(%arg7 : memref<40x128xi32, #tpu.memory_space<vmem>>) target_semaphore(%run_scoped3A : memref<!tpu.dma_semaphore, #tpu.memory_space<semaphore_mem>>)
      %dma_wait3A = arith.constant 0 : i32
      %dma_wait3A_46 = tpu.memref_slice %arg3[%mul3A_2, %dma_wait3A] : memref<1280x128xi32, #tpu.memory_space<hbm>> -> memref<40x128xi32, #tpu.memory_space<hbm>>
      %dma_wait3A_47 = arith.constant 0 : i32
      %dma_wait3A_48 = tpu.memref_slice %arg3[%mul3A_2, %dma_wait3A_47] : memref<1280x128xi32, #tpu.memory_space<hbm>> -> memref<40x128xi32, #tpu.memory_space<hbm>>
      tpu.wait_dma2 semaphore(%run_scoped3A : memref<!tpu.dma_semaphore, #tpu.memory_space<semaphore_mem>>) src(%dma_wait3A_48 : memref<40x128xi32, #tpu.memory_space<hbm>>) dst(%arg7 : memref<40x128xi32, #tpu.memory_space<vmem>>)
      tpu.yield
    }) : () -> ()
    %mul3A_3 = arith.constant 40 : i32
    %mul3A_4 = arith.muli %add3A, %mul3A_3 : i32
    "tpu.region"() ({
      %run_scoped3A = tpu.sem_alloc : memref<!tpu.dma_semaphore, #tpu.memory_space<semaphore_mem>>
      %dma_start3A_42 = arith.constant 0 : i32
      %dma_start3A_43 = tpu.memref_slice %arg4[%mul3A_4, %dma_start3A_42] : memref<1280x128xi32, #tpu.memory_space<hbm>> -> memref<40x128xi32, #tpu.memory_space<hbm>>
      %dma_start3A_44 = arith.constant 0 : i32
      %dma_start3A_45 = tpu.memref_slice %arg4[%mul3A_4, %dma_start3A_44] : memref<1280x128xi32, #tpu.memory_space<hbm>> -> memref<40x128xi32, #tpu.memory_space<hbm>>
      tpu.enqueue_dma source(%dma_start3A_45 : memref<40x128xi32, #tpu.memory_space<hbm>>) target(%arg8 : memref<40x128xi32, #tpu.memory_space<vmem>>) target_semaphore(%run_scoped3A : memref<!tpu.dma_semaphore, #tpu.memory_space<semaphore_mem>>)
      %dma_wait3A = arith.constant 0 : i32
      %dma_wait3A_46 = tpu.memref_slice %arg4[%mul3A_4, %dma_wait3A] : memref<1280x128xi32, #tpu.memory_space<hbm>> -> memref<40x128xi32, #tpu.memory_space<hbm>>
      %dma_wait3A_47 = arith.constant 0 : i32
      %dma_wait3A_48 = tpu.memref_slice %arg4[%mul3A_4, %dma_wait3A_47] : memref<1280x128xi32, #tpu.memory_space<hbm>> -> memref<40x128xi32, #tpu.memory_space<hbm>>
      tpu.wait_dma2 semaphore(%run_scoped3A : memref<!tpu.dma_semaphore, #tpu.memory_space<semaphore_mem>>) src(%dma_wait3A_48 : memref<40x128xi32, #tpu.memory_space<hbm>>) dst(%arg8 : memref<40x128xi32, #tpu.memory_space<vmem>>)
      tpu.yield
    }) : () -> ()
    %mul3A_5 = arith.constant 640 : i32
    %mul3A_6 = arith.muli %arg1, %mul3A_5 : i32
    %mul3A_7 = arith.constant 640 : i32
    %mul3A_8 = arith.muli %arg1, %mul3A_7 : i32
    "tpu.region"() ({
      %run_scoped3A = tpu.sem_alloc : memref<!tpu.dma_semaphore, #tpu.memory_space<semaphore_mem>>
      %dma_start3A_42 = arith.constant 0 : i32
      %dma_start3A_43 = tpu.memref_slice %arg10[%mul3A_8, %dma_start3A_42] : memref<10240x128xf32, #tpu.memory_space<vmem_shared>> -> memref<640x128xf32, #tpu.memory_space<vmem_shared>>
      %dma_start3A_44 = arith.constant 0 : i32
      %dma_start3A_45 = tpu.memref_slice %arg5[%mul3A_6, %dma_start3A_44] : memref<10240x128xf32, #tpu.memory_space<hbm>> -> memref<640x128xf32, #tpu.memory_space<hbm>>
      tpu.enqueue_dma source(%dma_start3A_45 : memref<640x128xf32, #tpu.memory_space<hbm>>) target(%dma_start3A_43 : memref<640x128xf32, #tpu.memory_space<vmem_shared>>) target_semaphore(%run_scoped3A : memref<!tpu.dma_semaphore, #tpu.memory_space<semaphore_mem>>)
      %dma_wait3A = arith.constant 0 : i32
      %dma_wait3A_46 = tpu.memref_slice %arg10[%mul3A_8, %dma_wait3A] : memref<10240x128xf32, #tpu.memory_space<vmem_shared>> -> memref<640x128xf32, #tpu.memory_space<vmem_shared>>
      %dma_wait3A_47 = arith.constant 0 : i32
      %dma_wait3A_48 = tpu.memref_slice %arg5[%mul3A_6, %dma_wait3A_47] : memref<10240x128xf32, #tpu.memory_space<hbm>> -> memref<640x128xf32, #tpu.memory_space<hbm>>
      tpu.wait_dma2 semaphore(%run_scoped3A : memref<!tpu.dma_semaphore, #tpu.memory_space<semaphore_mem>>) src(%dma_wait3A_48 : memref<640x128xf32, #tpu.memory_space<hbm>>) dst(%dma_wait3A_46 : memref<640x128xf32, #tpu.memory_space<vmem_shared>>)
      tpu.yield
    }) : () -> ()
    %barrier3A = arith.constant 0 : index
    tpu.barrier barrier_id(%barrier3A)
    %dma_start3A = arith.constant 0 : i32
    %dma_start3A_9 = arith.constant 0 : i32
    %dma_start3A_10 = arith.constant 0 : i32
    %dma_start3A_11 = arith.constant 0 : i32
    %dma_start3A_12 = tpu.memref_slice %arg9[%dma_start3A_9, %dma_start3A_10, %dma_start3A_11] : memref<2x128x128xf32, #tpu.memory_space<vmem>> -> memref<1x128x128xf32, #tpu.memory_space<vmem>>
    %dma_start3A_13 = tpu.memref_squeeze %dma_start3A_12 : memref<1x128x128xf32, #tpu.memory_space<vmem>> -> memref<128x128xf32, #tpu.memory_space<vmem>>
    %dma_start3A_14 = arith.constant 0 : i32
    %dma_start3A_15 = tpu.memref_slice %arg7[%dma_start3A, %dma_start3A_14] : memref<40x128xi32, #tpu.memory_space<vmem>> -> memref<1x128xi32, #tpu.memory_space<vmem>>
    %dma_start3A_16 = tpu.memref_squeeze %dma_start3A_15 : memref<1x128xi32, #tpu.memory_space<vmem>> -> memref<128xi32, #tpu.memory_space<vmem>>
    %dma_start3A_17 = arith.constant 0 : i32
    %dma_start3A_18 = arith.constant 0 : i32
    %dma_start3A_19 = tpu.memref_slice %arg2[%dma_start3A_17, %dma_start3A_18] : memref<40000x128xf32, #tpu.memory_space<hbm>> -> memref<40000x128xf32, #tpu.memory_space<hbm>>
    tpu.enqueue_indirect_dma source(%dma_start3A_19 : memref<40000x128xf32, #tpu.memory_space<hbm>>) target(%dma_start3A_13 : memref<128x128xf32, #tpu.memory_space<vmem>>) offsets(%dma_start3A_16 : memref<128xi32, #tpu.memory_space<vmem>>) semaphore(%arg11 : memref<!tpu.dma_semaphore, #tpu.memory_space<semaphore_mem>>)
    %dma_start3A_20 = arith.constant 1 : i32
    %dma_start3A_21 = arith.constant 1 : i32
    %dma_start3A_22 = arith.constant 0 : i32
    %dma_start3A_23 = arith.constant 0 : i32
    %dma_start3A_24 = tpu.memref_slice %arg9[%dma_start3A_21, %dma_start3A_22, %dma_start3A_23] : memref<2x128x128xf32, #tpu.memory_space<vmem>> -> memref<1x128x128xf32, #tpu.memory_space<vmem>>
    %dma_start3A_25 = tpu.memref_squeeze %dma_start3A_24 : memref<1x128x128xf32, #tpu.memory_space<vmem>> -> memref<128x128xf32, #tpu.memory_space<vmem>>
    %dma_start3A_26 = arith.constant 0 : i32
    %dma_start3A_27 = tpu.memref_slice %arg7[%dma_start3A_20, %dma_start3A_26] : memref<40x128xi32, #tpu.memory_space<vmem>> -> memref<1x128xi32, #tpu.memory_space<vmem>>
    %dma_start3A_28 = tpu.memref_squeeze %dma_start3A_27 : memref<1x128xi32, #tpu.memory_space<vmem>> -> memref<128xi32, #tpu.memory_space<vmem>>
    %dma_start3A_29 = arith.constant 0 : i32
    %dma_start3A_30 = arith.constant 0 : i32
    %dma_start3A_31 = tpu.memref_slice %arg2[%dma_start3A_29, %dma_start3A_30] : memref<40000x128xf32, #tpu.memory_space<hbm>> -> memref<40000x128xf32, #tpu.memory_space<hbm>>
    tpu.enqueue_indirect_dma source(%dma_start3A_31 : memref<40000x128xf32, #tpu.memory_space<hbm>>) target(%dma_start3A_25 : memref<128x128xf32, #tpu.memory_space<vmem>>) offsets(%dma_start3A_28 : memref<128xi32, #tpu.memory_space<vmem>>) semaphore(%arg12 : memref<!tpu.dma_semaphore, #tpu.memory_space<semaphore_mem>>)
    %scan3A = arith.constant 0 : i32
    %scan3A_32 = arith.constant 0 : i32
    %scan3A_33 = arith.constant 20 : i32
    %scan3A_34 = arith.addi %scan3A_32, %scan3A_33 : i32
    %scan3A_35 = arith.constant 1 : i32
    scf.for %scan3A_42 = %scan3A_32 to %scan3A_34 step %scan3A_35  : i32 {
      %mul3A_43 = arith.constant 2 : i32
      %mul3A_44 = arith.muli %scan3A_42, %mul3A_43 : i32
      %add3A_45 = arith.constant 0 : i32
      %add3A_46 = arith.addi %mul3A_44, %add3A_45 : i32
      %dma_wait3A = arith.constant 0 : i32
      %dma_wait3A_47 = arith.constant 0 : i32
      %dma_wait3A_48 = arith.constant 0 : i32
      %dma_wait3A_49 = arith.constant 0 : i32
      %dma_wait3A_50 = tpu.memref_slice %arg9[%dma_wait3A_47, %dma_wait3A_48, %dma_wait3A_49] : memref<2x128x128xf32, #tpu.memory_space<vmem>> -> memref<1x128x128xf32, #tpu.memory_space<vmem>>
      %dma_wait3A_51 = tpu.memref_squeeze %dma_wait3A_50 : memref<1x128x128xf32, #tpu.memory_space<vmem>> -> memref<128x128xf32, #tpu.memory_space<vmem>>
      %dma_wait3A_52 = arith.constant 0 : i32
      %dma_wait3A_53 = tpu.memref_slice %arg7[%dma_wait3A, %dma_wait3A_52] : memref<40x128xi32, #tpu.memory_space<vmem>> -> memref<1x128xi32, #tpu.memory_space<vmem>>
      %dma_wait3A_54 = tpu.memref_squeeze %dma_wait3A_53 : memref<1x128xi32, #tpu.memory_space<vmem>> -> memref<128xi32, #tpu.memory_space<vmem>>
      %dma_wait3A_55 = arith.constant 0 : i32
      %dma_wait3A_56 = arith.constant 0 : i32
      %dma_wait3A_57 = tpu.memref_slice %arg2[%dma_wait3A_55, %dma_wait3A_56] : memref<40000x128xf32, #tpu.memory_space<hbm>> -> memref<40000x128xf32, #tpu.memory_space<hbm>>
      tpu.wait_indirect_dma semaphore(%arg11 : memref<!tpu.dma_semaphore, #tpu.memory_space<semaphore_mem>>) src(%dma_wait3A_57 : memref<40000x128xf32, #tpu.memory_space<hbm>>) dst(%dma_wait3A_51 : memref<128x128xf32, #tpu.memory_space<vmem>>)
      %dma_start3A_58 = arith.constant 0 : i32
      %dma_start3A_59 = arith.constant 0 : i32
      %dma_start3A_60 = arith.constant 0 : i32
      %dma_start3A_61 = tpu.memref_slice %arg9[%dma_start3A_58, %dma_start3A_59, %dma_start3A_60] : memref<2x128x128xf32, #tpu.memory_space<vmem>> -> memref<1x128x128xf32, #tpu.memory_space<vmem>>
      %dma_start3A_62 = tpu.memref_squeeze %dma_start3A_61 : memref<1x128x128xf32, #tpu.memory_space<vmem>> -> memref<128x128xf32, #tpu.memory_space<vmem>>
      %dma_start3A_63 = arith.constant 0 : i32
      %dma_start3A_64 = tpu.memref_slice %arg8[%add3A_46, %dma_start3A_63] : memref<40x128xi32, #tpu.memory_space<vmem>> -> memref<1x128xi32, #tpu.memory_space<vmem>>
      %dma_start3A_65 = tpu.memref_squeeze %dma_start3A_64 : memref<1x128xi32, #tpu.memory_space<vmem>> -> memref<128xi32, #tpu.memory_space<vmem>>
      %dma_start3A_66 = arith.constant 0 : i32
      %dma_start3A_67 = arith.constant 0 : i32
      %dma_start3A_68 = tpu.memref_slice %arg10[%dma_start3A_66, %dma_start3A_67] : memref<10240x128xf32, #tpu.memory_space<vmem_shared>> -> memref<10240x128xf32, #tpu.memory_space<vmem_shared>>
      tpu.enqueue_indirect_dma source(%dma_start3A_62 : memref<128x128xf32, #tpu.memory_space<vmem>>) target(%dma_start3A_68 : memref<10240x128xf32, #tpu.memory_space<vmem_shared>>) offsets(%dma_start3A_65 : memref<128xi32, #tpu.memory_space<vmem>>) semaphore(%arg13 : memref<!tpu.dma_semaphore, #tpu.memory_space<semaphore_mem>>) {add = true}
      %dma_wait3A_69 = arith.constant 0 : i32
      %dma_wait3A_70 = arith.constant 0 : i32
      %dma_wait3A_71 = arith.constant 0 : i32
      %dma_wait3A_72 = tpu.memref_slice %arg9[%dma_wait3A_69, %dma_wait3A_70, %dma_wait3A_71] : memref<2x128x128xf32, #tpu.memory_space<vmem>> -> memref<1x128x128xf32, #tpu.memory_space<vmem>>
      %dma_wait3A_73 = tpu.memref_squeeze %dma_wait3A_72 : memref<1x128x128xf32, #tpu.memory_space<vmem>> -> memref<128x128xf32, #tpu.memory_space<vmem>>
      %dma_wait3A_74 = arith.constant 0 : i32
      %dma_wait3A_75 = tpu.memref_slice %arg8[%add3A_46, %dma_wait3A_74] : memref<40x128xi32, #tpu.memory_space<vmem>> -> memref<1x128xi32, #tpu.memory_space<vmem>>
      %dma_wait3A_76 = tpu.memref_squeeze %dma_wait3A_75 : memref<1x128xi32, #tpu.memory_space<vmem>> -> memref<128xi32, #tpu.memory_space<vmem>>
      %dma_wait3A_77 = arith.constant 0 : i32
      %dma_wait3A_78 = arith.constant 0 : i32
      %dma_wait3A_79 = tpu.memref_slice %arg10[%dma_wait3A_77, %dma_wait3A_78] : memref<10240x128xf32, #tpu.memory_space<vmem_shared>> -> memref<10240x128xf32, #tpu.memory_space<vmem_shared>>
      tpu.wait_indirect_dma semaphore(%arg13 : memref<!tpu.dma_semaphore, #tpu.memory_space<semaphore_mem>>) src(%dma_wait3A_73 : memref<128x128xf32, #tpu.memory_space<vmem>>) dst(%dma_wait3A_79 : memref<10240x128xf32, #tpu.memory_space<vmem_shared>>)
      %add3A_80 = arith.constant 2 : i32
      %add3A_81 = arith.addi %add3A_46, %add3A_80 : i32
      %lt3A = arith.constant 40 : i32
      %lt3A_82 = arith.cmpi slt, %add3A_81, %lt3A : i32
      %convert_element_type3A = arith.extui %lt3A_82 : i1 to i32
      %cond3A = arith.constant 0 : i32
      %cond3A_83 = arith.cmpi ne, %convert_element_type3A, %cond3A : i32
      scf.if %cond3A_83 {
        %add3A_127 = arith.constant 2 : i32
        %add3A_128 = arith.addi %add3A_46, %add3A_127 : i32
        %dma_start3A_129 = arith.constant 0 : i32
        %dma_start3A_130 = arith.constant 0 : i32
        %dma_start3A_131 = arith.constant 0 : i32
        %dma_start3A_132 = tpu.memref_slice %arg9[%dma_start3A_129, %dma_start3A_130, %dma_start3A_131] : memref<2x128x128xf32, #tpu.memory_space<vmem>> -> memref<1x128x128xf32, #tpu.memory_space<vmem>>
        %dma_start3A_133 = tpu.memref_squeeze %dma_start3A_132 : memref<1x128x128xf32, #tpu.memory_space<vmem>> -> memref<128x128xf32, #tpu.memory_space<vmem>>
        %dma_start3A_134 = arith.constant 0 : i32
        %dma_start3A_135 = tpu.memref_slice %arg7[%add3A_128, %dma_start3A_134] : memref<40x128xi32, #tpu.memory_space<vmem>> -> memref<1x128xi32, #tpu.memory_space<vmem>>
        %dma_start3A_136 = tpu.memref_squeeze %dma_start3A_135 : memref<1x128xi32, #tpu.memory_space<vmem>> -> memref<128xi32, #tpu.memory_space<vmem>>
        %dma_start3A_137 = arith.constant 0 : i32
        %dma_start3A_138 = arith.constant 0 : i32
        %dma_start3A_139 = tpu.memref_slice %arg2[%dma_start3A_137, %dma_start3A_138] : memref<40000x128xf32, #tpu.memory_space<hbm>> -> memref<40000x128xf32, #tpu.memory_space<hbm>>
        tpu.enqueue_indirect_dma source(%dma_start3A_139 : memref<40000x128xf32, #tpu.memory_space<hbm>>) target(%dma_start3A_133 : memref<128x128xf32, #tpu.memory_space<vmem>>) offsets(%dma_start3A_136 : memref<128xi32, #tpu.memory_space<vmem>>) semaphore(%arg11 : memref<!tpu.dma_semaphore, #tpu.memory_space<semaphore_mem>>)
      } else {
      }
      %add3A_84 = arith.constant 1 : i32
      %add3A_85 = arith.addi %mul3A_44, %add3A_84 : i32
      %dma_wait3A_86 = arith.constant 1 : i32
      %dma_wait3A_87 = arith.constant 1 : i32
      %dma_wait3A_88 = arith.constant 0 : i32
      %dma_wait3A_89 = arith.constant 0 : i32
      %dma_wait3A_90 = tpu.memref_slice %arg9[%dma_wait3A_87, %dma_wait3A_88, %dma_wait3A_89] : memref<2x128x128xf32, #tpu.memory_space<vmem>> -> memref<1x128x128xf32, #tpu.memory_space<vmem>>
      %dma_wait3A_91 = tpu.memref_squeeze %dma_wait3A_90 : memref<1x128x128xf32, #tpu.memory_space<vmem>> -> memref<128x128xf32, #tpu.memory_space<vmem>>
      %dma_wait3A_92 = arith.constant 0 : i32
      %dma_wait3A_93 = tpu.memref_slice %arg7[%dma_wait3A_86, %dma_wait3A_92] : memref<40x128xi32, #tpu.memory_space<vmem>> -> memref<1x128xi32, #tpu.memory_space<vmem>>
      %dma_wait3A_94 = tpu.memref_squeeze %dma_wait3A_93 : memref<1x128xi32, #tpu.memory_space<vmem>> -> memref<128xi32, #tpu.memory_space<vmem>>
      %dma_wait3A_95 = arith.constant 0 : i32
      %dma_wait3A_96 = arith.constant 0 : i32
      %dma_wait3A_97 = tpu.memref_slice %arg2[%dma_wait3A_95, %dma_wait3A_96] : memref<40000x128xf32, #tpu.memory_space<hbm>> -> memref<40000x128xf32, #tpu.memory_space<hbm>>
      tpu.wait_indirect_dma semaphore(%arg12 : memref<!tpu.dma_semaphore, #tpu.memory_space<semaphore_mem>>) src(%dma_wait3A_97 : memref<40000x128xf32, #tpu.memory_space<hbm>>) dst(%dma_wait3A_91 : memref<128x128xf32, #tpu.memory_space<vmem>>)
      %dma_start3A_98 = arith.constant 1 : i32
      %dma_start3A_99 = arith.constant 0 : i32
      %dma_start3A_100 = arith.constant 0 : i32
      %dma_start3A_101 = tpu.memref_slice %arg9[%dma_start3A_98, %dma_start3A_99, %dma_start3A_100] : memref<2x128x128xf32, #tpu.memory_space<vmem>> -> memref<1x128x128xf32, #tpu.memory_space<vmem>>
      %dma_start3A_102 = tpu.memref_squeeze %dma_start3A_101 : memref<1x128x128xf32, #tpu.memory_space<vmem>> -> memref<128x128xf32, #tpu.memory_space<vmem>>
      %dma_start3A_103 = arith.constant 0 : i32
      %dma_start3A_104 = tpu.memref_slice %arg8[%add3A_85, %dma_start3A_103] : memref<40x128xi32, #tpu.memory_space<vmem>> -> memref<1x128xi32, #tpu.memory_space<vmem>>
      %dma_start3A_105 = tpu.memref_squeeze %dma_start3A_104 : memref<1x128xi32, #tpu.memory_space<vmem>> -> memref<128xi32, #tpu.memory_space<vmem>>
      %dma_start3A_106 = arith.constant 0 : i32
      %dma_start3A_107 = arith.constant 0 : i32
      %dma_start3A_108 = tpu.memref_slice %arg10[%dma_start3A_106, %dma_start3A_107] : memref<10240x128xf32, #tpu.memory_space<vmem_shared>> -> memref<10240x128xf32, #tpu.memory_space<vmem_shared>>
      tpu.enqueue_indirect_dma source(%dma_start3A_102 : memref<128x128xf32, #tpu.memory_space<vmem>>) target(%dma_start3A_108 : memref<10240x128xf32, #tpu.memory_space<vmem_shared>>) offsets(%dma_start3A_105 : memref<128xi32, #tpu.memory_space<vmem>>) semaphore(%arg13 : memref<!tpu.dma_semaphore, #tpu.memory_space<semaphore_mem>>) {add = true}
      %dma_wait3A_109 = arith.constant 1 : i32
      %dma_wait3A_110 = arith.constant 0 : i32
      %dma_wait3A_111 = arith.constant 0 : i32
      %dma_wait3A_112 = tpu.memref_slice %arg9[%dma_wait3A_109, %dma_wait3A_110, %dma_wait3A_111] : memref<2x128x128xf32, #tpu.memory_space<vmem>> -> memref<1x128x128xf32, #tpu.memory_space<vmem>>
      %dma_wait3A_113 = tpu.memref_squeeze %dma_wait3A_112 : memref<1x128x128xf32, #tpu.memory_space<vmem>> -> memref<128x128xf32, #tpu.memory_space<vmem>>
      %dma_wait3A_114 = arith.constant 0 : i32
      %dma_wait3A_115 = tpu.memref_slice %arg8[%add3A_85, %dma_wait3A_114] : memref<40x128xi32, #tpu.memory_space<vmem>> -> memref<1x128xi32, #tpu.memory_space<vmem>>
      %dma_wait3A_116 = tpu.memref_squeeze %dma_wait3A_115 : memref<1x128xi32, #tpu.memory_space<vmem>> -> memref<128xi32, #tpu.memory_space<vmem>>
      %dma_wait3A_117 = arith.constant 0 : i32
      %dma_wait3A_118 = arith.constant 0 : i32
      %dma_wait3A_119 = tpu.memref_slice %arg10[%dma_wait3A_117, %dma_wait3A_118] : memref<10240x128xf32, #tpu.memory_space<vmem_shared>> -> memref<10240x128xf32, #tpu.memory_space<vmem_shared>>
      tpu.wait_indirect_dma semaphore(%arg13 : memref<!tpu.dma_semaphore, #tpu.memory_space<semaphore_mem>>) src(%dma_wait3A_113 : memref<128x128xf32, #tpu.memory_space<vmem>>) dst(%dma_wait3A_119 : memref<10240x128xf32, #tpu.memory_space<vmem_shared>>)
      %add3A_120 = arith.constant 2 : i32
      %add3A_121 = arith.addi %add3A_85, %add3A_120 : i32
      %lt3A_122 = arith.constant 40 : i32
      %lt3A_123 = arith.cmpi slt, %add3A_121, %lt3A_122 : i32
      %convert_element_type3A_124 = arith.extui %lt3A_123 : i1 to i32
      %cond3A_125 = arith.constant 0 : i32
      %cond3A_126 = arith.cmpi ne, %convert_element_type3A_124, %cond3A_125 : i32
      scf.if %cond3A_126 {
        %add3A_127 = arith.constant 2 : i32
        %add3A_128 = arith.addi %add3A_85, %add3A_127 : i32
        %dma_start3A_129 = arith.constant 1 : i32
        %dma_start3A_130 = arith.constant 0 : i32
        %dma_start3A_131 = arith.constant 0 : i32
        %dma_start3A_132 = tpu.memref_slice %arg9[%dma_start3A_129, %dma_start3A_130, %dma_start3A_131] : memref<2x128x128xf32, #tpu.memory_space<vmem>> -> memref<1x128x128xf32, #tpu.memory_space<vmem>>
        %dma_start3A_133 = tpu.memref_squeeze %dma_start3A_132 : memref<1x128x128xf32, #tpu.memory_space<vmem>> -> memref<128x128xf32, #tpu.memory_space<vmem>>
        %dma_start3A_134 = arith.constant 0 : i32
        %dma_start3A_135 = tpu.memref_slice %arg7[%add3A_128, %dma_start3A_134] : memref<40x128xi32, #tpu.memory_space<vmem>> -> memref<1x128xi32, #tpu.memory_space<vmem>>
        %dma_start3A_136 = tpu.memref_squeeze %dma_start3A_135 : memref<1x128xi32, #tpu.memory_space<vmem>> -> memref<128xi32, #tpu.memory_space<vmem>>
        %dma_start3A_137 = arith.constant 0 : i32
        %dma_start3A_138 = arith.constant 0 : i32
        %dma_start3A_139 = tpu.memref_slice %arg2[%dma_start3A_137, %dma_start3A_138] : memref<40000x128xf32, #tpu.memory_space<hbm>> -> memref<40000x128xf32, #tpu.memory_space<hbm>>
        tpu.enqueue_indirect_dma source(%dma_start3A_139 : memref<40000x128xf32, #tpu.memory_space<hbm>>) target(%dma_start3A_133 : memref<128x128xf32, #tpu.memory_space<vmem>>) offsets(%dma_start3A_136 : memref<128xi32, #tpu.memory_space<vmem>>) semaphore(%arg12 : memref<!tpu.dma_semaphore, #tpu.memory_space<semaphore_mem>>)
      } else {
      }
    }
    %scan3A_36 = arith.constant 20 : i32
    %barrier3A_37 = arith.constant 0 : index
    tpu.barrier barrier_id(%barrier3A_37)
    %mul3A_38 = arith.constant 640 : i32
    %mul3A_39 = arith.muli %arg1, %mul3A_38 : i32
    %mul3A_40 = arith.constant 640 : i32
    %mul3A_41 = arith.muli %arg1, %mul3A_40 : i32
    "tpu.region"() ({
      %run_scoped3A = tpu.sem_alloc : memref<!tpu.dma_semaphore, #tpu.memory_space<semaphore_mem>>
      %dma_start3A_42 = arith.constant 0 : i32
      %dma_start3A_43 = tpu.memref_slice %arg6[%arg0, %mul3A_41, %dma_start3A_42] : memref<2x10240x128xf32, #tpu.memory_space<hbm>> -> memref<1x640x128xf32, #tpu.memory_space<hbm>>
      %dma_start3A_44 = tpu.memref_squeeze %dma_start3A_43 : memref<1x640x128xf32, #tpu.memory_space<hbm>> -> memref<640x128xf32, #tpu.memory_space<hbm>>
      %dma_start3A_45 = arith.constant 0 : i32
      %dma_start3A_46 = tpu.memref_slice %arg10[%mul3A_39, %dma_start3A_45] : memref<10240x128xf32, #tpu.memory_space<vmem_shared>> -> memref<640x128xf32, #tpu.memory_space<vmem_shared>>
      tpu.enqueue_dma source(%dma_start3A_46 : memref<640x128xf32, #tpu.memory_space<vmem_shared>>) target(%dma_start3A_44 : memref<640x128xf32, #tpu.memory_space<hbm>>) target_semaphore(%run_scoped3A : memref<!tpu.dma_semaphore, #tpu.memory_space<semaphore_mem>>)
      %dma_wait3A = arith.constant 0 : i32
      %dma_wait3A_47 = tpu.memref_slice %arg6[%arg0, %mul3A_41, %dma_wait3A] : memref<2x10240x128xf32, #tpu.memory_space<hbm>> -> memref<1x640x128xf32, #tpu.memory_space<hbm>>
      %dma_wait3A_48 = tpu.memref_squeeze %dma_wait3A_47 : memref<1x640x128xf32, #tpu.memory_space<hbm>> -> memref<640x128xf32, #tpu.memory_space<hbm>>
      %dma_wait3A_49 = arith.constant 0 : i32
      %dma_wait3A_50 = tpu.memref_slice %arg10[%mul3A_39, %dma_wait3A_49] : memref<10240x128xf32, #tpu.memory_space<vmem_shared>> -> memref<640x128xf32, #tpu.memory_space<vmem_shared>>
      tpu.wait_dma2 semaphore(%run_scoped3A : memref<!tpu.dma_semaphore, #tpu.memory_space<semaphore_mem>>) src(%dma_wait3A_50 : memref<640x128xf32, #tpu.memory_space<vmem_shared>>) dst(%dma_wait3A_48 : memref<640x128xf32, #tpu.memory_space<hbm>>)
      tpu.yield
    }) : () -> ()
    return
  }
}

module attributes {stable_mosaic.version = 14 : i64} {
  func.func @kern(%arg0: i32, %arg1: i32, %arg2: memref<4x128xf32, #tpu.memory_space<vmem>>, %arg3: memref<512x128xf32, #tpu.memory_space<vmem>>, %arg4: memref<1x512xf32, #tpu.memory_space<vmem>>, %arg5: memref<4x512xf32, #tpu.memory_space<vmem>>) attributes {dimension_semantics = [#tpu.dimension_semantics<arbitrary>, #tpu.dimension_semantics<arbitrary>], iteration_bounds = array<i64: 1, 2>, scalar_prefetch = 0 : i64, scratch_operands = 0 : i64, tpu.core_type = #tpu.core_type<tc>, window_params = [{transform_indices = @transform_0, window_bounds = array<i64: 4, 128>}, {transform_indices = @transform_1, window_bounds = array<i64: 512, 128>}, {transform_indices = @transform_2, window_bounds = array<i64: 1, 512>}, {transform_indices = @transform_3, window_bounds = array<i64: 4, 512>}]} {
    %get3A = arith.constant 0 : index
    %get3A_0 = arith.constant 0 : index
    %get3A_1 = vector.load %arg2[%get3A, %get3A_0] : memref<4x128xf32, #tpu.memory_space<vmem>>, vector<4x128xf32>
    %get3A_2 = arith.constant 0 : index
    %get3A_3 = arith.constant 0 : index
    %get3A_4 = vector.load %arg3[%get3A_2, %get3A_3] : memref<512x128xf32, #tpu.memory_space<vmem>>, vector<512x128xf32>
    %dot_general3A = arith.constant dense<0.000000e+00> : vector<4x512xf32>
    %dot_general3A_5 = tpu.matmul %get3A_1, %get3A_4, %dot_general3A {dimension_numbers = #tpu.dot_dimension_numbers<[1], [1], [0], [0], [0, 0, 1, 0], [], []>, transpose_lhs_hint = false} : vector<4x128xf32>, vector<512x128xf32>, vector<4x512xf32> -> vector<4x512xf32>
    %get3A_6 = arith.constant 0 : index
    %get3A_7 = arith.constant 0 : index
    %get3A_8 = vector.load %arg4[%get3A_6, %get3A_7] : memref<1x512xf32, #tpu.memory_space<vmem>>, vector<1x512xf32>
    %add3A = vector.broadcast %get3A_8 : vector<1x512xf32> to vector<4x512xf32>
    %add3A_9 = arith.addf %dot_general3A_5, %add3A : vector<4x512xf32>
    %swap3A = arith.constant 0 : index
    %swap3A_10 = arith.constant 0 : index
    %swap3A_11 = vector.load %arg5[%swap3A, %swap3A_10] : memref<4x512xf32, #tpu.memory_space<vmem>>, vector<4x512xf32>
    tpu.vector_store %arg5[%swap3A, %swap3A_10], %add3A_9 {strides = array<i32>} : memref<4x512xf32, #tpu.memory_space<vmem>>, vector<4x512xf32>,
    return
  }
  func.func @transform_0(%arg0: i32, %arg1: i32) -> (i32, i32) {
    %c0_i32 = arith.constant 0 : i32
    %c0_i32_0 = arith.constant 0 : i32
    return %arg0, %c0_i32 : i32, i32
  }
  func.func @transform_1(%arg0: i32, %arg1: i32) -> (i32, i32) {
    %c0_i32 = arith.constant 0 : i32
    %c0_i32_0 = arith.constant 0 : i32
    return %arg1, %c0_i32 : i32, i32
  }
  func.func @transform_2(%arg0: i32, %arg1: i32) -> (i32, i32) {
    %c0_i32 = arith.constant 0 : i32
    %c0_i32_0 = arith.constant 0 : i32
    return %c0_i32, %arg1 : i32, i32
  }
  func.func @transform_3(%arg0: i32, %arg1: i32) -> (i32, i32) {
    %c0_i32 = arith.constant 0 : i32
    return %arg0, %arg1 : i32, i32
  }
}

module attributes {stable_mosaic.version = 14 : i64} {
  func.func @kern(%arg0: i32, %arg1: i32, %arg2: memref<4x512xf32, #tpu.memory_space<vmem>>, %arg3: memref<512x256xf32, #tpu.memory_space<vmem>>, %arg4: memref<4x256xf32, #tpu.memory_space<vmem>>) attributes {dimension_semantics = [#tpu.dimension_semantics<arbitrary>, #tpu.dimension_semantics<arbitrary>], iteration_bounds = array<i64: 1, 1>, scalar_prefetch = 0 : i64, scratch_operands = 0 : i64, tpu.core_type = #tpu.core_type<tc>, window_params = [{transform_indices = @transform_0, window_bounds = array<i64: 4, 512>}, {transform_indices = @transform_1, window_bounds = array<i64: 512, 256>}, {transform_indices = @transform_2, window_bounds = array<i64: 4, 256>}]} {
    %get3A = arith.constant 0 : index
    %get3A_0 = arith.constant 0 : index
    %get3A_1 = vector.load %arg2[%get3A, %get3A_0] : memref<4x512xf32, #tpu.memory_space<vmem>>, vector<4x512xf32>
    %get3A_2 = arith.constant 0 : index
    %get3A_3 = arith.constant 0 : index
    %get3A_4 = vector.load %arg3[%get3A_2, %get3A_3] : memref<512x256xf32, #tpu.memory_space<vmem>>, vector<512x256xf32>
    %dot_general3A = arith.constant dense<0.000000e+00> : vector<4x256xf32>
    %dot_general3A_5 = tpu.matmul %get3A_1, %get3A_4, %dot_general3A {dimension_numbers = #tpu.dot_dimension_numbers<[1], [0], [0], [1], [0, 0, 1, 1], [], []>, transpose_lhs_hint = false} : vector<4x512xf32>, vector<512x256xf32>, vector<4x256xf32> -> vector<4x256xf32>
    %swap3A = arith.constant 0 : index
    %swap3A_6 = arith.constant 0 : index
    %swap3A_7 = vector.load %arg4[%swap3A, %swap3A_6] : memref<4x256xf32, #tpu.memory_space<vmem>>, vector<4x256xf32>
    tpu.vector_store %arg4[%swap3A, %swap3A_6], %dot_general3A_5 {strides = array<i32>} : memref<4x256xf32, #tpu.memory_space<vmem>>, vector<4x256xf32>,
    return
  }
  func.func @transform_0(%arg0: i32, %arg1: i32) -> (i32, i32) {
    %c0_i32 = arith.constant 0 : i32
    %c0_i32_0 = arith.constant 0 : i32
    return %arg0, %c0_i32 : i32, i32
  }
  func.func @transform_1(%arg0: i32, %arg1: i32) -> (i32, i32) {
    %c0_i32 = arith.constant 0 : i32
    %c0_i32_0 = arith.constant 0 : i32
    return %c0_i32, %arg1 : i32, i32
  }
  func.func @transform_2(%arg0: i32, %arg1: i32) -> (i32, i32) {
    %c0_i32 = arith.constant 0 : i32
    return %arg0, %arg1 : i32, i32
  }
}

module attributes {stable_mosaic.version = 14 : i64} {
  func.func @kern(%arg0: memref<625x157xf32, #tpu.memory_space<vmem>>, %arg1: memref<4x256xf32, #tpu.memory_space<vmem>>, %arg2: memref<4x625x256xf32, #tpu.memory_space<vmem>>) attributes {dimension_semantics = [], scalar_prefetch = 0 : i64, scratch_operands = 0 : i64, tpu.core_type = #tpu.core_type<tc>} {
    %get3A = arith.constant 0 : index
    %get3A_0 = arith.constant 0 : index
    %get3A_1 = vector.load %arg0[%get3A, %get3A_0] : memref<625x157xf32, #tpu.memory_space<vmem>>, vector<625x157xf32>
    %reduce_sum3A = arith.constant dense<0.000000e+00> : vector<625xf32>
    %reduce_sum3A_2 = vector.multi_reduction <add>, %get3A_1, %reduce_sum3A [1] : vector<625x157xf32> to vector<625xf32>
    %broadcast_in_dim3A = vector.shape_cast %reduce_sum3A_2 : vector<625xf32> to vector<625x1xf32>
    %get3A_3 = arith.constant 0 : index
    %get3A_4 = arith.constant 0 : index
    %get3A_5 = vector.load %arg1[%get3A_3, %get3A_4] : memref<4x256xf32, #tpu.memory_space<vmem>>, vector<4x256xf32>
    %broadcast_in_dim3A_6 = vector.shape_cast %get3A_5 : vector<4x256xf32> to vector<4x1x256xf32>
    %broadcast_in_dim3A_7 = vector.shape_cast %broadcast_in_dim3A : vector<625x1xf32> to vector<1x625x1xf32>
    %mul3A = vector.broadcast %broadcast_in_dim3A_6 : vector<4x1x256xf32> to vector<4x625x256xf32>
    %mul3A_8 = vector.broadcast %broadcast_in_dim3A_7 : vector<1x625x1xf32> to vector<4x625x256xf32>
    %mul3A_9 = arith.mulf %mul3A, %mul3A_8 : vector<4x625x256xf32>
    %swap3A = arith.constant 0 : index
    %swap3A_10 = arith.constant 0 : index
    %swap3A_11 = arith.constant 0 : index
    %swap3A_12 = vector.load %arg2[%swap3A, %swap3A_10, %swap3A_11] : memref<4x625x256xf32, #tpu.memory_space<vmem>>, vector<4x625x256xf32>
    tpu.vector_store %arg2[%swap3A, %swap3A_10, %swap3A_11], %mul3A_9 {strides = array<i32>} : memref<4x625x256xf32, #tpu.memory_space<vmem>>, vector<4x625x256xf32>,
    return
  }
}

module attributes {stable_mosaic.version = 14 : i64} {
  func.func @kern(%arg0: i32, %arg1: memref<768x256xf32, #tpu.memory_space<vmem>>, %arg2: memref<2x768x256xf32, #tpu.memory_space<vmem>>, %arg3: memref<1x256xf32, #tpu.memory_space<vmem>>, %arg4: memref<2x768x128xf32, #tpu.memory_space<vmem>>, %arg5: memref<768x256xf32, #tpu.memory_space<vmem>>) attributes {dimension_semantics = [#tpu.dimension_semantics<arbitrary>], iteration_bounds = array<i64: 4>, scalar_prefetch = 0 : i64, scratch_operands = 0 : i64, tpu.core_type = #tpu.core_type<tc>, window_params = [{transform_indices = @transform_0, window_bounds = array<i64: 768, 256>}, {transform_indices = @transform_1, window_bounds = array<i64: 2, 768, 256>}, {pipeline_mode = #tpu.pipeline_mode<synchronous>, transform_indices = @transform_2, window_bounds = array<i64: 1, 256>}, {transform_indices = @transform_3, window_bounds = array<i64: 2, 768, 128>}, {transform_indices = @transform_4, window_bounds = array<i64: 768, 256>}]} {
    %iota3A = tpu.iota {dimensions = array<i32: 0>} : vector<768x1xi32>
    %mul3A = arith.constant 768 : i32
    %mul3A_0 = arith.muli %arg0, %mul3A : i32
    %add3A = vector.broadcast %mul3A_0 : i32 to vector<768x1xi32>
    %add3A_1 = arith.addi %iota3A, %add3A : vector<768x1xi32>
    %lt3A = arith.constant 625 : i32
    %lt3A_2 = vector.broadcast %lt3A : i32 to vector<768x1xi32>
    %lt3A_3 = arith.cmpi slt, %add3A_1, %lt3A_2 : vector<768x1xi32>
    %get3A = arith.constant 0 : index
    %get3A_4 = arith.constant 0 : index
    %get3A_5 = arith.constant 0 : index
    %get3A_6 = vector.load %arg2[%get3A, %get3A_4, %get3A_5] : memref<2x768x256xf32, #tpu.memory_space<vmem>>, vector<1x768x256xf32>
    %get3A_7 = vector.shape_cast %get3A_6 : vector<1x768x256xf32> to vector<768x256xf32>
    %get3A_8 = arith.constant 1 : index
    %get3A_9 = arith.constant 0 : index
    %get3A_10 = arith.constant 0 : index
    %get3A_11 = vector.load %arg2[%get3A_8, %get3A_9, %get3A_10] : memref<2x768x256xf32, #tpu.memory_space<vmem>>, vector<1x768x256xf32>
    %get3A_12 = vector.shape_cast %get3A_11 : vector<1x768x256xf32> to vector<768x256xf32>
    %add3A_13 = arith.addf %get3A_7, %get3A_12 : vector<768x256xf32>
    %jit3A = arith.constant 0.000000e+00 : f32
    %broadcast_in_dim3A = vector.shape_cast %lt3A_3 : vector<768x1xi1> to vector<768x1xi1>
    %broadcast_in_dim3A_14 = vector.broadcast %broadcast_in_dim3A : vector<768x1xi1> to vector<768x256xi1>
    %broadcast_in_dim3A_15 = vector.broadcast %jit3A : f32 to vector<768x256xf32>
    %select_n3A = arith.select %broadcast_in_dim3A_14, %add3A_13, %broadcast_in_dim3A_15 : vector<768x256xi1>, vector<768x256xf32>
    %get3A_16 = arith.constant 0 : index
    %get3A_17 = arith.constant 0 : index
    %get3A_18 = arith.constant 0 : index
    %get3A_19 = vector.load %arg4[%get3A_16, %get3A_17, %get3A_18] : memref<2x768x128xf32, #tpu.memory_space<vmem>>, vector<1x768x128xf32>
    %get3A_20 = vector.shape_cast %get3A_19 : vector<1x768x128xf32> to vector<768x128xf32>
    %slice3A = vector.extract_strided_slice %get3A_20 {offsets = [0, 0], sizes = [768, 1], strides = [1, 1]} : vector<768x128xf32> to vector<768x1xf32>
    %get3A_21 = arith.constant 1 : index
    %get3A_22 = arith.constant 0 : index
    %get3A_23 = arith.constant 0 : index
    %get3A_24 = vector.load %arg4[%get3A_21, %get3A_22, %get3A_23] : memref<2x768x128xf32, #tpu.memory_space<vmem>>, vector<1x768x128xf32>
    %get3A_25 = vector.shape_cast %get3A_24 : vector<1x768x128xf32> to vector<768x128xf32>
    %slice3A_26 = vector.extract_strided_slice %get3A_25 {offsets = [0, 0], sizes = [768, 1], strides = [1, 1]} : vector<768x128xf32> to vector<768x1xf32>
    %add3A_27 = arith.addf %slice3A, %slice3A_26 : vector<768x1xf32>
    %add3A_28 = arith.constant 1.000000e+00 : f32
    %add3A_29 = vector.broadcast %add3A_28 : f32 to vector<768x1xf32>
    %add3A_30 = arith.addf %add3A_29, %add3A_27 : vector<768x1xf32>
    %jit3A_31 = arith.constant 1.000000e+00 : f32
    %broadcast_in_dim3A_32 = vector.broadcast %jit3A_31 : f32 to vector<768x1xf32>
    %select_n3A_33 = arith.select %lt3A_3, %add3A_30, %broadcast_in_dim3A_32 : vector<768x1xi1>, vector<768x1xf32>
    %get3A_34 = arith.constant 0 : index
    %get3A_35 = arith.constant 0 : index
    %get3A_36 = vector.load %arg1[%get3A_34, %get3A_35] : memref<768x256xf32, #tpu.memory_space<vmem>>, vector<768x256xf32>
    %add3A_37 = arith.addf %select_n3A, %get3A_36 : vector<768x256xf32>
    %div3A = vector.broadcast %select_n3A_33 : vector<768x1xf32> to vector<768x256xf32>
    %div3A_38 = arith.divf %add3A_37, %div3A : vector<768x256xf32>
    %get3A_39 = arith.constant 0 : index
    %get3A_40 = arith.constant 0 : index
    %get3A_41 = vector.load %arg3[%get3A_39, %get3A_40] : memref<1x256xf32, #tpu.memory_space<vmem>>, vector<1x256xf32>
    %add3A_42 = vector.broadcast %get3A_41 : vector<1x256xf32> to vector<768x256xf32>
    %add3A_43 = arith.addf %div3A_38, %add3A_42 : vector<768x256xf32>
    %ge3A = arith.constant 0.000000e+00 : f32
    %ge3A_44 = vector.broadcast %ge3A : f32 to vector<768x256xf32>
    %ge3A_45 = arith.cmpf oge, %add3A_43, %ge3A_44 : vector<768x256xf32>
    %mul3A_46 = arith.constant 0.00999999977 : f32
    %mul3A_47 = vector.broadcast %mul3A_46 : f32 to vector<768x256xf32>
    %mul3A_48 = arith.mulf %mul3A_47, %add3A_43 : vector<768x256xf32>
    %select_n3A_49 = arith.select %ge3A_45, %add3A_43, %mul3A_48 : vector<768x256xi1>, vector<768x256xf32>
    %swap3A = arith.constant 0 : index
    %swap3A_50 = arith.constant 0 : index
    %swap3A_51 = vector.load %arg5[%swap3A, %swap3A_50] : memref<768x256xf32, #tpu.memory_space<vmem>>, vector<768x256xf32>
    tpu.vector_store %arg5[%swap3A, %swap3A_50], %select_n3A_49 {strides = array<i32>} : memref<768x256xf32, #tpu.memory_space<vmem>>, vector<768x256xf32>,
    return
  }
  func.func @transform_0(%arg0: i32) -> (i32, i32) {
    %c0_i32 = arith.constant 0 : i32
    %c0_i32_0 = arith.constant 0 : i32
    return %arg0, %c0_i32 : i32, i32
  }
  func.func @transform_1(%arg0: i32) -> (i32, i32, i32) {
    %min3A = arith.constant 0 : i32
    %min3A_0 = arith.minsi %arg0, %min3A : i32
    %c0_i32 = arith.constant 0 : i32
    %c0_i32_1 = arith.constant 0 : i32
    %c0_i32_2 = arith.constant 0 : i32
    return %c0_i32, %min3A_0, %c0_i32_1 : i32, i32, i32
  }
  func.func @transform_2(%arg0: i32) -> (i32, i32) {
    %c0_i32 = arith.constant 0 : i32
    %c0_i32_0 = arith.constant 0 : i32
    %c0_i32_1 = arith.constant 0 : i32
    return %c0_i32, %c0_i32_0 : i32, i32
  }
  func.func @transform_3(%arg0: i32) -> (i32, i32, i32) {
    %min3A = arith.constant 0 : i32
    %min3A_0 = arith.minsi %arg0, %min3A : i32
    %c0_i32 = arith.constant 0 : i32
    %c0_i32_1 = arith.constant 0 : i32
    %c0_i32_2 = arith.constant 0 : i32
    return %c0_i32, %min3A_0, %c0_i32_1 : i32, i32, i32
  }
  func.func @transform_4(%arg0: i32) -> (i32, i32) {
    %c0_i32 = arith.constant 0 : i32
    %c0_i32_0 = arith.constant 0 : i32
    return %arg0, %c0_i32 : i32, i32
  }
}

module attributes {stable_mosaic.version = 14 : i64} {
  func.func @kern(%arg0: i32, %arg1: i32, %arg2: memref<1024x625xf32, #tpu.memory_space<vmem>>, %arg3: memref<4x625x256xf32, #tpu.memory_space<vmem>>, %arg4: memref<1x1024x256xf32, #tpu.memory_space<vmem>>) attributes {dimension_semantics = [#tpu.dimension_semantics<arbitrary>, #tpu.dimension_semantics<arbitrary>], iteration_bounds = array<i64: 3, 4>, scalar_prefetch = 0 : i64, scratch_operands = 0 : i64, tpu.core_type = #tpu.core_type<tc>, window_params = [{transform_indices = @transform_0, window_bounds = array<i64: 1024, 625>}, {pipeline_mode = #tpu.pipeline_mode<synchronous>, transform_indices = @transform_1, window_bounds = array<i64: 4, 625, 256>}, {transform_indices = @transform_2, window_bounds = array<i64: 1, 1024, 256>}]} {
    %get3A = arith.constant 0 : index
    %get3A_0 = arith.constant 0 : index
    %get3A_1 = vector.load %arg2[%get3A, %get3A_0] : memref<1024x625xf32, #tpu.memory_space<vmem>>, vector<1024x625xf32>
    %convert_element_type3A = arith.truncf %get3A_1 : vector<1024x625xf32> to vector<1024x625xbf16>
    %get3A_2 = arith.index_cast %arg1 : i32 to index
    %get3A_3 = arith.constant 0 : index
    %get3A_4 = arith.constant 0 : index
    %get3A_5 = vector.load %arg3[%get3A_2, %get3A_3, %get3A_4] : memref<4x625x256xf32, #tpu.memory_space<vmem>>, vector<1x625x256xf32>
    %get3A_6 = vector.shape_cast %get3A_5 : vector<1x625x256xf32> to vector<625x256xf32>
    %convert_element_type3A_7 = arith.truncf %get3A_6 : vector<625x256xf32> to vector<625x256xbf16>
    %dot_general3A = arith.constant dense<0.000000e+00> : vector<1024x256xf32>
    %dot_general3A_8 = tpu.matmul %convert_element_type3A, %convert_element_type3A_7, %dot_general3A {dimension_numbers = #tpu.dot_dimension_numbers<[1], [0], [0], [1], [0, 0, 1, 1], [], []>, transpose_lhs_hint = false} : vector<1024x625xbf16>, vector<625x256xbf16>, vector<1024x256xf32> -> vector<1024x256xf32>
    %swap3A = arith.constant 0 : index
    %swap3A_9 = arith.constant 0 : index
    %swap3A_10 = arith.constant 0 : index
    %swap3A_11 = vector.load %arg4[%swap3A, %swap3A_9, %swap3A_10] : memref<1x1024x256xf32, #tpu.memory_space<vmem>>, vector<1x1024x256xf32>
    %swap3A_12 = vector.shape_cast %swap3A_11 : vector<1x1024x256xf32> to vector<1024x256xf32>
    %swap3A_13 = vector.shape_cast %dot_general3A_8 : vector<1024x256xf32> to vector<1x1024x256xf32>
    tpu.vector_store %arg4[%swap3A, %swap3A_9, %swap3A_10], %swap3A_13 {strides = array<i32>} : memref<1x1024x256xf32, #tpu.memory_space<vmem>>, vector<1x1024x256xf32>,
    return
  }
  func.func @transform_0(%arg0: i32, %arg1: i32) -> (i32, i32) {
    %c0_i32 = arith.constant 0 : i32
    %c0_i32_0 = arith.constant 0 : i32
    return %arg0, %c0_i32 : i32, i32
  }
  func.func @transform_1(%arg0: i32, %arg1: i32) -> (i32, i32, i32) {
    %c0_i32 = arith.constant 0 : i32
    %c0_i32_0 = arith.constant 0 : i32
    %c0_i32_1 = arith.constant 0 : i32
    %c0_i32_2 = arith.constant 0 : i32
    return %c0_i32, %c0_i32_0, %c0_i32_1 : i32, i32, i32
  }
  func.func @transform_2(%arg0: i32, %arg1: i32) -> (i32, i32, i32) {
    %c0_i32 = arith.constant 0 : i32
    %c0_i32_0 = arith.constant 0 : i32
    return %arg1, %arg0, %c0_i32 : i32, i32, i32
  }
}

module attributes {stable_mosaic.version = 14 : i64} {
  func.func @kern(%arg0: i32, %arg1: i32, %arg2: memref<4096x256xf32, #tpu.memory_space<vmem>>, %arg3: memref<256x128xf32, #tpu.memory_space<vmem>>, %arg4: memref<4096x128xf32, #tpu.memory_space<vmem>>) attributes {dimension_semantics = [#tpu.dimension_semantics<arbitrary>, #tpu.dimension_semantics<arbitrary>], iteration_bounds = array<i64: 3, 1>, scalar_prefetch = 0 : i64, scratch_operands = 0 : i64, tpu.core_type = #tpu.core_type<tc>, window_params = [{transform_indices = @transform_0, window_bounds = array<i64: 4096, 256>}, {transform_indices = @transform_1, window_bounds = array<i64: 256, 128>}, {transform_indices = @transform_2, window_bounds = array<i64: 4096, 128>}]} {
    %get3A = arith.constant 0 : index
    %get3A_0 = arith.constant 0 : index
    %get3A_1 = vector.load %arg2[%get3A, %get3A_0] : memref<4096x256xf32, #tpu.memory_space<vmem>>, vector<4096x256xf32>
    %get3A_2 = arith.constant 0 : index
    %get3A_3 = arith.constant 0 : index
    %get3A_4 = vector.load %arg3[%get3A_2, %get3A_3] : memref<256x128xf32, #tpu.memory_space<vmem>>, vector<256x128xf32>
    %dot_general3A = arith.constant dense<0.000000e+00> : vector<4096x128xf32>
    %dot_general3A_5 = tpu.matmul %get3A_1, %get3A_4, %dot_general3A {dimension_numbers = #tpu.dot_dimension_numbers<[1], [0], [0], [1], [0, 0, 1, 1], [], []>, transpose_lhs_hint = false} : vector<4096x256xf32>, vector<256x128xf32>, vector<4096x128xf32> -> vector<4096x128xf32>
    %swap3A = arith.constant 0 : index
    %swap3A_6 = arith.constant 0 : index
    %swap3A_7 = vector.load %arg4[%swap3A, %swap3A_6] : memref<4096x128xf32, #tpu.memory_space<vmem>>, vector<4096x128xf32>
    tpu.vector_store %arg4[%swap3A, %swap3A_6], %dot_general3A_5 {strides = array<i32>} : memref<4096x128xf32, #tpu.memory_space<vmem>>, vector<4096x128xf32>,
    return
  }
  func.func @transform_0(%arg0: i32, %arg1: i32) -> (i32, i32) {
    %c0_i32 = arith.constant 0 : i32
    %c0_i32_0 = arith.constant 0 : i32
    return %arg0, %c0_i32 : i32, i32
  }
  func.func @transform_1(%arg0: i32, %arg1: i32) -> (i32, i32) {
    %c0_i32 = arith.constant 0 : i32
    %c0_i32_0 = arith.constant 0 : i32
    return %c0_i32, %arg1 : i32, i32
  }
  func.func @transform_2(%arg0: i32, %arg1: i32) -> (i32, i32) {
    %c0_i32 = arith.constant 0 : i32
    return %arg0, %arg1 : i32, i32
  }
}

module attributes {stable_mosaic.version = 14 : i64} {
  func.func @kern(%arg0: i32, %arg1: i32, %arg2: memref<4x128xf32, #tpu.memory_space<vmem>>, %arg3: memref<8192x128xf32, #tpu.memory_space<vmem>>, %arg4: memref<1x8192xf32, #tpu.memory_space<vmem>>, %arg5: memref<4x8192xf32, #tpu.memory_space<vmem>>) attributes {dimension_semantics = [#tpu.dimension_semantics<arbitrary>, #tpu.dimension_semantics<arbitrary>], iteration_bounds = array<i64: 1, 20>, scalar_prefetch = 0 : i64, scratch_operands = 0 : i64, tpu.core_type = #tpu.core_type<tc>, window_params = [{transform_indices = @transform_0, window_bounds = array<i64: 4, 128>}, {transform_indices = @transform_1, window_bounds = array<i64: 8192, 128>}, {transform_indices = @transform_2, window_bounds = array<i64: 1, 8192>}, {transform_indices = @transform_3, window_bounds = array<i64: 4, 8192>}]} {
    %get3A = arith.constant 0 : index
    %get3A_0 = arith.constant 0 : index
    %get3A_1 = vector.load %arg2[%get3A, %get3A_0] : memref<4x128xf32, #tpu.memory_space<vmem>>, vector<4x128xf32>
    %get3A_2 = arith.constant 0 : index
    %get3A_3 = arith.constant 0 : index
    %get3A_4 = vector.load %arg3[%get3A_2, %get3A_3] : memref<8192x128xf32, #tpu.memory_space<vmem>>, vector<8192x128xf32>
    %dot_general3A = arith.constant dense<0.000000e+00> : vector<4x8192xf32>
    %dot_general3A_5 = tpu.matmul %get3A_1, %get3A_4, %dot_general3A {dimension_numbers = #tpu.dot_dimension_numbers<[1], [1], [0], [0], [0, 0, 1, 0], [], []>, transpose_lhs_hint = false} : vector<4x128xf32>, vector<8192x128xf32>, vector<4x8192xf32> -> vector<4x8192xf32>
    %get3A_6 = arith.constant 0 : index
    %get3A_7 = arith.constant 0 : index
    %get3A_8 = vector.load %arg4[%get3A_6, %get3A_7] : memref<1x8192xf32, #tpu.memory_space<vmem>>, vector<1x8192xf32>
    %add3A = vector.broadcast %get3A_8 : vector<1x8192xf32> to vector<4x8192xf32>
    %add3A_9 = arith.addf %dot_general3A_5, %add3A : vector<4x8192xf32>
    %swap3A = arith.constant 0 : index
    %swap3A_10 = arith.constant 0 : index
    %swap3A_11 = vector.load %arg5[%swap3A, %swap3A_10] : memref<4x8192xf32, #tpu.memory_space<vmem>>, vector<4x8192xf32>
    tpu.vector_store %arg5[%swap3A, %swap3A_10], %add3A_9 {strides = array<i32>} : memref<4x8192xf32, #tpu.memory_space<vmem>>, vector<4x8192xf32>,
    return
  }
  func.func @transform_0(%arg0: i32, %arg1: i32) -> (i32, i32) {
    %c0_i32 = arith.constant 0 : i32
    %c0_i32_0 = arith.constant 0 : i32
    return %arg0, %c0_i32 : i32, i32
  }
  func.func @transform_1(%arg0: i32, %arg1: i32) -> (i32, i32) {
    %c0_i32 = arith.constant 0 : i32
    %c0_i32_0 = arith.constant 0 : i32
    return %arg1, %c0_i32 : i32, i32
  }
  func.func @transform_2(%arg0: i32, %arg1: i32) -> (i32, i32) {
    %c0_i32 = arith.constant 0 : i32
    %c0_i32_0 = arith.constant 0 : i32
    return %c0_i32, %arg1 : i32, i32
  }
  func.func @transform_3(%arg0: i32, %arg1: i32) -> (i32, i32) {
    %c0_i32 = arith.constant 0 : i32
    return %arg0, %arg1 : i32, i32
  }
}

module attributes {stable_mosaic.version = 14 : i64} {
  func.func @kern(%arg0: i32, %arg1: memref<2816x128xf32, #tpu.memory_space<vmem>>, %arg2: memref<2x2816x128xf32, #tpu.memory_space<vmem>>, %arg3: memref<1x128xf32, #tpu.memory_space<vmem>>, %arg4: memref<2x2816x128xf32, #tpu.memory_space<vmem>>, %arg5: memref<2816x128xf32, #tpu.memory_space<vmem>>) attributes {dimension_semantics = [#tpu.dimension_semantics<arbitrary>], iteration_bounds = array<i64: 4>, scalar_prefetch = 0 : i64, scratch_operands = 0 : i64, tpu.core_type = #tpu.core_type<tc>, window_params = [{transform_indices = @transform_0, window_bounds = array<i64: 2816, 128>}, {transform_indices = @transform_1, window_bounds = array<i64: 2, 2816, 128>}, {pipeline_mode = #tpu.pipeline_mode<synchronous>, transform_indices = @transform_2, window_bounds = array<i64: 1, 128>}, {transform_indices = @transform_3, window_bounds = array<i64: 2, 2816, 128>}, {transform_indices = @transform_4, window_bounds = array<i64: 2816, 128>}]} {
    %iota3A = tpu.iota {dimensions = array<i32: 0>} : vector<2816x1xi32>
    %mul3A = arith.constant 2816 : i32
    %mul3A_0 = arith.muli %arg0, %mul3A : i32
    %add3A = vector.broadcast %mul3A_0 : i32 to vector<2816x1xi32>
    %add3A_1 = arith.addi %iota3A, %add3A : vector<2816x1xi32>
    %lt3A = arith.constant 2500 : i32
    %lt3A_2 = vector.broadcast %lt3A : i32 to vector<2816x1xi32>
    %lt3A_3 = arith.cmpi slt, %add3A_1, %lt3A_2 : vector<2816x1xi32>
    %get3A = arith.constant 0 : index
    %get3A_4 = arith.constant 0 : index
    %get3A_5 = arith.constant 0 : index
    %get3A_6 = vector.load %arg2[%get3A, %get3A_4, %get3A_5] : memref<2x2816x128xf32, #tpu.memory_space<vmem>>, vector<1x2816x128xf32>
    %get3A_7 = vector.shape_cast %get3A_6 : vector<1x2816x128xf32> to vector<2816x128xf32>
    %get3A_8 = arith.constant 1 : index
    %get3A_9 = arith.constant 0 : index
    %get3A_10 = arith.constant 0 : index
    %get3A_11 = vector.load %arg2[%get3A_8, %get3A_9, %get3A_10] : memref<2x2816x128xf32, #tpu.memory_space<vmem>>, vector<1x2816x128xf32>
    %get3A_12 = vector.shape_cast %get3A_11 : vector<1x2816x128xf32> to vector<2816x128xf32>
    %add3A_13 = arith.addf %get3A_7, %get3A_12 : vector<2816x128xf32>
    %jit3A = arith.constant 0.000000e+00 : f32
    %broadcast_in_dim3A = vector.shape_cast %lt3A_3 : vector<2816x1xi1> to vector<2816x1xi1>
    %broadcast_in_dim3A_14 = vector.broadcast %broadcast_in_dim3A : vector<2816x1xi1> to vector<2816x128xi1>
    %broadcast_in_dim3A_15 = vector.broadcast %jit3A : f32 to vector<2816x128xf32>
    %select_n3A = arith.select %broadcast_in_dim3A_14, %add3A_13, %broadcast_in_dim3A_15 : vector<2816x128xi1>, vector<2816x128xf32>
    %get3A_16 = arith.constant 0 : index
    %get3A_17 = arith.constant 0 : index
    %get3A_18 = arith.constant 0 : index
    %get3A_19 = vector.load %arg4[%get3A_16, %get3A_17, %get3A_18] : memref<2x2816x128xf32, #tpu.memory_space<vmem>>, vector<1x2816x128xf32>
    %get3A_20 = vector.shape_cast %get3A_19 : vector<1x2816x128xf32> to vector<2816x128xf32>
    %slice3A = vector.extract_strided_slice %get3A_20 {offsets = [0, 0], sizes = [2816, 1], strides = [1, 1]} : vector<2816x128xf32> to vector<2816x1xf32>
    %get3A_21 = arith.constant 1 : index
    %get3A_22 = arith.constant 0 : index
    %get3A_23 = arith.constant 0 : index
    %get3A_24 = vector.load %arg4[%get3A_21, %get3A_22, %get3A_23] : memref<2x2816x128xf32, #tpu.memory_space<vmem>>, vector<1x2816x128xf32>
    %get3A_25 = vector.shape_cast %get3A_24 : vector<1x2816x128xf32> to vector<2816x128xf32>
    %slice3A_26 = vector.extract_strided_slice %get3A_25 {offsets = [0, 0], sizes = [2816, 1], strides = [1, 1]} : vector<2816x128xf32> to vector<2816x1xf32>
    %add3A_27 = arith.addf %slice3A, %slice3A_26 : vector<2816x1xf32>
    %add3A_28 = arith.constant 1.000000e+00 : f32
    %add3A_29 = vector.broadcast %add3A_28 : f32 to vector<2816x1xf32>
    %add3A_30 = arith.addf %add3A_29, %add3A_27 : vector<2816x1xf32>
    %jit3A_31 = arith.constant 1.000000e+00 : f32
    %broadcast_in_dim3A_32 = vector.broadcast %jit3A_31 : f32 to vector<2816x1xf32>
    %select_n3A_33 = arith.select %lt3A_3, %add3A_30, %broadcast_in_dim3A_32 : vector<2816x1xi1>, vector<2816x1xf32>
    %get3A_34 = arith.constant 0 : index
    %get3A_35 = arith.constant 0 : index
    %get3A_36 = vector.load %arg1[%get3A_34, %get3A_35] : memref<2816x128xf32, #tpu.memory_space<vmem>>, vector<2816x128xf32>
    %add3A_37 = arith.addf %select_n3A, %get3A_36 : vector<2816x128xf32>
    %div3A = vector.broadcast %select_n3A_33 : vector<2816x1xf32> to vector<2816x128xf32>
    %div3A_38 = arith.divf %add3A_37, %div3A : vector<2816x128xf32>
    %get3A_39 = arith.constant 0 : index
    %get3A_40 = arith.constant 0 : index
    %get3A_41 = vector.load %arg3[%get3A_39, %get3A_40] : memref<1x128xf32, #tpu.memory_space<vmem>>, vector<1x128xf32>
    %add3A_42 = vector.broadcast %get3A_41 : vector<1x128xf32> to vector<2816x128xf32>
    %add3A_43 = arith.addf %div3A_38, %add3A_42 : vector<2816x128xf32>
    %ge3A = arith.constant 0.000000e+00 : f32
    %ge3A_44 = vector.broadcast %ge3A : f32 to vector<2816x128xf32>
    %ge3A_45 = arith.cmpf oge, %add3A_43, %ge3A_44 : vector<2816x128xf32>
    %mul3A_46 = arith.constant 0.00999999977 : f32
    %mul3A_47 = vector.broadcast %mul3A_46 : f32 to vector<2816x128xf32>
    %mul3A_48 = arith.mulf %mul3A_47, %add3A_43 : vector<2816x128xf32>
    %select_n3A_49 = arith.select %ge3A_45, %add3A_43, %mul3A_48 : vector<2816x128xi1>, vector<2816x128xf32>
    %swap3A = arith.constant 0 : index
    %swap3A_50 = arith.constant 0 : index
    %swap3A_51 = vector.load %arg5[%swap3A, %swap3A_50] : memref<2816x128xf32, #tpu.memory_space<vmem>>, vector<2816x128xf32>
    tpu.vector_store %arg5[%swap3A, %swap3A_50], %select_n3A_49 {strides = array<i32>} : memref<2816x128xf32, #tpu.memory_space<vmem>>, vector<2816x128xf32>,
    return
  }
  func.func @transform_0(%arg0: i32) -> (i32, i32) {
    %c0_i32 = arith.constant 0 : i32
    %c0_i32_0 = arith.constant 0 : i32
    return %arg0, %c0_i32 : i32, i32
  }
  func.func @transform_1(%arg0: i32) -> (i32, i32, i32) {
    %min3A = arith.constant 0 : i32
    %min3A_0 = arith.minsi %arg0, %min3A : i32
    %c0_i32 = arith.constant 0 : i32
    %c0_i32_1 = arith.constant 0 : i32
    %c0_i32_2 = arith.constant 0 : i32
    return %c0_i32, %min3A_0, %c0_i32_1 : i32, i32, i32
  }
  func.func @transform_2(%arg0: i32) -> (i32, i32) {
    %c0_i32 = arith.constant 0 : i32
    %c0_i32_0 = arith.constant 0 : i32
    %c0_i32_1 = arith.constant 0 : i32
    return %c0_i32, %c0_i32_0 : i32, i32
  }
  func.func @transform_3(%arg0: i32) -> (i32, i32, i32) {
    %min3A = arith.constant 0 : i32
    %min3A_0 = arith.minsi %arg0, %min3A : i32
    %c0_i32 = arith.constant 0 : i32
    %c0_i32_1 = arith.constant 0 : i32
    %c0_i32_2 = arith.constant 0 : i32
    return %c0_i32, %min3A_0, %c0_i32_1 : i32, i32, i32
  }
  func.func @transform_4(%arg0: i32) -> (i32, i32) {
    %c0_i32 = arith.constant 0 : i32
    %c0_i32_0 = arith.constant 0 : i32
    return %arg0, %c0_i32 : i32, i32
  }
}

module attributes {stable_mosaic.version = 14 : i64} {
  func.func @kern(%arg0: i32, %arg1: i32, %arg2: memref<2500x1024xf32, #tpu.memory_space<vmem>>, %arg3: memref<4x2500x128xf32, #tpu.memory_space<vmem>>, %arg4: memref<1x1024x128xf32, #tpu.memory_space<vmem>>) attributes {dimension_semantics = [#tpu.dimension_semantics<arbitrary>, #tpu.dimension_semantics<arbitrary>], iteration_bounds = array<i64: 10, 4>, scalar_prefetch = 0 : i64, scratch_operands = 0 : i64, tpu.core_type = #tpu.core_type<tc>, window_params = [{transform_indices = @transform_0, window_bounds = array<i64: 2500, 1024>}, {pipeline_mode = #tpu.pipeline_mode<synchronous>, transform_indices = @transform_1, window_bounds = array<i64: 4, 2500, 128>}, {transform_indices = @transform_2, window_bounds = array<i64: 1, 1024, 128>}]} {
    %get3A = arith.constant 0 : index
    %get3A_0 = arith.constant 0 : index
    %get3A_1 = vector.load %arg2[%get3A, %get3A_0] : memref<2500x1024xf32, #tpu.memory_space<vmem>>, vector<2500x1024xf32>
    %convert_element_type3A = arith.truncf %get3A_1 : vector<2500x1024xf32> to vector<2500x1024xbf16>
    %get3A_2 = arith.index_cast %arg1 : i32 to index
    %get3A_3 = arith.constant 0 : index
    %get3A_4 = arith.constant 0 : index
    %get3A_5 = vector.load %arg3[%get3A_2, %get3A_3, %get3A_4] : memref<4x2500x128xf32, #tpu.memory_space<vmem>>, vector<1x2500x128xf32>
    %get3A_6 = vector.shape_cast %get3A_5 : vector<1x2500x128xf32> to vector<2500x128xf32>
    %convert_element_type3A_7 = arith.truncf %get3A_6 : vector<2500x128xf32> to vector<2500x128xbf16>
    %dot_general3A = arith.constant dense<0.000000e+00> : vector<1024x128xf32>
    %dot_general3A_8 = tpu.matmul %convert_element_type3A, %convert_element_type3A_7, %dot_general3A {dimension_numbers = #tpu.dot_dimension_numbers<[0], [0], [1], [1], [0, 1, 1, 1], [], []>, transpose_lhs_hint = false} : vector<2500x1024xbf16>, vector<2500x128xbf16>, vector<1024x128xf32> -> vector<1024x128xf32>
    %swap3A = arith.constant 0 : index
    %swap3A_9 = arith.constant 0 : index
    %swap3A_10 = arith.constant 0 : index
    %swap3A_11 = vector.load %arg4[%swap3A, %swap3A_9, %swap3A_10] : memref<1x1024x128xf32, #tpu.memory_space<vmem>>, vector<1x1024x128xf32>
    %swap3A_12 = vector.shape_cast %swap3A_11 : vector<1x1024x128xf32> to vector<1024x128xf32>
    %swap3A_13 = vector.shape_cast %dot_general3A_8 : vector<1024x128xf32> to vector<1x1024x128xf32>
    tpu.vector_store %arg4[%swap3A, %swap3A_9, %swap3A_10], %swap3A_13 {strides = array<i32>} : memref<1x1024x128xf32, #tpu.memory_space<vmem>>, vector<1x1024x128xf32>,
    return
  }
  func.func @transform_0(%arg0: i32, %arg1: i32) -> (i32, i32) {
    %c0_i32 = arith.constant 0 : i32
    %c0_i32_0 = arith.constant 0 : i32
    return %c0_i32, %arg0 : i32, i32
  }
  func.func @transform_1(%arg0: i32, %arg1: i32) -> (i32, i32, i32) {
    %c0_i32 = arith.constant 0 : i32
    %c0_i32_0 = arith.constant 0 : i32
    %c0_i32_1 = arith.constant 0 : i32
    %c0_i32_2 = arith.constant 0 : i32
    return %c0_i32, %c0_i32_0, %c0_i32_1 : i32, i32, i32
  }
  func.func @transform_2(%arg0: i32, %arg1: i32) -> (i32, i32, i32) {
    %c0_i32 = arith.constant 0 : i32
    %c0_i32_0 = arith.constant 0 : i32
    return %arg1, %arg0, %c0_i32 : i32, i32, i32
  }
}

module attributes {stable_mosaic.version = 14 : i64} {
  func.func @kern(%arg0: i32, %arg1: memref<4096x128xf32, #tpu.memory_space<vmem>>, %arg2: memref<128x128xf32, #tpu.memory_space<vmem>>, %arg3: memref<4096x16xf32, #tpu.memory_space<vmem>>, %arg4: memref<16x128xf32, #tpu.memory_space<vmem>>, %arg5: memref<1x128xf32, #tpu.memory_space<vmem>>, %arg6: memref<4096x128xf32, #tpu.memory_space<vmem>>) attributes {dimension_semantics = [#tpu.dimension_semantics<arbitrary>], iteration_bounds = array<i64: 10>, scalar_prefetch = 0 : i64, scratch_operands = 0 : i64, tpu.core_type = #tpu.core_type<tc>, window_params = [{transform_indices = @transform_0, window_bounds = array<i64: 4096, 128>}, {pipeline_mode = #tpu.pipeline_mode<synchronous>, transform_indices = @transform_1, window_bounds = array<i64: 128, 128>}, {transform_indices = @transform_2, window_bounds = array<i64: 4096, 16>}, {pipeline_mode = #tpu.pipeline_mode<synchronous>, transform_indices = @transform_3, window_bounds = array<i64: 16, 128>}, {pipeline_mode = #tpu.pipeline_mode<synchronous>, transform_indices = @transform_4, window_bounds = array<i64: 1, 128>}, {transform_indices = @transform_5, window_bounds = array<i64: 4096, 128>}]} {
    %get3A = arith.constant 0 : index
    %get3A_0 = arith.constant 0 : index
    %get3A_1 = vector.load %arg1[%get3A, %get3A_0] : memref<4096x128xf32, #tpu.memory_space<vmem>>, vector<4096x128xf32>
    %get3A_2 = arith.constant 0 : index
    %get3A_3 = arith.constant 0 : index
    %get3A_4 = vector.load %arg2[%get3A_2, %get3A_3] : memref<128x128xf32, #tpu.memory_space<vmem>>, vector<128x128xf32>
    %dot_general3A = arith.constant dense<0.000000e+00> : vector<4096x128xf32>
    %dot_general3A_5 = tpu.matmul %get3A_1, %get3A_4, %dot_general3A {dimension_numbers = #tpu.dot_dimension_numbers<[1], [0], [0], [1], [0, 0, 1, 1], [], []>, transpose_lhs_hint = false} : vector<4096x128xf32>, vector<128x128xf32>, vector<4096x128xf32> -> vector<4096x128xf32>
    %get3A_6 = arith.constant 0 : index
    %get3A_7 = arith.constant 0 : index
    %get3A_8 = vector.load %arg3[%get3A_6, %get3A_7] : memref<4096x16xf32, #tpu.memory_space<vmem>>, vector<4096x16xf32>
    %get3A_9 = arith.constant 0 : index
    %get3A_10 = arith.constant 0 : index
    %get3A_11 = vector.load %arg4[%get3A_9, %get3A_10] : memref<16x128xf32, #tpu.memory_space<vmem>>, vector<16x128xf32>
    %dot_general3A_12 = arith.constant dense<0.000000e+00> : vector<4096x128xf32>
    %dot_general3A_13 = tpu.matmul %get3A_8, %get3A_11, %dot_general3A_12 {dimension_numbers = #tpu.dot_dimension_numbers<[1], [0], [0], [1], [0, 0, 1, 1], [], []>, transpose_lhs_hint = false} : vector<4096x16xf32>, vector<16x128xf32>, vector<4096x128xf32> -> vector<4096x128xf32>
    %add3A = arith.addf %dot_general3A_5, %dot_general3A_13 : vector<4096x128xf32>
    %get3A_14 = arith.constant 0 : index
    %get3A_15 = arith.constant 0 : index
    %get3A_16 = vector.load %arg5[%get3A_14, %get3A_15] : memref<1x128xf32, #tpu.memory_space<vmem>>, vector<1x128xf32>
    %add3A_17 = vector.broadcast %get3A_16 : vector<1x128xf32> to vector<4096x128xf32>
    %add3A_18 = arith.addf %add3A, %add3A_17 : vector<4096x128xf32>
    %swap3A = arith.constant 0 : index
    %swap3A_19 = arith.constant 0 : index
    %swap3A_20 = vector.load %arg6[%swap3A, %swap3A_19] : memref<4096x128xf32, #tpu.memory_space<vmem>>, vector<4096x128xf32>
    tpu.vector_store %arg6[%swap3A, %swap3A_19], %add3A_18 {strides = array<i32>} : memref<4096x128xf32, #tpu.memory_space<vmem>>, vector<4096x128xf32>,
    return
  }
  func.func @transform_0(%arg0: i32) -> (i32, i32) {
    %c0_i32 = arith.constant 0 : i32
    %c0_i32_0 = arith.constant 0 : i32
    return %arg0, %c0_i32 : i32, i32
  }
  func.func @transform_1(%arg0: i32) -> (i32, i32) {
    %c0_i32 = arith.constant 0 : i32
    %c0_i32_0 = arith.constant 0 : i32
    %c0_i32_1 = arith.constant 0 : i32
    return %c0_i32, %c0_i32_0 : i32, i32
  }
  func.func @transform_2(%arg0: i32) -> (i32, i32) {
    %c0_i32 = arith.constant 0 : i32
    %c0_i32_0 = arith.constant 0 : i32
    return %arg0, %c0_i32 : i32, i32
  }
  func.func @transform_3(%arg0: i32) -> (i32, i32) {
    %c0_i32 = arith.constant 0 : i32
    %c0_i32_0 = arith.constant 0 : i32
    %c0_i32_1 = arith.constant 0 : i32
    return %c0_i32, %c0_i32_0 : i32, i32
  }
  func.func @transform_4(%arg0: i32) -> (i32, i32) {
    %c0_i32 = arith.constant 0 : i32
    %c0_i32_0 = arith.constant 0 : i32
    %c0_i32_1 = arith.constant 0 : i32
    return %c0_i32, %c0_i32_0 : i32, i32
  }
  func.func @transform_5(%arg0: i32) -> (i32, i32) {
    %c0_i32 = arith.constant 0 : i32
    %c0_i32_0 = arith.constant 0 : i32
    return %arg0, %c0_i32 : i32, i32
  }
}

module attributes {stable_mosaic.version = 14 : i64} {
  func.func @kern(%arg0: i32, %arg1: i32, %arg2: memref<4096x16xf32, #tpu.memory_space<vmem>>, %arg3: memref<32x16xf32, #tpu.memory_space<vmem>>, %arg4: memref<1x32xf32, #tpu.memory_space<vmem>>, %arg5: memref<4096x32xf32, #tpu.memory_space<vmem>>) attributes {dimension_semantics = [#tpu.dimension_semantics<arbitrary>, #tpu.dimension_semantics<arbitrary>], iteration_bounds = array<i64: 10, 1>, scalar_prefetch = 0 : i64, scratch_operands = 0 : i64, tpu.core_type = #tpu.core_type<tc>, window_params = [{transform_indices = @transform_0, window_bounds = array<i64: 4096, 16>}, {transform_indices = @transform_1, window_bounds = array<i64: 32, 16>}, {transform_indices = @transform_2, window_bounds = array<i64: 1, 32>}, {transform_indices = @transform_3, window_bounds = array<i64: 4096, 32>}]} {
    %get3A = arith.constant 0 : index
    %get3A_0 = arith.constant 0 : index
    %get3A_1 = vector.load %arg2[%get3A, %get3A_0] : memref<4096x16xf32, #tpu.memory_space<vmem>>, vector<4096x16xf32>
    %get3A_2 = arith.constant 0 : index
    %get3A_3 = arith.constant 0 : index
    %get3A_4 = vector.load %arg3[%get3A_2, %get3A_3] : memref<32x16xf32, #tpu.memory_space<vmem>>, vector<32x16xf32>
    %dot_general3A = arith.constant dense<0.000000e+00> : vector<4096x32xf32>
    %dot_general3A_5 = tpu.matmul %get3A_1, %get3A_4, %dot_general3A {dimension_numbers = #tpu.dot_dimension_numbers<[1], [1], [0], [0], [0, 0, 1, 0], [], []>, transpose_lhs_hint = false} : vector<4096x16xf32>, vector<32x16xf32>, vector<4096x32xf32> -> vector<4096x32xf32>
    %get3A_6 = arith.constant 0 : index
    %get3A_7 = arith.constant 0 : index
    %get3A_8 = vector.load %arg4[%get3A_6, %get3A_7] : memref<1x32xf32, #tpu.memory_space<vmem>>, vector<1x32xf32>
    %add3A = vector.broadcast %get3A_8 : vector<1x32xf32> to vector<4096x32xf32>
    %add3A_9 = arith.addf %dot_general3A_5, %add3A : vector<4096x32xf32>
    %swap3A = arith.constant 0 : index
    %swap3A_10 = arith.constant 0 : index
    %swap3A_11 = vector.load %arg5[%swap3A, %swap3A_10] : memref<4096x32xf32, #tpu.memory_space<vmem>>, vector<4096x32xf32>
    tpu.vector_store %arg5[%swap3A, %swap3A_10], %add3A_9 {strides = array<i32>} : memref<4096x32xf32, #tpu.memory_space<vmem>>, vector<4096x32xf32>,
    return
  }
  func.func @transform_0(%arg0: i32, %arg1: i32) -> (i32, i32) {
    %c0_i32 = arith.constant 0 : i32
    %c0_i32_0 = arith.constant 0 : i32
    return %arg0, %c0_i32 : i32, i32
  }
  func.func @transform_1(%arg0: i32, %arg1: i32) -> (i32, i32) {
    %c0_i32 = arith.constant 0 : i32
    %c0_i32_0 = arith.constant 0 : i32
    return %arg1, %c0_i32 : i32, i32
  }
  func.func @transform_2(%arg0: i32, %arg1: i32) -> (i32, i32) {
    %c0_i32 = arith.constant 0 : i32
    %c0_i32_0 = arith.constant 0 : i32
    return %c0_i32, %arg1 : i32, i32
  }
  func.func @transform_3(%arg0: i32, %arg1: i32) -> (i32, i32) {
    %c0_i32 = arith.constant 0 : i32
    return %arg0, %arg1 : i32, i32
  }
}

module attributes {stable_mosaic.version = 14 : i64} {
  func.func @kern(%arg0: i32, %arg1: memref<4096x128xf32, #tpu.memory_space<vmem>>, %arg2: memref<2x4096x128xf32, #tpu.memory_space<vmem>>, %arg3: memref<1x64xf32, #tpu.memory_space<vmem>>, %arg4: memref<1x32xf32, #tpu.memory_space<vmem>>, %arg5: memref<4096x32xf32, #tpu.memory_space<vmem>>, %arg6: memref<4096x64xf32, #tpu.memory_space<vmem>>, %arg7: memref<4096x32xf32, #tpu.memory_space<vmem>>) attributes {dimension_semantics = [#tpu.dimension_semantics<arbitrary>], iteration_bounds = array<i64: 10>, scalar_prefetch = 0 : i64, scratch_operands = 0 : i64, tpu.core_type = #tpu.core_type<tc>, window_params = [{transform_indices = @transform_0, window_bounds = array<i64: 4096, 128>}, {transform_indices = @transform_1, window_bounds = array<i64: 2, 4096, 128>}, {pipeline_mode = #tpu.pipeline_mode<synchronous>, transform_indices = @transform_2, window_bounds = array<i64: 1, 64>}, {pipeline_mode = #tpu.pipeline_mode<synchronous>, transform_indices = @transform_3, window_bounds = array<i64: 1, 32>}, {transform_indices = @transform_4, window_bounds = array<i64: 4096, 32>}, {transform_indices = @transform_5, window_bounds = array<i64: 4096, 64>}, {transform_indices = @transform_6, window_bounds = array<i64: 4096, 32>}]} {
    %iota3A = tpu.iota {dimensions = array<i32: 0>} : vector<4096x1xi32>
    %mul3A = arith.constant 4096 : i32
    %mul3A_0 = arith.muli %arg0, %mul3A : i32
    %add3A = vector.broadcast %mul3A_0 : i32 to vector<4096x1xi32>
    %add3A_1 = arith.addi %iota3A, %add3A : vector<4096x1xi32>
    %lt3A = arith.constant 10000 : i32
    %lt3A_2 = vector.broadcast %lt3A : i32 to vector<4096x1xi32>
    %lt3A_3 = arith.cmpi slt, %add3A_1, %lt3A_2 : vector<4096x1xi32>
    %get3A = arith.constant 0 : index
    %get3A_4 = arith.constant 0 : index
    %get3A_5 = arith.constant 0 : index
    %get3A_6 = vector.load %arg2[%get3A, %get3A_4, %get3A_5] : memref<2x4096x128xf32, #tpu.memory_space<vmem>>, vector<1x4096x128xf32>
    %get3A_7 = vector.shape_cast %get3A_6 : vector<1x4096x128xf32> to vector<4096x128xf32>
    %get3A_8 = arith.constant 1 : index
    %get3A_9 = arith.constant 0 : index
    %get3A_10 = arith.constant 0 : index
    %get3A_11 = vector.load %arg2[%get3A_8, %get3A_9, %get3A_10] : memref<2x4096x128xf32, #tpu.memory_space<vmem>>, vector<1x4096x128xf32>
    %get3A_12 = vector.shape_cast %get3A_11 : vector<1x4096x128xf32> to vector<4096x128xf32>
    %add3A_13 = arith.addf %get3A_7, %get3A_12 : vector<4096x128xf32>
    %jit3A = arith.constant 0.000000e+00 : f32
    %broadcast_in_dim3A = vector.shape_cast %lt3A_3 : vector<4096x1xi1> to vector<4096x1xi1>
    %broadcast_in_dim3A_14 = vector.broadcast %broadcast_in_dim3A : vector<4096x1xi1> to vector<4096x128xi1>
    %broadcast_in_dim3A_15 = vector.broadcast %jit3A : f32 to vector<4096x128xf32>
    %select_n3A = arith.select %broadcast_in_dim3A_14, %add3A_13, %broadcast_in_dim3A_15 : vector<4096x128xi1>, vector<4096x128xf32>
    %get3A_16 = arith.constant 0 : index
    %get3A_17 = arith.constant 0 : index
    %get3A_18 = arith.constant 0 : index
    %get3A_19 = vector.load %arg2[%get3A_16, %get3A_17, %get3A_18] : memref<2x4096x128xf32, #tpu.memory_space<vmem>>, vector<1x4096x128xf32>
    %get3A_20 = vector.shape_cast %get3A_19 : vector<1x4096x128xf32> to vector<4096x128xf32>
    %slice3A = vector.extract_strided_slice %get3A_20 {offsets = [0, 127], sizes = [4096, 1], strides = [1, 1]} : vector<4096x128xf32> to vector<4096x1xf32>
    %get3A_21 = arith.constant 1 : index
    %get3A_22 = arith.constant 0 : index
    %get3A_23 = arith.constant 0 : index
    %get3A_24 = vector.load %arg2[%get3A_21, %get3A_22, %get3A_23] : memref<2x4096x128xf32, #tpu.memory_space<vmem>>, vector<1x4096x128xf32>
    %get3A_25 = vector.shape_cast %get3A_24 : vector<1x4096x128xf32> to vector<4096x128xf32>
    %slice3A_26 = vector.extract_strided_slice %get3A_25 {offsets = [0, 127], sizes = [4096, 1], strides = [1, 1]} : vector<4096x128xf32> to vector<4096x1xf32>
    %add3A_27 = arith.addf %slice3A, %slice3A_26 : vector<4096x1xf32>
    %add3A_28 = arith.constant 1.000000e+00 : f32
    %add3A_29 = vector.broadcast %add3A_28 : f32 to vector<4096x1xf32>
    %add3A_30 = arith.addf %add3A_29, %add3A_27 : vector<4096x1xf32>
    %jit3A_31 = arith.constant 1.000000e+00 : f32
    %broadcast_in_dim3A_32 = vector.broadcast %jit3A_31 : f32 to vector<4096x1xf32>
    %select_n3A_33 = arith.select %lt3A_3, %add3A_30, %broadcast_in_dim3A_32 : vector<4096x1xi1>, vector<4096x1xf32>
    %get3A_34 = arith.constant 0 : index
    %get3A_35 = arith.constant 0 : index
    %get3A_36 = vector.load %arg1[%get3A_34, %get3A_35] : memref<4096x128xf32, #tpu.memory_space<vmem>>, vector<4096x128xf32>
    %add3A_37 = arith.addf %select_n3A, %get3A_36 : vector<4096x128xf32>
    %div3A = vector.broadcast %select_n3A_33 : vector<4096x1xf32> to vector<4096x128xf32>
    %div3A_38 = arith.divf %add3A_37, %div3A : vector<4096x128xf32>
    %slice3A_39 = vector.extract_strided_slice %div3A_38 {offsets = [0, 0], sizes = [4096, 64], strides = [1, 1]} : vector<4096x128xf32> to vector<4096x64xf32>
    %get3A_40 = arith.constant 0 : index
    %get3A_41 = arith.constant 0 : index
    %get3A_42 = vector.load %arg3[%get3A_40, %get3A_41] : memref<1x64xf32, #tpu.memory_space<vmem>>, vector<1x64xf32>
    %add3A_43 = vector.broadcast %get3A_42 : vector<1x64xf32> to vector<4096x64xf32>
    %add3A_44 = arith.addf %slice3A_39, %add3A_43 : vector<4096x64xf32>
    %swap3A = arith.constant 0 : index
    %swap3A_45 = arith.constant 0 : index
    %swap3A_46 = vector.load %arg6[%swap3A, %swap3A_45] : memref<4096x64xf32, #tpu.memory_space<vmem>>, vector<4096x64xf32>
    tpu.vector_store %arg6[%swap3A, %swap3A_45], %add3A_44 {strides = array<i32>} : memref<4096x64xf32, #tpu.memory_space<vmem>>, vector<4096x64xf32>,
    %slice3A_47 = vector.extract_strided_slice %div3A_38 {offsets = [0, 64], sizes = [4096, 32], strides = [1, 1]} : vector<4096x128xf32> to vector<4096x32xf32>
    %get3A_48 = arith.constant 0 : index
    %get3A_49 = arith.constant 0 : index
    %get3A_50 = vector.load %arg4[%get3A_48, %get3A_49] : memref<1x32xf32, #tpu.memory_space<vmem>>, vector<1x32xf32>
    %add3A_51 = vector.broadcast %get3A_50 : vector<1x32xf32> to vector<4096x32xf32>
    %add3A_52 = arith.addf %slice3A_47, %add3A_51 : vector<4096x32xf32>
    %ge3A = arith.constant 0.000000e+00 : f32
    %ge3A_53 = vector.broadcast %ge3A : f32 to vector<4096x32xf32>
    %ge3A_54 = arith.cmpf oge, %add3A_52, %ge3A_53 : vector<4096x32xf32>
    %mul3A_55 = arith.constant 0.00999999977 : f32
    %mul3A_56 = vector.broadcast %mul3A_55 : f32 to vector<4096x32xf32>
    %mul3A_57 = arith.mulf %mul3A_56, %add3A_52 : vector<4096x32xf32>
    %select_n3A_58 = arith.select %ge3A_54, %add3A_52, %mul3A_57 : vector<4096x32xi1>, vector<4096x32xf32>
    %get3A_59 = arith.constant 0 : index
    %get3A_60 = arith.constant 0 : index
    %get3A_61 = vector.load %arg5[%get3A_59, %get3A_60] : memref<4096x32xf32, #tpu.memory_space<vmem>>, vector<4096x32xf32>
    %add3A_62 = arith.addf %select_n3A_58, %get3A_61 : vector<4096x32xf32>
    %swap3A_63 = arith.constant 0 : index
    %swap3A_64 = arith.constant 0 : index
    %swap3A_65 = vector.load %arg7[%swap3A_63, %swap3A_64] : memref<4096x32xf32, #tpu.memory_space<vmem>>, vector<4096x32xf32>
    tpu.vector_store %arg7[%swap3A_63, %swap3A_64], %add3A_62 {strides = array<i32>} : memref<4096x32xf32, #tpu.memory_space<vmem>>, vector<4096x32xf32>,
    return
  }
  func.func @transform_0(%arg0: i32) -> (i32, i32) {
    %c0_i32 = arith.constant 0 : i32
    %c0_i32_0 = arith.constant 0 : i32
    return %arg0, %c0_i32 : i32, i32
  }
  func.func @transform_1(%arg0: i32) -> (i32, i32, i32) {
    %min3A = arith.constant 2 : i32
    %min3A_0 = arith.minsi %arg0, %min3A : i32
    %c0_i32 = arith.constant 0 : i32
    %c0_i32_1 = arith.constant 0 : i32
    %c0_i32_2 = arith.constant 0 : i32
    return %c0_i32, %min3A_0, %c0_i32_1 : i32, i32, i32
  }
  func.func @transform_2(%arg0: i32) -> (i32, i32) {
    %c0_i32 = arith.constant 0 : i32
    %c0_i32_0 = arith.constant 0 : i32
    %c0_i32_1 = arith.constant 0 : i32
    return %c0_i32, %c0_i32_0 : i32, i32
  }
  func.func @transform_3(%arg0: i32) -> (i32, i32) {
    %c0_i32 = arith.constant 0 : i32
    %c0_i32_0 = arith.constant 0 : i32
    %c0_i32_1 = arith.constant 0 : i32
    return %c0_i32, %c0_i32_0 : i32, i32
  }
  func.func @transform_4(%arg0: i32) -> (i32, i32) {
    %c0_i32 = arith.constant 0 : i32
    %c0_i32_0 = arith.constant 0 : i32
    return %arg0, %c0_i32 : i32, i32
  }
  func.func @transform_5(%arg0: i32) -> (i32, i32) {
    %c0_i32 = arith.constant 0 : i32
    %c0_i32_0 = arith.constant 0 : i32
    return %arg0, %c0_i32 : i32, i32
  }
  func.func @transform_6(%arg0: i32) -> (i32, i32) {
    %c0_i32 = arith.constant 0 : i32
    %c0_i32_0 = arith.constant 0 : i32
    return %arg0, %c0_i32 : i32, i32
  }
}

module attributes {stable_mosaic.version = 14 : i64} {
  func.func @kern(%arg0: i32, %arg1: i32, %arg2: memref<4096x32xf32, #tpu.memory_space<vmem>>, %arg3: memref<32x128xf32, #tpu.memory_space<vmem>>, %arg4: memref<1x128xf32, #tpu.memory_space<vmem>>, %arg5: memref<4096x128xf32, #tpu.memory_space<vmem>>) attributes {dimension_semantics = [#tpu.dimension_semantics<arbitrary>, #tpu.dimension_semantics<arbitrary>], iteration_bounds = array<i64: 10, 1>, scalar_prefetch = 0 : i64, scratch_operands = 0 : i64, tpu.core_type = #tpu.core_type<tc>, window_params = [{transform_indices = @transform_0, window_bounds = array<i64: 4096, 32>}, {transform_indices = @transform_1, window_bounds = array<i64: 32, 128>}, {transform_indices = @transform_2, window_bounds = array<i64: 1, 128>}, {transform_indices = @transform_3, window_bounds = array<i64: 4096, 128>}]} {
    %get3A = arith.constant 0 : index
    %get3A_0 = arith.constant 0 : index
    %get3A_1 = vector.load %arg2[%get3A, %get3A_0] : memref<4096x32xf32, #tpu.memory_space<vmem>>, vector<4096x32xf32>
    %get3A_2 = arith.constant 0 : index
    %get3A_3 = arith.constant 0 : index
    %get3A_4 = vector.load %arg3[%get3A_2, %get3A_3] : memref<32x128xf32, #tpu.memory_space<vmem>>, vector<32x128xf32>
    %dot_general3A = arith.constant dense<0.000000e+00> : vector<4096x128xf32>
    %dot_general3A_5 = tpu.matmul %get3A_1, %get3A_4, %dot_general3A {dimension_numbers = #tpu.dot_dimension_numbers<[1], [0], [0], [1], [0, 0, 1, 1], [], []>, transpose_lhs_hint = false} : vector<4096x32xf32>, vector<32x128xf32>, vector<4096x128xf32> -> vector<4096x128xf32>
    %get3A_6 = arith.constant 0 : index
    %get3A_7 = arith.constant 0 : index
    %get3A_8 = vector.load %arg4[%get3A_6, %get3A_7] : memref<1x128xf32, #tpu.memory_space<vmem>>, vector<1x128xf32>
    %add3A = vector.broadcast %get3A_8 : vector<1x128xf32> to vector<4096x128xf32>
    %add3A_9 = arith.addf %dot_general3A_5, %add3A : vector<4096x128xf32>
    %swap3A = arith.constant 0 : index
    %swap3A_10 = arith.constant 0 : index
    %swap3A_11 = vector.load %arg5[%swap3A, %swap3A_10] : memref<4096x128xf32, #tpu.memory_space<vmem>>, vector<4096x128xf32>
    tpu.vector_store %arg5[%swap3A, %swap3A_10], %add3A_9 {strides = array<i32>} : memref<4096x128xf32, #tpu.memory_space<vmem>>, vector<4096x128xf32>,
    return
  }
  func.func @transform_0(%arg0: i32, %arg1: i32) -> (i32, i32) {
    %c0_i32 = arith.constant 0 : i32
    %c0_i32_0 = arith.constant 0 : i32
    return %arg0, %c0_i32 : i32, i32
  }
  func.func @transform_1(%arg0: i32, %arg1: i32) -> (i32, i32) {
    %c0_i32 = arith.constant 0 : i32
    %c0_i32_0 = arith.constant 0 : i32
    return %c0_i32, %arg1 : i32, i32
  }
  func.func @transform_2(%arg0: i32, %arg1: i32) -> (i32, i32) {
    %c0_i32 = arith.constant 0 : i32
    %c0_i32_0 = arith.constant 0 : i32
    return %c0_i32, %arg1 : i32, i32
  }
  func.func @transform_3(%arg0: i32, %arg1: i32) -> (i32, i32) {
    %c0_i32 = arith.constant 0 : i32
    return %arg0, %arg1 : i32, i32
  }
}

module attributes {stable_mosaic.version = 14 : i64} {
  func.func @kern(%arg0: i32, %arg1: i32, %arg2: memref<4096x32xf32, #tpu.memory_space<vmem>>, %arg3: memref<64x32xf32, #tpu.memory_space<vmem>>, %arg4: memref<1x64xf32, #tpu.memory_space<vmem>>, %arg5: memref<4096x64xf32, #tpu.memory_space<vmem>>) attributes {dimension_semantics = [#tpu.dimension_semantics<arbitrary>, #tpu.dimension_semantics<arbitrary>], iteration_bounds = array<i64: 10, 1>, scalar_prefetch = 0 : i64, scratch_operands = 0 : i64, tpu.core_type = #tpu.core_type<tc>, window_params = [{transform_indices = @transform_0, window_bounds = array<i64: 4096, 32>}, {transform_indices = @transform_1, window_bounds = array<i64: 64, 32>}, {transform_indices = @transform_2, window_bounds = array<i64: 1, 64>}, {transform_indices = @transform_3, window_bounds = array<i64: 4096, 64>}]} {
    %get3A = arith.constant 0 : index
    %get3A_0 = arith.constant 0 : index
    %get3A_1 = vector.load %arg2[%get3A, %get3A_0] : memref<4096x32xf32, #tpu.memory_space<vmem>>, vector<4096x32xf32>
    %get3A_2 = arith.constant 0 : index
    %get3A_3 = arith.constant 0 : index
    %get3A_4 = vector.load %arg3[%get3A_2, %get3A_3] : memref<64x32xf32, #tpu.memory_space<vmem>>, vector<64x32xf32>
    %dot_general3A = arith.constant dense<0.000000e+00> : vector<4096x64xf32>
    %dot_general3A_5 = tpu.matmul %get3A_1, %get3A_4, %dot_general3A {dimension_numbers = #tpu.dot_dimension_numbers<[1], [1], [0], [0], [0, 0, 1, 0], [], []>, transpose_lhs_hint = false} : vector<4096x32xf32>, vector<64x32xf32>, vector<4096x64xf32> -> vector<4096x64xf32>
    %get3A_6 = arith.constant 0 : index
    %get3A_7 = arith.constant 0 : index
    %get3A_8 = vector.load %arg4[%get3A_6, %get3A_7] : memref<1x64xf32, #tpu.memory_space<vmem>>, vector<1x64xf32>
    %add3A = vector.broadcast %get3A_8 : vector<1x64xf32> to vector<4096x64xf32>
    %add3A_9 = arith.addf %dot_general3A_5, %add3A : vector<4096x64xf32>
    %swap3A = arith.constant 0 : index
    %swap3A_10 = arith.constant 0 : index
    %swap3A_11 = vector.load %arg5[%swap3A, %swap3A_10] : memref<4096x64xf32, #tpu.memory_space<vmem>>, vector<4096x64xf32>
    tpu.vector_store %arg5[%swap3A, %swap3A_10], %add3A_9 {strides = array<i32>} : memref<4096x64xf32, #tpu.memory_space<vmem>>, vector<4096x64xf32>,
    return
  }
  func.func @transform_0(%arg0: i32, %arg1: i32) -> (i32, i32) {
    %c0_i32 = arith.constant 0 : i32
    %c0_i32_0 = arith.constant 0 : i32
    return %arg0, %c0_i32 : i32, i32
  }
  func.func @transform_1(%arg0: i32, %arg1: i32) -> (i32, i32) {
    %c0_i32 = arith.constant 0 : i32
    %c0_i32_0 = arith.constant 0 : i32
    return %arg1, %c0_i32 : i32, i32
  }
  func.func @transform_2(%arg0: i32, %arg1: i32) -> (i32, i32) {
    %c0_i32 = arith.constant 0 : i32
    %c0_i32_0 = arith.constant 0 : i32
    return %c0_i32, %arg1 : i32, i32
  }
  func.func @transform_3(%arg0: i32, %arg1: i32) -> (i32, i32) {
    %c0_i32 = arith.constant 0 : i32
    return %arg0, %arg1 : i32, i32
  }
}

module attributes {stable_mosaic.version = 14 : i64} {
  func.func @kern(%arg0: i32, %arg1: memref<4096x128xf32, #tpu.memory_space<vmem>>, %arg2: memref<2x4096x128xf32, #tpu.memory_space<vmem>>, %arg3: memref<1x64xf32, #tpu.memory_space<vmem>>, %arg4: memref<4096x64xf32, #tpu.memory_space<vmem>>, %arg5: memref<4096x64xf32, #tpu.memory_space<vmem>>) attributes {dimension_semantics = [#tpu.dimension_semantics<arbitrary>], iteration_bounds = array<i64: 10>, scalar_prefetch = 0 : i64, scratch_operands = 0 : i64, tpu.core_type = #tpu.core_type<tc>, window_params = [{transform_indices = @transform_0, window_bounds = array<i64: 4096, 128>}, {transform_indices = @transform_1, window_bounds = array<i64: 2, 4096, 128>}, {pipeline_mode = #tpu.pipeline_mode<synchronous>, transform_indices = @transform_2, window_bounds = array<i64: 1, 64>}, {transform_indices = @transform_3, window_bounds = array<i64: 4096, 64>}, {transform_indices = @transform_4, window_bounds = array<i64: 4096, 64>}]} {
    %iota3A = tpu.iota {dimensions = array<i32: 0>} : vector<4096x1xi32>
    %mul3A = arith.constant 4096 : i32
    %mul3A_0 = arith.muli %arg0, %mul3A : i32
    %add3A = vector.broadcast %mul3A_0 : i32 to vector<4096x1xi32>
    %add3A_1 = arith.addi %iota3A, %add3A : vector<4096x1xi32>
    %lt3A = arith.constant 10000 : i32
    %lt3A_2 = vector.broadcast %lt3A : i32 to vector<4096x1xi32>
    %lt3A_3 = arith.cmpi slt, %add3A_1, %lt3A_2 : vector<4096x1xi32>
    %get3A = arith.constant 0 : index
    %get3A_4 = arith.constant 0 : index
    %get3A_5 = arith.constant 0 : index
    %get3A_6 = vector.load %arg2[%get3A, %get3A_4, %get3A_5] : memref<2x4096x128xf32, #tpu.memory_space<vmem>>, vector<1x4096x128xf32>
    %get3A_7 = vector.shape_cast %get3A_6 : vector<1x4096x128xf32> to vector<4096x128xf32>
    %get3A_8 = arith.constant 1 : index
    %get3A_9 = arith.constant 0 : index
    %get3A_10 = arith.constant 0 : index
    %get3A_11 = vector.load %arg2[%get3A_8, %get3A_9, %get3A_10] : memref<2x4096x128xf32, #tpu.memory_space<vmem>>, vector<1x4096x128xf32>
    %get3A_12 = vector.shape_cast %get3A_11 : vector<1x4096x128xf32> to vector<4096x128xf32>
    %add3A_13 = arith.addf %get3A_7, %get3A_12 : vector<4096x128xf32>
    %jit3A = arith.constant 0.000000e+00 : f32
    %broadcast_in_dim3A = vector.shape_cast %lt3A_3 : vector<4096x1xi1> to vector<4096x1xi1>
    %broadcast_in_dim3A_14 = vector.broadcast %broadcast_in_dim3A : vector<4096x1xi1> to vector<4096x128xi1>
    %broadcast_in_dim3A_15 = vector.broadcast %jit3A : f32 to vector<4096x128xf32>
    %select_n3A = arith.select %broadcast_in_dim3A_14, %add3A_13, %broadcast_in_dim3A_15 : vector<4096x128xi1>, vector<4096x128xf32>
    %get3A_16 = arith.constant 0 : index
    %get3A_17 = arith.constant 0 : index
    %get3A_18 = arith.constant 0 : index
    %get3A_19 = vector.load %arg2[%get3A_16, %get3A_17, %get3A_18] : memref<2x4096x128xf32, #tpu.memory_space<vmem>>, vector<1x4096x128xf32>
    %get3A_20 = vector.shape_cast %get3A_19 : vector<1x4096x128xf32> to vector<4096x128xf32>
    %slice3A = vector.extract_strided_slice %get3A_20 {offsets = [0, 127], sizes = [4096, 1], strides = [1, 1]} : vector<4096x128xf32> to vector<4096x1xf32>
    %get3A_21 = arith.constant 1 : index
    %get3A_22 = arith.constant 0 : index
    %get3A_23 = arith.constant 0 : index
    %get3A_24 = vector.load %arg2[%get3A_21, %get3A_22, %get3A_23] : memref<2x4096x128xf32, #tpu.memory_space<vmem>>, vector<1x4096x128xf32>
    %get3A_25 = vector.shape_cast %get3A_24 : vector<1x4096x128xf32> to vector<4096x128xf32>
    %slice3A_26 = vector.extract_strided_slice %get3A_25 {offsets = [0, 127], sizes = [4096, 1], strides = [1, 1]} : vector<4096x128xf32> to vector<4096x1xf32>
    %add3A_27 = arith.addf %slice3A, %slice3A_26 : vector<4096x1xf32>
    %add3A_28 = arith.constant 1.000000e+00 : f32
    %add3A_29 = vector.broadcast %add3A_28 : f32 to vector<4096x1xf32>
    %add3A_30 = arith.addf %add3A_29, %add3A_27 : vector<4096x1xf32>
    %jit3A_31 = arith.constant 1.000000e+00 : f32
    %broadcast_in_dim3A_32 = vector.broadcast %jit3A_31 : f32 to vector<4096x1xf32>
    %select_n3A_33 = arith.select %lt3A_3, %add3A_30, %broadcast_in_dim3A_32 : vector<4096x1xi1>, vector<4096x1xf32>
    %get3A_34 = arith.constant 0 : index
    %get3A_35 = arith.constant 0 : index
    %get3A_36 = vector.load %arg1[%get3A_34, %get3A_35] : memref<4096x128xf32, #tpu.memory_space<vmem>>, vector<4096x128xf32>
    %add3A_37 = arith.addf %select_n3A, %get3A_36 : vector<4096x128xf32>
    %div3A = vector.broadcast %select_n3A_33 : vector<4096x1xf32> to vector<4096x128xf32>
    %div3A_38 = arith.divf %add3A_37, %div3A : vector<4096x128xf32>
    %slice3A_39 = vector.extract_strided_slice %div3A_38 {offsets = [0, 0], sizes = [4096, 64], strides = [1, 1]} : vector<4096x128xf32> to vector<4096x64xf32>
    %get3A_40 = arith.constant 0 : index
    %get3A_41 = arith.constant 0 : index
    %get3A_42 = vector.load %arg3[%get3A_40, %get3A_41] : memref<1x64xf32, #tpu.memory_space<vmem>>, vector<1x64xf32>
    %add3A_43 = vector.broadcast %get3A_42 : vector<1x64xf32> to vector<4096x64xf32>
    %add3A_44 = arith.addf %slice3A_39, %add3A_43 : vector<4096x64xf32>
    %ge3A = arith.constant 0.000000e+00 : f32
    %ge3A_45 = vector.broadcast %ge3A : f32 to vector<4096x64xf32>
    %ge3A_46 = arith.cmpf oge, %add3A_44, %ge3A_45 : vector<4096x64xf32>
    %mul3A_47 = arith.constant 0.00999999977 : f32
    %mul3A_48 = vector.broadcast %mul3A_47 : f32 to vector<4096x64xf32>
    %mul3A_49 = arith.mulf %mul3A_48, %add3A_44 : vector<4096x64xf32>
    %select_n3A_50 = arith.select %ge3A_46, %add3A_44, %mul3A_49 : vector<4096x64xi1>, vector<4096x64xf32>
    %get3A_51 = arith.constant 0 : index
    %get3A_52 = arith.constant 0 : index
    %get3A_53 = vector.load %arg4[%get3A_51, %get3A_52] : memref<4096x64xf32, #tpu.memory_space<vmem>>, vector<4096x64xf32>
    %add3A_54 = arith.addf %select_n3A_50, %get3A_53 : vector<4096x64xf32>
    %swap3A = arith.constant 0 : index
    %swap3A_55 = arith.constant 0 : index
    %swap3A_56 = vector.load %arg5[%swap3A, %swap3A_55] : memref<4096x64xf32, #tpu.memory_space<vmem>>, vector<4096x64xf32>
    tpu.vector_store %arg5[%swap3A, %swap3A_55], %add3A_54 {strides = array<i32>} : memref<4096x64xf32, #tpu.memory_space<vmem>>, vector<4096x64xf32>,
    return
  }
  func.func @transform_0(%arg0: i32) -> (i32, i32) {
    %c0_i32 = arith.constant 0 : i32
    %c0_i32_0 = arith.constant 0 : i32
    return %arg0, %c0_i32 : i32, i32
  }
  func.func @transform_1(%arg0: i32) -> (i32, i32, i32) {
    %min3A = arith.constant 2 : i32
    %min3A_0 = arith.minsi %arg0, %min3A : i32
    %c0_i32 = arith.constant 0 : i32
    %c0_i32_1 = arith.constant 0 : i32
    %c0_i32_2 = arith.constant 0 : i32
    return %c0_i32, %min3A_0, %c0_i32_1 : i32, i32, i32
  }
  func.func @transform_2(%arg0: i32) -> (i32, i32) {
    %c0_i32 = arith.constant 0 : i32
    %c0_i32_0 = arith.constant 0 : i32
    %c0_i32_1 = arith.constant 0 : i32
    return %c0_i32, %c0_i32_0 : i32, i32
  }
  func.func @transform_3(%arg0: i32) -> (i32, i32) {
    %c0_i32 = arith.constant 0 : i32
    %c0_i32_0 = arith.constant 0 : i32
    return %arg0, %c0_i32 : i32, i32
  }
  func.func @transform_4(%arg0: i32) -> (i32, i32) {
    %c0_i32 = arith.constant 0 : i32
    %c0_i32_0 = arith.constant 0 : i32
    return %arg0, %c0_i32 : i32, i32
  }
}

module attributes {stable_mosaic.version = 14 : i64} {
  func.func @kern(%arg0: i32, %arg1: i32, %arg2: memref<4096x64xf32, #tpu.memory_space<vmem>>, %arg3: memref<64x128xf32, #tpu.memory_space<vmem>>, %arg4: memref<1x128xf32, #tpu.memory_space<vmem>>, %arg5: memref<4096x128xf32, #tpu.memory_space<vmem>>) attributes {dimension_semantics = [#tpu.dimension_semantics<arbitrary>, #tpu.dimension_semantics<arbitrary>], iteration_bounds = array<i64: 10, 1>, scalar_prefetch = 0 : i64, scratch_operands = 0 : i64, tpu.core_type = #tpu.core_type<tc>, window_params = [{transform_indices = @transform_0, window_bounds = array<i64: 4096, 64>}, {transform_indices = @transform_1, window_bounds = array<i64: 64, 128>}, {transform_indices = @transform_2, window_bounds = array<i64: 1, 128>}, {transform_indices = @transform_3, window_bounds = array<i64: 4096, 128>}]} {
    %get3A = arith.constant 0 : index
    %get3A_0 = arith.constant 0 : index
    %get3A_1 = vector.load %arg2[%get3A, %get3A_0] : memref<4096x64xf32, #tpu.memory_space<vmem>>, vector<4096x64xf32>
    %get3A_2 = arith.constant 0 : index
    %get3A_3 = arith.constant 0 : index
    %get3A_4 = vector.load %arg3[%get3A_2, %get3A_3] : memref<64x128xf32, #tpu.memory_space<vmem>>, vector<64x128xf32>
    %dot_general3A = arith.constant dense<0.000000e+00> : vector<4096x128xf32>
    %dot_general3A_5 = tpu.matmul %get3A_1, %get3A_4, %dot_general3A {dimension_numbers = #tpu.dot_dimension_numbers<[1], [0], [0], [1], [0, 0, 1, 1], [], []>, transpose_lhs_hint = false} : vector<4096x64xf32>, vector<64x128xf32>, vector<4096x128xf32> -> vector<4096x128xf32>
    %get3A_6 = arith.constant 0 : index
    %get3A_7 = arith.constant 0 : index
    %get3A_8 = vector.load %arg4[%get3A_6, %get3A_7] : memref<1x128xf32, #tpu.memory_space<vmem>>, vector<1x128xf32>
    %add3A = vector.broadcast %get3A_8 : vector<1x128xf32> to vector<4096x128xf32>
    %add3A_9 = arith.addf %dot_general3A_5, %add3A : vector<4096x128xf32>
    %swap3A = arith.constant 0 : index
    %swap3A_10 = arith.constant 0 : index
    %swap3A_11 = vector.load %arg5[%swap3A, %swap3A_10] : memref<4096x128xf32, #tpu.memory_space<vmem>>, vector<4096x128xf32>
    tpu.vector_store %arg5[%swap3A, %swap3A_10], %add3A_9 {strides = array<i32>} : memref<4096x128xf32, #tpu.memory_space<vmem>>, vector<4096x128xf32>,
    return
  }
  func.func @transform_0(%arg0: i32, %arg1: i32) -> (i32, i32) {
    %c0_i32 = arith.constant 0 : i32
    %c0_i32_0 = arith.constant 0 : i32
    return %arg0, %c0_i32 : i32, i32
  }
  func.func @transform_1(%arg0: i32, %arg1: i32) -> (i32, i32) {
    %c0_i32 = arith.constant 0 : i32
    %c0_i32_0 = arith.constant 0 : i32
    return %c0_i32, %arg1 : i32, i32
  }
  func.func @transform_2(%arg0: i32, %arg1: i32) -> (i32, i32) {
    %c0_i32 = arith.constant 0 : i32
    %c0_i32_0 = arith.constant 0 : i32
    return %c0_i32, %arg1 : i32, i32
  }
  func.func @transform_3(%arg0: i32, %arg1: i32) -> (i32, i32) {
    %c0_i32 = arith.constant 0 : i32
    return %arg0, %arg1 : i32, i32
  }
}

module attributes {stable_mosaic.version = 14 : i64} {
  func.func @kern(%arg0: i32, %arg1: memref<4096x128xf32, #tpu.memory_space<vmem>>, %arg2: memref<2x4096x128xf32, #tpu.memory_space<vmem>>, %arg3: memref<1x64xf32, #tpu.memory_space<vmem>>, %arg4: memref<4096x64xf32, #tpu.memory_space<vmem>>, %arg5: memref<4096x64xf32, #tpu.memory_space<vmem>>) attributes {dimension_semantics = [#tpu.dimension_semantics<arbitrary>], iteration_bounds = array<i64: 10>, scalar_prefetch = 0 : i64, scratch_operands = 0 : i64, tpu.core_type = #tpu.core_type<tc>, window_params = [{transform_indices = @transform_0, window_bounds = array<i64: 4096, 128>}, {transform_indices = @transform_1, window_bounds = array<i64: 2, 4096, 128>}, {pipeline_mode = #tpu.pipeline_mode<synchronous>, transform_indices = @transform_2, window_bounds = array<i64: 1, 64>}, {transform_indices = @transform_3, window_bounds = array<i64: 4096, 64>}, {transform_indices = @transform_4, window_bounds = array<i64: 4096, 64>}]} {
    %iota3A = tpu.iota {dimensions = array<i32: 0>} : vector<4096x1xi32>
    %mul3A = arith.constant 4096 : i32
    %mul3A_0 = arith.muli %arg0, %mul3A : i32
    %add3A = vector.broadcast %mul3A_0 : i32 to vector<4096x1xi32>
    %add3A_1 = arith.addi %iota3A, %add3A : vector<4096x1xi32>
    %lt3A = arith.constant 10000 : i32
    %lt3A_2 = vector.broadcast %lt3A : i32 to vector<4096x1xi32>
    %lt3A_3 = arith.cmpi slt, %add3A_1, %lt3A_2 : vector<4096x1xi32>
    %get3A = arith.constant 0 : index
    %get3A_4 = arith.constant 0 : index
    %get3A_5 = arith.constant 0 : index
    %get3A_6 = vector.load %arg2[%get3A, %get3A_4, %get3A_5] : memref<2x4096x128xf32, #tpu.memory_space<vmem>>, vector<1x4096x128xf32>
    %get3A_7 = vector.shape_cast %get3A_6 : vector<1x4096x128xf32> to vector<4096x128xf32>
    %get3A_8 = arith.constant 1 : index
    %get3A_9 = arith.constant 0 : index
    %get3A_10 = arith.constant 0 : index
    %get3A_11 = vector.load %arg2[%get3A_8, %get3A_9, %get3A_10] : memref<2x4096x128xf32, #tpu.memory_space<vmem>>, vector<1x4096x128xf32>
    %get3A_12 = vector.shape_cast %get3A_11 : vector<1x4096x128xf32> to vector<4096x128xf32>
    %add3A_13 = arith.addf %get3A_7, %get3A_12 : vector<4096x128xf32>
    %jit3A = arith.constant 0.000000e+00 : f32
    %broadcast_in_dim3A = vector.shape_cast %lt3A_3 : vector<4096x1xi1> to vector<4096x1xi1>
    %broadcast_in_dim3A_14 = vector.broadcast %broadcast_in_dim3A : vector<4096x1xi1> to vector<4096x128xi1>
    %broadcast_in_dim3A_15 = vector.broadcast %jit3A : f32 to vector<4096x128xf32>
    %select_n3A = arith.select %broadcast_in_dim3A_14, %add3A_13, %broadcast_in_dim3A_15 : vector<4096x128xi1>, vector<4096x128xf32>
    %get3A_16 = arith.constant 0 : index
    %get3A_17 = arith.constant 0 : index
    %get3A_18 = arith.constant 0 : index
    %get3A_19 = vector.load %arg2[%get3A_16, %get3A_17, %get3A_18] : memref<2x4096x128xf32, #tpu.memory_space<vmem>>, vector<1x4096x128xf32>
    %get3A_20 = vector.shape_cast %get3A_19 : vector<1x4096x128xf32> to vector<4096x128xf32>
    %slice3A = vector.extract_strided_slice %get3A_20 {offsets = [0, 127], sizes = [4096, 1], strides = [1, 1]} : vector<4096x128xf32> to vector<4096x1xf32>
    %get3A_21 = arith.constant 1 : index
    %get3A_22 = arith.constant 0 : index
    %get3A_23 = arith.constant 0 : index
    %get3A_24 = vector.load %arg2[%get3A_21, %get3A_22, %get3A_23] : memref<2x4096x128xf32, #tpu.memory_space<vmem>>, vector<1x4096x128xf32>
    %get3A_25 = vector.shape_cast %get3A_24 : vector<1x4096x128xf32> to vector<4096x128xf32>
    %slice3A_26 = vector.extract_strided_slice %get3A_25 {offsets = [0, 127], sizes = [4096, 1], strides = [1, 1]} : vector<4096x128xf32> to vector<4096x1xf32>
    %add3A_27 = arith.addf %slice3A, %slice3A_26 : vector<4096x1xf32>
    %add3A_28 = arith.constant 1.000000e+00 : f32
    %add3A_29 = vector.broadcast %add3A_28 : f32 to vector<4096x1xf32>
    %add3A_30 = arith.addf %add3A_29, %add3A_27 : vector<4096x1xf32>
    %jit3A_31 = arith.constant 1.000000e+00 : f32
    %broadcast_in_dim3A_32 = vector.broadcast %jit3A_31 : f32 to vector<4096x1xf32>
    %select_n3A_33 = arith.select %lt3A_3, %add3A_30, %broadcast_in_dim3A_32 : vector<4096x1xi1>, vector<4096x1xf32>
    %get3A_34 = arith.constant 0 : index
    %get3A_35 = arith.constant 0 : index
    %get3A_36 = vector.load %arg1[%get3A_34, %get3A_35] : memref<4096x128xf32, #tpu.memory_space<vmem>>, vector<4096x128xf32>
    %add3A_37 = arith.addf %select_n3A, %get3A_36 : vector<4096x128xf32>
    %div3A = vector.broadcast %select_n3A_33 : vector<4096x1xf32> to vector<4096x128xf32>
    %div3A_38 = arith.divf %add3A_37, %div3A : vector<4096x128xf32>
    %slice3A_39 = vector.extract_strided_slice %div3A_38 {offsets = [0, 0], sizes = [4096, 64], strides = [1, 1]} : vector<4096x128xf32> to vector<4096x64xf32>
    %get3A_40 = arith.constant 0 : index
    %get3A_41 = arith.constant 0 : index
    %get3A_42 = vector.load %arg3[%get3A_40, %get3A_41] : memref<1x64xf32, #tpu.memory_space<vmem>>, vector<1x64xf32>
    %add3A_43 = vector.broadcast %get3A_42 : vector<1x64xf32> to vector<4096x64xf32>
    %add3A_44 = arith.addf %slice3A_39, %add3A_43 : vector<4096x64xf32>
    %get3A_45 = arith.constant 0 : index
    %get3A_46 = arith.constant 0 : index
    %get3A_47 = vector.load %arg4[%get3A_45, %get3A_46] : memref<4096x64xf32, #tpu.memory_space<vmem>>, vector<4096x64xf32>
    %add3A_48 = arith.addf %add3A_44, %get3A_47 : vector<4096x64xf32>
    %swap3A = arith.constant 0 : index
    %swap3A_49 = arith.constant 0 : index
    %swap3A_50 = vector.load %arg5[%swap3A, %swap3A_49] : memref<4096x64xf32, #tpu.memory_space<vmem>>, vector<4096x64xf32>
    tpu.vector_store %arg5[%swap3A, %swap3A_49], %add3A_48 {strides = array<i32>} : memref<4096x64xf32, #tpu.memory_space<vmem>>, vector<4096x64xf32>,
    return
  }
  func.func @transform_0(%arg0: i32) -> (i32, i32) {
    %c0_i32 = arith.constant 0 : i32
    %c0_i32_0 = arith.constant 0 : i32
    return %arg0, %c0_i32 : i32, i32
  }
  func.func @transform_1(%arg0: i32) -> (i32, i32, i32) {
    %min3A = arith.constant 2 : i32
    %min3A_0 = arith.minsi %arg0, %min3A : i32
    %c0_i32 = arith.constant 0 : i32
    %c0_i32_1 = arith.constant 0 : i32
    %c0_i32_2 = arith.constant 0 : i32
    return %c0_i32, %min3A_0, %c0_i32_1 : i32, i32, i32
  }
  func.func @transform_2(%arg0: i32) -> (i32, i32) {
    %c0_i32 = arith.constant 0 : i32
    %c0_i32_0 = arith.constant 0 : i32
    %c0_i32_1 = arith.constant 0 : i32
    return %c0_i32, %c0_i32_0 : i32, i32
  }
  func.func @transform_3(%arg0: i32) -> (i32, i32) {
    %c0_i32 = arith.constant 0 : i32
    %c0_i32_0 = arith.constant 0 : i32
    return %arg0, %c0_i32 : i32, i32
  }
  func.func @transform_4(%arg0: i32) -> (i32, i32) {
    %c0_i32 = arith.constant 0 : i32
    %c0_i32_0 = arith.constant 0 : i32
    return %arg0, %c0_i32 : i32, i32
  }
}

module attributes {stable_mosaic.version = 14 : i64} {
  func.func @kern(%arg0: i32, %arg1: memref<4096x64xf32, #tpu.memory_space<vmem>>, %arg2: memref<4096x64xf32, #tpu.memory_space<vmem>>, %arg3: memref<64x128xf32, #tpu.memory_space<vmem>>, %arg4: memref<1x64xf32, #tpu.memory_space<vmem>>, %arg5: memref<2x64xf32, #tpu.memory_space<vmem>>, %arg6: memref<1x2xf32, #tpu.memory_space<vmem>>, %arg7: memref<64x4096xf32, #tpu.memory_space<vmem>>) attributes {dimension_semantics = [#tpu.dimension_semantics<arbitrary>], iteration_bounds = array<i64: 10>, scalar_prefetch = 0 : i64, scratch_operands = 0 : i64, tpu.core_type = #tpu.core_type<tc>, window_params = [{transform_indices = @transform_0, window_bounds = array<i64: 4096, 64>}, {transform_indices = @transform_1, window_bounds = array<i64: 4096, 64>}, {pipeline_mode = #tpu.pipeline_mode<synchronous>, transform_indices = @transform_2, window_bounds = array<i64: 64, 128>}, {pipeline_mode = #tpu.pipeline_mode<synchronous>, transform_indices = @transform_3, window_bounds = array<i64: 1, 64>}, {pipeline_mode = #tpu.pipeline_mode<synchronous>, transform_indices = @transform_4, window_bounds = array<i64: 2, 64>}, {pipeline_mode = #tpu.pipeline_mode<synchronous>, transform_indices = @transform_5, window_bounds = array<i64: 1, 2>}, {transform_indices = @transform_6, window_bounds = array<i64: 64, 4096>}]} {
    %get3A = arith.constant 0 : index
    %get3A_0 = arith.constant 0 : index
    %get3A_1 = vector.load %arg1[%get3A, %get3A_0] : memref<4096x64xf32, #tpu.memory_space<vmem>>, vector<4096x64xf32>
    %get3A_2 = arith.constant 0 : index
    %get3A_3 = arith.constant 0 : index
    %get3A_4 = vector.load %arg2[%get3A_2, %get3A_3] : memref<4096x64xf32, #tpu.memory_space<vmem>>, vector<4096x64xf32>
    %concatenate3A = tpu.concatenate %get3A_1, %get3A_4 in 1 : vector<4096x64xf32>, vector<4096x64xf32> -> vector<4096x128xf32>
    %get3A_5 = arith.constant 0 : index
    %get3A_6 = arith.constant 0 : index
    %get3A_7 = vector.load %arg3[%get3A_5, %get3A_6] : memref<64x128xf32, #tpu.memory_space<vmem>>, vector<64x128xf32>
    %dot_general3A = arith.constant dense<0.000000e+00> : vector<4096x64xf32>
    %dot_general3A_8 = tpu.matmul %concatenate3A, %get3A_7, %dot_general3A {dimension_numbers = #tpu.dot_dimension_numbers<[1], [1], [0], [0], [0, 0, 1, 0], [], []>, transpose_lhs_hint = false} : vector<4096x128xf32>, vector<64x128xf32>, vector<4096x64xf32> -> vector<4096x64xf32>
    %get3A_9 = arith.constant 0 : index
    %get3A_10 = arith.constant 0 : index
    %get3A_11 = vector.load %arg4[%get3A_9, %get3A_10] : memref<1x64xf32, #tpu.memory_space<vmem>>, vector<1x64xf32>
    %add3A = vector.broadcast %get3A_11 : vector<1x64xf32> to vector<4096x64xf32>
    %add3A_12 = arith.addf %dot_general3A_8, %add3A : vector<4096x64xf32>
    %max3A = arith.constant 0.000000e+00 : f32
    %max3A_13 = vector.broadcast %max3A : f32 to vector<4096x64xf32>
    %max3A_14 = arith.maximumf %add3A_12, %max3A_13 : vector<4096x64xf32>
    %get3A_15 = arith.constant 0 : index
    %get3A_16 = arith.constant 0 : index
    %get3A_17 = vector.load %arg5[%get3A_15, %get3A_16] : memref<2x64xf32, #tpu.memory_space<vmem>>, vector<2x64xf32>
    %dot_general3A_18 = arith.constant dense<0.000000e+00> : vector<4096x2xf32>
    %dot_general3A_19 = tpu.matmul %max3A_14, %get3A_17, %dot_general3A_18 {dimension_numbers = #tpu.dot_dimension_numbers<[1], [1], [0], [0], [0, 0, 1, 0], [], []>, transpose_lhs_hint = false} : vector<4096x64xf32>, vector<2x64xf32>, vector<4096x2xf32> -> vector<4096x2xf32>
    %get3A_20 = arith.constant 0 : index
    %get3A_21 = arith.constant 0 : index
    %get3A_22 = vector.load %arg6[%get3A_20, %get3A_21] : memref<1x2xf32, #tpu.memory_space<vmem>>, vector<1x2xf32>
    %add3A_23 = vector.broadcast %get3A_22 : vector<1x2xf32> to vector<4096x2xf32>
    %add3A_24 = arith.addf %dot_general3A_19, %add3A_23 : vector<4096x2xf32>
    %reduce_max3A = arith.constant dense<0xFF800000> : vector<4096xf32>
    %reduce_max3A_25 = vector.multi_reduction <maximumf>, %add3A_24, %reduce_max3A [1] : vector<4096x2xf32> to vector<4096xf32>
    %broadcast_in_dim3A = vector.shape_cast %reduce_max3A_25 : vector<4096xf32> to vector<4096x1xf32>
    %sub3A = vector.broadcast %broadcast_in_dim3A : vector<4096x1xf32> to vector<4096x2xf32>
    %sub3A_26 = arith.subf %add3A_24, %sub3A : vector<4096x2xf32>
    %exp3A = math.exp %sub3A_26 : vector<4096x2xf32>
    %reduce_sum3A = arith.constant dense<0.000000e+00> : vector<4096xf32>
    %reduce_sum3A_27 = vector.multi_reduction <add>, %exp3A, %reduce_sum3A [1] : vector<4096x2xf32> to vector<4096xf32>
    %broadcast_in_dim3A_28 = vector.shape_cast %reduce_sum3A_27 : vector<4096xf32> to vector<4096x1xf32>
    %div3A = vector.broadcast %broadcast_in_dim3A_28 : vector<4096x1xf32> to vector<4096x2xf32>
    %div3A_29 = arith.divf %exp3A, %div3A : vector<4096x2xf32>
    %slice3A = vector.extract_strided_slice %div3A_29 {offsets = [0, 0], sizes = [4096, 1], strides = [1, 1]} : vector<4096x2xf32> to vector<4096x1xf32>
    %get3A_30 = arith.constant 0 : index
    %get3A_31 = arith.constant 0 : index
    %get3A_32 = vector.load %arg1[%get3A_30, %get3A_31] : memref<4096x64xf32, #tpu.memory_space<vmem>>, vector<4096x64xf32>
    %mul3A = vector.broadcast %slice3A : vector<4096x1xf32> to vector<4096x64xf32>
    %mul3A_33 = arith.mulf %mul3A, %get3A_32 : vector<4096x64xf32>
    %slice3A_34 = vector.extract_strided_slice %div3A_29 {offsets = [0, 1], sizes = [4096, 1], strides = [1, 1]} : vector<4096x2xf32> to vector<4096x1xf32>
    %get3A_35 = arith.constant 0 : index
    %get3A_36 = arith.constant 0 : index
    %get3A_37 = vector.load %arg2[%get3A_35, %get3A_36] : memref<4096x64xf32, #tpu.memory_space<vmem>>, vector<4096x64xf32>
    %mul3A_38 = vector.broadcast %slice3A_34 : vector<4096x1xf32> to vector<4096x64xf32>
    %mul3A_39 = arith.mulf %mul3A_38, %get3A_37 : vector<4096x64xf32>
    %add3A_40 = arith.addf %mul3A_33, %mul3A_39 : vector<4096x64xf32>
    %transpose3A = tpu.transpose %add3A_40, [1, 0] : vector<4096x64xf32> -> vector<64x4096xf32>
    %swap3A = arith.constant 0 : index
    %swap3A_41 = arith.constant 0 : index
    %swap3A_42 = vector.load %arg7[%swap3A, %swap3A_41] : memref<64x4096xf32, #tpu.memory_space<vmem>>, vector<64x4096xf32>
    tpu.vector_store %arg7[%swap3A, %swap3A_41], %transpose3A {strides = array<i32>} : memref<64x4096xf32, #tpu.memory_space<vmem>>, vector<64x4096xf32>,
    return
  }
  func.func @transform_0(%arg0: i32) -> (i32, i32) {
    %c0_i32 = arith.constant 0 : i32
    %c0_i32_0 = arith.constant 0 : i32
    return %arg0, %c0_i32 : i32, i32
  }
  func.func @transform_1(%arg0: i32) -> (i32, i32) {
    %c0_i32 = arith.constant 0 : i32
    %c0_i32_0 = arith.constant 0 : i32
    return %arg0, %c0_i32 : i32, i32
  }
  func.func @transform_2(%arg0: i32) -> (i32, i32) {
    %c0_i32 = arith.constant 0 : i32
    %c0_i32_0 = arith.constant 0 : i32
    %c0_i32_1 = arith.constant 0 : i32
    return %c0_i32, %c0_i32_0 : i32, i32
  }
  func.func @transform_3(%arg0: i32) -> (i32, i32) {
    %c0_i32 = arith.constant 0 : i32
    %c0_i32_0 = arith.constant 0 : i32
    %c0_i32_1 = arith.constant 0 : i32
    return %c0_i32, %c0_i32_0 : i32, i32
  }
  func.func @transform_4(%arg0: i32) -> (i32, i32) {
    %c0_i32 = arith.constant 0 : i32
    %c0_i32_0 = arith.constant 0 : i32
    %c0_i32_1 = arith.constant 0 : i32
    return %c0_i32, %c0_i32_0 : i32, i32
  }
  func.func @transform_5(%arg0: i32) -> (i32, i32) {
    %c0_i32 = arith.constant 0 : i32
    %c0_i32_0 = arith.constant 0 : i32
    %c0_i32_1 = arith.constant 0 : i32
    return %c0_i32, %c0_i32_0 : i32, i32
  }
  func.func @transform_6(%arg0: i32) -> (i32, i32) {
    %c0_i32 = arith.constant 0 : i32
    %c0_i32_0 = arith.constant 0 : i32
    return %c0_i32, %arg0 : i32, i32
  }
}

</mosaic_0001>

<sc_bundles>
// kernel: kernel.27.cloned.1.call-start
scs
__scs_entry_jumppad:
0x0: {  	(pc) =	sbr.rel $0x88, $3  }
0x1: {  	(tag) =	ssettag $0x0;
	lr =	simm.s32 $0x1  }
0x2: {  	[smem:$0x3F82] =	sst lr;
	_ =	strace $0xD0000000  }
0x3: {  	_ = 	snop  }
0x4: {  	_ = 	snop  }
0x5: {  	_ = 	snop  }
0x6: {  	_ = 	snop  }
0x7: {  	_ = 	snop  }
__scs_overlays_trampoline_lowered:
0x8: {  	[smem:$0x3F91] =	sst s0  }
0x9: {  	[smem:$0x3F92] =	sst s1  }
0xa: {  	[smem:$0x3F93] =	sst s2  }
0xb: {  	[smem:$0x3F94] =	sst s3  }
0xc: {  	[smem:$0x3F95] =	sst s4  }
0xd: {  	[smem:$0x3F96] =	sst s5  }
0xe: {  	[smem:$0x3F97] =	sst s6  }
0xf: {  	[smem:$0x3F98] =	sst s7  }
0x10: {  	[smem:$0x3F99] =	sst s8  }
0x11: {  	[smem:$0x3F9A] =	sst s9;
	s0 =	simm.s32 @!p0 $0x0  }
0x12: {  	s1 =	sld [smem:$0x3F80];
	s0 =	simm.s32 @p0 $0x1  }
0x13: {  	[smem:$0x3F9B] =	sst s0;
	s0 =	simm.s32 @!p1 $0x0  }
0x14: {  	s2 =	sld [smem:$0x3F7F];
	s0 =	simm.s32 @p1 $0x1  }
0x15: {  	[smem:$0x3F9C] =	sst s0;
	s0 =	simm.s32 @!p2 $0x0  }
0x16: {  	s3 =	sld [smem:$0x3FDB];
	s0 =	simm.s32 @p2 $0x1  }
0x17: {  	s4 =	simm.s32 $0x1BF5;
	[smem:$0x3F9E] =	sst s0  }
0x18: {  	s0 =	sld [smem:$0x3F81];
	_ =	swait.ge [sflag:s4], $0x0  }
0x19: {  	s7 =	sld [smem:$0x3F82]  }
0x1a: {  	s8 =	sadd.s32 $0xFFFFE003, lr  }
0x1b: {  	s9 =	sadd.s32 $0xFFFFFEF7, lr;
	s5 =	simm.s32 $0xFFFFFFFF;
	p2 =	slt.u32 s8, $0xFFFFF086  }
0x1c: {  	p1 =	slt.u32 s9, $0xF7A;
	s5 =	simm.s32 @!p2 $0x0  }
0x1d: {  	s5 =	simm.s32 @p1 $0x1;
	p0 =	seq.s32 s7, s2  }
0x1e: {  	s7 =	smul.u32 @!p0 $0xF7A, s2;
	p2 =	seq.s32 @!p0 s5, $0x0  }
0x1f: {  	s9 =	smul.u32 $0xF7A, s1;
	s8 =	simm.s32 @!p0 $0x1BF5;
	p2 =	por !p2, p0  }
0x20: {  	[sflag:s8] =	ssyncset.s32 @!p0 $0xFFFFF086;
	s6 =	sadd.s32 @!p0 s3, s7;
	s7 =	simm.s32 @!p0 $0x108  }
0x21: {  	s3 =	sadd.s32 s3, s9;
	s6 =	sadd.s32 @!p0 $0x88, s6;
	s7 =	simm.s32 @p2 $0x1082  }
0x22: {  	[simem:s7], [sflag:s8] =	dma.local @!p0 [hbm:s6], $0xF7A  }
0x23: {  	s9 =	sor.u32 $0xD0000000, s2;
	s6 =	simm.s32 $0x108;
	_ =	swait.ge @!p0 [sflag:s8], $0x0  }
0x24: {  	s3 =	sadd.s32 $0x88, s3;
	s6 =	simm.s32 @!p1 $0x1082;
	[sflag:s4] =	ssyncset.s32 $0xFFFFF086  }
0x25: {  	[simem:s6], [sflag:s4] =	dma.local [hbm:s3], $0xF7A  }
0x26: {  	[smem:$0x3F82] =	sst s1;
	(tag) =	ssettag s2;
	_ =	strace s9  }
0x27: {  	s1 =	sld [smem:$0x3F92]  }
0x28: {  	s2 =	sld [smem:$0x3F93]  }
0x29: {  	s4 =	sld [smem:$0x3F95]  }
0x2a: {  	p0 =	seq.s32 s5, $0x0;
	s5 =	sld [smem:$0x3F96]  }
0x2b: {  	s6 =	sld [smem:$0x3F97]  }
0x2c: {  	s7 =	sld [smem:$0x3F98]  }
0x2d: {  	s3 =	simm.s32 $0x108;
	s8 =	sld [smem:$0x3F99]  }
0x2e: {  	s3 =	simm.s32 @!p0 $0x1082;
	s9 =	sld [smem:$0x3F9A]  }
0x2f: {  	lr =	sadd.s32 s0, s3;
	s0 =	sld [smem:$0x3F91]  }
0x30: {  	s3 =	sld [smem:$0x3F94]  }
0x31: {  	[smem:$0x3F9D] =	sst s10  }
0x32: {  	s10 =	sld [smem:$0x3F9B];
	_ =	sdelay $0x3  }
0x33: {  	p0 =	seq.s32 s10, $0x1;
	s10 =	sld [smem:$0x3F9D];
	_ =	sdelay $0x3  }
0x34: {  	[smem:$0x3F9D] =	sst s10  }
0x35: {  	s10 =	sld [smem:$0x3F9C];
	_ =	sdelay $0x3  }
0x36: {  	p1 =	seq.s32 s10, $0x1;
	s10 =	sld [smem:$0x3F9D];
	_ =	sdelay $0x3  }
0x37: {  	[smem:$0x3F9D] =	sst s10  }
0x38: {  	s10 =	sld [smem:$0x3F9E]  }
0x39: {  	_ = 	snop;
	(pc) =	sbr.ind lr, $3  }
0x3a: {  	_ = 	snop  }
0x3b: {  	_ = 	snop  }
0x3c: {  	p2 =	seq.s32 s10, $0x1;
	s10 =	sld [smem:$0x3F9D]  }
0x3d: {  	_ =	shalt  }
0x3e: {  	_ =	shalt  }
0x3f: {  	_ =	shalt  }
0x40: {  	_ =	shalt  }
0x41: {  	_ =	shalt  }
0x42: {  	_ =	shalt  }
0x43: {  	_ =	shalt  }
0x44: {  	_ =	shalt  }
0x45: {  	_ =	shalt  }
0x46: {  	_ =	shalt  }
0x47: {  	_ =	shalt  }
0x48: {  	_ =	shalt  }
0x49: {  	_ =	shalt  }
0x4a: {  	_ =	shalt  }
0x4b: {  	_ =	shalt  }
0x4c: {  	_ =	shalt  }
0x4d: {  	_ =	shalt  }
0x4e: {  	_ =	shalt  }
0x4f: {  	_ =	shalt  }
0x50: {  	_ =	shalt  }
0x51: {  	_ =	shalt  }
0x52: {  	_ =	shalt  }
0x53: {  	_ =	shalt  }
0x54: {  	_ =	shalt  }
0x55: {  	_ =	shalt  }
0x56: {  	_ =	shalt  }
0x57: {  	_ =	shalt  }
0x58: {  	_ =	shalt  }
0x59: {  	_ =	shalt  }
0x5a: {  	_ =	shalt  }
0x5b: {  	_ =	shalt  }
0x5c: {  	_ =	shalt  }
0x5d: {  	_ =	shalt  }
0x5e: {  	_ =	shalt  }
0x5f: {  	_ =	shalt  }
0x60: {  	_ =	shalt  }
0x61: {  	_ =	shalt  }
0x62: {  	_ =	shalt  }
0x63: {  	_ =	shalt  }
0x64: {  	_ =	shalt  }
0x65: {  	_ =	shalt  }
0x66: {  	_ =	shalt  }
0x67: {  	_ =	shalt  }
0x68: {  	_ =	shalt  }
0x69: {  	_ =	shalt  }
0x6a: {  	_ =	shalt  }
0x6b: {  	_ =	shalt  }
0x6c: {  	_ =	shalt  }
0x6d: {  	_ =	shalt  }
0x6e: {  	_ =	shalt  }
0x6f: {  	_ =	shalt  }
0x70: {  	_ =	shalt  }
0x71: {  	_ =	shalt  }
0x72: {  	_ =	shalt  }
0x73: {  	_ =	shalt  }
0x74: {  	_ =	shalt  }
0x75: {  	_ =	shalt  }
0x76: {  	_ =	shalt  }
0x77: {  	_ =	shalt  }
0x78: {  	_ =	shalt  }
0x79: {  	_ =	shalt  }
0x7a: {  	_ =	shalt  }
0x7b: {  	_ =	shalt  }
0x7c: {  	_ =	shalt  }
0x7d: {  	_ =	shalt  }
0x7e: {  	_ =	shalt  }
0x7f: {  	_ =	shalt  }
0x80: {  	_ =	shalt  }
0x81: {  	_ =	shalt  }
0x82: {  	_ =	shalt  }
0x83: {  	_ =	shalt  }
0x84: {  	_ =	shalt  }
0x85: {  	_ =	shalt  }
0x86: {  	_ =	shalt  }
0x87: {  	_ =	shalt  }
.Lfunc_end0:
.L_simem_size_0:
called_computation_lowered:
.L_overlay_start_0:
0x88: {  	s2 =	sld [smem:$0x3FD9]  }
0x89: {  	s3 =	sld [smem:$0x3FFE];
	_ =	sdelay $0x1  }
0x8a: {  	s1 =	srdreg.scid  }
0x8b: {  	s0 =	sand.u32 $0x1, s1  }
0x8c: {  	s17 =	sshll.u32 s0, $0xA;
	s2 =	sadd.s32 s3, s2  }
0x8d: {  	s2 =	sadd.s32 s2, s17  }
0x8e: {  	[smem:$0x3FA9] =	sst s2  }
0x8f: {  	_ = 	snop  }
0x90: {  	(tm) =	ssettm $0x1  }
0x91: {  	s18 =	sld [smem:$0x3FFB];
	_ =	sdelay $0x3  }
0x92: {  	_ =	strace s18  }
0x93: {  	s2 =	sld [smem:$0x3FFC];
	_ =	sdelay $0x3  }
0x94: {  	_ =	strace s2  }
0x95: {  	s2 =	sld [smem:$0x3FFD];
	_ =	sdelay $0x3  }
0x96: {  	_ =	strace s2  }
0x97: {  	_ =	strace $0x8FFFFFFF  }
0x98: {  	s19 =	sld [smem:$0x3FDB];
	_ =	sdelay $0x1  }
0x99: {  	s20 =	simm.s32 $_scs_section_size  }
0x9a: {  	s4 =	simm.s32 $_size__tile_overlayer_lowered;
	s5 =	simm.s32 $_tile_overlayer_lowered  }
0x9b: {  	s6 =	simm.s32 $0x1BFF;
	s21 =	sshll.u32 s5, $0x1;
	s3 =	sadd.s32 s20, s19  }
0x9c: {  	s22 =	simm.s32 $0x0;
	s4 =	sshll.u32 s4, $0x1;
	s5 =	sadd.s32 s21, s3  }
0x9d: {  	[timem:s22], [sflag:s6] =	dma.local [hbm:s5], s4  }
0x9e: {  	_ =	swait.ge [sflag:s6], s4  }
0x9f: {  	s4 =	ssub.s32 $0x0, s4;
	[sflag:s6] =	ssyncset.done $0x0  }
0xa0: {  	[sflag:s6] =	ssyncadd.s32 s4;
	_ =	sdelay $0x1  }
0xa1: {  	s23 =	simm.s32 $0x1B8B  }
0xa2: {  	_ =	swait.ge [sflag:s23], $0x1  }
0xa3: {  	[sflag:s23] =	ssyncset.done $0x0  }
0xa4: {  	[sflag:s23] =	ssyncadd.s32 $0xFFFFFFFF  }
0xa5: {  	s4 =	sld [smem:$0x0]  }
0xa6: {  	s5 =	sand.u32 $0xFFFFFFFE, s1  }
0xa7: {  	p0 =	sne.s32 s1, s5  }
0xa8: {  	s5 =	sshll.u32 @p0 s5, $0xE  }
0xa9: {  	s5 =	sadd.s32 @p0 $0x11B8D, s5;
	s6 =	sshll.u32 @p0 s4, $0x11  }
0xaa: {  	s5 =	sor.u32 @p0 s6, s5  }
0xab: {  	[sflag:s5] =	ssyncadd.remote.s32 @p0 $0x1;
	_ =	sdelay $0x1  }
0xac: {  	s5 =	simm.s32 @p0 $0x1B8D  }
0xad: {  	_ =	swait.eq @p0 [sflag:s5], $0x1  }
0xae: {  	[sflag:s5] =	ssyncadd.s32 @p0 $0xFFFFFFFF  }
0xaf: {  	s6 =	sshll.u32 @!p0 s1, $0xE  }
0xb0: {  	s6 =	sor.u32 @!p0 $0x4000, s6;
	s5 =	simm.s32 @!p0 $0x1B8D  }
0xb1: {  	s4 =	sshll.u32 @!p0 s4, $0x11;
	s6 =	sadd.s32 @!p0 $0x11B8D, s6;
	_ =	swait.eq @!p0 [sflag:s5], $0x1  }
0xb2: {  	s4 =	sor.u32 @!p0 s4, s6;
	[sflag:s5] =	ssyncadd.s32 @!p0 $0xFFFFFFFF  }
0xb3: {  	s25 =	simm.s32 $0x1B8E;
	s24 =	sld [smem:$0x3FFE];
	[sflag:s4] =	ssyncadd.remote.s32 @!p0 $0x1  }
0xb4: {  	s26 =	simm.s32 $execute0_lowered;
	[smem:$0x3FD2] =	sst s25  }
0xb5: {  	s5 =	sshll.u32 s26, $0x1;
	_ =	strace $0x80000049;
	[dreg:$0x1] =	wrdreg $0xFFFFFFFF  }
0xb6: {  	s28 =	simm.s32 $_size_execute0_lowered;
	s3 =	sadd.s32 s3, s5;
	[dreg:$0x0] =	wrdreg $0x0  }
0xb7: {  	s5 =	sshll.u32 s28, $0x1;
	[dreg:$0x2] =	wrdreg s3  }
0xb8: {  	[dreg:$0x3] =	wrdreg s5  }
0xb9: {  	[dreg:$0x4] =	wrdreg $0xC0  }
0xba: {  	_ =	task [dreg:s22], $0x5FFFF  }
0xbb: {  	[dreg:$0x1] =	wrdreg $0xFFFFFFFF  }
0xbc: {  	[dreg:$0x0] =	wrdreg $0x60  }
0xbd: {  	[dreg:$0x2] =	wrdreg s24  }
0xbe: {  	[dreg:$0x3] =	wrdreg $0x40800  }
0xbf: {  	[dreg:$0x4] =	wrdreg $0xA  }
0xc0: {  	_ =	task.clear_ibuf [dreg:s22], $0x5FFFF;
	_ =	strace $0x90000049  }
0xc1: {  	s29 =	simm.s32 $0xA;
	_ =	strace $0x8000004B  }
0xc2: {  	_ =	swait.ge [sflag:s29], $0x1  }
0xc3: {  	[sflag:s29] =	ssyncadd.s32 $0xFFFFFFFF  }
0xc4: {  	_ =	strace $0x9000004B  }
0xc5: {  	_ =	sfence  }
0xc6: {  	s30 =	sld [smem:$0x0];
	_ =	sdelay $0x2  }
0xc7: {  	s31 =	sshll.u32 s1, $0xD;
	s1 =	sshrl.u32 s1, $0x2  }
0xc8: {  	s4 =	sand.u32 $0x4000, s31;
	s1 =	sadd.s32 s1, s30  }
0xc9: {  	s0 =	sor.u32 s4, s0;
	s1 =	sshll.u32 s1, $0x11  }
0xca: {  	s0 =	sor.u32 s1, s0  }
0xcb: {  	s0 =	sadd.s32 $0x8F2B, s0  }
0xcc: {  	[sflag:s0] =	ssyncadd.remote.s32 $0x1  }
0xcd: {  	_ =	sfence.sel $0xFFFF  }
0xce: {  	[dreg:$0x0] =	wrdreg $0xFFFFFFFF;
	(pc) =	sbr.abs _section_cstart, $3  }
0xcf: {  	[dreg:$0x1] =	wrdreg $0xFFFFFFFF  }
0xd0: {  	_ =	task.clear_ibuf [dreg:s22], $0x2FFFF;
	_ =	strace $0x9FFFFFFF  }
0xd1: {  	(tm) =	ssettm $0x7FFFFFFF  }
tec
execute0_lowered:
.L_overlay_start_1:
0x0: {  	(tag) =	ssettag $0x1  }
0x1: {  	s15 =	rddreg [dreg:$0x0]  }
0x2: {  	s2 =	rddreg [dreg:$0x1]  }
0x3: {  	s0 =	rddreg [dreg:$0x2];
	s1 =	stileid.u32  }
0x4: {  	s3 =	simm.s32 $0x0;
	s4 =	srdreg.scid;
	s16 =	smul.u32 $0x1800, s1  }
0x5: {  	s6 =	simm.s32 $0x80;
	[smem:$0x7FF] =	sst s3;
	s5 =	smul.u32 $0x6000, s1  }
0x6: {  	s17 =	sand.u32 $0x1, s4;
	s4 =	sadd.s32 $0x1A600, s15;
	_ =	strace $0x8000004A  }
0x7: {  	s7 =	sshrl.u32 s16, $0x3;
	s8 =	sshrl.u32 s5, $0x2;
	s5 =	simm.s32 $0x2  }
0x8: {  	[tilespmem:s6], [sflag:$0x2] =	stream.linear.gather [hbm4b:s4+s3], $0x4000, $0x38;
	[tilespmem:$0x5880] =	vst v63  }
0x9: {  	s29 =	sshll.u32 s1, $0x6;
	s7 =	sadd.s32 s7, s15;
	_ =	swait.ge [sflag:s5], $0x4000  }
0xa: {  	s9 =	sadd.s32 s8, s2;
	s8 =	sor.u32 $0x1C02, s29;
	[sflag:s5] =	ssyncset.done $0x0  }
0xb: {  	s7 =	sadd.s32 $0x1AE00, s7;
	s9 =	sshrl.u32 s9, $0x3;
	[sflag:s5] =	ssyncadd.s32 $0xFFFFC000  }
0xc: {  	[spmem:s9], [sflag:s8] =	dma.local [hbm:s7], $0x300  }
0xd: {  	s10 =	sshll.u32 s17, $0x6;
	_ =	swait.ge [sflag:s5], $0x300  }
0xe: {  	s11 =	sshll.u32 s1, $0x7;
	s10 =	sadd.s32 s10, s15;
	[sflag:s5] =	ssyncset.done $0x0  }
0xf: {  	s14 =	sadd.s32 s11, s10;
	[sflag:s5] =	ssyncadd.s32 $0xFFFFFD00  }
0x10: {  	s10 =	sadd.s32 $0x19E00, s14;
	[bflag:$0x0] =	sbarrier.arrive $0xFFFF  }
0x11: {  	[tilespmem:s3], [sflag:$0x2] =	stream.linear.gather [hbm4b:s10+s3], $0x80, $0x38;
	[tilespmem:$0x5880] =	vst v63  }
0x12: {  	_ =	swait.ge [sflag:s5], $0x80  }
0x13: {  	[sflag:s5] =	ssyncset.done $0x0  }
0x14: {  	s11 =	simm.s32 $0x1;
	[sflag:s5] =	ssyncadd.s32 $0xFFFFFF80  }
0x15: {  	[spmem:s2] =	stream.indirect.scatter.add.f32 [tilespmem:s6], [sflag:$0x1], $0x80, s3, s6, $0xb8;
	[tilespmem:$0x5880] =	vst v63  }
0x16: {  	_ =	swait.ge [sflag:s11], $0x4000  }
0x17: {  	[sflag:s11] =	ssyncset.done $0x0  }
0x18: {  	s12 =	sadd.s32 $0x19E10, s14;
	[sflag:s11] =	ssyncadd.s32 $0xFFFFC000  }
0x19: {  	[tilespmem:s3], [sflag:$0x2] =	stream.linear.gather [hbm4b:s12+s3], $0x80, $0x38;
	[tilespmem:$0x5880] =	vst v63  }
0x1a: {  	_ =	swait.ge [sflag:s5], $0x80  }
0x1b: {  	[sflag:s5] =	ssyncset.done $0x0  }
0x1c: {  	[sflag:s5] =	ssyncadd.s32 $0xFFFFFF80  }
0x1d: {  	[spmem:s2] =	stream.indirect.scatter.add.f32 [tilespmem:s6], [sflag:$0x1], $0x80, s3, s6, $0xb8;
	[tilespmem:$0x5880] =	vst v63  }
0x1e: {  	_ =	swait.ge [sflag:s11], $0x4000  }
0x1f: {  	[sflag:s11] =	ssyncset.done $0x0  }
0x20: {  	s13 =	sadd.s32 $0x19E20, s14;
	[sflag:s11] =	ssyncadd.s32 $0xFFFFC000  }
0x21: {  	[tilespmem:s3], [sflag:$0x2] =	stream.linear.gather [hbm4b:s13+s3], $0x80, $0x38;
	[tilespmem:$0x5880] =	vst v63  }
0x22: {  	_ =	swait.ge [sflag:s5], $0x80  }
0x23: {  	[sflag:s5] =	ssyncset.done $0x0  }
0x24: {  	[sflag:s5] =	ssyncadd.s32 $0xFFFFFF80  }
0x25: {  	[spmem:s2] =	stream.indirect.scatter.add.f32 [tilespmem:s6], [sflag:$0x1], $0x80, s3, s6, $0xb8;
	[tilespmem:$0x5880] =	vst v63  }
0x26: {  	_ =	swait.ge [sflag:s11], $0x4000  }
0x27: {  	[sflag:s11] =	ssyncset.done $0x0  }
0x28: {  	s18 =	smul.u32 $0x18000, s17;
	s14 =	sadd.s32 $0x19E30, s14;
	[sflag:s11] =	ssyncadd.s32 $0xFFFFC000  }
0x29: {  	[tilespmem:s3], [sflag:$0x2] =	stream.linear.gather [hbm4b:s14+s3], $0x80, $0x38;
	[tilespmem:$0x5880] =	vst v63  }
0x2a: {  	s17 =	ssub.s32 $0x2, s17;
	_ =	swait.ge [sflag:s5], $0x80  }
0x2b: {  	s30 =	sshrl.u32 s17, $0x1;
	s16 =	sadd.s32 s16, s18;
	[sflag:s5] =	ssyncset.done $0x0  }
0x2c: {  	s31 =	ssub.s32 s17, s30;
	s16 =	sshrl.u32 s16, $0x3;
	[sflag:s5] =	ssyncadd.s32 $0xFFFFFF80  }
0x2d: {  	[spmem:s2] =	stream.indirect.scatter.add.f32 [tilespmem:s6], [sflag:$0x1], $0x80, s3, s6, $0xb8;
	[tilespmem:$0x5880] =	vst v63  }
0x2e: {  	s15 =	sadd.s32 s16, s15;
	s16 =	smax.u32 s31, $0x1;
	_ =	swait.ge [sflag:s11], $0x4000  }
0x2f: {  	p0 =	sne.s32 s16, $0x1;
	[sflag:s11] =	ssyncset.done $0x0  }
.Ltmp0:
0x30: {  	[sflag:s11] =	ssyncadd.s32 $0xFFFFC000;
	(pc) =	sbr.rel @!p0 .LBB2_2-.Ltmp0, $4  }
0x31: {  	s15 =	sadd.s32 $0x1DE00, s15;
	[bflag:$0x0] =	sbarrier.arrive $0xFFFF  }
0x32: {  	[hbm:s15], [sflag:s8] =	dma.local [spmem:s9], $0x300  }
0x33: {  	_ =	swait.ge [sflag:s5], $0x300  }
0x34: {  	s16 =	sadd.s32 $0xFFFFFFFF, s16;
	[sflag:s5] =	ssyncset.done $0x0  }
.LBB2_1:
0x35: {  	p0 =	sne.s32 s16, $0x1;
	s16 =	sadd.s32 $0xFFFFFFFF, s16;
	[sflag:s5] =	ssyncadd.s32 $0xFFFFFD00  }
0x36: {  	[tilespmem:s6], [sflag:$0x2] =	stream.linear.gather [hbm4b:s4+s3], $0x4000, $0x38;
	[tilespmem:$0x5880] =	vst v63  }
0x37: {  	_ =	swait.ge [sflag:s5], $0x4000  }
0x38: {  	[sflag:s5] =	ssyncset.done $0x0  }
0x39: {  	[sflag:s5] =	ssyncadd.s32 $0xFFFFC000  }
0x3a: {  	[spmem:s9], [sflag:s8] =	dma.local [hbm:s7], $0x300  }
0x3b: {  	_ =	swait.ge [sflag:s5], $0x300  }
0x3c: {  	[sflag:s5] =	ssyncset.done $0x0  }
0x3d: {  	[sflag:s5] =	ssyncadd.s32 $0xFFFFFD00  }
0x3e: {  	[bflag:$0x0] =	sbarrier.arrive $0xFFFF  }
0x3f: {  	[tilespmem:s3], [sflag:$0x2] =	stream.linear.gather [hbm4b:s10+s3], $0x80, $0x38;
	[tilespmem:$0x5880] =	vst v63  }
0x40: {  	_ =	swait.ge [sflag:s5], $0x80  }
0x41: {  	[sflag:s5] =	ssyncset.done $0x0  }
0x42: {  	[sflag:s5] =	ssyncadd.s32 $0xFFFFFF80  }
0x43: {  	[spmem:s2] =	stream.indirect.scatter.add.f32 [tilespmem:s6], [sflag:$0x1], $0x80, s3, s6, $0xb8;
	[tilespmem:$0x5880] =	vst v63  }
0x44: {  	_ =	swait.ge [sflag:s11], $0x4000  }
0x45: {  	[sflag:s11] =	ssyncset.done $0x0  }
0x46: {  	[sflag:s11] =	ssyncadd.s32 $0xFFFFC000  }
0x47: {  	[tilespmem:s3], [sflag:$0x2] =	stream.linear.gather [hbm4b:s12+s3], $0x80, $0x38;
	[tilespmem:$0x5880] =	vst v63  }
0x48: {  	_ =	swait.ge [sflag:s5], $0x80  }
0x49: {  	[sflag:s5] =	ssyncset.done $0x0  }
0x4a: {  	[sflag:s5] =	ssyncadd.s32 $0xFFFFFF80  }
0x4b: {  	[spmem:s2] =	stream.indirect.scatter.add.f32 [tilespmem:s6], [sflag:$0x1], $0x80, s3, s6, $0xb8;
	[tilespmem:$0x5880] =	vst v63  }
0x4c: {  	_ =	swait.ge [sflag:s11], $0x4000  }
0x4d: {  	[sflag:s11] =	ssyncset.done $0x0  }
0x4e: {  	[sflag:s11] =	ssyncadd.s32 $0xFFFFC000  }
0x4f: {  	[tilespmem:s3], [sflag:$0x2] =	stream.linear.gather [hbm4b:s13+s3], $0x80, $0x38;
	[tilespmem:$0x5880] =	vst v63  }
0x50: {  	_ =	swait.ge [sflag:s5], $0x80  }
0x51: {  	[sflag:s5] =	ssyncset.done $0x0  }
0x52: {  	[sflag:s5] =	ssyncadd.s32 $0xFFFFFF80  }
0x53: {  	[spmem:s2] =	stream.indirect.scatter.add.f32 [tilespmem:s6], [sflag:$0x1], $0x80, s3, s6, $0xb8;
	[tilespmem:$0x5880] =	vst v63  }
0x54: {  	_ =	swait.ge [sflag:s11], $0x4000  }
0x55: {  	[sflag:s11] =	ssyncset.done $0x0  }
0x56: {  	[sflag:s11] =	ssyncadd.s32 $0xFFFFC000  }
0x57: {  	[tilespmem:s3], [sflag:$0x2] =	stream.linear.gather [hbm4b:s14+s3], $0x80, $0x38;
	[tilespmem:$0x5880] =	vst v63  }
0x58: {  	_ =	swait.ge [sflag:s5], $0x80  }
0x59: {  	[sflag:s5] =	ssyncset.done $0x0  }
0x5a: {  	[sflag:s5] =	ssyncadd.s32 $0xFFFFFF80  }
0x5b: {  	[spmem:s2] =	stream.indirect.scatter.add.f32 [tilespmem:s6], [sflag:$0x1], $0x80, s3, s6, $0xb8;
	[tilespmem:$0x5880] =	vst v63  }
0x5c: {  	_ =	swait.ge [sflag:s11], $0x4000  }
0x5d: {  	[sflag:s11] =	ssyncset.done $0x0  }
.Ltmp1:
0x5e: {  	[sflag:s11] =	ssyncadd.s32 $0xFFFFC000;
	(pc) =	sbr.rel @p0 .LBB2_1-.Ltmp1, $4  }
0x5f: {  	[bflag:$0x0] =	sbarrier.arrive $0xFFFF  }
0x60: {  	[hbm:s15], [sflag:s8] =	dma.local [spmem:s9], $0x300  }
0x61: {  	_ =	swait.ge [sflag:s5], $0x300  }
0x62: {  	[sflag:s5] =	ssyncset.done $0x0  }
.LBB2_2:
0x63: {  	[sflag:s5] =	ssyncadd.s32 $0xFFFFFD00  }
0x64: {  	_ =	sfence.sel $0x180000  }
0x65: {  	[bflag:$0x0] =	sbarrier.arrive $0xFFFF  }
0x66: {  	p0 =	sne.s32 s1, $0x0;
	_ =	strace $0x9000004A  }
0x67: {  	s0 =	sadd.s32 @!p0 $0x100000, s0;
	[bflag:$0x2] =	sbarrier.arrive $0xFFFF  }
0x68: {  	[sflag:s0] =	ssyncadd.tile.s32 @!p0 $0x1;
	_ =	shalt  }
.Lfunc_end2:
_tile_overlayer_lowered:
.L_overlay_start_2:
0x69: {  	(tag) =	ssettag $0x2  }
0x6a: {  	s0 =	rddreg [dreg:$0x0];
	s2 =	stileid.u32  }
0x6b: {  	s1 =	rddreg [dreg:$0x1];
	p0 =	sne.s32 s2, $0x0  }
0x6c: {  	s3 =	rddreg [dreg:$0x2];
	[bflag:$0x3] =	sbarrier.arrive $0xFFFF;
	s2 =	simm.s32 @!p0 $0x1C02  }
0x6d: {  	[timem:s3], [sflag:s2] =	dma.local @!p0 [hbm:s0], s1  }
0x6e: {  	s0 =	simm.s32 @!p0 $0x2  }
0x6f: {  	_ =	swait.ge @!p0 [sflag:s0], s1  }
0x70: {  	s1 =	ssub.s32 @!p0 $0x0, s1;
	[sflag:s0] =	ssyncset.done @!p0 $0x0  }
0x71: {  	[sflag:s0] =	ssyncadd.s32 @!p0 s1  }
0x72: {  	[bflag:$0x3] =	sbarrier.arrive $0xFFFF  }
0x73: {  	_ =	shalt  }

// kernel: kernel.30.cloned.1.call-start
scs
__scs_entry_jumppad:
0x0: {  	(pc) =	sbr.rel $0x88, $3  }
0x1: {  	(tag) =	ssettag $0x0;
	lr =	simm.s32 $0x1  }
0x2: {  	[smem:$0x3F82] =	sst lr;
	_ =	strace $0xD0000000  }
0x3: {  	_ = 	snop  }
0x4: {  	_ = 	snop  }
0x5: {  	_ = 	snop  }
0x6: {  	_ = 	snop  }
0x7: {  	_ = 	snop  }
__scs_overlays_trampoline_lowered:
0x8: {  	[smem:$0x3F91] =	sst s0  }
0x9: {  	[smem:$0x3F92] =	sst s1  }
0xa: {  	[smem:$0x3F93] =	sst s2  }
0xb: {  	[smem:$0x3F94] =	sst s3  }
0xc: {  	[smem:$0x3F95] =	sst s4  }
0xd: {  	[smem:$0x3F96] =	sst s5  }
0xe: {  	[smem:$0x3F97] =	sst s6  }
0xf: {  	[smem:$0x3F98] =	sst s7  }
0x10: {  	[smem:$0x3F99] =	sst s8  }
0x11: {  	[smem:$0x3F9A] =	sst s9;
	s0 =	simm.s32 @!p0 $0x0  }
0x12: {  	s1 =	sld [smem:$0x3F80];
	s0 =	simm.s32 @p0 $0x1  }
0x13: {  	[smem:$0x3F9B] =	sst s0;
	s0 =	simm.s32 @!p1 $0x0  }
0x14: {  	s2 =	sld [smem:$0x3F7F];
	s0 =	simm.s32 @p1 $0x1  }
0x15: {  	[smem:$0x3F9C] =	sst s0;
	s0 =	simm.s32 @!p2 $0x0  }
0x16: {  	s3 =	sld [smem:$0x3FDB];
	s0 =	simm.s32 @p2 $0x1  }
0x17: {  	s4 =	simm.s32 $0x1BF5;
	[smem:$0x3F9E] =	sst s0  }
0x18: {  	s0 =	sld [smem:$0x3F81];
	_ =	swait.ge [sflag:s4], $0x0  }
0x19: {  	s7 =	sld [smem:$0x3F82]  }
0x1a: {  	s8 =	sadd.s32 $0xFFFFE003, lr  }
0x1b: {  	s9 =	sadd.s32 $0xFFFFFEF7, lr;
	s5 =	simm.s32 $0xFFFFFFFF;
	p2 =	slt.u32 s8, $0xFFFFF086  }
0x1c: {  	p1 =	slt.u32 s9, $0xF7A;
	s5 =	simm.s32 @!p2 $0x0  }
0x1d: {  	s5 =	simm.s32 @p1 $0x1;
	p0 =	seq.s32 s7, s2  }
0x1e: {  	s7 =	smul.u32 @!p0 $0xF7A, s2;
	p2 =	seq.s32 @!p0 s5, $0x0  }
0x1f: {  	s9 =	smul.u32 $0xF7A, s1;
	s8 =	simm.s32 @!p0 $0x1BF5;
	p2 =	por !p2, p0  }
0x20: {  	[sflag:s8] =	ssyncset.s32 @!p0 $0xFFFFF086;
	s6 =	sadd.s32 @!p0 s3, s7;
	s7 =	simm.s32 @!p0 $0x108  }
0x21: {  	s3 =	sadd.s32 s3, s9;
	s6 =	sadd.s32 @!p0 $0x88, s6;
	s7 =	simm.s32 @p2 $0x1082  }
0x22: {  	[simem:s7], [sflag:s8] =	dma.local @!p0 [hbm:s6], $0xF7A  }
0x23: {  	s9 =	sor.u32 $0xD0000000, s2;
	s6 =	simm.s32 $0x108;
	_ =	swait.ge @!p0 [sflag:s8], $0x0  }
0x24: {  	s3 =	sadd.s32 $0x88, s3;
	s6 =	simm.s32 @!p1 $0x1082;
	[sflag:s4] =	ssyncset.s32 $0xFFFFF086  }
0x25: {  	[simem:s6], [sflag:s4] =	dma.local [hbm:s3], $0xF7A  }
0x26: {  	[smem:$0x3F82] =	sst s1;
	(tag) =	ssettag s2;
	_ =	strace s9  }
0x27: {  	s1 =	sld [smem:$0x3F92]  }
0x28: {  	s2 =	sld [smem:$0x3F93]  }
0x29: {  	s4 =	sld [smem:$0x3F95]  }
0x2a: {  	p0 =	seq.s32 s5, $0x0;
	s5 =	sld [smem:$0x3F96]  }
0x2b: {  	s6 =	sld [smem:$0x3F97]  }
0x2c: {  	s7 =	sld [smem:$0x3F98]  }
0x2d: {  	s3 =	simm.s32 $0x108;
	s8 =	sld [smem:$0x3F99]  }
0x2e: {  	s3 =	simm.s32 @!p0 $0x1082;
	s9 =	sld [smem:$0x3F9A]  }
0x2f: {  	lr =	sadd.s32 s0, s3;
	s0 =	sld [smem:$0x3F91]  }
0x30: {  	s3 =	sld [smem:$0x3F94]  }
0x31: {  	[smem:$0x3F9D] =	sst s10  }
0x32: {  	s10 =	sld [smem:$0x3F9B];
	_ =	sdelay $0x3  }
0x33: {  	p0 =	seq.s32 s10, $0x1;
	s10 =	sld [smem:$0x3F9D];
	_ =	sdelay $0x3  }
0x34: {  	[smem:$0x3F9D] =	sst s10  }
0x35: {  	s10 =	sld [smem:$0x3F9C];
	_ =	sdelay $0x3  }
0x36: {  	p1 =	seq.s32 s10, $0x1;
	s10 =	sld [smem:$0x3F9D];
	_ =	sdelay $0x3  }
0x37: {  	[smem:$0x3F9D] =	sst s10  }
0x38: {  	s10 =	sld [smem:$0x3F9E]  }
0x39: {  	_ = 	snop;
	(pc) =	sbr.ind lr, $3  }
0x3a: {  	_ = 	snop  }
0x3b: {  	_ = 	snop  }
0x3c: {  	p2 =	seq.s32 s10, $0x1;
	s10 =	sld [smem:$0x3F9D]  }
0x3d: {  	_ =	shalt  }
0x3e: {  	_ =	shalt  }
0x3f: {  	_ =	shalt  }
0x40: {  	_ =	shalt  }
0x41: {  	_ =	shalt  }
0x42: {  	_ =	shalt  }
0x43: {  	_ =	shalt  }
0x44: {  	_ =	shalt  }
0x45: {  	_ =	shalt  }
0x46: {  	_ =	shalt  }
0x47: {  	_ =	shalt  }
0x48: {  	_ =	shalt  }
0x49: {  	_ =	shalt  }
0x4a: {  	_ =	shalt  }
0x4b: {  	_ =	shalt  }
0x4c: {  	_ =	shalt  }
0x4d: {  	_ =	shalt  }
0x4e: {  	_ =	shalt  }
0x4f: {  	_ =	shalt  }
0x50: {  	_ =	shalt  }
0x51: {  	_ =	shalt  }
0x52: {  	_ =	shalt  }
0x53: {  	_ =	shalt  }
0x54: {  	_ =	shalt  }
0x55: {  	_ =	shalt  }
0x56: {  	_ =	shalt  }
0x57: {  	_ =	shalt  }
0x58: {  	_ =	shalt  }
0x59: {  	_ =	shalt  }
0x5a: {  	_ =	shalt  }
0x5b: {  	_ =	shalt  }
0x5c: {  	_ =	shalt  }
0x5d: {  	_ =	shalt  }
0x5e: {  	_ =	shalt  }
0x5f: {  	_ =	shalt  }
0x60: {  	_ =	shalt  }
0x61: {  	_ =	shalt  }
0x62: {  	_ =	shalt  }
0x63: {  	_ =	shalt  }
0x64: {  	_ =	shalt  }
0x65: {  	_ =	shalt  }
0x66: {  	_ =	shalt  }
0x67: {  	_ =	shalt  }
0x68: {  	_ =	shalt  }
0x69: {  	_ =	shalt  }
0x6a: {  	_ =	shalt  }
0x6b: {  	_ =	shalt  }
0x6c: {  	_ =	shalt  }
0x6d: {  	_ =	shalt  }
0x6e: {  	_ =	shalt  }
0x6f: {  	_ =	shalt  }
0x70: {  	_ =	shalt  }
0x71: {  	_ =	shalt  }
0x72: {  	_ =	shalt  }
0x73: {  	_ =	shalt  }
0x74: {  	_ =	shalt  }
0x75: {  	_ =	shalt  }
0x76: {  	_ =	shalt  }
0x77: {  	_ =	shalt  }
0x78: {  	_ =	shalt  }
0x79: {  	_ =	shalt  }
0x7a: {  	_ =	shalt  }
0x7b: {  	_ =	shalt  }
0x7c: {  	_ =	shalt  }
0x7d: {  	_ =	shalt  }
0x7e: {  	_ =	shalt  }
0x7f: {  	_ =	shalt  }
0x80: {  	_ =	shalt  }
0x81: {  	_ =	shalt  }
0x82: {  	_ =	shalt  }
0x83: {  	_ =	shalt  }
0x84: {  	_ =	shalt  }
0x85: {  	_ =	shalt  }
0x86: {  	_ =	shalt  }
0x87: {  	_ =	shalt  }
.Lfunc_end0:
.L_simem_size_0:
called_computation.1_lowered:
.L_overlay_start_0:
0x88: {  	s2 =	sld [smem:$0x3FD9]  }
0x89: {  	s3 =	sld [smem:$0x3FFE];
	_ =	sdelay $0x1  }
0x8a: {  	s1 =	srdreg.scid  }
0x8b: {  	s0 =	sand.u32 $0x1, s1  }
0x8c: {  	s17 =	sshll.u32 s0, $0xA;
	s2 =	sadd.s32 s3, s2  }
0x8d: {  	s2 =	sadd.s32 s2, s17  }
0x8e: {  	[smem:$0x3FA9] =	sst s2  }
0x8f: {  	_ = 	snop  }
0x90: {  	(tm) =	ssettm $0x1  }
0x91: {  	s18 =	sld [smem:$0x3FFB];
	_ =	sdelay $0x3  }
0x92: {  	_ =	strace s18  }
0x93: {  	s2 =	sld [smem:$0x3FFC];
	_ =	sdelay $0x3  }
0x94: {  	_ =	strace s2  }
0x95: {  	s2 =	sld [smem:$0x3FFD];
	_ =	sdelay $0x3  }
0x96: {  	_ =	strace s2  }
0x97: {  	_ =	strace $0x8FFFFFFF  }
0x98: {  	s19 =	sld [smem:$0x3FDB];
	_ =	sdelay $0x1  }
0x99: {  	s20 =	simm.s32 $_scs_section_size  }
0x9a: {  	s4 =	simm.s32 $_size__tile_overlayer_lowered;
	s5 =	simm.s32 $_tile_overlayer_lowered  }
0x9b: {  	s6 =	simm.s32 $0x1BFF;
	s21 =	sshll.u32 s5, $0x1;
	s3 =	sadd.s32 s20, s19  }
0x9c: {  	s22 =	simm.s32 $0x0;
	s4 =	sshll.u32 s4, $0x1;
	s5 =	sadd.s32 s21, s3  }
0x9d: {  	[timem:s22], [sflag:s6] =	dma.local [hbm:s5], s4  }
0x9e: {  	_ =	swait.ge [sflag:s6], s4  }
0x9f: {  	s4 =	ssub.s32 $0x0, s4;
	[sflag:s6] =	ssyncset.done $0x0  }
0xa0: {  	[sflag:s6] =	ssyncadd.s32 s4;
	_ =	sdelay $0x1  }
0xa1: {  	s23 =	simm.s32 $0x1B8B  }
0xa2: {  	_ =	swait.ge [sflag:s23], $0x1  }
0xa3: {  	[sflag:s23] =	ssyncset.done $0x0  }
0xa4: {  	[sflag:s23] =	ssyncadd.s32 $0xFFFFFFFF  }
0xa5: {  	s4 =	sld [smem:$0x0]  }
0xa6: {  	s5 =	sand.u32 $0xFFFFFFFE, s1  }
0xa7: {  	p0 =	sne.s32 s1, s5  }
0xa8: {  	s5 =	sshll.u32 @p0 s5, $0xE  }
0xa9: {  	s5 =	sadd.s32 @p0 $0x11B8D, s5;
	s6 =	sshll.u32 @p0 s4, $0x11  }
0xaa: {  	s5 =	sor.u32 @p0 s6, s5  }
0xab: {  	[sflag:s5] =	ssyncadd.remote.s32 @p0 $0x1;
	_ =	sdelay $0x1  }
0xac: {  	s5 =	simm.s32 @p0 $0x1B8D  }
0xad: {  	_ =	swait.eq @p0 [sflag:s5], $0x1  }
0xae: {  	[sflag:s5] =	ssyncadd.s32 @p0 $0xFFFFFFFF  }
0xaf: {  	s6 =	sshll.u32 @!p0 s1, $0xE  }
0xb0: {  	s6 =	sor.u32 @!p0 $0x4000, s6;
	s5 =	simm.s32 @!p0 $0x1B8D  }
0xb1: {  	s4 =	sshll.u32 @!p0 s4, $0x11;
	s6 =	sadd.s32 @!p0 $0x11B8D, s6;
	_ =	swait.eq @!p0 [sflag:s5], $0x1  }
0xb2: {  	s4 =	sor.u32 @!p0 s4, s6;
	[sflag:s5] =	ssyncadd.s32 @!p0 $0xFFFFFFFF  }
0xb3: {  	s25 =	simm.s32 $0x1B8E;
	s24 =	sld [smem:$0x3FFE];
	[sflag:s4] =	ssyncadd.remote.s32 @!p0 $0x1  }
0xb4: {  	s26 =	simm.s32 $execute0_lowered;
	[smem:$0x3FD2] =	sst s25  }
0xb5: {  	s5 =	sshll.u32 s26, $0x1;
	_ =	strace $0x8000004C;
	[dreg:$0x1] =	wrdreg $0xFFFFFFFF  }
0xb6: {  	s28 =	simm.s32 $_size_execute0_lowered;
	s3 =	sadd.s32 s3, s5;
	[dreg:$0x0] =	wrdreg $0x0  }
0xb7: {  	s5 =	sshll.u32 s28, $0x1;
	[dreg:$0x2] =	wrdreg s3  }
0xb8: {  	[dreg:$0x3] =	wrdreg s5  }
0xb9: {  	[dreg:$0x4] =	wrdreg $0xC0  }
0xba: {  	_ =	task [dreg:s22], $0x5FFFF  }
0xbb: {  	[dreg:$0x1] =	wrdreg $0xFFFFFFFF  }
0xbc: {  	[dreg:$0x0] =	wrdreg $0x60  }
0xbd: {  	[dreg:$0x2] =	wrdreg s24  }
0xbe: {  	[dreg:$0x3] =	wrdreg $0x40800  }
0xbf: {  	[dreg:$0x4] =	wrdreg $0x9  }
0xc0: {  	_ =	task.clear_ibuf [dreg:s22], $0x5FFFF;
	_ =	strace $0x9000004C  }
0xc1: {  	s29 =	simm.s32 $0x9;
	_ =	strace $0x8000004E  }
0xc2: {  	_ =	swait.ge [sflag:s29], $0x1  }
0xc3: {  	[sflag:s29] =	ssyncadd.s32 $0xFFFFFFFF  }
0xc4: {  	_ =	strace $0x9000004E  }
0xc5: {  	_ =	sfence  }
0xc6: {  	s30 =	sld [smem:$0x0];
	_ =	sdelay $0x2  }
0xc7: {  	s31 =	sshll.u32 s1, $0xD;
	s1 =	sshrl.u32 s1, $0x2  }
0xc8: {  	s4 =	sand.u32 $0x4000, s31;
	s1 =	sadd.s32 s1, s30  }
0xc9: {  	s0 =	sor.u32 s4, s0;
	s1 =	sshll.u32 s1, $0x11  }
0xca: {  	s0 =	sor.u32 s1, s0  }
0xcb: {  	s0 =	sadd.s32 $0x8F2B, s0  }
0xcc: {  	[sflag:s0] =	ssyncadd.remote.s32 $0x1  }
0xcd: {  	_ =	sfence.sel $0xFFFF  }
0xce: {  	[dreg:$0x0] =	wrdreg $0xFFFFFFFF;
	(pc) =	sbr.abs _section_cstart, $3  }
0xcf: {  	[dreg:$0x1] =	wrdreg $0xFFFFFFFF  }
0xd0: {  	_ =	task.clear_ibuf [dreg:s22], $0x2FFFF;
	_ =	strace $0x9FFFFFFF  }
0xd1: {  	(tm) =	ssettm $0x7FFFFFFF  }
tec
execute0_lowered:
.L_overlay_start_1:
0x0: {  	(tag) =	ssettag $0x1  }
0x1: {  	s21 =	rddreg [dreg:$0x0]  }
0x2: {  	s2 =	rddreg [dreg:$0x1]  }
0x3: {  	s0 =	rddreg [dreg:$0x2]  }
0x4: {  	s3 =	simm.s32 $0x0;
	s1 =	stileid.u32;
	s4 =	srdreg.scid  }
0x5: {  	s6 =	simm.s32 $0x80;
	[smem:$0x7FF] =	sst s3;
	s23 =	smul.u32 $0x5800, s1  }
0x6: {  	s22 =	sand.u32 $0x1, s4;
	s29 =	sshll.u32 s1, $0x1;
	s5 =	smul.u32 $0x16000, s1  }
0x7: {  	s4 =	sadd.s32 $0x1A600, s21;
	s30 =	sshll.u32 s1, $0x6;
	_ =	strace $0x8000004D  }
0x8: {  	s7 =	sshrl.u32 s23, $0x3;
	s8 =	sshrl.u32 s5, $0x2;
	s5 =	simm.s32 $0x2  }
0x9: {  	[tilespmem:s6], [sflag:$0x2] =	stream.linear.gather [hbm4b:s4+s3], $0x4000, $0x38;
	[tilespmem:$0x9880] =	vst v63  }
0xa: {  	s10 =	sor.u32 s22, s29;
	s7 =	sadd.s32 s7, s21;
	_ =	swait.ge [sflag:s5], $0x4000  }
0xb: {  	s9 =	sadd.s32 s8, s2;
	s8 =	sor.u32 $0x1C02, s30;
	[sflag:s5] =	ssyncset.done $0x0  }
0xc: {  	s7 =	sadd.s32 $0x25200, s7;
	s9 =	sshrl.u32 s9, $0x3;
	[sflag:s5] =	ssyncadd.s32 $0xFFFFC000  }
0xd: {  	[spmem:s9], [sflag:s8] =	dma.local [hbm:s7], $0xB00  }
0xe: {  	s10 =	smul.u32 $0xA0, s10;
	_ =	swait.ge [sflag:s5], $0xB00  }
0xf: {  	[sflag:s5] =	ssyncset.done $0x0  }
0x10: {  	s20 =	sadd.s32 s10, s21;
	[sflag:s5] =	ssyncadd.s32 $0xFFFFF500  }
0x11: {  	s10 =	sadd.s32 $0x23E00, s20;
	[bflag:$0x0] =	sbarrier.arrive $0xFFFF  }
0x12: {  	[tilespmem:s3], [sflag:$0x2] =	stream.linear.gather [hbm4b:s10+s3], $0x80, $0x38;
	[tilespmem:$0x9880] =	vst v63  }
0x13: {  	_ =	swait.ge [sflag:s5], $0x80  }
0x14: {  	[sflag:s5] =	ssyncset.done $0x0  }
0x15: {  	s11 =	simm.s32 $0x1;
	[sflag:s5] =	ssyncadd.s32 $0xFFFFFF80  }
0x16: {  	[spmem:s2] =	stream.indirect.scatter.add.f32 [tilespmem:s6], [sflag:$0x1], $0x80, s3, s6, $0xb8;
	[tilespmem:$0x9880] =	vst v63  }
0x17: {  	_ =	swait.ge [sflag:s11], $0x4000  }
0x18: {  	[sflag:s11] =	ssyncset.done $0x0  }
0x19: {  	s12 =	sadd.s32 $0x23E10, s20;
	[sflag:s11] =	ssyncadd.s32 $0xFFFFC000  }
0x1a: {  	[tilespmem:s3], [sflag:$0x2] =	stream.linear.gather [hbm4b:s12+s3], $0x80, $0x38;
	[tilespmem:$0x9880] =	vst v63  }
0x1b: {  	_ =	swait.ge [sflag:s5], $0x80  }
0x1c: {  	[sflag:s5] =	ssyncset.done $0x0  }
0x1d: {  	[sflag:s5] =	ssyncadd.s32 $0xFFFFFF80  }
0x1e: {  	[spmem:s2] =	stream.indirect.scatter.add.f32 [tilespmem:s6], [sflag:$0x1], $0x80, s3, s6, $0xb8;
	[tilespmem:$0x9880] =	vst v63  }
0x1f: {  	_ =	swait.ge [sflag:s11], $0x4000  }
0x20: {  	[sflag:s11] =	ssyncset.done $0x0  }
0x21: {  	s13 =	sadd.s32 $0x23E20, s20;
	[sflag:s11] =	ssyncadd.s32 $0xFFFFC000  }
0x22: {  	[tilespmem:s3], [sflag:$0x2] =	stream.linear.gather [hbm4b:s13+s3], $0x80, $0x38;
	[tilespmem:$0x9880] =	vst v63  }
0x23: {  	_ =	swait.ge [sflag:s5], $0x80  }
0x24: {  	[sflag:s5] =	ssyncset.done $0x0  }
0x25: {  	[sflag:s5] =	ssyncadd.s32 $0xFFFFFF80  }
0x26: {  	[spmem:s2] =	stream.indirect.scatter.add.f32 [tilespmem:s6], [sflag:$0x1], $0x80, s3, s6, $0xb8;
	[tilespmem:$0x9880] =	vst v63  }
0x27: {  	_ =	swait.ge [sflag:s11], $0x4000  }
0x28: {  	[sflag:s11] =	ssyncset.done $0x0  }
0x29: {  	s14 =	sadd.s32 $0x23E30, s20;
	[sflag:s11] =	ssyncadd.s32 $0xFFFFC000  }
0x2a: {  	[tilespmem:s3], [sflag:$0x2] =	stream.linear.gather [hbm4b:s14+s3], $0x80, $0x38;
	[tilespmem:$0x9880] =	vst v63  }
0x2b: {  	_ =	swait.ge [sflag:s5], $0x80  }
0x2c: {  	[sflag:s5] =	ssyncset.done $0x0  }
0x2d: {  	[sflag:s5] =	ssyncadd.s32 $0xFFFFFF80  }
0x2e: {  	[spmem:s2] =	stream.indirect.scatter.add.f32 [tilespmem:s6], [sflag:$0x1], $0x80, s3, s6, $0xb8;
	[tilespmem:$0x9880] =	vst v63  }
0x2f: {  	_ =	swait.ge [sflag:s11], $0x4000  }
0x30: {  	[sflag:s11] =	ssyncset.done $0x0  }
0x31: {  	s15 =	sadd.s32 $0x23E40, s20;
	[sflag:s11] =	ssyncadd.s32 $0xFFFFC000  }
0x32: {  	[tilespmem:s3], [sflag:$0x2] =	stream.linear.gather [hbm4b:s15+s3], $0x80, $0x38;
	[tilespmem:$0x9880] =	vst v63  }
0x33: {  	_ =	swait.ge [sflag:s5], $0x80  }
0x34: {  	[sflag:s5] =	ssyncset.done $0x0  }
0x35: {  	[sflag:s5] =	ssyncadd.s32 $0xFFFFFF80  }
0x36: {  	[spmem:s2] =	stream.indirect.scatter.add.f32 [tilespmem:s6], [sflag:$0x1], $0x80, s3, s6, $0xb8;
	[tilespmem:$0x9880] =	vst v63  }
0x37: {  	_ =	swait.ge [sflag:s11], $0x4000  }
0x38: {  	[sflag:s11] =	ssyncset.done $0x0  }
0x39: {  	s16 =	sadd.s32 $0x23E50, s20;
	[sflag:s11] =	ssyncadd.s32 $0xFFFFC000  }
0x3a: {  	[tilespmem:s3], [sflag:$0x2] =	stream.linear.gather [hbm4b:s16+s3], $0x80, $0x38;
	[tilespmem:$0x9880] =	vst v63  }
0x3b: {  	_ =	swait.ge [sflag:s5], $0x80  }
0x3c: {  	[sflag:s5] =	ssyncset.done $0x0  }
0x3d: {  	[sflag:s5] =	ssyncadd.s32 $0xFFFFFF80  }
0x3e: {  	[spmem:s2] =	stream.indirect.scatter.add.f32 [tilespmem:s6], [sflag:$0x1], $0x80, s3, s6, $0xb8;
	[tilespmem:$0x9880] =	vst v63  }
0x3f: {  	_ =	swait.ge [sflag:s11], $0x4000  }
0x40: {  	[sflag:s11] =	ssyncset.done $0x0  }
0x41: {  	s17 =	sadd.s32 $0x23E60, s20;
	[sflag:s11] =	ssyncadd.s32 $0xFFFFC000  }
0x42: {  	[tilespmem:s3], [sflag:$0x2] =	stream.linear.gather [hbm4b:s17+s3], $0x80, $0x38;
	[tilespmem:$0x9880] =	vst v63  }
0x43: {  	_ =	swait.ge [sflag:s5], $0x80  }
0x44: {  	[sflag:s5] =	ssyncset.done $0x0  }
0x45: {  	[sflag:s5] =	ssyncadd.s32 $0xFFFFFF80  }
0x46: {  	[spmem:s2] =	stream.indirect.scatter.add.f32 [tilespmem:s6], [sflag:$0x1], $0x80, s3, s6, $0xb8;
	[tilespmem:$0x9880] =	vst v63  }
0x47: {  	_ =	swait.ge [sflag:s11], $0x4000  }
0x48: {  	[sflag:s11] =	ssyncset.done $0x0  }
0x49: {  	s18 =	sadd.s32 $0x23E70, s20;
	[sflag:s11] =	ssyncadd.s32 $0xFFFFC000  }
0x4a: {  	[tilespmem:s3], [sflag:$0x2] =	stream.linear.gather [hbm4b:s18+s3], $0x80, $0x38;
	[tilespmem:$0x9880] =	vst v63  }
0x4b: {  	_ =	swait.ge [sflag:s5], $0x80  }
0x4c: {  	[sflag:s5] =	ssyncset.done $0x0  }
0x4d: {  	[sflag:s5] =	ssyncadd.s32 $0xFFFFFF80  }
0x4e: {  	[spmem:s2] =	stream.indirect.scatter.add.f32 [tilespmem:s6], [sflag:$0x1], $0x80, s3, s6, $0xb8;
	[tilespmem:$0x9880] =	vst v63  }
0x4f: {  	_ =	swait.ge [sflag:s11], $0x4000  }
0x50: {  	[sflag:s11] =	ssyncset.done $0x0  }
0x51: {  	s19 =	sadd.s32 $0x23E80, s20;
	[sflag:s11] =	ssyncadd.s32 $0xFFFFC000  }
0x52: {  	[tilespmem:s3], [sflag:$0x2] =	stream.linear.gather [hbm4b:s19+s3], $0x80, $0x38;
	[tilespmem:$0x9880] =	vst v63  }
0x53: {  	_ =	swait.ge [sflag:s5], $0x80  }
0x54: {  	[sflag:s5] =	ssyncset.done $0x0  }
0x55: {  	[sflag:s5] =	ssyncadd.s32 $0xFFFFFF80  }
0x56: {  	[spmem:s2] =	stream.indirect.scatter.add.f32 [tilespmem:s6], [sflag:$0x1], $0x80, s3, s6, $0xb8;
	[tilespmem:$0x9880] =	vst v63  }
0x57: {  	_ =	swait.ge [sflag:s11], $0x4000  }
0x58: {  	[sflag:s11] =	ssyncset.done $0x0  }
0x59: {  	s20 =	sadd.s32 $0x23E90, s20;
	[sflag:s11] =	ssyncadd.s32 $0xFFFFC000  }
0x5a: {  	[tilespmem:s3], [sflag:$0x2] =	stream.linear.gather [hbm4b:s20+s3], $0x80, $0x38;
	[tilespmem:$0x9880] =	vst v63  }
0x5b: {  	s24 =	smul.u32 $0x58000, s22;
	s22 =	ssub.s32 $0x2, s22;
	_ =	swait.ge [sflag:s5], $0x80  }
0x5c: {  	s31 =	sshrl.u32 s22, $0x1;
	[sflag:s5] =	ssyncset.done $0x0  }
0x5d: {  	s22 =	ssub.s32 s22, s31;
	[sflag:s5] =	ssyncadd.s32 $0xFFFFFF80  }
0x5e: {  	[spmem:s2] =	stream.indirect.scatter.add.f32 [tilespmem:s6], [sflag:$0x1], $0x80, s3, s6, $0xb8;
	[tilespmem:$0x9880] =	vst v63  }
0x5f: {  	s23 =	sadd.s32 s23, s24;
	s22 =	smax.u32 s22, $0x1;
	_ =	swait.ge [sflag:s11], $0x4000  }
0x60: {  	s23 =	sshrl.u32 s23, $0x3;
	p0 =	sne.s32 s22, $0x1;
	[sflag:s11] =	ssyncset.done $0x0  }
.Ltmp0:
0x61: {  	s21 =	sadd.s32 s23, s21;
	[sflag:s11] =	ssyncadd.s32 $0xFFFFC000;
	(pc) =	sbr.rel @!p0 .LBB2_2-.Ltmp0, $4  }
0x62: {  	s21 =	sadd.s32 $0x30200, s21;
	[bflag:$0x0] =	sbarrier.arrive $0xFFFF  }
0x63: {  	[hbm:s21], [sflag:s8] =	dma.local [spmem:s9], $0xB00  }
0x64: {  	_ =	swait.ge [sflag:s5], $0xB00  }
0x65: {  	s22 =	sadd.s32 $0xFFFFFFFF, s22;
	[sflag:s5] =	ssyncset.done $0x0  }
.LBB2_1:
0x66: {  	p0 =	sne.s32 s22, $0x1;
	s22 =	sadd.s32 $0xFFFFFFFF, s22;
	[sflag:s5] =	ssyncadd.s32 $0xFFFFF500  }
0x67: {  	[tilespmem:s6], [sflag:$0x2] =	stream.linear.gather [hbm4b:s4+s3], $0x4000, $0x38;
	[tilespmem:$0x9880] =	vst v63  }
0x68: {  	_ =	swait.ge [sflag:s5], $0x4000  }
0x69: {  	[sflag:s5] =	ssyncset.done $0x0  }
0x6a: {  	[sflag:s5] =	ssyncadd.s32 $0xFFFFC000  }
0x6b: {  	[spmem:s9], [sflag:s8] =	dma.local [hbm:s7], $0xB00  }
0x6c: {  	_ =	swait.ge [sflag:s5], $0xB00  }
0x6d: {  	[sflag:s5] =	ssyncset.done $0x0  }
0x6e: {  	[sflag:s5] =	ssyncadd.s32 $0xFFFFF500  }
0x6f: {  	[bflag:$0x0] =	sbarrier.arrive $0xFFFF  }
0x70: {  	[tilespmem:s3], [sflag:$0x2] =	stream.linear.gather [hbm4b:s10+s3], $0x80, $0x38;
	[tilespmem:$0x9880] =	vst v63  }
0x71: {  	_ =	swait.ge [sflag:s5], $0x80  }
0x72: {  	[sflag:s5] =	ssyncset.done $0x0  }
0x73: {  	[sflag:s5] =	ssyncadd.s32 $0xFFFFFF80  }
0x74: {  	[spmem:s2] =	stream.indirect.scatter.add.f32 [tilespmem:s6], [sflag:$0x1], $0x80, s3, s6, $0xb8;
	[tilespmem:$0x9880] =	vst v63  }
0x75: {  	_ =	swait.ge [sflag:s11], $0x4000  }
0x76: {  	[sflag:s11] =	ssyncset.done $0x0  }
0x77: {  	[sflag:s11] =	ssyncadd.s32 $0xFFFFC000  }
0x78: {  	[tilespmem:s3], [sflag:$0x2] =	stream.linear.gather [hbm4b:s12+s3], $0x80, $0x38;
	[tilespmem:$0x9880] =	vst v63  }
0x79: {  	_ =	swait.ge [sflag:s5], $0x80  }
0x7a: {  	[sflag:s5] =	ssyncset.done $0x0  }
0x7b: {  	[sflag:s5] =	ssyncadd.s32 $0xFFFFFF80  }
0x7c: {  	[spmem:s2] =	stream.indirect.scatter.add.f32 [tilespmem:s6], [sflag:$0x1], $0x80, s3, s6, $0xb8;
	[tilespmem:$0x9880] =	vst v63  }
0x7d: {  	_ =	swait.ge [sflag:s11], $0x4000  }
0x7e: {  	[sflag:s11] =	ssyncset.done $0x0  }
0x7f: {  	[sflag:s11] =	ssyncadd.s32 $0xFFFFC000  }
0x80: {  	[tilespmem:s3], [sflag:$0x2] =	stream.linear.gather [hbm4b:s13+s3], $0x80, $0x38;
	[tilespmem:$0x9880] =	vst v63  }
0x81: {  	_ =	swait.ge [sflag:s5], $0x80  }
0x82: {  	[sflag:s5] =	ssyncset.done $0x0  }
0x83: {  	[sflag:s5] =	ssyncadd.s32 $0xFFFFFF80  }
0x84: {  	[spmem:s2] =	stream.indirect.scatter.add.f32 [tilespmem:s6], [sflag:$0x1], $0x80, s3, s6, $0xb8;
	[tilespmem:$0x9880] =	vst v63  }
0x85: {  	_ =	swait.ge [sflag:s11], $0x4000  }
0x86: {  	[sflag:s11] =	ssyncset.done $0x0  }
0x87: {  	[sflag:s11] =	ssyncadd.s32 $0xFFFFC000  }
0x88: {  	[tilespmem:s3], [sflag:$0x2] =	stream.linear.gather [hbm4b:s14+s3], $0x80, $0x38;
	[tilespmem:$0x9880] =	vst v63  }
0x89: {  	_ =	swait.ge [sflag:s5], $0x80  }
0x8a: {  	[sflag:s5] =	ssyncset.done $0x0  }
0x8b: {  	[sflag:s5] =	ssyncadd.s32 $0xFFFFFF80  }
0x8c: {  	[spmem:s2] =	stream.indirect.scatter.add.f32 [tilespmem:s6], [sflag:$0x1], $0x80, s3, s6, $0xb8;
	[tilespmem:$0x9880] =	vst v63  }
0x8d: {  	_ =	swait.ge [sflag:s11], $0x4000  }
0x8e: {  	[sflag:s11] =	ssyncset.done $0x0  }
0x8f: {  	[sflag:s11] =	ssyncadd.s32 $0xFFFFC000  }
0x90: {  	[tilespmem:s3], [sflag:$0x2] =	stream.linear.gather [hbm4b:s15+s3], $0x80, $0x38;
	[tilespmem:$0x9880] =	vst v63  }
0x91: {  	_ =	swait.ge [sflag:s5], $0x80  }
0x92: {  	[sflag:s5] =	ssyncset.done $0x0  }
0x93: {  	[sflag:s5] =	ssyncadd.s32 $0xFFFFFF80  }
0x94: {  	[spmem:s2] =	stream.indirect.scatter.add.f32 [tilespmem:s6], [sflag:$0x1], $0x80, s3, s6, $0xb8;
	[tilespmem:$0x9880] =	vst v63  }
0x95: {  	_ =	swait.ge [sflag:s11], $0x4000  }
0x96: {  	[sflag:s11] =	ssyncset.done $0x0  }
0x97: {  	[sflag:s11] =	ssyncadd.s32 $0xFFFFC000  }
0x98: {  	[tilespmem:s3], [sflag:$0x2] =	stream.linear.gather [hbm4b:s16+s3], $0x80, $0x38;
	[tilespmem:$0x9880] =	vst v63  }
0x99: {  	_ =	swait.ge [sflag:s5], $0x80  }
0x9a: {  	[sflag:s5] =	ssyncset.done $0x0  }
0x9b: {  	[sflag:s5] =	ssyncadd.s32 $0xFFFFFF80  }
0x9c: {  	[spmem:s2] =	stream.indirect.scatter.add.f32 [tilespmem:s6], [sflag:$0x1], $0x80, s3, s6, $0xb8;
	[tilespmem:$0x9880] =	vst v63  }
0x9d: {  	_ =	swait.ge [sflag:s11], $0x4000  }
0x9e: {  	[sflag:s11] =	ssyncset.done $0x0  }
0x9f: {  	[sflag:s11] =	ssyncadd.s32 $0xFFFFC000  }
0xa0: {  	[tilespmem:s3], [sflag:$0x2] =	stream.linear.gather [hbm4b:s17+s3], $0x80, $0x38;
	[tilespmem:$0x9880] =	vst v63  }
0xa1: {  	_ =	swait.ge [sflag:s5], $0x80  }
0xa2: {  	[sflag:s5] =	ssyncset.done $0x0  }
0xa3: {  	[sflag:s5] =	ssyncadd.s32 $0xFFFFFF80  }
0xa4: {  	[spmem:s2] =	stream.indirect.scatter.add.f32 [tilespmem:s6], [sflag:$0x1], $0x80, s3, s6, $0xb8;
	[tilespmem:$0x9880] =	vst v63  }
0xa5: {  	_ =	swait.ge [sflag:s11], $0x4000  }
0xa6: {  	[sflag:s11] =	ssyncset.done $0x0  }
0xa7: {  	[sflag:s11] =	ssyncadd.s32 $0xFFFFC000  }
0xa8: {  	[tilespmem:s3], [sflag:$0x2] =	stream.linear.gather [hbm4b:s18+s3], $0x80, $0x38;
	[tilespmem:$0x9880] =	vst v63  }
0xa9: {  	_ =	swait.ge [sflag:s5], $0x80  }
0xaa: {  	[sflag:s5] =	ssyncset.done $0x0  }
0xab: {  	[sflag:s5] =	ssyncadd.s32 $0xFFFFFF80  }
0xac: {  	[spmem:s2] =	stream.indirect.scatter.add.f32 [tilespmem:s6], [sflag:$0x1], $0x80, s3, s6, $0xb8;
	[tilespmem:$0x9880] =	vst v63  }
0xad: {  	_ =	swait.ge [sflag:s11], $0x4000  }
0xae: {  	[sflag:s11] =	ssyncset.done $0x0  }
0xaf: {  	[sflag:s11] =	ssyncadd.s32 $0xFFFFC000  }
0xb0: {  	[tilespmem:s3], [sflag:$0x2] =	stream.linear.gather [hbm4b:s19+s3], $0x80, $0x38;
	[tilespmem:$0x9880] =	vst v63  }
0xb1: {  	_ =	swait.ge [sflag:s5], $0x80  }
0xb2: {  	[sflag:s5] =	ssyncset.done $0x0  }
0xb3: {  	[sflag:s5] =	ssyncadd.s32 $0xFFFFFF80  }
0xb4: {  	[spmem:s2] =	stream.indirect.scatter.add.f32 [tilespmem:s6], [sflag:$0x1], $0x80, s3, s6, $0xb8;
	[tilespmem:$0x9880] =	vst v63  }
0xb5: {  	_ =	swait.ge [sflag:s11], $0x4000  }
0xb6: {  	[sflag:s11] =	ssyncset.done $0x0  }
0xb7: {  	[sflag:s11] =	ssyncadd.s32 $0xFFFFC000  }
0xb8: {  	[tilespmem:s3], [sflag:$0x2] =	stream.linear.gather [hbm4b:s20+s3], $0x80, $0x38;
	[tilespmem:$0x9880] =	vst v63  }
0xb9: {  	_ =	swait.ge [sflag:s5], $0x80  }
0xba: {  	[sflag:s5] =	ssyncset.done $0x0  }
0xbb: {  	[sflag:s5] =	ssyncadd.s32 $0xFFFFFF80  }
0xbc: {  	[spmem:s2] =	stream.indirect.scatter.add.f32 [tilespmem:s6], [sflag:$0x1], $0x80, s3, s6, $0xb8;
	[tilespmem:$0x9880] =	vst v63  }
0xbd: {  	_ =	swait.ge [sflag:s11], $0x4000  }
0xbe: {  	[sflag:s11] =	ssyncset.done $0x0  }
.Ltmp1:
0xbf: {  	[sflag:s11] =	ssyncadd.s32 $0xFFFFC000;
	(pc) =	sbr.rel @p0 .LBB2_1-.Ltmp1, $4  }
0xc0: {  	[bflag:$0x0] =	sbarrier.arrive $0xFFFF  }
0xc1: {  	[hbm:s21], [sflag:s8] =	dma.local [spmem:s9], $0xB00  }
0xc2: {  	_ =	swait.ge [sflag:s5], $0xB00  }
0xc3: {  	[sflag:s5] =	ssyncset.done $0x0  }
.LBB2_2:
0xc4: {  	[sflag:s5] =	ssyncadd.s32 $0xFFFFF500  }
0xc5: {  	_ =	sfence.sel $0x180000  }
0xc6: {  	[bflag:$0x0] =	sbarrier.arrive $0xFFFF  }
0xc7: {  	p0 =	sne.s32 s1, $0x0;
	_ =	strace $0x9000004D  }
0xc8: {  	s0 =	sadd.s32 @!p0 $0x100000, s0;
	[bflag:$0x2] =	sbarrier.arrive $0xFFFF  }
0xc9: {  	[sflag:s0] =	ssyncadd.tile.s32 @!p0 $0x1;
	_ =	shalt  }
.Lfunc_end2:
_tile_overlayer_lowered:
.L_overlay_start_2:
0xca: {  	(tag) =	ssettag $0x2  }
0xcb: {  	s0 =	rddreg [dreg:$0x0];
	s2 =	stileid.u32  }
0xcc: {  	s1 =	rddreg [dreg:$0x1];
	p0 =	sne.s32 s2, $0x0  }
0xcd: {  	s3 =	rddreg [dreg:$0x2];
	[bflag:$0x3] =	sbarrier.arrive $0xFFFF;
	s2 =	simm.s32 @!p0 $0x1C02  }
0xce: {  	[timem:s3], [sflag:s2] =	dma.local @!p0 [hbm:s0], s1  }
0xcf: {  	s0 =	simm.s32 @!p0 $0x2  }
0xd0: {  	_ =	swait.ge @!p0 [sflag:s0], s1  }
0xd1: {  	s1 =	ssub.s32 @!p0 $0x0, s1;
	[sflag:s0] =	ssyncset.done @!p0 $0x0  }
0xd2: {  	[sflag:s0] =	ssyncadd.s32 @!p0 s1  }
0xd3: {  	[bflag:$0x3] =	sbarrier.arrive $0xFFFF  }
0xd4: {  	_ =	shalt  }

// kernel: kernel.33.cloned.1.call-start
scs
__scs_entry_jumppad:
0x0: {  	(pc) =	sbr.rel $0x88, $3  }
0x1: {  	(tag) =	ssettag $0x0;
	lr =	simm.s32 $0x1  }
0x2: {  	[smem:$0x3F82] =	sst lr;
	_ =	strace $0xD0000000  }
0x3: {  	_ = 	snop  }
0x4: {  	_ = 	snop  }
0x5: {  	_ = 	snop  }
0x6: {  	_ = 	snop  }
0x7: {  	_ = 	snop  }
__scs_overlays_trampoline_lowered:
0x8: {  	[smem:$0x3F91] =	sst s0  }
0x9: {  	[smem:$0x3F92] =	sst s1  }
0xa: {  	[smem:$0x3F93] =	sst s2  }
0xb: {  	[smem:$0x3F94] =	sst s3  }
0xc: {  	[smem:$0x3F95] =	sst s4  }
0xd: {  	[smem:$0x3F96] =	sst s5  }
0xe: {  	[smem:$0x3F97] =	sst s6  }
0xf: {  	[smem:$0x3F98] =	sst s7  }
0x10: {  	[smem:$0x3F99] =	sst s8  }
0x11: {  	[smem:$0x3F9A] =	sst s9;
	s0 =	simm.s32 @!p0 $0x0  }
0x12: {  	s1 =	sld [smem:$0x3F80];
	s0 =	simm.s32 @p0 $0x1  }
0x13: {  	[smem:$0x3F9B] =	sst s0;
	s0 =	simm.s32 @!p1 $0x0  }
0x14: {  	s2 =	sld [smem:$0x3F7F];
	s0 =	simm.s32 @p1 $0x1  }
0x15: {  	[smem:$0x3F9C] =	sst s0;
	s0 =	simm.s32 @!p2 $0x0  }
0x16: {  	s3 =	sld [smem:$0x3FDB];
	s0 =	simm.s32 @p2 $0x1  }
0x17: {  	s4 =	simm.s32 $0x1BF5;
	[smem:$0x3F9E] =	sst s0  }
0x18: {  	s0 =	sld [smem:$0x3F81];
	_ =	swait.ge [sflag:s4], $0x0  }
0x19: {  	s7 =	sld [smem:$0x3F82]  }
0x1a: {  	s8 =	sadd.s32 $0xFFFFE003, lr  }
0x1b: {  	s9 =	sadd.s32 $0xFFFFFEF7, lr;
	s5 =	simm.s32 $0xFFFFFFFF;
	p2 =	slt.u32 s8, $0xFFFFF086  }
0x1c: {  	p1 =	slt.u32 s9, $0xF7A;
	s5 =	simm.s32 @!p2 $0x0  }
0x1d: {  	s5 =	simm.s32 @p1 $0x1;
	p0 =	seq.s32 s7, s2  }
0x1e: {  	s7 =	smul.u32 @!p0 $0xF7A, s2;
	p2 =	seq.s32 @!p0 s5, $0x0  }
0x1f: {  	s9 =	smul.u32 $0xF7A, s1;
	s8 =	simm.s32 @!p0 $0x1BF5;
	p2 =	por !p2, p0  }
0x20: {  	[sflag:s8] =	ssyncset.s32 @!p0 $0xFFFFF086;
	s6 =	sadd.s32 @!p0 s3, s7;
	s7 =	simm.s32 @!p0 $0x108  }
0x21: {  	s3 =	sadd.s32 s3, s9;
	s6 =	sadd.s32 @!p0 $0x88, s6;
	s7 =	simm.s32 @p2 $0x1082  }
0x22: {  	[simem:s7], [sflag:s8] =	dma.local @!p0 [hbm:s6], $0xF7A  }
0x23: {  	s9 =	sor.u32 $0xD0000000, s2;
	s6 =	simm.s32 $0x108;
	_ =	swait.ge @!p0 [sflag:s8], $0x0  }
0x24: {  	s3 =	sadd.s32 $0x88, s3;
	s6 =	simm.s32 @!p1 $0x1082;
	[sflag:s4] =	ssyncset.s32 $0xFFFFF086  }
0x25: {  	[simem:s6], [sflag:s4] =	dma.local [hbm:s3], $0xF7A  }
0x26: {  	[smem:$0x3F82] =	sst s1;
	(tag) =	ssettag s2;
	_ =	strace s9  }
0x27: {  	s1 =	sld [smem:$0x3F92]  }
0x28: {  	s2 =	sld [smem:$0x3F93]  }
0x29: {  	s4 =	sld [smem:$0x3F95]  }
0x2a: {  	p0 =	seq.s32 s5, $0x0;
	s5 =	sld [smem:$0x3F96]  }
0x2b: {  	s6 =	sld [smem:$0x3F97]  }
0x2c: {  	s7 =	sld [smem:$0x3F98]  }
0x2d: {  	s3 =	simm.s32 $0x108;
	s8 =	sld [smem:$0x3F99]  }
0x2e: {  	s3 =	simm.s32 @!p0 $0x1082;
	s9 =	sld [smem:$0x3F9A]  }
0x2f: {  	lr =	sadd.s32 s0, s3;
	s0 =	sld [smem:$0x3F91]  }
0x30: {  	s3 =	sld [smem:$0x3F94]  }
0x31: {  	[smem:$0x3F9D] =	sst s10  }
0x32: {  	s10 =	sld [smem:$0x3F9B];
	_ =	sdelay $0x3  }
0x33: {  	p0 =	seq.s32 s10, $0x1;
	s10 =	sld [smem:$0x3F9D];
	_ =	sdelay $0x3  }
0x34: {  	[smem:$0x3F9D] =	sst s10  }
0x35: {  	s10 =	sld [smem:$0x3F9C];
	_ =	sdelay $0x3  }
0x36: {  	p1 =	seq.s32 s10, $0x1;
	s10 =	sld [smem:$0x3F9D];
	_ =	sdelay $0x3  }
0x37: {  	[smem:$0x3F9D] =	sst s10  }
0x38: {  	s10 =	sld [smem:$0x3F9E]  }
0x39: {  	_ = 	snop;
	(pc) =	sbr.ind lr, $3  }
0x3a: {  	_ = 	snop  }
0x3b: {  	_ = 	snop  }
0x3c: {  	p2 =	seq.s32 s10, $0x1;
	s10 =	sld [smem:$0x3F9D]  }
0x3d: {  	_ =	shalt  }
0x3e: {  	_ =	shalt  }
0x3f: {  	_ =	shalt  }
0x40: {  	_ =	shalt  }
0x41: {  	_ =	shalt  }
0x42: {  	_ =	shalt  }
0x43: {  	_ =	shalt  }
0x44: {  	_ =	shalt  }
0x45: {  	_ =	shalt  }
0x46: {  	_ =	shalt  }
0x47: {  	_ =	shalt  }
0x48: {  	_ =	shalt  }
0x49: {  	_ =	shalt  }
0x4a: {  	_ =	shalt  }
0x4b: {  	_ =	shalt  }
0x4c: {  	_ =	shalt  }
0x4d: {  	_ =	shalt  }
0x4e: {  	_ =	shalt  }
0x4f: {  	_ =	shalt  }
0x50: {  	_ =	shalt  }
0x51: {  	_ =	shalt  }
0x52: {  	_ =	shalt  }
0x53: {  	_ =	shalt  }
0x54: {  	_ =	shalt  }
0x55: {  	_ =	shalt  }
0x56: {  	_ =	shalt  }
0x57: {  	_ =	shalt  }
0x58: {  	_ =	shalt  }
0x59: {  	_ =	shalt  }
0x5a: {  	_ =	shalt  }
0x5b: {  	_ =	shalt  }
0x5c: {  	_ =	shalt  }
0x5d: {  	_ =	shalt  }
0x5e: {  	_ =	shalt  }
0x5f: {  	_ =	shalt  }
0x60: {  	_ =	shalt  }
0x61: {  	_ =	shalt  }
0x62: {  	_ =	shalt  }
0x63: {  	_ =	shalt  }
0x64: {  	_ =	shalt  }
0x65: {  	_ =	shalt  }
0x66: {  	_ =	shalt  }
0x67: {  	_ =	shalt  }
0x68: {  	_ =	shalt  }
0x69: {  	_ =	shalt  }
0x6a: {  	_ =	shalt  }
0x6b: {  	_ =	shalt  }
0x6c: {  	_ =	shalt  }
0x6d: {  	_ =	shalt  }
0x6e: {  	_ =	shalt  }
0x6f: {  	_ =	shalt  }
0x70: {  	_ =	shalt  }
0x71: {  	_ =	shalt  }
0x72: {  	_ =	shalt  }
0x73: {  	_ =	shalt  }
0x74: {  	_ =	shalt  }
0x75: {  	_ =	shalt  }
0x76: {  	_ =	shalt  }
0x77: {  	_ =	shalt  }
0x78: {  	_ =	shalt  }
0x79: {  	_ =	shalt  }
0x7a: {  	_ =	shalt  }
0x7b: {  	_ =	shalt  }
0x7c: {  	_ =	shalt  }
0x7d: {  	_ =	shalt  }
0x7e: {  	_ =	shalt  }
0x7f: {  	_ =	shalt  }
0x80: {  	_ =	shalt  }
0x81: {  	_ =	shalt  }
0x82: {  	_ =	shalt  }
0x83: {  	_ =	shalt  }
0x84: {  	_ =	shalt  }
0x85: {  	_ =	shalt  }
0x86: {  	_ =	shalt  }
0x87: {  	_ =	shalt  }
.Lfunc_end0:
.L_simem_size_0:
called_computation.2_lowered:
.L_overlay_start_0:
0x88: {  	s2 =	sld [smem:$0x3FD9]  }
0x89: {  	s3 =	sld [smem:$0x3FFE];
	_ =	sdelay $0x1  }
0x8a: {  	s1 =	srdreg.scid  }
0x8b: {  	s0 =	sand.u32 $0x1, s1  }
0x8c: {  	s17 =	sshll.u32 s0, $0xA;
	s2 =	sadd.s32 s3, s2  }
0x8d: {  	s2 =	sadd.s32 s2, s17  }
0x8e: {  	[smem:$0x3FA9] =	sst s2  }
0x8f: {  	_ = 	snop  }
0x90: {  	s2 =	sld [smem:$0x3FD0];
	(tm) =	ssettm $0x1  }
0x91: {  	s18 =	sld [smem:$0x3FFB];
	_ =	sdelay $0x3  }
0x92: {  	_ =	strace s18  }
0x93: {  	s3 =	sld [smem:$0x3FFC];
	_ =	sdelay $0x3  }
0x94: {  	_ =	strace s3  }
0x95: {  	s3 =	sld [smem:$0x3FFD];
	_ =	sdelay $0x3  }
0x96: {  	_ =	strace s3  }
0x97: {  	_ =	strace $0x8FFFFFFF  }
0x98: {  	s19 =	sld [smem:$0x3FDB];
	_ =	sdelay $0x1  }
0x99: {  	s4 =	simm.s32 $_scs_section_size  }
0x9a: {  	s5 =	simm.s32 $_size__tile_overlayer_lowered;
	s6 =	simm.s32 $_tile_overlayer_lowered  }
0x9b: {  	s22 =	simm.s32 $0x1BFF;
	s21 =	sshll.u32 s6, $0x1;
	s3 =	sadd.s32 s4, s19  }
0x9c: {  	s7 =	simm.s32 $0x0;
	s20 =	sshll.u32 s5, $0x1;
	s5 =	sadd.s32 s21, s3  }
0x9d: {  	[timem:s7], [sflag:s22] =	dma.local [hbm:s5], s20  }
0x9e: {  	_ =	swait.ge [sflag:s22], s20  }
0x9f: {  	s4 =	ssub.s32 $0x0, s20;
	[sflag:s22] =	ssyncset.done $0x0  }
0xa0: {  	[sflag:s22] =	ssyncadd.s32 s4;
	_ =	sdelay $0x1  }
0xa1: {  	s23 =	simm.s32 $0x1B8B  }
0xa2: {  	_ =	swait.ge [sflag:s23], $0x1  }
0xa3: {  	[sflag:s23] =	ssyncset.done $0x0  }
0xa4: {  	s25 =	simm.s32 $0x1B8E;
	s24 =	sld [smem:$0x3FFE];
	[sflag:s23] =	ssyncadd.s32 $0xFFFFFFFF  }
0xa5: {  	s26 =	simm.s32 $execute0_lowered;
	[smem:$0x3FD2] =	sst s25  }
0xa6: {  	s5 =	sshll.u32 s26, $0x1;
	_ =	strace $0x80000046;
	[dreg:$0x1] =	wrdreg $0xFFFFFFFF  }
0xa7: {  	s28 =	simm.s32 $_size_execute0_lowered;
	s3 =	sadd.s32 s3, s5;
	[dreg:$0x0] =	wrdreg $0x0  }
0xa8: {  	s5 =	sshll.u32 s28, $0x1;
	[dreg:$0x2] =	wrdreg s3  }
0xa9: {  	[dreg:$0x3] =	wrdreg s5  }
0xaa: {  	[dreg:$0x4] =	wrdreg $0xC0  }
0xab: {  	_ =	task [dreg:s7], $0x5FFFF  }
0xac: {  	[dreg:$0x1] =	wrdreg $0xFFFFFFFF  }
0xad: {  	[dreg:$0x0] =	wrdreg $0x60  }
0xae: {  	[dreg:$0x2] =	wrdreg s2  }
0xaf: {  	[dreg:$0x3] =	wrdreg s24  }
0xb0: {  	[dreg:$0x4] =	wrdreg $0x88000  }
0xb1: {  	[dreg:$0x5] =	wrdreg $0xB  }
0xb2: {  	_ =	task.clear_ibuf [dreg:s7], $0x6FFFF;
	_ =	strace $0x90000046  }
0xb3: {  	s29 =	simm.s32 $0xB;
	_ =	strace $0x80000048  }
0xb4: {  	_ =	swait.ge [sflag:s29], $0x1  }
0xb5: {  	[sflag:s29] =	ssyncadd.s32 $0xFFFFFFFF  }
0xb6: {  	_ =	strace $0x90000048  }
0xb7: {  	_ =	sfence  }
0xb8: {  	s30 =	sld [smem:$0x0];
	_ =	sdelay $0x2  }
0xb9: {  	s31 =	sshll.u32 s1, $0xD;
	s1 =	sshrl.u32 s1, $0x2  }
0xba: {  	s3 =	sand.u32 $0x4000, s31;
	s1 =	sadd.s32 s1, s30  }
0xbb: {  	s0 =	sor.u32 s3, s0;
	s1 =	sshll.u32 s1, $0x11  }
0xbc: {  	s0 =	sor.u32 s1, s0  }
0xbd: {  	s0 =	sadd.s32 $0x8F2B, s0  }
0xbe: {  	[sflag:s0] =	ssyncadd.remote.s32 $0x1  }
0xbf: {  	_ =	sfence.sel $0xFFFF  }
0xc0: {  	[dreg:$0x0] =	wrdreg $0xFFFFFFFF;
	(pc) =	sbr.abs _section_cstart, $3  }
0xc1: {  	[dreg:$0x1] =	wrdreg $0xFFFFFFFF  }
0xc2: {  	_ =	task.clear_ibuf [dreg:s7], $0x2FFFF;
	_ =	strace $0x9FFFFFFF  }
0xc3: {  	(tm) =	ssettm $0x7FFFFFFF  }
tec
execute0_lowered:
.L_overlay_start_1:
0x0: {  	(tag) =	ssettag $0x1  }
0x1: {  	s3 =	rddreg [dreg:$0x0]  }
0x2: {  	s4 =	rddreg [dreg:$0x1]  }
0x3: {  	s2 =	rddreg [dreg:$0x2]  }
0x4: {  	s0 =	rddreg [dreg:$0x3];
	s1 =	stileid.u32  }
0x5: {  	s6 =	srdreg.scid;
	s5 =	simm.s32 $0x0;
	p0 =	por $0x0, $0x0  }
0x6: {  	s7 =	smul.u32 $0x3000, s1;
	s6 =	sand.u32 $0x1, s6;
	[smem:$0x7FF] =	sst s5  }
0x7: {  	s9 =	sadd.s32 $0x7200, s4;
	s10 =	sadd.s32 $0x6600, s4;
	s21 =	smul.u32 $0xC000, s1  }
0x8: {  	s18 =	sshll.u32 s1, $0x1;
	s8 =	smul.u32 $0x30000, s6;
	_ =	strace $0x80000047  }
0x9: {  	s19 =	ssub.s32 $0x2, s6;
	s6 =	sor.u32 s6, s18;
	s18 =	simm.s32 $0x500  }
0xa: {  	s11 =	sshrl.u32 s7, $0x3;
	s20 =	sshrl.u32 s19, $0x1;
	s6 =	smul.u32 $0x60, s6  }
0xb: {  	s7 =	sadd.s32 s7, s8;
	s17 =	sadd.s32 s11, s4;
	s11 =	simm.s32 $0x3  }
0xc: {  	s7 =	sshrl.u32 s7, $0x3;
	s8 =	sadd.s32 $0x7E00, s17;
	s22 =	sadd.s32 s9, s6  }
0xd: {  	s23 =	sadd.s32 s10, s6;
	s24 =	sor.u32 $0x10, s6;
	s29 =	sadd.s32 $0x20, s6  }
0xe: {  	s15 =	sadd.s32 $0x30, s6;
	s17 =	simm.s32 $0x200;
	[dreg:$0x4] =	wrdreg s8  }
0xf: {  	s4 =	sadd.s32 s7, s4;
	s7 =	ssub.s32 s19, s20;
	[dreg:$0x6] =	wrdreg s22  }
0x10: {  	s8 =	sshrl.u32 s21, $0x2;
	[dreg:$0x7] =	wrdreg s23;
	s25 =	sadd.s32 s9, s24  }
0x11: {  	s26 =	sadd.s32 s10, s24;
	s13 =	sadd.s32 s9, s29;
	s14 =	sadd.s32 s10, s29  }
0x12: {  	s24 =	sadd.s32 s9, s15;
	s28 =	sadd.s32 s10, s15;
	s29 =	sadd.s32 $0x50, s6  }
0x13: {  	s22 =	simm.s32 $0x400;
	s20 =	simm.s32 $0x480;
	[dreg:$0x8] =	wrdreg s25  }
0x14: {  	s21 =	simm.s32 $0x100;
	s19 =	simm.s32 $0x180;
	[dreg:$0x9] =	wrdreg s26  }
0x15: {  	s15 =	simm.s32 $0x580;
	s4 =	sadd.s32 $0xDE00, s4;
	[dreg:$0xa] =	wrdreg s13  }
0x16: {  	s12 =	sadd.s32 s8, s2;
	s16 =	smax.u32 s7, $0x1;
	[dreg:$0xb] =	wrdreg s14  }
0x17: {  	[dreg:$0xc] =	wrdreg s24;
	s25 =	sadd.s32 $0x40, s6;
	s24 =	sadd.s32 s9, s29  }
0x18: {  	s23 =	sadd.s32 s10, s29;
	s6 =	simm.s32 $0x80;
	p1 =	sne.s32 s16, $0x1  }
.Ltmp0:
0x19: {  	s13 =	simm.s32 $0x280;
	s31 =	rddreg [dreg:$0x6];
	(pc) =	sbr.rel @!p1 .LBB2_3-.Ltmp0, $4  }
0x1a: {  	s8 =	simm.s32 $0x680;
	s14 =	simm.s32 $0x2;
	[dreg:$0x5] =	wrdreg s4  }
0x1b: {  	s26 =	sadd.s32 s9, s25;
	s25 =	sadd.s32 s10, s25;
	s4 =	simm.s32 $0x4  }
0x1c: {  	s10 =	simm.s32 $0x600;
	s7 =	sshrl.u32 s12, $0x3;
	s12 =	simm.s32 $0x800  }
0x1d: {  	s9 =	simm.s32 $0x4800;
	s30 =	sadd.s32 $0xFFFFFFFF, s16;
	s16 =	simm.s32 $0x1  }
0x1e: {  	[tilespmem:s5], [sflag:$0x4] =	stream.linear.gather [hbm4b:s31+s5], $0x80, $0x38;
	[tilespmem:$0xB800] =	vst v63  }
0x1f: {  	_ =	swait.ge [sflag:s4], $0x80  }
0x20: {  	[sflag:s4] =	ssyncset.done $0x0  }
0x21: {  	s29 =	rddreg [dreg:$0x7];
	[sflag:s4] =	ssyncadd.s32 $0xFFFFFF80  }
0x22: {  	[tilespmem:s22], [sflag:$0x4] =	stream.linear.gather [hbm4b:s29+s5], $0x80, $0x38;
	[tilespmem:$0xB800] =	vst v63  }
0x23: {  	_ =	swait.ge [sflag:s4], $0x80  }
0x24: {  	[sflag:s4] =	ssyncset.done $0x0  }
0x25: {  	s29 =	rddreg [dreg:$0x8];
	[sflag:s4] =	ssyncadd.s32 $0xFFFFFF80  }
0x26: {  	[tilespmem:s6], [sflag:$0x4] =	stream.linear.gather [hbm4b:s29+s5], $0x80, $0x38;
	[tilespmem:$0xB800] =	vst v63  }
0x27: {  	_ =	swait.ge [sflag:s4], $0x80  }
0x28: {  	[sflag:s4] =	ssyncset.done $0x0  }
0x29: {  	s29 =	rddreg [dreg:$0x9];
	[sflag:s4] =	ssyncadd.s32 $0xFFFFFF80  }
0x2a: {  	[tilespmem:s20], [sflag:$0x4] =	stream.linear.gather [hbm4b:s29+s5], $0x80, $0x38;
	[tilespmem:$0xB800] =	vst v63  }
0x2b: {  	_ =	swait.ge [sflag:s4], $0x80  }
0x2c: {  	[sflag:s4] =	ssyncset.done $0x0  }
0x2d: {  	s29 =	rddreg [dreg:$0xa];
	[sflag:s4] =	ssyncadd.s32 $0xFFFFFF80  }
0x2e: {  	[tilespmem:s21], [sflag:$0x4] =	stream.linear.gather [hbm4b:s29+s5], $0x80, $0x38;
	[tilespmem:$0xB800] =	vst v63  }
0x2f: {  	_ =	swait.ge [sflag:s4], $0x80  }
0x30: {  	[sflag:s4] =	ssyncset.done $0x0  }
0x31: {  	s29 =	rddreg [dreg:$0xb];
	[sflag:s4] =	ssyncadd.s32 $0xFFFFFF80  }
0x32: {  	[tilespmem:s18], [sflag:$0x4] =	stream.linear.gather [hbm4b:s29+s5], $0x80, $0x38;
	[tilespmem:$0xB800] =	vst v63  }
0x33: {  	_ =	swait.ge [sflag:s4], $0x80  }
0x34: {  	[sflag:s4] =	ssyncset.done $0x0  }
0x35: {  	s29 =	rddreg [dreg:$0xc];
	[sflag:s4] =	ssyncadd.s32 $0xFFFFFF80  }
0x36: {  	[tilespmem:s19], [sflag:$0x4] =	stream.linear.gather [hbm4b:s29+s5], $0x80, $0x38;
	[tilespmem:$0xB800] =	vst v63  }
0x37: {  	_ =	swait.ge [sflag:s4], $0x80  }
0x38: {  	[sflag:s4] =	ssyncset.done $0x0  }
0x39: {  	[sflag:s4] =	ssyncadd.s32 $0xFFFFFF80  }
0x3a: {  	[tilespmem:s15], [sflag:$0x4] =	stream.linear.gather [hbm4b:s28+s5], $0x80, $0x38;
	[tilespmem:$0xB800] =	vst v63  }
0x3b: {  	_ =	swait.ge [sflag:s4], $0x80  }
0x3c: {  	[sflag:s4] =	ssyncset.done $0x0  }
0x3d: {  	[sflag:s4] =	ssyncadd.s32 $0xFFFFFF80  }
0x3e: {  	[tilespmem:s17], [sflag:$0x4] =	stream.linear.gather [hbm4b:s26+s5], $0x80, $0x38;
	[tilespmem:$0xB800] =	vst v63  }
0x3f: {  	_ =	swait.ge [sflag:s4], $0x80  }
0x40: {  	[sflag:s4] =	ssyncset.done $0x0  }
0x41: {  	[sflag:s4] =	ssyncadd.s32 $0xFFFFFF80  }
0x42: {  	[tilespmem:s10], [sflag:$0x4] =	stream.linear.gather [hbm4b:s25+s5], $0x80, $0x38;
	[tilespmem:$0xB800] =	vst v63  }
0x43: {  	_ =	swait.ge [sflag:s4], $0x80  }
0x44: {  	[sflag:s4] =	ssyncset.done $0x0  }
0x45: {  	[sflag:s4] =	ssyncadd.s32 $0xFFFFFF80  }
0x46: {  	[tilespmem:s13], [sflag:$0x4] =	stream.linear.gather [hbm4b:s24+s5], $0x80, $0x38;
	[tilespmem:$0xB800] =	vst v63  }
0x47: {  	_ =	swait.ge [sflag:s4], $0x80  }
0x48: {  	[sflag:s4] =	ssyncset.done $0x0  }
0x49: {  	[sflag:s4] =	ssyncadd.s32 $0xFFFFFF80  }
0x4a: {  	[tilespmem:s8], [sflag:$0x4] =	stream.linear.gather [hbm4b:s23+s5], $0x80, $0x38;
	[tilespmem:$0xB800] =	vst v63  }
0x4b: {  	_ =	swait.ge [sflag:s4], $0x80  }
0x4c: {  	s29 =	sshll.u32 s1, $0x6;
	[sflag:s4] =	ssyncset.done $0x0  }
0x4d: {  	s29 =	sor.u32 $0x1C04, s29;
	s31 =	rddreg [dreg:$0x4];
	[sflag:s4] =	ssyncadd.s32 $0xFFFFFF80  }
0x4e: {  	[spmem:s7], [sflag:s29] =	dma.local [hbm:s31], $0x600  }
0x4f: {  	_ =	swait.ge [sflag:s4], $0x600  }
0x50: {  	[sflag:s4] =	ssyncset.done $0x0  }
0x51: {  	[sflag:s4] =	ssyncadd.s32 $0xFFFFFA00  }
0x52: {  	[bflag:$0x0] =	sbarrier.arrive $0xFFFF  }
0x53: {  	[tilespmem:s12], [sflag:$0x1] =	stream.indirect.gather [hbm4b:s3+s6], $0x80, s5, s6, $0xb8;
	[tilespmem:$0xB800] =	vst v63  }
0x54: {  	_ = 	snop  }
0x55: {  	[tilespmem:s9], [sflag:$0x2] =	stream.indirect.gather [hbm4b:s3+s6], $0x80, s6, s6, $0xb8;
	[tilespmem:$0xB800] =	vst v63  }
0x56: {  	_ =	swait.ge [sflag:s16], $0x4000  }
0x57: {  	[sflag:s16] =	ssyncset.done $0x0  }
0x58: {  	[sflag:s16] =	ssyncadd.s32 $0xFFFFC000  }
0x59: {  	[spmem:s2] =	stream.indirect.scatter.add.f32 [tilespmem:s12], [sflag:$0x3], $0x80, s22, s6, $0xb8;
	[tilespmem:$0xB800] =	vst v63  }
0x5a: {  	_ =	swait.ge [sflag:s11], $0x4000  }
0x5b: {  	[sflag:s11] =	ssyncset.done $0x0  }
0x5c: {  	[sflag:s11] =	ssyncadd.s32 $0xFFFFC000  }
0x5d: {  	[tilespmem:s12], [sflag:$0x1] =	stream.indirect.gather [hbm4b:s3+s6], $0x80, s21, s6, $0xb8;
	[tilespmem:$0xB800] =	vst v63  }
0x5e: {  	_ =	swait.ge [sflag:s14], $0x4000  }
0x5f: {  	[sflag:s14] =	ssyncset.done $0x0  }
0x60: {  	[sflag:s14] =	ssyncadd.s32 $0xFFFFC000  }
0x61: {  	[spmem:s2] =	stream.indirect.scatter.add.f32 [tilespmem:s9], [sflag:$0x3], $0x80, s20, s6, $0xb8;
	[tilespmem:$0xB800] =	vst v63  }
0x62: {  	_ =	swait.ge [sflag:s11], $0x4000  }
0x63: {  	[sflag:s11] =	ssyncset.done $0x0  }
0x64: {  	[sflag:s11] =	ssyncadd.s32 $0xFFFFC000  }
0x65: {  	[tilespmem:s9], [sflag:$0x2] =	stream.indirect.gather [hbm4b:s3+s6], $0x80, s19, s6, $0xb8;
	[tilespmem:$0xB800] =	vst v63  }
0x66: {  	_ =	swait.ge [sflag:s16], $0x4000  }
0x67: {  	[sflag:s16] =	ssyncset.done $0x0  }
0x68: {  	[sflag:s16] =	ssyncadd.s32 $0xFFFFC000  }
0x69: {  	[spmem:s2] =	stream.indirect.scatter.add.f32 [tilespmem:s12], [sflag:$0x3], $0x80, s18, s6, $0xb8;
	[tilespmem:$0xB800] =	vst v63  }
0x6a: {  	_ =	swait.ge [sflag:s11], $0x4000  }
0x6b: {  	[sflag:s11] =	ssyncset.done $0x0  }
0x6c: {  	[sflag:s11] =	ssyncadd.s32 $0xFFFFC000  }
0x6d: {  	[tilespmem:s12], [sflag:$0x1] =	stream.indirect.gather [hbm4b:s3+s6], $0x80, s17, s6, $0xb8;
	[tilespmem:$0xB800] =	vst v63  }
0x6e: {  	_ =	swait.ge [sflag:s14], $0x4000  }
0x6f: {  	[sflag:s14] =	ssyncset.done $0x0  }
0x70: {  	[sflag:s14] =	ssyncadd.s32 $0xFFFFC000  }
0x71: {  	[spmem:s2] =	stream.indirect.scatter.add.f32 [tilespmem:s9], [sflag:$0x3], $0x80, s15, s6, $0xb8;
	[tilespmem:$0xB800] =	vst v63  }
0x72: {  	_ =	swait.ge [sflag:s11], $0x4000  }
0x73: {  	[sflag:s11] =	ssyncset.done $0x0  }
0x74: {  	[sflag:s11] =	ssyncadd.s32 $0xFFFFC000  }
0x75: {  	[tilespmem:s9], [sflag:$0x2] =	stream.indirect.gather [hbm4b:s3+s6], $0x80, s13, s6, $0xb8;
	[tilespmem:$0xB800] =	vst v63  }
0x76: {  	_ =	swait.ge [sflag:s16], $0x4000  }
0x77: {  	[sflag:s16] =	ssyncset.done $0x0  }
0x78: {  	[sflag:s16] =	ssyncadd.s32 $0xFFFFC000  }
0x79: {  	[spmem:s2] =	stream.indirect.scatter.add.f32 [tilespmem:s12], [sflag:$0x3], $0x80, s10, s6, $0xb8;
	[tilespmem:$0xB800] =	vst v63  }
0x7a: {  	_ =	swait.ge [sflag:s11], $0x4000  }
0x7b: {  	[sflag:s11] =	ssyncset.done $0x0  }
0x7c: {  	[sflag:s11] =	ssyncadd.s32 $0xFFFFC000  }
0x7d: {  	_ =	swait.ge [sflag:s14], $0x4000  }
0x7e: {  	[sflag:s14] =	ssyncset.done $0x0  }
0x7f: {  	[sflag:s14] =	ssyncadd.s32 $0xFFFFC000  }
0x80: {  	[spmem:s2] =	stream.indirect.scatter.add.f32 [tilespmem:s9], [sflag:$0x3], $0x80, s8, s6, $0xb8;
	[tilespmem:$0xB800] =	vst v63  }
0x81: {  	_ =	swait.ge [sflag:s11], $0x4000  }
0x82: {  	[sflag:s11] =	ssyncset.done $0x0  }
0x83: {  	p1 =	sne.s32 s30, $0x1;
	[sflag:s11] =	ssyncadd.s32 $0xFFFFC000  }
.Ltmp1:
0x84: {  	[bflag:$0x0] =	sbarrier.arrive $0xFFFF;
	(pc) =	sbr.rel @!p1 .LBB2_3-.Ltmp1, $4  }
0x85: {  	s31 =	rddreg [dreg:$0x5]  }
0x86: {  	[hbm:s31], [sflag:s29] =	dma.local [spmem:s7], $0x600  }
0x87: {  	s30 =	sadd.s32 $0xFFFFFFFF, s30;
	_ =	swait.ge [sflag:s4], $0x600  }
0x88: {  	p0 =	por $0x1, $0x1;
	s31 =	rddreg [dreg:$0x6];
	[sflag:s4] =	ssyncset.done $0x0  }
.LBB2_2:
0x89: {  	[sflag:s4] =	ssyncadd.s32 $0xFFFFFA00  }
0x8a: {  	[tilespmem:s5], [sflag:$0x4] =	stream.linear.gather [hbm4b:s31+s5], $0x80, $0x38;
	[tilespmem:$0xB800] =	vst v63  }
0x8b: {  	_ =	swait.ge [sflag:s4], $0x80  }
0x8c: {  	[sflag:s4] =	ssyncset.done $0x0  }
0x8d: {  	s31 =	rddreg [dreg:$0x7];
	[sflag:s4] =	ssyncadd.s32 $0xFFFFFF80  }
0x8e: {  	[tilespmem:s22], [sflag:$0x4] =	stream.linear.gather [hbm4b:s31+s5], $0x80, $0x38;
	[tilespmem:$0xB800] =	vst v63  }
0x8f: {  	_ =	swait.ge [sflag:s4], $0x80  }
0x90: {  	[sflag:s4] =	ssyncset.done $0x0  }
0x91: {  	s31 =	rddreg [dreg:$0x8];
	[sflag:s4] =	ssyncadd.s32 $0xFFFFFF80  }
0x92: {  	[tilespmem:s6], [sflag:$0x4] =	stream.linear.gather [hbm4b:s31+s5], $0x80, $0x38;
	[tilespmem:$0xB800] =	vst v63  }
0x93: {  	_ =	swait.ge [sflag:s4], $0x80  }
0x94: {  	[sflag:s4] =	ssyncset.done $0x0  }
0x95: {  	s31 =	rddreg [dreg:$0x9];
	[sflag:s4] =	ssyncadd.s32 $0xFFFFFF80  }
0x96: {  	[tilespmem:s20], [sflag:$0x4] =	stream.linear.gather [hbm4b:s31+s5], $0x80, $0x38;
	[tilespmem:$0xB800] =	vst v63  }
0x97: {  	_ =	swait.ge [sflag:s4], $0x80  }
0x98: {  	[sflag:s4] =	ssyncset.done $0x0  }
0x99: {  	s31 =	rddreg [dreg:$0xa];
	[sflag:s4] =	ssyncadd.s32 $0xFFFFFF80  }
0x9a: {  	[tilespmem:s21], [sflag:$0x4] =	stream.linear.gather [hbm4b:s31+s5], $0x80, $0x38;
	[tilespmem:$0xB800] =	vst v63  }
0x9b: {  	_ =	swait.ge [sflag:s4], $0x80  }
0x9c: {  	[sflag:s4] =	ssyncset.done $0x0  }
0x9d: {  	s31 =	rddreg [dreg:$0xb];
	[sflag:s4] =	ssyncadd.s32 $0xFFFFFF80  }
0x9e: {  	[tilespmem:s18], [sflag:$0x4] =	stream.linear.gather [hbm4b:s31+s5], $0x80, $0x38;
	[tilespmem:$0xB800] =	vst v63  }
0x9f: {  	_ =	swait.ge [sflag:s4], $0x80  }
0xa0: {  	[sflag:s4] =	ssyncset.done $0x0  }
0xa1: {  	s31 =	rddreg [dreg:$0xc];
	[sflag:s4] =	ssyncadd.s32 $0xFFFFFF80  }
0xa2: {  	[tilespmem:s19], [sflag:$0x4] =	stream.linear.gather [hbm4b:s31+s5], $0x80, $0x38;
	[tilespmem:$0xB800] =	vst v63  }
0xa3: {  	_ =	swait.ge [sflag:s4], $0x80  }
0xa4: {  	[sflag:s4] =	ssyncset.done $0x0  }
0xa5: {  	[sflag:s4] =	ssyncadd.s32 $0xFFFFFF80  }
0xa6: {  	[tilespmem:s15], [sflag:$0x4] =	stream.linear.gather [hbm4b:s28+s5], $0x80, $0x38;
	[tilespmem:$0xB800] =	vst v63  }
0xa7: {  	_ =	swait.ge [sflag:s4], $0x80  }
0xa8: {  	[sflag:s4] =	ssyncset.done $0x0  }
0xa9: {  	[sflag:s4] =	ssyncadd.s32 $0xFFFFFF80  }
0xaa: {  	[tilespmem:s17], [sflag:$0x4] =	stream.linear.gather [hbm4b:s26+s5], $0x80, $0x38;
	[tilespmem:$0xB800] =	vst v63  }
0xab: {  	_ =	swait.ge [sflag:s4], $0x80  }
0xac: {  	[sflag:s4] =	ssyncset.done $0x0  }
0xad: {  	[sflag:s4] =	ssyncadd.s32 $0xFFFFFF80  }
0xae: {  	[tilespmem:s10], [sflag:$0x4] =	stream.linear.gather [hbm4b:s25+s5], $0x80, $0x38;
	[tilespmem:$0xB800] =	vst v63  }
0xaf: {  	_ =	swait.ge [sflag:s4], $0x80  }
0xb0: {  	[sflag:s4] =	ssyncset.done $0x0  }
0xb1: {  	[sflag:s4] =	ssyncadd.s32 $0xFFFFFF80  }
0xb2: {  	[tilespmem:s13], [sflag:$0x4] =	stream.linear.gather [hbm4b:s24+s5], $0x80, $0x38;
	[tilespmem:$0xB800] =	vst v63  }
0xb3: {  	_ =	swait.ge [sflag:s4], $0x80  }
0xb4: {  	[sflag:s4] =	ssyncset.done $0x0  }
0xb5: {  	[sflag:s4] =	ssyncadd.s32 $0xFFFFFF80  }
0xb6: {  	[tilespmem:s8], [sflag:$0x4] =	stream.linear.gather [hbm4b:s23+s5], $0x80, $0x38;
	[tilespmem:$0xB800] =	vst v63  }
0xb7: {  	_ =	swait.ge [sflag:s4], $0x80  }
0xb8: {  	[sflag:s4] =	ssyncset.done $0x0  }
0xb9: {  	s31 =	rddreg [dreg:$0x4];
	[sflag:s4] =	ssyncadd.s32 $0xFFFFFF80  }
0xba: {  	[spmem:s7], [sflag:s29] =	dma.local [hbm:s31], $0x600  }
0xbb: {  	_ =	swait.ge [sflag:s4], $0x600  }
0xbc: {  	[sflag:s4] =	ssyncset.done $0x0  }
0xbd: {  	[sflag:s4] =	ssyncadd.s32 $0xFFFFFA00  }
0xbe: {  	[bflag:$0x0] =	sbarrier.arrive $0xFFFF  }
0xbf: {  	[tilespmem:s12], [sflag:$0x1] =	stream.indirect.gather [hbm4b:s3+s6], $0x80, s5, s6, $0xb8;
	[tilespmem:$0xB800] =	vst v63  }
0xc0: {  	_ = 	snop  }
0xc1: {  	[tilespmem:s9], [sflag:$0x2] =	stream.indirect.gather [hbm4b:s3+s6], $0x80, s6, s6, $0xb8;
	[tilespmem:$0xB800] =	vst v63  }
0xc2: {  	_ =	swait.ge [sflag:s16], $0x4000  }
0xc3: {  	[sflag:s16] =	ssyncset.done $0x0  }
0xc4: {  	[sflag:s16] =	ssyncadd.s32 $0xFFFFC000  }
0xc5: {  	[spmem:s2] =	stream.indirect.scatter.add.f32 [tilespmem:s12], [sflag:$0x3], $0x80, s22, s6, $0xb8;
	[tilespmem:$0xB800] =	vst v63  }
0xc6: {  	_ =	swait.ge [sflag:s11], $0x4000  }
0xc7: {  	[sflag:s11] =	ssyncset.done $0x0  }
0xc8: {  	[sflag:s11] =	ssyncadd.s32 $0xFFFFC000  }
0xc9: {  	[tilespmem:s12], [sflag:$0x1] =	stream.indirect.gather [hbm4b:s3+s6], $0x80, s21, s6, $0xb8;
	[tilespmem:$0xB800] =	vst v63  }
0xca: {  	_ =	swait.ge [sflag:s14], $0x4000  }
0xcb: {  	[sflag:s14] =	ssyncset.done $0x0  }
0xcc: {  	[sflag:s14] =	ssyncadd.s32 $0xFFFFC000  }
0xcd: {  	[spmem:s2] =	stream.indirect.scatter.add.f32 [tilespmem:s9], [sflag:$0x3], $0x80, s20, s6, $0xb8;
	[tilespmem:$0xB800] =	vst v63  }
0xce: {  	_ =	swait.ge [sflag:s11], $0x4000  }
0xcf: {  	[sflag:s11] =	ssyncset.done $0x0  }
0xd0: {  	[sflag:s11] =	ssyncadd.s32 $0xFFFFC000  }
0xd1: {  	[tilespmem:s9], [sflag:$0x2] =	stream.indirect.gather [hbm4b:s3+s6], $0x80, s19, s6, $0xb8;
	[tilespmem:$0xB800] =	vst v63  }
0xd2: {  	_ =	swait.ge [sflag:s16], $0x4000  }
0xd3: {  	[sflag:s16] =	ssyncset.done $0x0  }
0xd4: {  	[sflag:s16] =	ssyncadd.s32 $0xFFFFC000  }
0xd5: {  	[spmem:s2] =	stream.indirect.scatter.add.f32 [tilespmem:s12], [sflag:$0x3], $0x80, s18, s6, $0xb8;
	[tilespmem:$0xB800] =	vst v63  }
0xd6: {  	_ =	swait.ge [sflag:s11], $0x4000  }
0xd7: {  	[sflag:s11] =	ssyncset.done $0x0  }
0xd8: {  	[sflag:s11] =	ssyncadd.s32 $0xFFFFC000  }
0xd9: {  	[tilespmem:s12], [sflag:$0x1] =	stream.indirect.gather [hbm4b:s3+s6], $0x80, s17, s6, $0xb8;
	[tilespmem:$0xB800] =	vst v63  }
0xda: {  	_ =	swait.ge [sflag:s14], $0x4000  }
0xdb: {  	[sflag:s14] =	ssyncset.done $0x0  }
0xdc: {  	[sflag:s14] =	ssyncadd.s32 $0xFFFFC000  }
0xdd: {  	[spmem:s2] =	stream.indirect.scatter.add.f32 [tilespmem:s9], [sflag:$0x3], $0x80, s15, s6, $0xb8;
	[tilespmem:$0xB800] =	vst v63  }
0xde: {  	_ =	swait.ge [sflag:s11], $0x4000  }
0xdf: {  	[sflag:s11] =	ssyncset.done $0x0  }
0xe0: {  	[sflag:s11] =	ssyncadd.s32 $0xFFFFC000  }
0xe1: {  	[tilespmem:s9], [sflag:$0x2] =	stream.indirect.gather [hbm4b:s3+s6], $0x80, s13, s6, $0xb8;
	[tilespmem:$0xB800] =	vst v63  }
0xe2: {  	_ =	swait.ge [sflag:s16], $0x4000  }
0xe3: {  	[sflag:s16] =	ssyncset.done $0x0  }
0xe4: {  	[sflag:s16] =	ssyncadd.s32 $0xFFFFC000  }
0xe5: {  	[spmem:s2] =	stream.indirect.scatter.add.f32 [tilespmem:s12], [sflag:$0x3], $0x80, s10, s6, $0xb8;
	[tilespmem:$0xB800] =	vst v63  }
0xe6: {  	_ =	swait.ge [sflag:s11], $0x4000  }
0xe7: {  	[sflag:s11] =	ssyncset.done $0x0  }
0xe8: {  	[sflag:s11] =	ssyncadd.s32 $0xFFFFC000  }
0xe9: {  	_ =	swait.ge [sflag:s14], $0x4000  }
0xea: {  	[sflag:s14] =	ssyncset.done $0x0  }
0xeb: {  	[sflag:s14] =	ssyncadd.s32 $0xFFFFC000  }
0xec: {  	[spmem:s2] =	stream.indirect.scatter.add.f32 [tilespmem:s9], [sflag:$0x3], $0x80, s8, s6, $0xb8;
	[tilespmem:$0xB800] =	vst v63  }
0xed: {  	_ =	swait.ge [sflag:s11], $0x4000  }
0xee: {  	[sflag:s11] =	ssyncset.done $0x0  }
0xef: {  	p1 =	sne.s32 s30, $0x1;
	[sflag:s11] =	ssyncadd.s32 $0xFFFFC000  }
.Ltmp2:
0xf0: {  	[bflag:$0x0] =	sbarrier.arrive $0xFFFF;
	(pc) =	sbr.rel @p1 .LBB2_2-.Ltmp2, $4  }
0xf1: {  	s31 =	rddreg [dreg:$0x5]  }
0xf2: {  	[hbm:s31], [sflag:s29] =	dma.local [spmem:s7], $0x600  }
0xf3: {  	_ =	swait.ge [sflag:s4], $0x600  }
0xf4: {  	s30 =	sadd.s32 $0xFFFFFFFF, s30;
	s31 =	rddreg [dreg:$0x6];
	[sflag:s4] =	ssyncset.done $0x0  }
.LBB2_3:
0xf5: {  	[sflag:s4] =	ssyncadd.s32 @p0 $0xFFFFFA00  }
0xf6: {  	[tilespmem:s5], [sflag:$0x4] =	stream.linear.gather [hbm4b:s31+s5], $0x80, $0x38;
	[tilespmem:$0xB800] =	vst v63  }
0xf7: {  	_ =	swait.ge [sflag:s4], $0x80  }
0xf8: {  	[sflag:s4] =	ssyncset.done $0x0  }
0xf9: {  	s29 =	rddreg [dreg:$0x7];
	[sflag:s4] =	ssyncadd.s32 $0xFFFFFF80  }
0xfa: {  	[tilespmem:s22], [sflag:$0x4] =	stream.linear.gather [hbm4b:s29+s5], $0x80, $0x38;
	[tilespmem:$0xB800] =	vst v63  }
0xfb: {  	_ =	swait.ge [sflag:s4], $0x80  }
0xfc: {  	[sflag:s4] =	ssyncset.done $0x0  }
0xfd: {  	s31 =	rddreg [dreg:$0x8];
	[sflag:s4] =	ssyncadd.s32 $0xFFFFFF80  }
0xfe: {  	[tilespmem:s6], [sflag:$0x4] =	stream.linear.gather [hbm4b:s31+s5], $0x80, $0x38;
	[tilespmem:$0xB800] =	vst v63  }
0xff: {  	_ =	swait.ge [sflag:s4], $0x80  }
0x100: {  	[sflag:s4] =	ssyncset.done $0x0  }
0x101: {  	s30 =	rddreg [dreg:$0x9];
	[sflag:s4] =	ssyncadd.s32 $0xFFFFFF80  }
0x102: {  	[tilespmem:s20], [sflag:$0x4] =	stream.linear.gather [hbm4b:s30+s5], $0x80, $0x38;
	[tilespmem:$0xB800] =	vst v63  }
0x103: {  	_ =	swait.ge [sflag:s4], $0x80  }
0x104: {  	[sflag:s4] =	ssyncset.done $0x0  }
0x105: {  	s31 =	rddreg [dreg:$0xa];
	[sflag:s4] =	ssyncadd.s32 $0xFFFFFF80  }
0x106: {  	[tilespmem:s21], [sflag:$0x4] =	stream.linear.gather [hbm4b:s31+s5], $0x80, $0x38;
	[tilespmem:$0xB800] =	vst v63  }
0x107: {  	_ =	swait.ge [sflag:s4], $0x80  }
0x108: {  	[sflag:s4] =	ssyncset.done $0x0  }
0x109: {  	s30 =	rddreg [dreg:$0xb];
	[sflag:s4] =	ssyncadd.s32 $0xFFFFFF80  }
0x10a: {  	[tilespmem:s18], [sflag:$0x4] =	stream.linear.gather [hbm4b:s30+s5], $0x80, $0x38;
	[tilespmem:$0xB800] =	vst v63  }
0x10b: {  	_ =	swait.ge [sflag:s4], $0x80  }
0x10c: {  	[sflag:s4] =	ssyncset.done $0x0  }
0x10d: {  	s31 =	rddreg [dreg:$0xc];
	[sflag:s4] =	ssyncadd.s32 $0xFFFFFF80  }
0x10e: {  	[tilespmem:s19], [sflag:$0x4] =	stream.linear.gather [hbm4b:s31+s5], $0x80, $0x38;
	[tilespmem:$0xB800] =	vst v63  }
0x10f: {  	_ =	swait.ge [sflag:s4], $0x80  }
0x110: {  	[sflag:s4] =	ssyncset.done $0x0  }
0x111: {  	[sflag:s4] =	ssyncadd.s32 $0xFFFFFF80  }
0x112: {  	[tilespmem:s15], [sflag:$0x4] =	stream.linear.gather [hbm4b:s28+s5], $0x80, $0x38;
	[tilespmem:$0xB800] =	vst v63  }
0x113: {  	_ =	swait.ge [sflag:s4], $0x80  }
0x114: {  	[sflag:s4] =	ssyncset.done $0x0  }
0x115: {  	[sflag:s4] =	ssyncadd.s32 $0xFFFFFF80  }
0x116: {  	[tilespmem:s17], [sflag:$0x4] =	stream.linear.gather [hbm4b:s26+s5], $0x80, $0x38;
	[tilespmem:$0xB800] =	vst v63  }
0x117: {  	_ =	swait.ge [sflag:s4], $0x80  }
0x118: {  	[sflag:s4] =	ssyncset.done $0x0  }
0x119: {  	[sflag:s4] =	ssyncadd.s32 $0xFFFFFF80  }
0x11a: {  	[tilespmem:s10], [sflag:$0x4] =	stream.linear.gather [hbm4b:s25+s5], $0x80, $0x38;
	[tilespmem:$0xB800] =	vst v63  }
0x11b: {  	_ =	swait.ge [sflag:s4], $0x80  }
0x11c: {  	[sflag:s4] =	ssyncset.done $0x0  }
0x11d: {  	[sflag:s4] =	ssyncadd.s32 $0xFFFFFF80  }
0x11e: {  	[tilespmem:s13], [sflag:$0x4] =	stream.linear.gather [hbm4b:s24+s5], $0x80, $0x38;
	[tilespmem:$0xB800] =	vst v63  }
0x11f: {  	_ =	swait.ge [sflag:s4], $0x80  }
0x120: {  	[sflag:s4] =	ssyncset.done $0x0  }
0x121: {  	[sflag:s4] =	ssyncadd.s32 $0xFFFFFF80  }
0x122: {  	[tilespmem:s8], [sflag:$0x4] =	stream.linear.gather [hbm4b:s23+s5], $0x80, $0x38;
	[tilespmem:$0xB800] =	vst v63  }
0x123: {  	_ =	swait.ge [sflag:s4], $0x80  }
0x124: {  	s30 =	sshll.u32 s1, $0x6;
	[sflag:s4] =	ssyncset.done $0x0  }
0x125: {  	s24 =	sor.u32 $0x1C04, s30;
	s29 =	rddreg [dreg:$0x4];
	[sflag:s4] =	ssyncadd.s32 $0xFFFFFF80  }
0x126: {  	[spmem:s7], [sflag:s24] =	dma.local [hbm:s29], $0x600  }
0x127: {  	_ =	swait.ge [sflag:s4], $0x600  }
0x128: {  	[sflag:s4] =	ssyncset.done $0x0  }
0x129: {  	[sflag:s4] =	ssyncadd.s32 $0xFFFFFA00  }
0x12a: {  	[bflag:$0x0] =	sbarrier.arrive $0xFFFF  }
0x12b: {  	[tilespmem:s12], [sflag:$0x1] =	stream.indirect.gather [hbm4b:s3+s6], $0x80, s5, s6, $0xb8;
	[tilespmem:$0xB800] =	vst v63  }
0x12c: {  	_ = 	snop  }
0x12d: {  	[tilespmem:s9], [sflag:$0x2] =	stream.indirect.gather [hbm4b:s3+s6], $0x80, s6, s6, $0xb8;
	[tilespmem:$0xB800] =	vst v63  }
0x12e: {  	_ =	swait.ge [sflag:s16], $0x4000  }
0x12f: {  	[sflag:s16] =	ssyncset.done $0x0  }
0x130: {  	[sflag:s16] =	ssyncadd.s32 $0xFFFFC000  }
0x131: {  	[spmem:s2] =	stream.indirect.scatter.add.f32 [tilespmem:s12], [sflag:$0x3], $0x80, s22, s6, $0xb8;
	[tilespmem:$0xB800] =	vst v63  }
0x132: {  	_ =	swait.ge [sflag:s11], $0x4000  }
0x133: {  	[sflag:s11] =	ssyncset.done $0x0  }
0x134: {  	[sflag:s11] =	ssyncadd.s32 $0xFFFFC000  }
0x135: {  	[tilespmem:s12], [sflag:$0x1] =	stream.indirect.gather [hbm4b:s3+s6], $0x80, s21, s6, $0xb8;
	[tilespmem:$0xB800] =	vst v63  }
0x136: {  	_ =	swait.ge [sflag:s14], $0x4000  }
0x137: {  	[sflag:s14] =	ssyncset.done $0x0  }
0x138: {  	[sflag:s14] =	ssyncadd.s32 $0xFFFFC000  }
0x139: {  	[spmem:s2] =	stream.indirect.scatter.add.f32 [tilespmem:s9], [sflag:$0x3], $0x80, s20, s6, $0xb8;
	[tilespmem:$0xB800] =	vst v63  }
0x13a: {  	_ =	swait.ge [sflag:s11], $0x4000  }
0x13b: {  	[sflag:s11] =	ssyncset.done $0x0  }
0x13c: {  	[sflag:s11] =	ssyncadd.s32 $0xFFFFC000  }
0x13d: {  	[tilespmem:s9], [sflag:$0x2] =	stream.indirect.gather [hbm4b:s3+s6], $0x80, s19, s6, $0xb8;
	[tilespmem:$0xB800] =	vst v63  }
0x13e: {  	_ =	swait.ge [sflag:s16], $0x4000  }
0x13f: {  	[sflag:s16] =	ssyncset.done $0x0  }
0x140: {  	[sflag:s16] =	ssyncadd.s32 $0xFFFFC000  }
0x141: {  	[spmem:s2] =	stream.indirect.scatter.add.f32 [tilespmem:s12], [sflag:$0x3], $0x80, s18, s6, $0xb8;
	[tilespmem:$0xB800] =	vst v63  }
0x142: {  	_ =	swait.ge [sflag:s11], $0x4000  }
0x143: {  	[sflag:s11] =	ssyncset.done $0x0  }
0x144: {  	[sflag:s11] =	ssyncadd.s32 $0xFFFFC000  }
0x145: {  	[tilespmem:s12], [sflag:$0x1] =	stream.indirect.gather [hbm4b:s3+s6], $0x80, s17, s6, $0xb8;
	[tilespmem:$0xB800] =	vst v63  }
0x146: {  	_ =	swait.ge [sflag:s14], $0x4000  }
0x147: {  	[sflag:s14] =	ssyncset.done $0x0  }
0x148: {  	[sflag:s14] =	ssyncadd.s32 $0xFFFFC000  }
0x149: {  	[spmem:s2] =	stream.indirect.scatter.add.f32 [tilespmem:s9], [sflag:$0x3], $0x80, s15, s6, $0xb8;
	[tilespmem:$0xB800] =	vst v63  }
0x14a: {  	_ =	swait.ge [sflag:s11], $0x4000  }
0x14b: {  	[sflag:s11] =	ssyncset.done $0x0  }
0x14c: {  	[sflag:s11] =	ssyncadd.s32 $0xFFFFC000  }
0x14d: {  	[tilespmem:s9], [sflag:$0x2] =	stream.indirect.gather [hbm4b:s3+s6], $0x80, s13, s6, $0xb8;
	[tilespmem:$0xB800] =	vst v63  }
0x14e: {  	_ =	swait.ge [sflag:s16], $0x4000  }
0x14f: {  	[sflag:s16] =	ssyncset.done $0x0  }
0x150: {  	[sflag:s16] =	ssyncadd.s32 $0xFFFFC000  }
0x151: {  	[spmem:s2] =	stream.indirect.scatter.add.f32 [tilespmem:s12], [sflag:$0x3], $0x80, s10, s6, $0xb8;
	[tilespmem:$0xB800] =	vst v63  }
0x152: {  	_ =	swait.ge [sflag:s11], $0x4000  }
0x153: {  	[sflag:s11] =	ssyncset.done $0x0  }
0x154: {  	[sflag:s11] =	ssyncadd.s32 $0xFFFFC000  }
0x155: {  	_ =	swait.ge [sflag:s14], $0x4000  }
0x156: {  	[sflag:s14] =	ssyncset.done $0x0  }
0x157: {  	[sflag:s14] =	ssyncadd.s32 $0xFFFFC000  }
0x158: {  	[spmem:s2] =	stream.indirect.scatter.add.f32 [tilespmem:s9], [sflag:$0x3], $0x80, s8, s6, $0xb8;
	[tilespmem:$0xB800] =	vst v63  }
0x159: {  	_ =	swait.ge [sflag:s11], $0x4000  }
0x15a: {  	[sflag:s11] =	ssyncset.done $0x0  }
0x15b: {  	[sflag:s11] =	ssyncadd.s32 $0xFFFFC000  }
0x15c: {  	[bflag:$0x0] =	sbarrier.arrive $0xFFFF  }
0x15d: {  	s31 =	rddreg [dreg:$0x5]  }
0x15e: {  	[hbm:s31], [sflag:s24] =	dma.local [spmem:s7], $0x600  }
0x15f: {  	_ =	swait.ge [sflag:s4], $0x600  }
0x160: {  	[sflag:s4] =	ssyncset.done $0x0  }
0x161: {  	[sflag:s4] =	ssyncadd.s32 $0xFFFFFA00  }
0x162: {  	_ =	sfence.sel $0x180000  }
0x163: {  	[bflag:$0x0] =	sbarrier.arrive $0xFFFF  }
0x164: {  	p0 =	sne.s32 s1, $0x0;
	_ =	strace $0x90000047  }
0x165: {  	s0 =	sadd.s32 @!p0 $0x100000, s0;
	[bflag:$0x2] =	sbarrier.arrive $0xFFFF  }
0x166: {  	[sflag:s0] =	ssyncadd.tile.s32 @!p0 $0x1;
	_ =	shalt  }
.Lfunc_end2:
_tile_overlayer_lowered:
.L_overlay_start_2:
0x167: {  	(tag) =	ssettag $0x2  }
0x168: {  	s0 =	rddreg [dreg:$0x0];
	s2 =	stileid.u32  }
0x169: {  	s1 =	rddreg [dreg:$0x1];
	p0 =	sne.s32 s2, $0x0  }
0x16a: {  	s3 =	rddreg [dreg:$0x2];
	[bflag:$0x3] =	sbarrier.arrive $0xFFFF;
	s2 =	simm.s32 @!p0 $0x1C04  }
0x16b: {  	[timem:s3], [sflag:s2] =	dma.local @!p0 [hbm:s0], s1  }
0x16c: {  	s0 =	simm.s32 @!p0 $0x4  }
0x16d: {  	_ =	swait.ge @!p0 [sflag:s0], s1  }
0x16e: {  	s1 =	ssub.s32 @!p0 $0x0, s1;
	[sflag:s0] =	ssyncset.done @!p0 $0x0  }
0x16f: {  	[sflag:s0] =	ssyncadd.s32 @!p0 s1  }
0x170: {  	[bflag:$0x3] =	sbarrier.arrive $0xFFFF  }
0x171: {  	_ =	shalt  }

// kernel: kernel.36.cloned.1.call-start
scs
__scs_entry_jumppad:
0x0: {  	(pc) =	sbr.rel $0x88, $3  }
0x1: {  	(tag) =	ssettag $0x0;
	lr =	simm.s32 $0x1  }
0x2: {  	[smem:$0x3F82] =	sst lr;
	_ =	strace $0xD0000000  }
0x3: {  	_ = 	snop  }
0x4: {  	_ = 	snop  }
0x5: {  	_ = 	snop  }
0x6: {  	_ = 	snop  }
0x7: {  	_ = 	snop  }
__scs_overlays_trampoline_lowered:
0x8: {  	[smem:$0x3F91] =	sst s0  }
0x9: {  	[smem:$0x3F92] =	sst s1  }
0xa: {  	[smem:$0x3F93] =	sst s2  }
0xb: {  	[smem:$0x3F94] =	sst s3  }
0xc: {  	[smem:$0x3F95] =	sst s4  }
0xd: {  	[smem:$0x3F96] =	sst s5  }
0xe: {  	[smem:$0x3F97] =	sst s6  }
0xf: {  	[smem:$0x3F98] =	sst s7  }
0x10: {  	[smem:$0x3F99] =	sst s8  }
0x11: {  	[smem:$0x3F9A] =	sst s9;
	s0 =	simm.s32 @!p0 $0x0  }
0x12: {  	s1 =	sld [smem:$0x3F80];
	s0 =	simm.s32 @p0 $0x1  }
0x13: {  	[smem:$0x3F9B] =	sst s0;
	s0 =	simm.s32 @!p1 $0x0  }
0x14: {  	s2 =	sld [smem:$0x3F7F];
	s0 =	simm.s32 @p1 $0x1  }
0x15: {  	[smem:$0x3F9C] =	sst s0;
	s0 =	simm.s32 @!p2 $0x0  }
0x16: {  	s3 =	sld [smem:$0x3FDB];
	s0 =	simm.s32 @p2 $0x1  }
0x17: {  	s4 =	simm.s32 $0x1BF5;
	[smem:$0x3F9E] =	sst s0  }
0x18: {  	s0 =	sld [smem:$0x3F81];
	_ =	swait.ge [sflag:s4], $0x0  }
0x19: {  	s7 =	sld [smem:$0x3F82]  }
0x1a: {  	s8 =	sadd.s32 $0xFFFFE003, lr  }
0x1b: {  	s9 =	sadd.s32 $0xFFFFFEF7, lr;
	s5 =	simm.s32 $0xFFFFFFFF;
	p2 =	slt.u32 s8, $0xFFFFF086  }
0x1c: {  	p1 =	slt.u32 s9, $0xF7A;
	s5 =	simm.s32 @!p2 $0x0  }
0x1d: {  	s5 =	simm.s32 @p1 $0x1;
	p0 =	seq.s32 s7, s2  }
0x1e: {  	s7 =	smul.u32 @!p0 $0xF7A, s2;
	p2 =	seq.s32 @!p0 s5, $0x0  }
0x1f: {  	s9 =	smul.u32 $0xF7A, s1;
	s8 =	simm.s32 @!p0 $0x1BF5;
	p2 =	por !p2, p0  }
0x20: {  	[sflag:s8] =	ssyncset.s32 @!p0 $0xFFFFF086;
	s6 =	sadd.s32 @!p0 s3, s7;
	s7 =	simm.s32 @!p0 $0x108  }
0x21: {  	s3 =	sadd.s32 s3, s9;
	s6 =	sadd.s32 @!p0 $0x88, s6;
	s7 =	simm.s32 @p2 $0x1082  }
0x22: {  	[simem:s7], [sflag:s8] =	dma.local @!p0 [hbm:s6], $0xF7A  }
0x23: {  	s9 =	sor.u32 $0xD0000000, s2;
	s6 =	simm.s32 $0x108;
	_ =	swait.ge @!p0 [sflag:s8], $0x0  }
0x24: {  	s3 =	sadd.s32 $0x88, s3;
	s6 =	simm.s32 @!p1 $0x1082;
	[sflag:s4] =	ssyncset.s32 $0xFFFFF086  }
0x25: {  	[simem:s6], [sflag:s4] =	dma.local [hbm:s3], $0xF7A  }
0x26: {  	[smem:$0x3F82] =	sst s1;
	(tag) =	ssettag s2;
	_ =	strace s9  }
0x27: {  	s1 =	sld [smem:$0x3F92]  }
0x28: {  	s2 =	sld [smem:$0x3F93]  }
0x29: {  	s4 =	sld [smem:$0x3F95]  }
0x2a: {  	p0 =	seq.s32 s5, $0x0;
	s5 =	sld [smem:$0x3F96]  }
0x2b: {  	s6 =	sld [smem:$0x3F97]  }
0x2c: {  	s7 =	sld [smem:$0x3F98]  }
0x2d: {  	s3 =	simm.s32 $0x108;
	s8 =	sld [smem:$0x3F99]  }
0x2e: {  	s3 =	simm.s32 @!p0 $0x1082;
	s9 =	sld [smem:$0x3F9A]  }
0x2f: {  	lr =	sadd.s32 s0, s3;
	s0 =	sld [smem:$0x3F91]  }
0x30: {  	s3 =	sld [smem:$0x3F94]  }
0x31: {  	[smem:$0x3F9D] =	sst s10  }
0x32: {  	s10 =	sld [smem:$0x3F9B];
	_ =	sdelay $0x3  }
0x33: {  	p0 =	seq.s32 s10, $0x1;
	s10 =	sld [smem:$0x3F9D];
	_ =	sdelay $0x3  }
0x34: {  	[smem:$0x3F9D] =	sst s10  }
0x35: {  	s10 =	sld [smem:$0x3F9C];
	_ =	sdelay $0x3  }
0x36: {  	p1 =	seq.s32 s10, $0x1;
	s10 =	sld [smem:$0x3F9D];
	_ =	sdelay $0x3  }
0x37: {  	[smem:$0x3F9D] =	sst s10  }
0x38: {  	s10 =	sld [smem:$0x3F9E]  }
0x39: {  	_ = 	snop;
	(pc) =	sbr.ind lr, $3  }
0x3a: {  	_ = 	snop  }
0x3b: {  	_ = 	snop  }
0x3c: {  	p2 =	seq.s32 s10, $0x1;
	s10 =	sld [smem:$0x3F9D]  }
0x3d: {  	_ =	shalt  }
0x3e: {  	_ =	shalt  }
0x3f: {  	_ =	shalt  }
0x40: {  	_ =	shalt  }
0x41: {  	_ =	shalt  }
0x42: {  	_ =	shalt  }
0x43: {  	_ =	shalt  }
0x44: {  	_ =	shalt  }
0x45: {  	_ =	shalt  }
0x46: {  	_ =	shalt  }
0x47: {  	_ =	shalt  }
0x48: {  	_ =	shalt  }
0x49: {  	_ =	shalt  }
0x4a: {  	_ =	shalt  }
0x4b: {  	_ =	shalt  }
0x4c: {  	_ =	shalt  }
0x4d: {  	_ =	shalt  }
0x4e: {  	_ =	shalt  }
0x4f: {  	_ =	shalt  }
0x50: {  	_ =	shalt  }
0x51: {  	_ =	shalt  }
0x52: {  	_ =	shalt  }
0x53: {  	_ =	shalt  }
0x54: {  	_ =	shalt  }
0x55: {  	_ =	shalt  }
0x56: {  	_ =	shalt  }
0x57: {  	_ =	shalt  }
0x58: {  	_ =	shalt  }
0x59: {  	_ =	shalt  }
0x5a: {  	_ =	shalt  }
0x5b: {  	_ =	shalt  }
0x5c: {  	_ =	shalt  }
0x5d: {  	_ =	shalt  }
0x5e: {  	_ =	shalt  }
0x5f: {  	_ =	shalt  }
0x60: {  	_ =	shalt  }
0x61: {  	_ =	shalt  }
0x62: {  	_ =	shalt  }
0x63: {  	_ =	shalt  }
0x64: {  	_ =	shalt  }
0x65: {  	_ =	shalt  }
0x66: {  	_ =	shalt  }
0x67: {  	_ =	shalt  }
0x68: {  	_ =	shalt  }
0x69: {  	_ =	shalt  }
0x6a: {  	_ =	shalt  }
0x6b: {  	_ =	shalt  }
0x6c: {  	_ =	shalt  }
0x6d: {  	_ =	shalt  }
0x6e: {  	_ =	shalt  }
0x6f: {  	_ =	shalt  }
0x70: {  	_ =	shalt  }
0x71: {  	_ =	shalt  }
0x72: {  	_ =	shalt  }
0x73: {  	_ =	shalt  }
0x74: {  	_ =	shalt  }
0x75: {  	_ =	shalt  }
0x76: {  	_ =	shalt  }
0x77: {  	_ =	shalt  }
0x78: {  	_ =	shalt  }
0x79: {  	_ =	shalt  }
0x7a: {  	_ =	shalt  }
0x7b: {  	_ =	shalt  }
0x7c: {  	_ =	shalt  }
0x7d: {  	_ =	shalt  }
0x7e: {  	_ =	shalt  }
0x7f: {  	_ =	shalt  }
0x80: {  	_ =	shalt  }
0x81: {  	_ =	shalt  }
0x82: {  	_ =	shalt  }
0x83: {  	_ =	shalt  }
0x84: {  	_ =	shalt  }
0x85: {  	_ =	shalt  }
0x86: {  	_ =	shalt  }
0x87: {  	_ =	shalt  }
.Lfunc_end0:
.L_simem_size_0:
called_computation.3_lowered:
.L_overlay_start_0:
0x88: {  	s2 =	sld [smem:$0x3FD9]  }
0x89: {  	s3 =	sld [smem:$0x3FFE];
	_ =	sdelay $0x1  }
0x8a: {  	s1 =	srdreg.scid  }
0x8b: {  	s0 =	sand.u32 $0x1, s1  }
0x8c: {  	s17 =	sshll.u32 s0, $0xA;
	s2 =	sadd.s32 s3, s2  }
0x8d: {  	s2 =	sadd.s32 s2, s17  }
0x8e: {  	[smem:$0x3FA9] =	sst s2  }
0x8f: {  	_ = 	snop  }
0x90: {  	s18 =	sld [smem:$0x3FD0];
	(tm) =	ssettm $0x1  }
0x91: {  	s19 =	sld [smem:$0x3FFB];
	_ =	sdelay $0x3  }
0x92: {  	_ =	strace s19  }
0x93: {  	s2 =	sld [smem:$0x3FFC];
	_ =	sdelay $0x3  }
0x94: {  	_ =	strace s2  }
0x95: {  	s2 =	sld [smem:$0x3FFD];
	_ =	sdelay $0x3  }
0x96: {  	_ =	strace s2  }
0x97: {  	_ =	strace $0x8FFFFFFF  }
0x98: {  	s20 =	sld [smem:$0x3FDB];
	_ =	sdelay $0x1  }
0x99: {  	s4 =	simm.s32 $_scs_section_size  }
0x9a: {  	s5 =	simm.s32 $_size__tile_overlayer_lowered;
	s6 =	simm.s32 $_tile_overlayer_lowered  }
0x9b: {  	s7 =	simm.s32 $0x1BFF;
	s21 =	sshll.u32 s6, $0x1;
	s4 =	sadd.s32 s4, s20  }
0x9c: {  	s22 =	simm.s32 $0x0;
	s5 =	sshll.u32 s5, $0x1;
	s6 =	sadd.s32 s21, s4  }
0x9d: {  	[timem:s22], [sflag:s7] =	dma.local [hbm:s6], s5  }
0x9e: {  	_ =	swait.ge [sflag:s7], s5  }
0x9f: {  	s5 =	ssub.s32 $0x0, s5;
	[sflag:s7] =	ssyncset.done $0x0  }
0xa0: {  	[sflag:s7] =	ssyncadd.s32 s5;
	_ =	sdelay $0x1  }
0xa1: {  	s23 =	simm.s32 $0x1B8B  }
0xa2: {  	_ =	swait.ge [sflag:s23], $0x1  }
0xa3: {  	[sflag:s23] =	ssyncset.done $0x0  }
0xa4: {  	[sflag:s23] =	ssyncadd.s32 $0xFFFFFFFF  }
0xa5: {  	s5 =	sld [smem:$0x0]  }
0xa6: {  	s6 =	sand.u32 $0xFFFFFFFE, s1  }
0xa7: {  	p0 =	sne.s32 s1, s6  }
0xa8: {  	s6 =	sshll.u32 @p0 s6, $0xE  }
0xa9: {  	s6 =	sadd.s32 @p0 $0x11B8D, s6;
	s7 =	sshll.u32 @p0 s5, $0x11  }
0xaa: {  	s6 =	sor.u32 @p0 s7, s6  }
0xab: {  	[sflag:s6] =	ssyncadd.remote.s32 @p0 $0x1;
	_ =	sdelay $0x1  }
0xac: {  	s6 =	simm.s32 @p0 $0x1B8D  }
0xad: {  	_ =	swait.eq @p0 [sflag:s6], $0x1  }
0xae: {  	[sflag:s6] =	ssyncadd.s32 @p0 $0xFFFFFFFF  }
0xaf: {  	s7 =	sshll.u32 @!p0 s1, $0xE  }
0xb0: {  	s7 =	sor.u32 @!p0 $0x4000, s7;
	s6 =	simm.s32 @!p0 $0x1B8D  }
0xb1: {  	s5 =	sshll.u32 @!p0 s5, $0x11;
	s7 =	sadd.s32 @!p0 $0x11B8D, s7;
	_ =	swait.eq @!p0 [sflag:s6], $0x1  }
0xb2: {  	s5 =	sor.u32 @!p0 s5, s7;
	[sflag:s6] =	ssyncadd.s32 @!p0 $0xFFFFFFFF  }
0xb3: {  	s25 =	simm.s32 $0x1B8E;
	s24 =	sld [smem:$0x3FFE];
	[sflag:s5] =	ssyncadd.remote.s32 @!p0 $0x1  }
0xb4: {  	s26 =	simm.s32 $execute0_lowered;
	[smem:$0x3FD2] =	sst s25  }
0xb5: {  	s6 =	sshll.u32 s26, $0x1;
	_ =	strace $0x8000004F;
	[dreg:$0x1] =	wrdreg $0xFFFFFFFF  }
0xb6: {  	s28 =	simm.s32 $_size_execute0_lowered;
	s4 =	sadd.s32 s4, s6;
	[dreg:$0x0] =	wrdreg $0x0  }
0xb7: {  	s6 =	sshll.u32 s28, $0x1;
	[dreg:$0x2] =	wrdreg s4  }
0xb8: {  	[dreg:$0x3] =	wrdreg s6  }
0xb9: {  	[dreg:$0x4] =	wrdreg $0xC0  }
0xba: {  	_ =	task [dreg:s22], $0x5FFFF  }
0xbb: {  	[dreg:$0x1] =	wrdreg $0xFFFFFFFF  }
0xbc: {  	[dreg:$0x0] =	wrdreg $0x60  }
0xbd: {  	[dreg:$0x2] =	wrdreg s18  }
0xbe: {  	[dreg:$0x3] =	wrdreg s24  }
0xbf: {  	[dreg:$0x4] =	wrdreg $0x90000  }
0xc0: {  	[dreg:$0x5] =	wrdreg $0xA  }
0xc1: {  	_ =	task.clear_ibuf [dreg:s22], $0x6FFFF;
	_ =	strace $0x9000004F  }
0xc2: {  	s29 =	simm.s32 $0xA;
	_ =	strace $0x80000051  }
0xc3: {  	_ =	swait.ge [sflag:s29], $0x1  }
0xc4: {  	[sflag:s29] =	ssyncadd.s32 $0xFFFFFFFF  }
0xc5: {  	_ =	strace $0x90000051  }
0xc6: {  	_ =	sfence  }
0xc7: {  	s30 =	sld [smem:$0x0];
	_ =	sdelay $0x2  }
0xc8: {  	s31 =	sshll.u32 s1, $0xD;
	s1 =	sshrl.u32 s1, $0x2  }
0xc9: {  	s4 =	sand.u32 $0x4000, s31;
	s1 =	sadd.s32 s1, s30  }
0xca: {  	s0 =	sor.u32 s4, s0;
	s1 =	sshll.u32 s1, $0x11  }
0xcb: {  	s0 =	sor.u32 s1, s0  }
0xcc: {  	s0 =	sadd.s32 $0x8F2B, s0  }
0xcd: {  	[sflag:s0] =	ssyncadd.remote.s32 $0x1  }
0xce: {  	_ =	sfence.sel $0xFFFF  }
0xcf: {  	[dreg:$0x0] =	wrdreg $0xFFFFFFFF;
	(pc) =	sbr.abs _section_cstart, $3  }
0xd0: {  	[dreg:$0x1] =	wrdreg $0xFFFFFFFF  }
0xd1: {  	_ =	task.clear_ibuf [dreg:s22], $0x2FFFF;
	_ =	strace $0x9FFFFFFF  }
0xd2: {  	(tm) =	ssettm $0x7FFFFFFF  }
0xd3: {  	_ =	shalt  }
tec
execute0_lowered:
.L_overlay_start_1:
0x0: {  	(tag) =	ssettag $0x1  }
0x1: {  	s3 =	rddreg [dreg:$0x0]  }
0x2: {  	s10 =	stileid.u32;
	s1 =	srdreg.scid  }
0x3: {  	s0 =	rddreg [dreg:$0x1];
	s4 =	smul.u32 $0x5800, s10;
	s1 =	sand.u32 $0x1, s1  }
0x4: {  	s2 =	rddreg [dreg:$0x2];
	s5 =	simm.s32 $0x0;
	s6 =	smul.u32 $0x58000, s1  }
0x5: {  	[smem:$0x7FF] =	sst s5;
	s23 =	sshll.u32 s10, $0x1  }
0x6: {  	s8 =	sadd.s32 $0x47600, s0;
	s7 =	sshrl.u32 s4, $0x3;
	s4 =	sadd.s32 s4, s6  }
0x7: {  	s7 =	sadd.s32 s7, s0;
	s6 =	sor.u32 s1, s23;
	s4 =	sshrl.u32 s4, $0x3  }
0x8: {  	s7 =	sadd.s32 $0x25200, s7;
	s6 =	smul.u32 $0xA0, s6;
	s4 =	sadd.s32 s4, s0  }
0x9: {  	_ =	strace $0x80000050;
	[dreg:$0x4] =	wrdreg s7;
	s4 =	sadd.s32 $0x48A00, s4  }
0xa: {  	s0 =	sadd.s32 $0x46200, s0;
	s24 =	sadd.s32 s8, s6;
	[dreg:$0x5] =	wrdreg s4  }
0xb: {  	s25 =	sadd.s32 s0, s6;
	s26 =	sor.u32 $0x10, s6;
	[dreg:$0x6] =	wrdreg s24  }
0xc: {  	[dreg:$0x7] =	wrdreg s25;
	s28 =	sadd.s32 s8, s26  }
0xd: {  	s30 =	sadd.s32 $0x20, s6;
	s29 =	sadd.s32 s0, s26;
	[dreg:$0x8] =	wrdreg s28  }
0xe: {  	p0 =	por $0x0, $0x0;
	s31 =	sadd.s32 s8, s30;
	[dreg:$0x9] =	wrdreg s29  }
0xf: {  	s11 =	sadd.s32 $0x30, s6;
	s9 =	sadd.s32 s0, s30;
	[dreg:$0xa] =	wrdreg s31  }
0x10: {  	s10 =	smul.u32 $0x16000, s10;
	s12 =	sadd.s32 s8, s11;
	[dreg:$0xb] =	wrdreg s9  }
0x11: {  	s14 =	sadd.s32 $0x40, s6;
	s13 =	sadd.s32 s0, s11;
	[dreg:$0xc] =	wrdreg s12  }
0x12: {  	s1 =	ssub.s32 $0x2, s1;
	s15 =	sadd.s32 s8, s14;
	[dreg:$0xd] =	wrdreg s13  }
0x13: {  	s17 =	sadd.s32 $0x50, s6;
	s16 =	sadd.s32 s0, s14;
	[dreg:$0xe] =	wrdreg s15  }
0x14: {  	s20 =	sadd.s32 $0x60, s6;
	s18 =	sadd.s32 s8, s17;
	[dreg:$0xf] =	wrdreg s16  }
0x15: {  	s23 =	sadd.s32 $0x70, s6;
	s19 =	sadd.s32 s0, s17;
	[dreg:$0x10] =	wrdreg s18  }
0x16: {  	s21 =	sadd.s32 s8, s20;
	s22 =	sadd.s32 s0, s20;
	[dreg:$0x11] =	wrdreg s19  }
0x17: {  	s24 =	sadd.s32 s8, s23;
	s25 =	sadd.s32 s0, s23;
	[dreg:$0x12] =	wrdreg s21  }
0x18: {  	s26 =	sadd.s32 $0x80, s6;
	s6 =	sadd.s32 $0x90, s6;
	[dreg:$0x13] =	wrdreg s22  }
0x19: {  	s4 =	simm.s32 $0x4;
	s9 =	sshrl.u32 s1, $0x1;
	[dreg:$0x14] =	wrdreg s24  }
0x1a: {  	s11 =	simm.s32 $0x5000;
	[dreg:$0x15] =	wrdreg s25;
	s1 =	ssub.s32 s1, s9  }
0x1b: {  	s28 =	sadd.s32 s8, s26;
	s29 =	sadd.s32 s0, s26;
	s1 =	smax.u32 s1, $0x1  }
0x1c: {  	s30 =	sadd.s32 s8, s6;
	s31 =	sshrl.u32 s10, $0x2;
	p1 =	sne.s32 s1, $0x1  }
.Ltmp0:
0x1d: {  	s0 =	sadd.s32 s0, s6;
	s8 =	rddreg [dreg:$0x6];
	(pc) =	sbr.rel @!p1 .LBB2_4-.Ltmp0, $4  }
0x1e: {  	s6 =	simm.s32 $0x80;
	s15 =	simm.s32 $0x1000;
	[dreg:$0x16] =	wrdreg s28  }
0x1f: {  	s16 =	simm.s32 $0x1;
	s10 =	simm.s32 $0x3;
	[dreg:$0x17] =	wrdreg s29  }
0x20: {  	s13 =	simm.s32 $0x2;
	[dreg:$0x18] =	wrdreg s30;
	s7 =	sadd.s32 s31, s2  }
0x21: {  	[dreg:$0x19] =	wrdreg s0;
	s7 =	sshrl.u32 s7, $0x3;
	s12 =	sadd.s32 $0xFFFFFFFF, s1  }
0x22: {  	[tilespmem:s5], [sflag:$0x4] =	stream.linear.gather [hbm4b:s8+s5], $0x80, $0x38;
	[tilespmem:$0xE800] =	vst v63  }
0x23: {  	_ =	swait.ge [sflag:s4], $0x80  }
0x24: {  	[sflag:s4] =	ssyncset.done $0x0  }
0x25: {  	s17 =	simm.s32 $0x800;
	s0 =	rddreg [dreg:$0x7];
	[sflag:s4] =	ssyncadd.s32 $0xFFFFFF80  }
0x26: {  	[tilespmem:s17], [sflag:$0x4] =	stream.linear.gather [hbm4b:s0+s5], $0x80, $0x38;
	[tilespmem:$0xE800] =	vst v63  }
0x27: {  	_ =	swait.ge [sflag:s4], $0x80  }
0x28: {  	[sflag:s4] =	ssyncset.done $0x0  }
0x29: {  	s28 =	rddreg [dreg:$0x8];
	[sflag:s4] =	ssyncadd.s32 $0xFFFFFF80  }
0x2a: {  	[tilespmem:s6], [sflag:$0x4] =	stream.linear.gather [hbm4b:s28+s5], $0x80, $0x38;
	[tilespmem:$0xE800] =	vst v63  }
0x2b: {  	_ =	swait.ge [sflag:s4], $0x80  }
0x2c: {  	[sflag:s4] =	ssyncset.done $0x0  }
0x2d: {  	s1 =	simm.s32 $0x880;
	s29 =	rddreg [dreg:$0x9];
	[sflag:s4] =	ssyncadd.s32 $0xFFFFFF80  }
0x2e: {  	[tilespmem:s1], [sflag:$0x4] =	stream.linear.gather [hbm4b:s29+s5], $0x80, $0x38;
	[tilespmem:$0xE800] =	vst v63  }
0x2f: {  	_ =	swait.ge [sflag:s4], $0x80  }
0x30: {  	[sflag:s4] =	ssyncset.done $0x0  }
0x31: {  	s9 =	simm.s32 $0x100;
	s30 =	rddreg [dreg:$0xa];
	[sflag:s4] =	ssyncadd.s32 $0xFFFFFF80  }
0x32: {  	[tilespmem:s9], [sflag:$0x4] =	stream.linear.gather [hbm4b:s30+s5], $0x80, $0x38;
	[tilespmem:$0xE800] =	vst v63  }
0x33: {  	_ =	swait.ge [sflag:s4], $0x80  }
0x34: {  	[sflag:s4] =	ssyncset.done $0x0  }
0x35: {  	s30 =	simm.s32 $0x900;
	s31 =	rddreg [dreg:$0xb];
	[sflag:s4] =	ssyncadd.s32 $0xFFFFFF80  }
0x36: {  	[tilespmem:s30], [sflag:$0x4] =	stream.linear.gather [hbm4b:s31+s5], $0x80, $0x38;
	[tilespmem:$0xE800] =	vst v63  }
0x37: {  	_ =	swait.ge [sflag:s4], $0x80  }
0x38: {  	[sflag:s4] =	ssyncset.done $0x0  }
0x39: {  	s31 =	simm.s32 $0x180;
	s1 =	rddreg [dreg:$0xc];
	[sflag:s4] =	ssyncadd.s32 $0xFFFFFF80  }
0x3a: {  	[tilespmem:s31], [sflag:$0x4] =	stream.linear.gather [hbm4b:s1+s5], $0x80, $0x38;
	[tilespmem:$0xE800] =	vst v63  }
0x3b: {  	_ =	swait.ge [sflag:s4], $0x80  }
0x3c: {  	[sflag:s4] =	ssyncset.done $0x0  }
0x3d: {  	s28 =	simm.s32 $0x980;
	s8 =	rddreg [dreg:$0xd];
	[sflag:s4] =	ssyncadd.s32 $0xFFFFFF80  }
0x3e: {  	[tilespmem:s28], [sflag:$0x4] =	stream.linear.gather [hbm4b:s8+s5], $0x80, $0x38;
	[tilespmem:$0xE800] =	vst v63  }
0x3f: {  	_ =	swait.ge [sflag:s4], $0x80  }
0x40: {  	[sflag:s4] =	ssyncset.done $0x0  }
0x41: {  	s29 =	simm.s32 $0x200;
	s14 =	rddreg [dreg:$0xe];
	[sflag:s4] =	ssyncadd.s32 $0xFFFFFF80  }
0x42: {  	[tilespmem:s29], [sflag:$0x4] =	stream.linear.gather [hbm4b:s14+s5], $0x80, $0x38;
	[tilespmem:$0xE800] =	vst v63  }
0x43: {  	_ =	swait.ge [sflag:s4], $0x80  }
0x44: {  	[sflag:s4] =	ssyncset.done $0x0  }
0x45: {  	s25 =	simm.s32 $0xA00;
	s18 =	rddreg [dreg:$0xf];
	[sflag:s4] =	ssyncadd.s32 $0xFFFFFF80  }
0x46: {  	[tilespmem:s25], [sflag:$0x4] =	stream.linear.gather [hbm4b:s18+s5], $0x80, $0x38;
	[tilespmem:$0xE800] =	vst v63  }
0x47: {  	_ =	swait.ge [sflag:s4], $0x80  }
0x48: {  	[sflag:s4] =	ssyncset.done $0x0  }
0x49: {  	s26 =	simm.s32 $0x280;
	s19 =	rddreg [dreg:$0x10];
	[sflag:s4] =	ssyncadd.s32 $0xFFFFFF80  }
0x4a: {  	[tilespmem:s26], [sflag:$0x4] =	stream.linear.gather [hbm4b:s19+s5], $0x80, $0x38;
	[tilespmem:$0xE800] =	vst v63  }
0x4b: {  	_ =	swait.ge [sflag:s4], $0x80  }
0x4c: {  	[sflag:s4] =	ssyncset.done $0x0  }
0x4d: {  	s23 =	simm.s32 $0xA80;
	s20 =	rddreg [dreg:$0x11];
	[sflag:s4] =	ssyncadd.s32 $0xFFFFFF80  }
0x4e: {  	[tilespmem:s23], [sflag:$0x4] =	stream.linear.gather [hbm4b:s20+s5], $0x80, $0x38;
	[tilespmem:$0xE800] =	vst v63  }
0x4f: {  	_ =	swait.ge [sflag:s4], $0x80  }
0x50: {  	[sflag:s4] =	ssyncset.done $0x0  }
0x51: {  	s24 =	simm.s32 $0x300;
	s21 =	rddreg [dreg:$0x12];
	[sflag:s4] =	ssyncadd.s32 $0xFFFFFF80  }
0x52: {  	[tilespmem:s24], [sflag:$0x4] =	stream.linear.gather [hbm4b:s21+s5], $0x80, $0x38;
	[tilespmem:$0xE800] =	vst v63  }
0x53: {  	_ =	swait.ge [sflag:s4], $0x80  }
0x54: {  	[sflag:s4] =	ssyncset.done $0x0  }
0x55: {  	s21 =	simm.s32 $0xB00;
	s22 =	rddreg [dreg:$0x13];
	[sflag:s4] =	ssyncadd.s32 $0xFFFFFF80  }
0x56: {  	[tilespmem:s21], [sflag:$0x4] =	stream.linear.gather [hbm4b:s22+s5], $0x80, $0x38;
	[tilespmem:$0xE800] =	vst v63  }
0x57: {  	_ =	swait.ge [sflag:s4], $0x80  }
0x58: {  	[sflag:s4] =	ssyncset.done $0x0  }
0x59: {  	s22 =	simm.s32 $0x380;
	s1 =	rddreg [dreg:$0x14];
	[sflag:s4] =	ssyncadd.s32 $0xFFFFFF80  }
0x5a: {  	[tilespmem:s22], [sflag:$0x4] =	stream.linear.gather [hbm4b:s1+s5], $0x80, $0x38;
	[tilespmem:$0xE800] =	vst v63  }
0x5b: {  	_ =	swait.ge [sflag:s4], $0x80  }
0x5c: {  	[sflag:s4] =	ssyncset.done $0x0  }
0x5d: {  	s19 =	simm.s32 $0xB80;
	s8 =	rddreg [dreg:$0x15];
	[sflag:s4] =	ssyncadd.s32 $0xFFFFFF80  }
0x5e: {  	[tilespmem:s19], [sflag:$0x4] =	stream.linear.gather [hbm4b:s8+s5], $0x80, $0x38;
	[tilespmem:$0xE800] =	vst v63  }
0x5f: {  	_ =	swait.ge [sflag:s4], $0x80  }
0x60: {  	[sflag:s4] =	ssyncset.done $0x0  }
0x61: {  	s20 =	simm.s32 $0x400;
	s14 =	rddreg [dreg:$0x16];
	[sflag:s4] =	ssyncadd.s32 $0xFFFFFF80  }
0x62: {  	[tilespmem:s20], [sflag:$0x4] =	stream.linear.gather [hbm4b:s14+s5], $0x80, $0x38;
	[tilespmem:$0xE800] =	vst v63  }
0x63: {  	_ =	swait.ge [sflag:s4], $0x80  }
0x64: {  	[sflag:s4] =	ssyncset.done $0x0  }
0x65: {  	s14 =	simm.s32 $0xC00;
	s18 =	rddreg [dreg:$0x17];
	[sflag:s4] =	ssyncadd.s32 $0xFFFFFF80  }
0x66: {  	[tilespmem:s14], [sflag:$0x4] =	stream.linear.gather [hbm4b:s18+s5], $0x80, $0x38;
	[tilespmem:$0xE800] =	vst v63  }
0x67: {  	_ =	swait.ge [sflag:s4], $0x80  }
0x68: {  	[sflag:s4] =	ssyncset.done $0x0  }
0x69: {  	s18 =	simm.s32 $0x480;
	s8 =	rddreg [dreg:$0x18];
	[sflag:s4] =	ssyncadd.s32 $0xFFFFFF80  }
0x6a: {  	[tilespmem:s18], [sflag:$0x4] =	stream.linear.gather [hbm4b:s8+s5], $0x80, $0x38;
	[tilespmem:$0xE800] =	vst v63  }
0x6b: {  	_ =	swait.ge [sflag:s4], $0x80  }
0x6c: {  	[dreg:$0x1b] =	wrdreg s7;
	[sflag:s4] =	ssyncset.done $0x0  }
0x6d: {  	s7 =	simm.s32 $0xC80;
	s0 =	rddreg [dreg:$0x19];
	[sflag:s4] =	ssyncadd.s32 $0xFFFFFF80  }
0x6e: {  	[tilespmem:s7], [sflag:$0x4] =	stream.linear.gather [hbm4b:s0+s5], $0x80, $0x38;
	[tilespmem:$0xE800] =	vst v63  }
0x6f: {  	s1 =	stileid.u32;
	_ =	swait.ge [sflag:s4], $0x80  }
0x70: {  	s1 =	sshll.u32 s1, $0x6;
	s8 =	rddreg [dreg:$0x4];
	[sflag:s4] =	ssyncset.done $0x0  }
0x71: {  	s0 =	sor.u32 $0x1C04, s1;
	s1 =	rddreg [dreg:$0x1b];
	[sflag:s4] =	ssyncadd.s32 $0xFFFFFF80  }
0x72: {  	[spmem:s1], [sflag:s0] =	dma.local [hbm:s8], $0xB00  }
0x73: {  	_ =	swait.ge [sflag:s4], $0xB00  }
0x74: {  	[sflag:s4] =	ssyncset.done $0x0  }
0x75: {  	[sflag:s4] =	ssyncadd.s32 $0xFFFFF500  }
0x76: {  	[bflag:$0x0] =	sbarrier.arrive $0xFFFF  }
0x77: {  	[tilespmem:s15], [sflag:$0x1] =	stream.indirect.gather [hbm4b:s3+s6], $0x80, s5, s6, $0xb8;
	[tilespmem:$0xE800] =	vst v63  }
0x78: {  	_ = 	snop  }
0x79: {  	[tilespmem:s11], [sflag:$0x2] =	stream.indirect.gather [hbm4b:s3+s6], $0x80, s6, s6, $0xb8;
	[tilespmem:$0xE800] =	vst v63  }
0x7a: {  	_ =	swait.ge [sflag:s16], $0x4000  }
0x7b: {  	[sflag:s16] =	ssyncset.done $0x0  }
0x7c: {  	[sflag:s16] =	ssyncadd.s32 $0xFFFFC000  }
0x7d: {  	[spmem:s2] =	stream.indirect.scatter.add.f32 [tilespmem:s15], [sflag:$0x3], $0x80, s17, s6, $0xb8;
	[tilespmem:$0xE800] =	vst v63  }
0x7e: {  	_ =	swait.ge [sflag:s10], $0x4000  }
0x7f: {  	[sflag:s10] =	ssyncset.done $0x0  }
0x80: {  	[sflag:s10] =	ssyncadd.s32 $0xFFFFC000  }
0x81: {  	[tilespmem:s15], [sflag:$0x1] =	stream.indirect.gather [hbm4b:s3+s6], $0x80, s9, s6, $0xb8;
	[tilespmem:$0xE800] =	vst v63  }
0x82: {  	_ =	swait.ge [sflag:s13], $0x4000  }
0x83: {  	[sflag:s13] =	ssyncset.done $0x0  }
0x84: {  	s17 =	simm.s32 $0x880;
	[sflag:s13] =	ssyncadd.s32 $0xFFFFC000  }
0x85: {  	[spmem:s2] =	stream.indirect.scatter.add.f32 [tilespmem:s11], [sflag:$0x3], $0x80, s17, s6, $0xb8;
	[tilespmem:$0xE800] =	vst v63  }
0x86: {  	_ =	swait.ge [sflag:s10], $0x4000  }
0x87: {  	[sflag:s10] =	ssyncset.done $0x0  }
0x88: {  	[sflag:s10] =	ssyncadd.s32 $0xFFFFC000  }
0x89: {  	[tilespmem:s11], [sflag:$0x2] =	stream.indirect.gather [hbm4b:s3+s6], $0x80, s31, s6, $0xb8;
	[tilespmem:$0xE800] =	vst v63  }
0x8a: {  	_ =	swait.ge [sflag:s16], $0x4000  }
0x8b: {  	[sflag:s16] =	ssyncset.done $0x0  }
0x8c: {  	[sflag:s16] =	ssyncadd.s32 $0xFFFFC000  }
0x8d: {  	[spmem:s2] =	stream.indirect.scatter.add.f32 [tilespmem:s15], [sflag:$0x3], $0x80, s30, s6, $0xb8;
	[tilespmem:$0xE800] =	vst v63  }
0x8e: {  	_ =	swait.ge [sflag:s10], $0x4000  }
0x8f: {  	[sflag:s10] =	ssyncset.done $0x0  }
0x90: {  	[sflag:s10] =	ssyncadd.s32 $0xFFFFC000  }
0x91: {  	[tilespmem:s15], [sflag:$0x1] =	stream.indirect.gather [hbm4b:s3+s6], $0x80, s29, s6, $0xb8;
	[tilespmem:$0xE800] =	vst v63  }
0x92: {  	_ =	swait.ge [sflag:s13], $0x4000  }
0x93: {  	[sflag:s13] =	ssyncset.done $0x0  }
0x94: {  	[sflag:s13] =	ssyncadd.s32 $0xFFFFC000  }
0x95: {  	[spmem:s2] =	stream.indirect.scatter.add.f32 [tilespmem:s11], [sflag:$0x3], $0x80, s28, s6, $0xb8;
	[tilespmem:$0xE800] =	vst v63  }
0x96: {  	_ =	swait.ge [sflag:s10], $0x4000  }
0x97: {  	[sflag:s10] =	ssyncset.done $0x0  }
0x98: {  	[sflag:s10] =	ssyncadd.s32 $0xFFFFC000  }
0x99: {  	[tilespmem:s11], [sflag:$0x2] =	stream.indirect.gather [hbm4b:s3+s6], $0x80, s26, s6, $0xb8;
	[tilespmem:$0xE800] =	vst v63  }
0x9a: {  	_ =	swait.ge [sflag:s16], $0x4000  }
0x9b: {  	[sflag:s16] =	ssyncset.done $0x0  }
0x9c: {  	[sflag:s16] =	ssyncadd.s32 $0xFFFFC000  }
0x9d: {  	[spmem:s2] =	stream.indirect.scatter.add.f32 [tilespmem:s15], [sflag:$0x3], $0x80, s25, s6, $0xb8;
	[tilespmem:$0xE800] =	vst v63  }
0x9e: {  	_ =	swait.ge [sflag:s10], $0x4000  }
0x9f: {  	[sflag:s10] =	ssyncset.done $0x0  }
0xa0: {  	[sflag:s10] =	ssyncadd.s32 $0xFFFFC000  }
0xa1: {  	[tilespmem:s15], [sflag:$0x1] =	stream.indirect.gather [hbm4b:s3+s6], $0x80, s24, s6, $0xb8;
	[tilespmem:$0xE800] =	vst v63  }
0xa2: {  	_ =	swait.ge [sflag:s13], $0x4000  }
0xa3: {  	[sflag:s13] =	ssyncset.done $0x0  }
0xa4: {  	[sflag:s13] =	ssyncadd.s32 $0xFFFFC000  }
0xa5: {  	[spmem:s2] =	stream.indirect.scatter.add.f32 [tilespmem:s11], [sflag:$0x3], $0x80, s23, s6, $0xb8;
	[tilespmem:$0xE800] =	vst v63  }
0xa6: {  	_ =	swait.ge [sflag:s10], $0x4000  }
0xa7: {  	[sflag:s10] =	ssyncset.done $0x0  }
0xa8: {  	[sflag:s10] =	ssyncadd.s32 $0xFFFFC000  }
0xa9: {  	[tilespmem:s11], [sflag:$0x2] =	stream.indirect.gather [hbm4b:s3+s6], $0x80, s22, s6, $0xb8;
	[tilespmem:$0xE800] =	vst v63  }
0xaa: {  	_ =	swait.ge [sflag:s16], $0x4000  }
0xab: {  	[sflag:s16] =	ssyncset.done $0x0  }
0xac: {  	[sflag:s16] =	ssyncadd.s32 $0xFFFFC000  }
0xad: {  	[spmem:s2] =	stream.indirect.scatter.add.f32 [tilespmem:s15], [sflag:$0x3], $0x80, s21, s6, $0xb8;
	[tilespmem:$0xE800] =	vst v63  }
0xae: {  	_ =	swait.ge [sflag:s10], $0x4000  }
0xaf: {  	[sflag:s10] =	ssyncset.done $0x0  }
0xb0: {  	[sflag:s10] =	ssyncadd.s32 $0xFFFFC000  }
0xb1: {  	[tilespmem:s15], [sflag:$0x1] =	stream.indirect.gather [hbm4b:s3+s6], $0x80, s20, s6, $0xb8;
	[tilespmem:$0xE800] =	vst v63  }
0xb2: {  	_ =	swait.ge [sflag:s13], $0x4000  }
0xb3: {  	[sflag:s13] =	ssyncset.done $0x0  }
0xb4: {  	[sflag:s13] =	ssyncadd.s32 $0xFFFFC000  }
0xb5: {  	[spmem:s2] =	stream.indirect.scatter.add.f32 [tilespmem:s11], [sflag:$0x3], $0x80, s19, s6, $0xb8;
	[tilespmem:$0xE800] =	vst v63  }
0xb6: {  	_ =	swait.ge [sflag:s10], $0x4000  }
0xb7: {  	[sflag:s10] =	ssyncset.done $0x0  }
0xb8: {  	[sflag:s10] =	ssyncadd.s32 $0xFFFFC000  }
0xb9: {  	[tilespmem:s11], [sflag:$0x2] =	stream.indirect.gather [hbm4b:s3+s6], $0x80, s18, s6, $0xb8;
	[tilespmem:$0xE800] =	vst v63  }
0xba: {  	_ =	swait.ge [sflag:s16], $0x4000  }
0xbb: {  	[sflag:s16] =	ssyncset.done $0x0  }
0xbc: {  	[sflag:s16] =	ssyncadd.s32 $0xFFFFC000  }
0xbd: {  	[spmem:s2] =	stream.indirect.scatter.add.f32 [tilespmem:s15], [sflag:$0x3], $0x80, s14, s6, $0xb8;
	[tilespmem:$0xE800] =	vst v63  }
0xbe: {  	_ =	swait.ge [sflag:s10], $0x4000  }
0xbf: {  	[sflag:s10] =	ssyncset.done $0x0  }
0xc0: {  	[sflag:s10] =	ssyncadd.s32 $0xFFFFC000  }
0xc1: {  	_ =	swait.ge [sflag:s13], $0x4000  }
0xc2: {  	[sflag:s13] =	ssyncset.done $0x0  }
0xc3: {  	[sflag:s13] =	ssyncadd.s32 $0xFFFFC000  }
0xc4: {  	[spmem:s2] =	stream.indirect.scatter.add.f32 [tilespmem:s11], [sflag:$0x3], $0x80, s7, s6, $0xb8;
	[tilespmem:$0xE800] =	vst v63  }
0xc5: {  	s7 =	rddreg [dreg:$0x1b];
	_ =	swait.ge [sflag:s10], $0x4000  }
0xc6: {  	[sflag:s10] =	ssyncset.done $0x0  }
0xc7: {  	[sflag:s10] =	ssyncadd.s32 $0xFFFFC000  }
0xc8: {  	p1 =	sne.s32 s12, $0x1;
	[bflag:$0x0] =	sbarrier.arrive $0xFFFF  }
.Ltmp1:
0xc9: {  	s31 =	rddreg [dreg:$0x5];
	(pc) =	sbr.rel @!p1 .LBB2_4-.Ltmp1, $4  }
0xca: {  	[dreg:$0x1a] =	wrdreg s0  }
0xcb: {  	[hbm:s31], [sflag:s0] =	dma.local [spmem:s7], $0xB00  }
0xcc: {  	p0 =	por $0x1, $0x1;
	_ =	swait.ge [sflag:s4], $0xB00  }
0xcd: {  	s1 =	sadd.s32 $0xFFFFFFFF, s12;
	s8 =	rddreg [dreg:$0x6];
	[sflag:s4] =	ssyncset.done $0x0  }
0xce: {  	s17 =	simm.s32 $0x800;
	s12 =	simm.s32 $0x880  }
0xcf: {  	s9 =	simm.s32 $0x100;
	s30 =	simm.s32 $0x900;
	s31 =	simm.s32 $0x180  }
0xd0: {  	s28 =	simm.s32 $0x980;
	s29 =	simm.s32 $0x200;
	s25 =	simm.s32 $0xA00  }
0xd1: {  	s26 =	simm.s32 $0x280;
	s23 =	simm.s32 $0xA80;
	s24 =	simm.s32 $0x300  }
0xd2: {  	s21 =	simm.s32 $0xB00;
	s22 =	simm.s32 $0x380;
	s19 =	simm.s32 $0xB80  }
0xd3: {  	s20 =	simm.s32 $0x400;
	s14 =	simm.s32 $0xC00;
	s18 =	simm.s32 $0x480  }
.LBB2_3:
0xd4: {  	[sflag:s4] =	ssyncadd.s32 $0xFFFFF500  }
0xd5: {  	[tilespmem:s5], [sflag:$0x4] =	stream.linear.gather [hbm4b:s8+s5], $0x80, $0x38;
	[tilespmem:$0xE800] =	vst v63  }
0xd6: {  	_ =	swait.ge [sflag:s4], $0x80  }
0xd7: {  	[sflag:s4] =	ssyncset.done $0x0  }
0xd8: {  	s11 =	rddreg [dreg:$0x7];
	[sflag:s4] =	ssyncadd.s32 $0xFFFFFF80  }
0xd9: {  	[tilespmem:s17], [sflag:$0x4] =	stream.linear.gather [hbm4b:s11+s5], $0x80, $0x38;
	[tilespmem:$0xE800] =	vst v63  }
0xda: {  	_ =	swait.ge [sflag:s4], $0x80  }
0xdb: {  	[sflag:s4] =	ssyncset.done $0x0  }
0xdc: {  	s0 =	rddreg [dreg:$0x8];
	[sflag:s4] =	ssyncadd.s32 $0xFFFFFF80  }
0xdd: {  	[tilespmem:s6], [sflag:$0x4] =	stream.linear.gather [hbm4b:s0+s5], $0x80, $0x38;
	[tilespmem:$0xE800] =	vst v63  }
0xde: {  	_ =	swait.ge [sflag:s4], $0x80  }
0xdf: {  	[sflag:s4] =	ssyncset.done $0x0  }
0xe0: {  	s7 =	rddreg [dreg:$0x9];
	[sflag:s4] =	ssyncadd.s32 $0xFFFFFF80  }
0xe1: {  	[tilespmem:s12], [sflag:$0x4] =	stream.linear.gather [hbm4b:s7+s5], $0x80, $0x38;
	[tilespmem:$0xE800] =	vst v63  }
0xe2: {  	_ =	swait.ge [sflag:s4], $0x80  }
0xe3: {  	[sflag:s4] =	ssyncset.done $0x0  }
0xe4: {  	s11 =	rddreg [dreg:$0xa];
	[sflag:s4] =	ssyncadd.s32 $0xFFFFFF80  }
0xe5: {  	[tilespmem:s9], [sflag:$0x4] =	stream.linear.gather [hbm4b:s11+s5], $0x80, $0x38;
	[tilespmem:$0xE800] =	vst v63  }
0xe6: {  	_ =	swait.ge [sflag:s4], $0x80  }
0xe7: {  	[sflag:s4] =	ssyncset.done $0x0  }
0xe8: {  	s0 =	rddreg [dreg:$0xb];
	[sflag:s4] =	ssyncadd.s32 $0xFFFFFF80  }
0xe9: {  	[tilespmem:s30], [sflag:$0x4] =	stream.linear.gather [hbm4b:s0+s5], $0x80, $0x38;
	[tilespmem:$0xE800] =	vst v63  }
0xea: {  	_ =	swait.ge [sflag:s4], $0x80  }
0xeb: {  	[sflag:s4] =	ssyncset.done $0x0  }
0xec: {  	s7 =	rddreg [dreg:$0xc];
	[sflag:s4] =	ssyncadd.s32 $0xFFFFFF80  }
0xed: {  	[tilespmem:s31], [sflag:$0x4] =	stream.linear.gather [hbm4b:s7+s5], $0x80, $0x38;
	[tilespmem:$0xE800] =	vst v63  }
0xee: {  	_ =	swait.ge [sflag:s4], $0x80  }
0xef: {  	[sflag:s4] =	ssyncset.done $0x0  }
0xf0: {  	s11 =	rddreg [dreg:$0xd];
	[sflag:s4] =	ssyncadd.s32 $0xFFFFFF80  }
0xf1: {  	[tilespmem:s28], [sflag:$0x4] =	stream.linear.gather [hbm4b:s11+s5], $0x80, $0x38;
	[tilespmem:$0xE800] =	vst v63  }
0xf2: {  	_ =	swait.ge [sflag:s4], $0x80  }
0xf3: {  	[sflag:s4] =	ssyncset.done $0x0  }
0xf4: {  	s0 =	rddreg [dreg:$0xe];
	[sflag:s4] =	ssyncadd.s32 $0xFFFFFF80  }
0xf5: {  	[tilespmem:s29], [sflag:$0x4] =	stream.linear.gather [hbm4b:s0+s5], $0x80, $0x38;
	[tilespmem:$0xE800] =	vst v63  }
0xf6: {  	_ =	swait.ge [sflag:s4], $0x80  }
0xf7: {  	[sflag:s4] =	ssyncset.done $0x0  }
0xf8: {  	s7 =	rddreg [dreg:$0xf];
	[sflag:s4] =	ssyncadd.s32 $0xFFFFFF80  }
0xf9: {  	[tilespmem:s25], [sflag:$0x4] =	stream.linear.gather [hbm4b:s7+s5], $0x80, $0x38;
	[tilespmem:$0xE800] =	vst v63  }
0xfa: {  	_ =	swait.ge [sflag:s4], $0x80  }
0xfb: {  	[sflag:s4] =	ssyncset.done $0x0  }
0xfc: {  	s11 =	rddreg [dreg:$0x10];
	[sflag:s4] =	ssyncadd.s32 $0xFFFFFF80  }
0xfd: {  	[tilespmem:s26], [sflag:$0x4] =	stream.linear.gather [hbm4b:s11+s5], $0x80, $0x38;
	[tilespmem:$0xE800] =	vst v63  }
0xfe: {  	_ =	swait.ge [sflag:s4], $0x80  }
0xff: {  	[sflag:s4] =	ssyncset.done $0x0  }
0x100: {  	s0 =	rddreg [dreg:$0x11];
	[sflag:s4] =	ssyncadd.s32 $0xFFFFFF80  }
0x101: {  	[tilespmem:s23], [sflag:$0x4] =	stream.linear.gather [hbm4b:s0+s5], $0x80, $0x38;
	[tilespmem:$0xE800] =	vst v63  }
0x102: {  	_ =	swait.ge [sflag:s4], $0x80  }
0x103: {  	[sflag:s4] =	ssyncset.done $0x0  }
0x104: {  	s7 =	rddreg [dreg:$0x12];
	[sflag:s4] =	ssyncadd.s32 $0xFFFFFF80  }
0x105: {  	[tilespmem:s24], [sflag:$0x4] =	stream.linear.gather [hbm4b:s7+s5], $0x80, $0x38;
	[tilespmem:$0xE800] =	vst v63  }
0x106: {  	_ =	swait.ge [sflag:s4], $0x80  }
0x107: {  	[sflag:s4] =	ssyncset.done $0x0  }
0x108: {  	s11 =	rddreg [dreg:$0x13];
	[sflag:s4] =	ssyncadd.s32 $0xFFFFFF80  }
0x109: {  	[tilespmem:s21], [sflag:$0x4] =	stream.linear.gather [hbm4b:s11+s5], $0x80, $0x38;
	[tilespmem:$0xE800] =	vst v63  }
0x10a: {  	_ =	swait.ge [sflag:s4], $0x80  }
0x10b: {  	[sflag:s4] =	ssyncset.done $0x0  }
0x10c: {  	s0 =	rddreg [dreg:$0x14];
	[sflag:s4] =	ssyncadd.s32 $0xFFFFFF80  }
0x10d: {  	[tilespmem:s22], [sflag:$0x4] =	stream.linear.gather [hbm4b:s0+s5], $0x80, $0x38;
	[tilespmem:$0xE800] =	vst v63  }
0x10e: {  	_ =	swait.ge [sflag:s4], $0x80  }
0x10f: {  	[sflag:s4] =	ssyncset.done $0x0  }
0x110: {  	s7 =	rddreg [dreg:$0x15];
	[sflag:s4] =	ssyncadd.s32 $0xFFFFFF80  }
0x111: {  	[tilespmem:s19], [sflag:$0x4] =	stream.linear.gather [hbm4b:s7+s5], $0x80, $0x38;
	[tilespmem:$0xE800] =	vst v63  }
0x112: {  	_ =	swait.ge [sflag:s4], $0x80  }
0x113: {  	[sflag:s4] =	ssyncset.done $0x0  }
0x114: {  	s11 =	rddreg [dreg:$0x16];
	[sflag:s4] =	ssyncadd.s32 $0xFFFFFF80  }
0x115: {  	[tilespmem:s20], [sflag:$0x4] =	stream.linear.gather [hbm4b:s11+s5], $0x80, $0x38;
	[tilespmem:$0xE800] =	vst v63  }
0x116: {  	_ =	swait.ge [sflag:s4], $0x80  }
0x117: {  	[sflag:s4] =	ssyncset.done $0x0  }
0x118: {  	s0 =	rddreg [dreg:$0x17];
	[sflag:s4] =	ssyncadd.s32 $0xFFFFFF80  }
0x119: {  	[tilespmem:s14], [sflag:$0x4] =	stream.linear.gather [hbm4b:s0+s5], $0x80, $0x38;
	[tilespmem:$0xE800] =	vst v63  }
0x11a: {  	_ =	swait.ge [sflag:s4], $0x80  }
0x11b: {  	[sflag:s4] =	ssyncset.done $0x0  }
0x11c: {  	s7 =	rddreg [dreg:$0x18];
	[sflag:s4] =	ssyncadd.s32 $0xFFFFFF80  }
0x11d: {  	[tilespmem:s18], [sflag:$0x4] =	stream.linear.gather [hbm4b:s7+s5], $0x80, $0x38;
	[tilespmem:$0xE800] =	vst v63  }
0x11e: {  	_ =	swait.ge [sflag:s4], $0x80  }
0x11f: {  	[sflag:s4] =	ssyncset.done $0x0  }
0x120: {  	s7 =	simm.s32 $0xC80;
	s11 =	rddreg [dreg:$0x19];
	[sflag:s4] =	ssyncadd.s32 $0xFFFFFF80  }
0x121: {  	[tilespmem:s7], [sflag:$0x4] =	stream.linear.gather [hbm4b:s11+s5], $0x80, $0x38;
	[tilespmem:$0xE800] =	vst v63  }
0x122: {  	_ =	swait.ge [sflag:s4], $0x80  }
0x123: {  	s8 =	rddreg [dreg:$0x4]  }
0x124: {  	s11 =	smov.u32 s3;
	[sflag:s4] =	ssyncset.done $0x0;
	s0 =	rddreg [dreg:$0x1a]  }
0x125: {  	s3 =	smov.u32 s2;
	s2 =	rddreg [dreg:$0x1b];
	[sflag:s4] =	ssyncadd.s32 $0xFFFFFF80  }
0x126: {  	[spmem:s2], [sflag:s0] =	dma.local [hbm:s8], $0xB00  }
0x127: {  	_ =	swait.ge [sflag:s4], $0xB00  }
0x128: {  	[sflag:s4] =	ssyncset.done $0x0  }
0x129: {  	[sflag:s4] =	ssyncadd.s32 $0xFFFFF500  }
0x12a: {  	s2 =	smov.u32 s3;
	s3 =	smov.u32 s11;
	[bflag:$0x0] =	sbarrier.arrive $0xFFFF  }
0x12b: {  	[tilespmem:s15], [sflag:$0x1] =	stream.indirect.gather [hbm4b:s3+s6], $0x80, s5, s6, $0xb8;
	[tilespmem:$0xE800] =	vst v63  }
0x12c: {  	s11 =	simm.s32 $0x5000  }
0x12d: {  	[tilespmem:s11], [sflag:$0x2] =	stream.indirect.gather [hbm4b:s3+s6], $0x80, s6, s6, $0xb8;
	[tilespmem:$0xE800] =	vst v63  }
0x12e: {  	_ =	swait.ge [sflag:s16], $0x4000  }
0x12f: {  	[sflag:s16] =	ssyncset.done $0x0  }
0x130: {  	[sflag:s16] =	ssyncadd.s32 $0xFFFFC000  }
0x131: {  	[spmem:s2] =	stream.indirect.scatter.add.f32 [tilespmem:s15], [sflag:$0x3], $0x80, s17, s6, $0xb8;
	[tilespmem:$0xE800] =	vst v63  }
0x132: {  	_ =	swait.ge [sflag:s10], $0x4000  }
0x133: {  	[sflag:s10] =	ssyncset.done $0x0  }
0x134: {  	[sflag:s10] =	ssyncadd.s32 $0xFFFFC000  }
0x135: {  	[tilespmem:s15], [sflag:$0x1] =	stream.indirect.gather [hbm4b:s3+s6], $0x80, s9, s6, $0xb8;
	[tilespmem:$0xE800] =	vst v63  }
0x136: {  	_ =	swait.ge [sflag:s13], $0x4000  }
0x137: {  	[sflag:s13] =	ssyncset.done $0x0  }
0x138: {  	[sflag:s13] =	ssyncadd.s32 $0xFFFFC000  }
0x139: {  	[spmem:s2] =	stream.indirect.scatter.add.f32 [tilespmem:s11], [sflag:$0x3], $0x80, s12, s6, $0xb8;
	[tilespmem:$0xE800] =	vst v63  }
0x13a: {  	_ =	swait.ge [sflag:s10], $0x4000  }
0x13b: {  	[sflag:s10] =	ssyncset.done $0x0  }
0x13c: {  	[sflag:s10] =	ssyncadd.s32 $0xFFFFC000  }
0x13d: {  	[tilespmem:s11], [sflag:$0x2] =	stream.indirect.gather [hbm4b:s3+s6], $0x80, s31, s6, $0xb8;
	[tilespmem:$0xE800] =	vst v63  }
0x13e: {  	_ =	swait.ge [sflag:s16], $0x4000  }
0x13f: {  	[sflag:s16] =	ssyncset.done $0x0  }
0x140: {  	[sflag:s16] =	ssyncadd.s32 $0xFFFFC000  }
0x141: {  	[spmem:s2] =	stream.indirect.scatter.add.f32 [tilespmem:s15], [sflag:$0x3], $0x80, s30, s6, $0xb8;
	[tilespmem:$0xE800] =	vst v63  }
0x142: {  	_ =	swait.ge [sflag:s10], $0x4000  }
0x143: {  	[sflag:s10] =	ssyncset.done $0x0  }
0x144: {  	[sflag:s10] =	ssyncadd.s32 $0xFFFFC000  }
0x145: {  	[tilespmem:s15], [sflag:$0x1] =	stream.indirect.gather [hbm4b:s3+s6], $0x80, s29, s6, $0xb8;
	[tilespmem:$0xE800] =	vst v63  }
0x146: {  	_ =	swait.ge [sflag:s13], $0x4000  }
0x147: {  	[sflag:s13] =	ssyncset.done $0x0  }
0x148: {  	[sflag:s13] =	ssyncadd.s32 $0xFFFFC000  }
0x149: {  	[spmem:s2] =	stream.indirect.scatter.add.f32 [tilespmem:s11], [sflag:$0x3], $0x80, s28, s6, $0xb8;
	[tilespmem:$0xE800] =	vst v63  }
0x14a: {  	_ =	swait.ge [sflag:s10], $0x4000  }
0x14b: {  	[sflag:s10] =	ssyncset.done $0x0  }
0x14c: {  	[sflag:s10] =	ssyncadd.s32 $0xFFFFC000  }
0x14d: {  	[tilespmem:s11], [sflag:$0x2] =	stream.indirect.gather [hbm4b:s3+s6], $0x80, s26, s6, $0xb8;
	[tilespmem:$0xE800] =	vst v63  }
0x14e: {  	_ =	swait.ge [sflag:s16], $0x4000  }
0x14f: {  	[sflag:s16] =	ssyncset.done $0x0  }
0x150: {  	[sflag:s16] =	ssyncadd.s32 $0xFFFFC000  }
0x151: {  	[spmem:s2] =	stream.indirect.scatter.add.f32 [tilespmem:s15], [sflag:$0x3], $0x80, s25, s6, $0xb8;
	[tilespmem:$0xE800] =	vst v63  }
0x152: {  	_ =	swait.ge [sflag:s10], $0x4000  }
0x153: {  	[sflag:s10] =	ssyncset.done $0x0  }
0x154: {  	[sflag:s10] =	ssyncadd.s32 $0xFFFFC000  }
0x155: {  	[tilespmem:s15], [sflag:$0x1] =	stream.indirect.gather [hbm4b:s3+s6], $0x80, s24, s6, $0xb8;
	[tilespmem:$0xE800] =	vst v63  }
0x156: {  	_ =	swait.ge [sflag:s13], $0x4000  }
0x157: {  	[sflag:s13] =	ssyncset.done $0x0  }
0x158: {  	[sflag:s13] =	ssyncadd.s32 $0xFFFFC000  }
0x159: {  	[spmem:s2] =	stream.indirect.scatter.add.f32 [tilespmem:s11], [sflag:$0x3], $0x80, s23, s6, $0xb8;
	[tilespmem:$0xE800] =	vst v63  }
0x15a: {  	_ =	swait.ge [sflag:s10], $0x4000  }
0x15b: {  	[sflag:s10] =	ssyncset.done $0x0  }
0x15c: {  	[sflag:s10] =	ssyncadd.s32 $0xFFFFC000  }
0x15d: {  	[tilespmem:s11], [sflag:$0x2] =	stream.indirect.gather [hbm4b:s3+s6], $0x80, s22, s6, $0xb8;
	[tilespmem:$0xE800] =	vst v63  }
0x15e: {  	_ =	swait.ge [sflag:s16], $0x4000  }
0x15f: {  	[sflag:s16] =	ssyncset.done $0x0  }
0x160: {  	[sflag:s16] =	ssyncadd.s32 $0xFFFFC000  }
0x161: {  	[spmem:s2] =	stream.indirect.scatter.add.f32 [tilespmem:s15], [sflag:$0x3], $0x80, s21, s6, $0xb8;
	[tilespmem:$0xE800] =	vst v63  }
0x162: {  	_ =	swait.ge [sflag:s10], $0x4000  }
0x163: {  	[sflag:s10] =	ssyncset.done $0x0  }
0x164: {  	[sflag:s10] =	ssyncadd.s32 $0xFFFFC000  }
0x165: {  	[tilespmem:s15], [sflag:$0x1] =	stream.indirect.gather [hbm4b:s3+s6], $0x80, s20, s6, $0xb8;
	[tilespmem:$0xE800] =	vst v63  }
0x166: {  	_ =	swait.ge [sflag:s13], $0x4000  }
0x167: {  	[sflag:s13] =	ssyncset.done $0x0  }
0x168: {  	[sflag:s13] =	ssyncadd.s32 $0xFFFFC000  }
0x169: {  	[spmem:s2] =	stream.indirect.scatter.add.f32 [tilespmem:s11], [sflag:$0x3], $0x80, s19, s6, $0xb8;
	[tilespmem:$0xE800] =	vst v63  }
0x16a: {  	_ =	swait.ge [sflag:s10], $0x4000  }
0x16b: {  	[sflag:s10] =	ssyncset.done $0x0  }
0x16c: {  	[sflag:s10] =	ssyncadd.s32 $0xFFFFC000  }
0x16d: {  	[tilespmem:s11], [sflag:$0x2] =	stream.indirect.gather [hbm4b:s3+s6], $0x80, s18, s6, $0xb8;
	[tilespmem:$0xE800] =	vst v63  }
0x16e: {  	_ =	swait.ge [sflag:s16], $0x4000  }
0x16f: {  	[sflag:s16] =	ssyncset.done $0x0  }
0x170: {  	[sflag:s16] =	ssyncadd.s32 $0xFFFFC000  }
0x171: {  	[spmem:s2] =	stream.indirect.scatter.add.f32 [tilespmem:s15], [sflag:$0x3], $0x80, s14, s6, $0xb8;
	[tilespmem:$0xE800] =	vst v63  }
0x172: {  	_ =	swait.ge [sflag:s10], $0x4000  }
0x173: {  	[sflag:s10] =	ssyncset.done $0x0  }
0x174: {  	[sflag:s10] =	ssyncadd.s32 $0xFFFFC000  }
0x175: {  	_ =	swait.ge [sflag:s13], $0x4000  }
0x176: {  	[sflag:s13] =	ssyncset.done $0x0  }
0x177: {  	[sflag:s13] =	ssyncadd.s32 $0xFFFFC000  }
0x178: {  	[spmem:s2] =	stream.indirect.scatter.add.f32 [tilespmem:s11], [sflag:$0x3], $0x80, s7, s6, $0xb8;
	[tilespmem:$0xE800] =	vst v63  }
0x179: {  	s7 =	rddreg [dreg:$0x1b];
	_ =	swait.ge [sflag:s10], $0x4000  }
0x17a: {  	[sflag:s10] =	ssyncset.done $0x0  }
0x17b: {  	p1 =	sne.s32 s1, $0x1;
	[sflag:s10] =	ssyncadd.s32 $0xFFFFC000  }
.Ltmp2:
0x17c: {  	[bflag:$0x0] =	sbarrier.arrive $0xFFFF;
	(pc) =	sbr.rel @p1 .LBB2_3-.Ltmp2, $4  }
0x17d: {  	s8 =	rddreg [dreg:$0x5]  }
0x17e: {  	[hbm:s8], [sflag:s0] =	dma.local [spmem:s7], $0xB00  }
0x17f: {  	_ =	swait.ge [sflag:s4], $0xB00  }
0x180: {  	s1 =	sadd.s32 $0xFFFFFFFF, s1;
	s8 =	rddreg [dreg:$0x6];
	[sflag:s4] =	ssyncset.done $0x0  }
.LBB2_4:
0x181: {  	[sflag:s4] =	ssyncadd.s32 @p0 $0xFFFFF500  }
0x182: {  	[tilespmem:s5], [sflag:$0x4] =	stream.linear.gather [hbm4b:s8+s5], $0x80, $0x38;
	[tilespmem:$0xE800] =	vst v63  }
0x183: {  	_ =	swait.ge [sflag:s4], $0x80  }
0x184: {  	[sflag:s4] =	ssyncset.done $0x0  }
0x185: {  	s28 =	simm.s32 $0x800;
	s0 =	rddreg [dreg:$0x7];
	[sflag:s4] =	ssyncadd.s32 $0xFFFFFF80  }
0x186: {  	[tilespmem:s28], [sflag:$0x4] =	stream.linear.gather [hbm4b:s0+s5], $0x80, $0x38;
	[tilespmem:$0xE800] =	vst v63  }
0x187: {  	_ =	swait.ge [sflag:s4], $0x80  }
0x188: {  	[sflag:s4] =	ssyncset.done $0x0  }
0x189: {  	s30 =	rddreg [dreg:$0x8];
	[sflag:s4] =	ssyncadd.s32 $0xFFFFFF80  }
0x18a: {  	[tilespmem:s6], [sflag:$0x4] =	stream.linear.gather [hbm4b:s30+s5], $0x80, $0x38;
	[tilespmem:$0xE800] =	vst v63  }
0x18b: {  	_ =	swait.ge [sflag:s4], $0x80  }
0x18c: {  	[sflag:s4] =	ssyncset.done $0x0  }
0x18d: {  	s1 =	simm.s32 $0x880;
	s31 =	rddreg [dreg:$0x9];
	[sflag:s4] =	ssyncadd.s32 $0xFFFFFF80  }
0x18e: {  	[tilespmem:s1], [sflag:$0x4] =	stream.linear.gather [hbm4b:s31+s5], $0x80, $0x38;
	[tilespmem:$0xE800] =	vst v63  }
0x18f: {  	_ =	swait.ge [sflag:s4], $0x80  }
0x190: {  	[sflag:s4] =	ssyncset.done $0x0  }
0x191: {  	s31 =	simm.s32 $0x100;
	s1 =	rddreg [dreg:$0xa];
	[sflag:s4] =	ssyncadd.s32 $0xFFFFFF80  }
0x192: {  	[tilespmem:s31], [sflag:$0x4] =	stream.linear.gather [hbm4b:s1+s5], $0x80, $0x38;
	[tilespmem:$0xE800] =	vst v63  }
0x193: {  	_ =	swait.ge [sflag:s4], $0x80  }
0x194: {  	[sflag:s4] =	ssyncset.done $0x0  }
0x195: {  	s30 =	simm.s32 $0x900;
	s8 =	rddreg [dreg:$0xb];
	[sflag:s4] =	ssyncadd.s32 $0xFFFFFF80  }
0x196: {  	[tilespmem:s30], [sflag:$0x4] =	stream.linear.gather [hbm4b:s8+s5], $0x80, $0x38;
	[tilespmem:$0xE800] =	vst v63  }
0x197: {  	_ =	swait.ge [sflag:s4], $0x80  }
0x198: {  	[sflag:s4] =	ssyncset.done $0x0  }
0x199: {  	s29 =	simm.s32 $0x180;
	s9 =	rddreg [dreg:$0xc];
	[sflag:s4] =	ssyncadd.s32 $0xFFFFFF80  }
0x19a: {  	[tilespmem:s29], [sflag:$0x4] =	stream.linear.gather [hbm4b:s9+s5], $0x80, $0x38;
	[tilespmem:$0xE800] =	vst v63  }
0x19b: {  	_ =	swait.ge [sflag:s4], $0x80  }
0x19c: {  	[sflag:s4] =	ssyncset.done $0x0  }
0x19d: {  	s25 =	simm.s32 $0x980;
	s12 =	rddreg [dreg:$0xd];
	[sflag:s4] =	ssyncadd.s32 $0xFFFFFF80  }
0x19e: {  	[tilespmem:s25], [sflag:$0x4] =	stream.linear.gather [hbm4b:s12+s5], $0x80, $0x38;
	[tilespmem:$0xE800] =	vst v63  }
0x19f: {  	_ =	swait.ge [sflag:s4], $0x80  }
0x1a0: {  	[sflag:s4] =	ssyncset.done $0x0  }
0x1a1: {  	s26 =	simm.s32 $0x200;
	s14 =	rddreg [dreg:$0xe];
	[sflag:s4] =	ssyncadd.s32 $0xFFFFFF80  }
0x1a2: {  	[tilespmem:s26], [sflag:$0x4] =	stream.linear.gather [hbm4b:s14+s5], $0x80, $0x38;
	[tilespmem:$0xE800] =	vst v63  }
0x1a3: {  	_ =	swait.ge [sflag:s4], $0x80  }
0x1a4: {  	[sflag:s4] =	ssyncset.done $0x0  }
0x1a5: {  	s23 =	simm.s32 $0xA00;
	s17 =	rddreg [dreg:$0xf];
	[sflag:s4] =	ssyncadd.s32 $0xFFFFFF80  }
0x1a6: {  	[tilespmem:s23], [sflag:$0x4] =	stream.linear.gather [hbm4b:s17+s5], $0x80, $0x38;
	[tilespmem:$0xE800] =	vst v63  }
0x1a7: {  	_ =	swait.ge [sflag:s4], $0x80  }
0x1a8: {  	[sflag:s4] =	ssyncset.done $0x0  }
0x1a9: {  	s24 =	simm.s32 $0x280;
	s18 =	rddreg [dreg:$0x10];
	[sflag:s4] =	ssyncadd.s32 $0xFFFFFF80  }
0x1aa: {  	[tilespmem:s24], [sflag:$0x4] =	stream.linear.gather [hbm4b:s18+s5], $0x80, $0x38;
	[tilespmem:$0xE800] =	vst v63  }
0x1ab: {  	_ =	swait.ge [sflag:s4], $0x80  }
0x1ac: {  	[sflag:s4] =	ssyncset.done $0x0  }
0x1ad: {  	s21 =	simm.s32 $0xA80;
	s19 =	rddreg [dreg:$0x11];
	[sflag:s4] =	ssyncadd.s32 $0xFFFFFF80  }
0x1ae: {  	[tilespmem:s21], [sflag:$0x4] =	stream.linear.gather [hbm4b:s19+s5], $0x80, $0x38;
	[tilespmem:$0xE800] =	vst v63  }
0x1af: {  	_ =	swait.ge [sflag:s4], $0x80  }
0x1b0: {  	[sflag:s4] =	ssyncset.done $0x0  }
0x1b1: {  	s22 =	simm.s32 $0x300;
	s20 =	rddreg [dreg:$0x12];
	[sflag:s4] =	ssyncadd.s32 $0xFFFFFF80  }
0x1b2: {  	[tilespmem:s22], [sflag:$0x4] =	stream.linear.gather [hbm4b:s20+s5], $0x80, $0x38;
	[tilespmem:$0xE800] =	vst v63  }
0x1b3: {  	_ =	swait.ge [sflag:s4], $0x80  }
0x1b4: {  	[sflag:s4] =	ssyncset.done $0x0  }
0x1b5: {  	s19 =	simm.s32 $0xB00;
	s1 =	rddreg [dreg:$0x13];
	[sflag:s4] =	ssyncadd.s32 $0xFFFFFF80  }
0x1b6: {  	[tilespmem:s19], [sflag:$0x4] =	stream.linear.gather [hbm4b:s1+s5], $0x80, $0x38;
	[tilespmem:$0xE800] =	vst v63  }
0x1b7: {  	_ =	swait.ge [sflag:s4], $0x80  }
0x1b8: {  	[sflag:s4] =	ssyncset.done $0x0  }
0x1b9: {  	s20 =	simm.s32 $0x380;
	s8 =	rddreg [dreg:$0x14];
	[sflag:s4] =	ssyncadd.s32 $0xFFFFFF80  }
0x1ba: {  	[tilespmem:s20], [sflag:$0x4] =	stream.linear.gather [hbm4b:s8+s5], $0x80, $0x38;
	[tilespmem:$0xE800] =	vst v63  }
0x1bb: {  	_ =	swait.ge [sflag:s4], $0x80  }
0x1bc: {  	[sflag:s4] =	ssyncset.done $0x0  }
0x1bd: {  	s17 =	simm.s32 $0xB80;
	s9 =	rddreg [dreg:$0x15];
	[sflag:s4] =	ssyncadd.s32 $0xFFFFFF80  }
0x1be: {  	[tilespmem:s17], [sflag:$0x4] =	stream.linear.gather [hbm4b:s9+s5], $0x80, $0x38;
	[tilespmem:$0xE800] =	vst v63  }
0x1bf: {  	_ =	swait.ge [sflag:s4], $0x80  }
0x1c0: {  	[sflag:s4] =	ssyncset.done $0x0  }
0x1c1: {  	s18 =	simm.s32 $0x400;
	s12 =	rddreg [dreg:$0x16];
	[sflag:s4] =	ssyncadd.s32 $0xFFFFFF80  }
0x1c2: {  	[tilespmem:s18], [sflag:$0x4] =	stream.linear.gather [hbm4b:s12+s5], $0x80, $0x38;
	[tilespmem:$0xE800] =	vst v63  }
0x1c3: {  	_ =	swait.ge [sflag:s4], $0x80  }
0x1c4: {  	[sflag:s4] =	ssyncset.done $0x0  }
0x1c5: {  	s12 =	simm.s32 $0xC00;
	s14 =	rddreg [dreg:$0x17];
	[sflag:s4] =	ssyncadd.s32 $0xFFFFFF80  }
0x1c6: {  	[tilespmem:s12], [sflag:$0x4] =	stream.linear.gather [hbm4b:s14+s5], $0x80, $0x38;
	[tilespmem:$0xE800] =	vst v63  }
0x1c7: {  	_ =	swait.ge [sflag:s4], $0x80  }
0x1c8: {  	[sflag:s4] =	ssyncset.done $0x0  }
0x1c9: {  	s14 =	simm.s32 $0x480;
	s1 =	rddreg [dreg:$0x18];
	[sflag:s4] =	ssyncadd.s32 $0xFFFFFF80  }
0x1ca: {  	[tilespmem:s14], [sflag:$0x4] =	stream.linear.gather [hbm4b:s1+s5], $0x80, $0x38;
	[tilespmem:$0xE800] =	vst v63  }
0x1cb: {  	_ =	swait.ge [sflag:s4], $0x80  }
0x1cc: {  	[sflag:s4] =	ssyncset.done $0x0  }
0x1cd: {  	s9 =	simm.s32 $0xC80;
	s8 =	rddreg [dreg:$0x19];
	[sflag:s4] =	ssyncadd.s32 $0xFFFFFF80  }
0x1ce: {  	[tilespmem:s9], [sflag:$0x4] =	stream.linear.gather [hbm4b:s8+s5], $0x80, $0x38;
	[tilespmem:$0xE800] =	vst v63  }
0x1cf: {  	s8 =	stileid.u32;
	_ =	swait.ge [sflag:s4], $0x80  }
0x1d0: {  	s0 =	sshll.u32 s8, $0x6;
	[sflag:s4] =	ssyncset.done $0x0  }
0x1d1: {  	s1 =	rddreg [dreg:$0x4];
	s0 =	sor.u32 $0x1C04, s0;
	[sflag:s4] =	ssyncadd.s32 $0xFFFFFF80  }
0x1d2: {  	[spmem:s7], [sflag:s0] =	dma.local [hbm:s1], $0xB00  }
0x1d3: {  	_ =	swait.ge [sflag:s4], $0xB00  }
0x1d4: {  	[sflag:s4] =	ssyncset.done $0x0  }
0x1d5: {  	[sflag:s4] =	ssyncadd.s32 $0xFFFFF500  }
0x1d6: {  	[bflag:$0x0] =	sbarrier.arrive $0xFFFF  }
0x1d7: {  	[tilespmem:s15], [sflag:$0x1] =	stream.indirect.gather [hbm4b:s3+s6], $0x80, s5, s6, $0xb8;
	[tilespmem:$0xE800] =	vst v63  }
0x1d8: {  	_ = 	snop  }
0x1d9: {  	[tilespmem:s11], [sflag:$0x2] =	stream.indirect.gather [hbm4b:s3+s6], $0x80, s6, s6, $0xb8;
	[tilespmem:$0xE800] =	vst v63  }
0x1da: {  	_ =	swait.ge [sflag:s16], $0x4000  }
0x1db: {  	[sflag:s16] =	ssyncset.done $0x0  }
0x1dc: {  	[sflag:s16] =	ssyncadd.s32 $0xFFFFC000  }
0x1dd: {  	[spmem:s2] =	stream.indirect.scatter.add.f32 [tilespmem:s15], [sflag:$0x3], $0x80, s28, s6, $0xb8;
	[tilespmem:$0xE800] =	vst v63  }
0x1de: {  	_ =	swait.ge [sflag:s10], $0x4000  }
0x1df: {  	[sflag:s10] =	ssyncset.done $0x0  }
0x1e0: {  	[sflag:s10] =	ssyncadd.s32 $0xFFFFC000  }
0x1e1: {  	[tilespmem:s15], [sflag:$0x1] =	stream.indirect.gather [hbm4b:s3+s6], $0x80, s31, s6, $0xb8;
	[tilespmem:$0xE800] =	vst v63  }
0x1e2: {  	_ =	swait.ge [sflag:s13], $0x4000  }
0x1e3: {  	[sflag:s13] =	ssyncset.done $0x0  }
0x1e4: {  	s28 =	simm.s32 $0x880;
	[sflag:s13] =	ssyncadd.s32 $0xFFFFC000  }
0x1e5: {  	[spmem:s2] =	stream.indirect.scatter.add.f32 [tilespmem:s11], [sflag:$0x3], $0x80, s28, s6, $0xb8;
	[tilespmem:$0xE800] =	vst v63  }
0x1e6: {  	_ =	swait.ge [sflag:s10], $0x4000  }
0x1e7: {  	[sflag:s10] =	ssyncset.done $0x0  }
0x1e8: {  	[sflag:s10] =	ssyncadd.s32 $0xFFFFC000  }
0x1e9: {  	[tilespmem:s11], [sflag:$0x2] =	stream.indirect.gather [hbm4b:s3+s6], $0x80, s29, s6, $0xb8;
	[tilespmem:$0xE800] =	vst v63  }
0x1ea: {  	_ =	swait.ge [sflag:s16], $0x4000  }
0x1eb: {  	[sflag:s16] =	ssyncset.done $0x0  }
0x1ec: {  	[sflag:s16] =	ssyncadd.s32 $0xFFFFC000  }
0x1ed: {  	[spmem:s2] =	stream.indirect.scatter.add.f32 [tilespmem:s15], [sflag:$0x3], $0x80, s30, s6, $0xb8;
	[tilespmem:$0xE800] =	vst v63  }
0x1ee: {  	_ =	swait.ge [sflag:s10], $0x4000  }
0x1ef: {  	[sflag:s10] =	ssyncset.done $0x0  }
0x1f0: {  	[sflag:s10] =	ssyncadd.s32 $0xFFFFC000  }
0x1f1: {  	[tilespmem:s15], [sflag:$0x1] =	stream.indirect.gather [hbm4b:s3+s6], $0x80, s26, s6, $0xb8;
	[tilespmem:$0xE800] =	vst v63  }
0x1f2: {  	_ =	swait.ge [sflag:s13], $0x4000  }
0x1f3: {  	[sflag:s13] =	ssyncset.done $0x0  }
0x1f4: {  	[sflag:s13] =	ssyncadd.s32 $0xFFFFC000  }
0x1f5: {  	[spmem:s2] =	stream.indirect.scatter.add.f32 [tilespmem:s11], [sflag:$0x3], $0x80, s25, s6, $0xb8;
	[tilespmem:$0xE800] =	vst v63  }
0x1f6: {  	_ =	swait.ge [sflag:s10], $0x4000  }
0x1f7: {  	[sflag:s10] =	ssyncset.done $0x0  }
0x1f8: {  	[sflag:s10] =	ssyncadd.s32 $0xFFFFC000  }
0x1f9: {  	[tilespmem:s11], [sflag:$0x2] =	stream.indirect.gather [hbm4b:s3+s6], $0x80, s24, s6, $0xb8;
	[tilespmem:$0xE800] =	vst v63  }
0x1fa: {  	_ =	swait.ge [sflag:s16], $0x4000  }
0x1fb: {  	[sflag:s16] =	ssyncset.done $0x0  }
0x1fc: {  	[sflag:s16] =	ssyncadd.s32 $0xFFFFC000  }
0x1fd: {  	[spmem:s2] =	stream.indirect.scatter.add.f32 [tilespmem:s15], [sflag:$0x3], $0x80, s23, s6, $0xb8;
	[tilespmem:$0xE800] =	vst v63  }
0x1fe: {  	_ =	swait.ge [sflag:s10], $0x4000  }
0x1ff: {  	[sflag:s10] =	ssyncset.done $0x0  }
0x200: {  	[sflag:s10] =	ssyncadd.s32 $0xFFFFC000  }
0x201: {  	[tilespmem:s15], [sflag:$0x1] =	stream.indirect.gather [hbm4b:s3+s6], $0x80, s22, s6, $0xb8;
	[tilespmem:$0xE800] =	vst v63  }
0x202: {  	_ =	swait.ge [sflag:s13], $0x4000  }
0x203: {  	[sflag:s13] =	ssyncset.done $0x0  }
0x204: {  	[sflag:s13] =	ssyncadd.s32 $0xFFFFC000  }
0x205: {  	[spmem:s2] =	stream.indirect.scatter.add.f32 [tilespmem:s11], [sflag:$0x3], $0x80, s21, s6, $0xb8;
	[tilespmem:$0xE800] =	vst v63  }
0x206: {  	_ =	swait.ge [sflag:s10], $0x4000  }
0x207: {  	[sflag:s10] =	ssyncset.done $0x0  }
0x208: {  	[sflag:s10] =	ssyncadd.s32 $0xFFFFC000  }
0x209: {  	[tilespmem:s11], [sflag:$0x2] =	stream.indirect.gather [hbm4b:s3+s6], $0x80, s20, s6, $0xb8;
	[tilespmem:$0xE800] =	vst v63  }
0x20a: {  	_ =	swait.ge [sflag:s16], $0x4000  }
0x20b: {  	[sflag:s16] =	ssyncset.done $0x0  }
0x20c: {  	[sflag:s16] =	ssyncadd.s32 $0xFFFFC000  }
0x20d: {  	[spmem:s2] =	stream.indirect.scatter.add.f32 [tilespmem:s15], [sflag:$0x3], $0x80, s19, s6, $0xb8;
	[tilespmem:$0xE800] =	vst v63  }
0x20e: {  	_ =	swait.ge [sflag:s10], $0x4000  }
0x20f: {  	[sflag:s10] =	ssyncset.done $0x0  }
0x210: {  	[sflag:s10] =	ssyncadd.s32 $0xFFFFC000  }
0x211: {  	[tilespmem:s15], [sflag:$0x1] =	stream.indirect.gather [hbm4b:s3+s6], $0x80, s18, s6, $0xb8;
	[tilespmem:$0xE800] =	vst v63  }
0x212: {  	_ =	swait.ge [sflag:s13], $0x4000  }
0x213: {  	[sflag:s13] =	ssyncset.done $0x0  }
0x214: {  	[sflag:s13] =	ssyncadd.s32 $0xFFFFC000  }
0x215: {  	[spmem:s2] =	stream.indirect.scatter.add.f32 [tilespmem:s11], [sflag:$0x3], $0x80, s17, s6, $0xb8;
	[tilespmem:$0xE800] =	vst v63  }
0x216: {  	_ =	swait.ge [sflag:s10], $0x4000  }
0x217: {  	[sflag:s10] =	ssyncset.done $0x0  }
0x218: {  	[sflag:s10] =	ssyncadd.s32 $0xFFFFC000  }
0x219: {  	[tilespmem:s11], [sflag:$0x2] =	stream.indirect.gather [hbm4b:s3+s6], $0x80, s14, s6, $0xb8;
	[tilespmem:$0xE800] =	vst v63  }
0x21a: {  	_ =	swait.ge [sflag:s16], $0x4000  }
0x21b: {  	[sflag:s16] =	ssyncset.done $0x0  }
0x21c: {  	[sflag:s16] =	ssyncadd.s32 $0xFFFFC000  }
0x21d: {  	[spmem:s2] =	stream.indirect.scatter.add.f32 [tilespmem:s15], [sflag:$0x3], $0x80, s12, s6, $0xb8;
	[tilespmem:$0xE800] =	vst v63  }
0x21e: {  	_ =	swait.ge [sflag:s10], $0x4000  }
0x21f: {  	[sflag:s10] =	ssyncset.done $0x0  }
0x220: {  	[sflag:s10] =	ssyncadd.s32 $0xFFFFC000  }
0x221: {  	_ =	swait.ge [sflag:s13], $0x4000  }
0x222: {  	[sflag:s13] =	ssyncset.done $0x0  }
0x223: {  	[sflag:s13] =	ssyncadd.s32 $0xFFFFC000  }
0x224: {  	[spmem:s2] =	stream.indirect.scatter.add.f32 [tilespmem:s11], [sflag:$0x3], $0x80, s9, s6, $0xb8;
	[tilespmem:$0xE800] =	vst v63  }
0x225: {  	_ =	swait.ge [sflag:s10], $0x4000  }
0x226: {  	[sflag:s10] =	ssyncset.done $0x0  }
0x227: {  	[sflag:s10] =	ssyncadd.s32 $0xFFFFC000  }
0x228: {  	[bflag:$0x0] =	sbarrier.arrive $0xFFFF  }
0x229: {  	s31 =	rddreg [dreg:$0x5]  }
0x22a: {  	[hbm:s31], [sflag:s0] =	dma.local [spmem:s7], $0xB00  }
0x22b: {  	_ =	swait.ge [sflag:s4], $0xB00  }
0x22c: {  	[sflag:s4] =	ssyncset.done $0x0  }
0x22d: {  	[sflag:s4] =	ssyncadd.s32 $0xFFFFF500  }
0x22e: {  	_ =	sfence.sel $0x180000  }
0x22f: {  	[bflag:$0x0] =	sbarrier.arrive $0xFFFF  }
0x230: {  	_ =	strace $0x90000050  }
0x231: {  	[bflag:$0x2] =	sbarrier.arrive $0xFFFF  }
0x232: {  	p0 =	sne.s32 s8, $0x0;
	s0 =	rddreg [dreg:$0x3]  }
0x233: {  	s0 =	sadd.s32 @!p0 $0x100000, s0  }
0x234: {  	[sflag:s0] =	ssyncadd.tile.s32 @!p0 $0x1;
	_ =	shalt  }
.Lfunc_end2:
_tile_overlayer_lowered:
.L_overlay_start_2:
0x235: {  	(tag) =	ssettag $0x2  }
0x236: {  	s0 =	rddreg [dreg:$0x0];
	s2 =	stileid.u32  }
0x237: {  	s1 =	rddreg [dreg:$0x1];
	p0 =	sne.s32 s2, $0x0  }
0x238: {  	s3 =	rddreg [dreg:$0x2];
	[bflag:$0x3] =	sbarrier.arrive $0xFFFF;
	s2 =	simm.s32 @!p0 $0x1C04  }
0x239: {  	[timem:s3], [sflag:s2] =	dma.local @!p0 [hbm:s0], s1  }
0x23a: {  	s0 =	simm.s32 @!p0 $0x4  }
0x23b: {  	_ =	swait.ge @!p0 [sflag:s0], s1  }
0x23c: {  	s1 =	ssub.s32 @!p0 $0x0, s1;
	[sflag:s0] =	ssyncset.done @!p0 $0x0  }
0x23d: {  	[sflag:s0] =	ssyncadd.s32 @!p0 s1  }
0x23e: {  	[bflag:$0x3] =	sbarrier.arrive $0xFFFF  }
0x23f: {  	_ =	shalt  }

// kernel: kernel.39.cloned.1.call-start
scs
__scs_entry_jumppad:
0x0: {  	(pc) =	sbr.rel $0x88, $3  }
0x1: {  	(tag) =	ssettag $0x0;
	lr =	simm.s32 $0x1  }
0x2: {  	[smem:$0x3F82] =	sst lr;
	_ =	strace $0xD0000000  }
0x3: {  	_ = 	snop  }
0x4: {  	_ = 	snop  }
0x5: {  	_ = 	snop  }
0x6: {  	_ = 	snop  }
0x7: {  	_ = 	snop  }
__scs_overlays_trampoline_lowered:
0x8: {  	[smem:$0x3F91] =	sst s0  }
0x9: {  	[smem:$0x3F92] =	sst s1  }
0xa: {  	[smem:$0x3F93] =	sst s2  }
0xb: {  	[smem:$0x3F94] =	sst s3  }
0xc: {  	[smem:$0x3F95] =	sst s4  }
0xd: {  	[smem:$0x3F96] =	sst s5  }
0xe: {  	[smem:$0x3F97] =	sst s6  }
0xf: {  	[smem:$0x3F98] =	sst s7  }
0x10: {  	[smem:$0x3F99] =	sst s8  }
0x11: {  	[smem:$0x3F9A] =	sst s9;
	s0 =	simm.s32 @!p0 $0x0  }
0x12: {  	s1 =	sld [smem:$0x3F80];
	s0 =	simm.s32 @p0 $0x1  }
0x13: {  	[smem:$0x3F9B] =	sst s0;
	s0 =	simm.s32 @!p1 $0x0  }
0x14: {  	s2 =	sld [smem:$0x3F7F];
	s0 =	simm.s32 @p1 $0x1  }
0x15: {  	[smem:$0x3F9C] =	sst s0;
	s0 =	simm.s32 @!p2 $0x0  }
0x16: {  	s3 =	sld [smem:$0x3FDB];
	s0 =	simm.s32 @p2 $0x1  }
0x17: {  	s4 =	simm.s32 $0x1BF5;
	[smem:$0x3F9E] =	sst s0  }
0x18: {  	s0 =	sld [smem:$0x3F81];
	_ =	swait.ge [sflag:s4], $0x0  }
0x19: {  	s7 =	sld [smem:$0x3F82]  }
0x1a: {  	s8 =	sadd.s32 $0xFFFFE003, lr  }
0x1b: {  	s9 =	sadd.s32 $0xFFFFFEF7, lr;
	s5 =	simm.s32 $0xFFFFFFFF;
	p2 =	slt.u32 s8, $0xFFFFF086  }
0x1c: {  	p1 =	slt.u32 s9, $0xF7A;
	s5 =	simm.s32 @!p2 $0x0  }
0x1d: {  	s5 =	simm.s32 @p1 $0x1;
	p0 =	seq.s32 s7, s2  }
0x1e: {  	s7 =	smul.u32 @!p0 $0xF7A, s2;
	p2 =	seq.s32 @!p0 s5, $0x0  }
0x1f: {  	s9 =	smul.u32 $0xF7A, s1;
	s8 =	simm.s32 @!p0 $0x1BF5;
	p2 =	por !p2, p0  }
0x20: {  	[sflag:s8] =	ssyncset.s32 @!p0 $0xFFFFF086;
	s6 =	sadd.s32 @!p0 s3, s7;
	s7 =	simm.s32 @!p0 $0x108  }
0x21: {  	s3 =	sadd.s32 s3, s9;
	s6 =	sadd.s32 @!p0 $0x88, s6;
	s7 =	simm.s32 @p2 $0x1082  }
0x22: {  	[simem:s7], [sflag:s8] =	dma.local @!p0 [hbm:s6], $0xF7A  }
0x23: {  	s9 =	sor.u32 $0xD0000000, s2;
	s6 =	simm.s32 $0x108;
	_ =	swait.ge @!p0 [sflag:s8], $0x0  }
0x24: {  	s3 =	sadd.s32 $0x88, s3;
	s6 =	simm.s32 @!p1 $0x1082;
	[sflag:s4] =	ssyncset.s32 $0xFFFFF086  }
0x25: {  	[simem:s6], [sflag:s4] =	dma.local [hbm:s3], $0xF7A  }
0x26: {  	[smem:$0x3F82] =	sst s1;
	(tag) =	ssettag s2;
	_ =	strace s9  }
0x27: {  	s1 =	sld [smem:$0x3F92]  }
0x28: {  	s2 =	sld [smem:$0x3F93]  }
0x29: {  	s4 =	sld [smem:$0x3F95]  }
0x2a: {  	p0 =	seq.s32 s5, $0x0;
	s5 =	sld [smem:$0x3F96]  }
0x2b: {  	s6 =	sld [smem:$0x3F97]  }
0x2c: {  	s7 =	sld [smem:$0x3F98]  }
0x2d: {  	s3 =	simm.s32 $0x108;
	s8 =	sld [smem:$0x3F99]  }
0x2e: {  	s3 =	simm.s32 @!p0 $0x1082;
	s9 =	sld [smem:$0x3F9A]  }
0x2f: {  	lr =	sadd.s32 s0, s3;
	s0 =	sld [smem:$0x3F91]  }
0x30: {  	s3 =	sld [smem:$0x3F94]  }
0x31: {  	[smem:$0x3F9D] =	sst s10  }
0x32: {  	s10 =	sld [smem:$0x3F9B];
	_ =	sdelay $0x3  }
0x33: {  	p0 =	seq.s32 s10, $0x1;
	s10 =	sld [smem:$0x3F9D];
	_ =	sdelay $0x3  }
0x34: {  	[smem:$0x3F9D] =	sst s10  }
0x35: {  	s10 =	sld [smem:$0x3F9C];
	_ =	sdelay $0x3  }
0x36: {  	p1 =	seq.s32 s10, $0x1;
	s10 =	sld [smem:$0x3F9D];
	_ =	sdelay $0x3  }
0x37: {  	[smem:$0x3F9D] =	sst s10  }
0x38: {  	s10 =	sld [smem:$0x3F9E]  }
0x39: {  	_ = 	snop;
	(pc) =	sbr.ind lr, $3  }
0x3a: {  	_ = 	snop  }
0x3b: {  	_ = 	snop  }
0x3c: {  	p2 =	seq.s32 s10, $0x1;
	s10 =	sld [smem:$0x3F9D]  }
0x3d: {  	_ =	shalt  }
0x3e: {  	_ =	shalt  }
0x3f: {  	_ =	shalt  }
0x40: {  	_ =	shalt  }
0x41: {  	_ =	shalt  }
0x42: {  	_ =	shalt  }
0x43: {  	_ =	shalt  }
0x44: {  	_ =	shalt  }
0x45: {  	_ =	shalt  }
0x46: {  	_ =	shalt  }
0x47: {  	_ =	shalt  }
0x48: {  	_ =	shalt  }
0x49: {  	_ =	shalt  }
0x4a: {  	_ =	shalt  }
0x4b: {  	_ =	shalt  }
0x4c: {  	_ =	shalt  }
0x4d: {  	_ =	shalt  }
0x4e: {  	_ =	shalt  }
0x4f: {  	_ =	shalt  }
0x50: {  	_ =	shalt  }
0x51: {  	_ =	shalt  }
0x52: {  	_ =	shalt  }
0x53: {  	_ =	shalt  }
0x54: {  	_ =	shalt  }
0x55: {  	_ =	shalt  }
0x56: {  	_ =	shalt  }
0x57: {  	_ =	shalt  }
0x58: {  	_ =	shalt  }
0x59: {  	_ =	shalt  }
0x5a: {  	_ =	shalt  }
0x5b: {  	_ =	shalt  }
0x5c: {  	_ =	shalt  }
0x5d: {  	_ =	shalt  }
0x5e: {  	_ =	shalt  }
0x5f: {  	_ =	shalt  }
0x60: {  	_ =	shalt  }
0x61: {  	_ =	shalt  }
0x62: {  	_ =	shalt  }
0x63: {  	_ =	shalt  }
0x64: {  	_ =	shalt  }
0x65: {  	_ =	shalt  }
0x66: {  	_ =	shalt  }
0x67: {  	_ =	shalt  }
0x68: {  	_ =	shalt  }
0x69: {  	_ =	shalt  }
0x6a: {  	_ =	shalt  }
0x6b: {  	_ =	shalt  }
0x6c: {  	_ =	shalt  }
0x6d: {  	_ =	shalt  }
0x6e: {  	_ =	shalt  }
0x6f: {  	_ =	shalt  }
0x70: {  	_ =	shalt  }
0x71: {  	_ =	shalt  }
0x72: {  	_ =	shalt  }
0x73: {  	_ =	shalt  }
0x74: {  	_ =	shalt  }
0x75: {  	_ =	shalt  }
0x76: {  	_ =	shalt  }
0x77: {  	_ =	shalt  }
0x78: {  	_ =	shalt  }
0x79: {  	_ =	shalt  }
0x7a: {  	_ =	shalt  }
0x7b: {  	_ =	shalt  }
0x7c: {  	_ =	shalt  }
0x7d: {  	_ =	shalt  }
0x7e: {  	_ =	shalt  }
0x7f: {  	_ =	shalt  }
0x80: {  	_ =	shalt  }
0x81: {  	_ =	shalt  }
0x82: {  	_ =	shalt  }
0x83: {  	_ =	shalt  }
0x84: {  	_ =	shalt  }
0x85: {  	_ =	shalt  }
0x86: {  	_ =	shalt  }
0x87: {  	_ =	shalt  }
.Lfunc_end0:
.L_simem_size_0:
called_computation.4_lowered:
.L_overlay_start_0:
0x88: {  	s2 =	sld [smem:$0x3FD9]  }
0x89: {  	s3 =	sld [smem:$0x3FFE];
	_ =	sdelay $0x1  }
0x8a: {  	s1 =	srdreg.scid  }
0x8b: {  	s0 =	sand.u32 $0x1, s1  }
0x8c: {  	s17 =	sshll.u32 s0, $0xA;
	s2 =	sadd.s32 s3, s2  }
0x8d: {  	s2 =	sadd.s32 s2, s17  }
0x8e: {  	[smem:$0x3FA9] =	sst s2  }
0x8f: {  	_ = 	snop  }
0x90: {  	s2 =	sld [smem:$0x3FD0];
	(tm) =	ssettm $0x1  }
0x91: {  	s18 =	sld [smem:$0x3FFB];
	_ =	sdelay $0x3  }
0x92: {  	_ =	strace s18  }
0x93: {  	s3 =	sld [smem:$0x3FFC];
	_ =	sdelay $0x3  }
0x94: {  	_ =	strace s3  }
0x95: {  	s3 =	sld [smem:$0x3FFD];
	_ =	sdelay $0x3  }
0x96: {  	_ =	strace s3  }
0x97: {  	_ =	strace $0x8FFFFFFF  }
0x98: {  	s19 =	sld [smem:$0x3FDB];
	_ =	sdelay $0x1  }
0x99: {  	s4 =	simm.s32 $_scs_section_size  }
0x9a: {  	s5 =	simm.s32 $_size__tile_overlayer_lowered;
	s6 =	simm.s32 $_tile_overlayer_lowered  }
0x9b: {  	s22 =	simm.s32 $0x1BFF;
	s21 =	sshll.u32 s6, $0x1;
	s3 =	sadd.s32 s4, s19  }
0x9c: {  	s7 =	simm.s32 $0x0;
	s20 =	sshll.u32 s5, $0x1;
	s5 =	sadd.s32 s21, s3  }
0x9d: {  	[timem:s7], [sflag:s22] =	dma.local [hbm:s5], s20  }
0x9e: {  	_ =	swait.ge [sflag:s22], s20  }
0x9f: {  	s4 =	ssub.s32 $0x0, s20;
	[sflag:s22] =	ssyncset.done $0x0  }
0xa0: {  	[sflag:s22] =	ssyncadd.s32 s4;
	_ =	sdelay $0x1  }
0xa1: {  	s23 =	simm.s32 $0x1B8B  }
0xa2: {  	_ =	swait.ge [sflag:s23], $0x1  }
0xa3: {  	[sflag:s23] =	ssyncset.done $0x0  }
0xa4: {  	s25 =	simm.s32 $0x1B8E;
	s24 =	sld [smem:$0x3FFE];
	[sflag:s23] =	ssyncadd.s32 $0xFFFFFFFF  }
0xa5: {  	s26 =	simm.s32 $execute0_lowered;
	[smem:$0x3FD2] =	sst s25  }
0xa6: {  	s5 =	sshll.u32 s26, $0x1;
	_ =	strace $0x80000052;
	[dreg:$0x1] =	wrdreg $0xFFFFFFFF  }
0xa7: {  	s28 =	simm.s32 $_size_execute0_lowered;
	s3 =	sadd.s32 s3, s5;
	[dreg:$0x0] =	wrdreg $0x0  }
0xa8: {  	s5 =	sshll.u32 s28, $0x1;
	[dreg:$0x2] =	wrdreg s3  }
0xa9: {  	[dreg:$0x3] =	wrdreg s5  }
0xaa: {  	[dreg:$0x4] =	wrdreg $0xC0  }
0xab: {  	_ =	task [dreg:s7], $0x5FFFF  }
0xac: {  	[dreg:$0x1] =	wrdreg $0xFFFFFFFF  }
0xad: {  	[dreg:$0x0] =	wrdreg $0x60  }
0xae: {  	[dreg:$0x2] =	wrdreg s24  }
0xaf: {  	[dreg:$0x3] =	wrdreg s2  }
0xb0: {  	[dreg:$0x4] =	wrdreg $0xA8000  }
0xb1: {  	[dreg:$0x5] =	wrdreg $0x9  }
0xb2: {  	_ =	task.clear_ibuf [dreg:s7], $0x6FFFF;
	_ =	strace $0x90000052  }
0xb3: {  	s29 =	simm.s32 $0x9;
	_ =	strace $0x80000054  }
0xb4: {  	_ =	swait.ge [sflag:s29], $0x1  }
0xb5: {  	[sflag:s29] =	ssyncadd.s32 $0xFFFFFFFF  }
0xb6: {  	_ =	strace $0x90000054  }
0xb7: {  	_ =	sfence  }
0xb8: {  	s30 =	sld [smem:$0x0];
	_ =	sdelay $0x2  }
0xb9: {  	s31 =	sshll.u32 s1, $0xD;
	s1 =	sshrl.u32 s1, $0x2  }
0xba: {  	s3 =	sand.u32 $0x4000, s31;
	s1 =	sadd.s32 s1, s30  }
0xbb: {  	s0 =	sor.u32 s3, s0;
	s1 =	sshll.u32 s1, $0x11  }
0xbc: {  	s0 =	sor.u32 s1, s0  }
0xbd: {  	s0 =	sadd.s32 $0x8F2B, s0  }
0xbe: {  	[sflag:s0] =	ssyncadd.remote.s32 $0x1  }
0xbf: {  	_ =	sfence.sel $0xFFFF  }
0xc0: {  	[dreg:$0x0] =	wrdreg $0xFFFFFFFF;
	(pc) =	sbr.abs _section_cstart, $3  }
0xc1: {  	[dreg:$0x1] =	wrdreg $0xFFFFFFFF  }
0xc2: {  	_ =	task.clear_ibuf [dreg:s7], $0x2FFFF;
	_ =	strace $0x9FFFFFFF  }
0xc3: {  	(tm) =	ssettm $0x7FFFFFFF  }
tec
execute0_lowered:
.L_overlay_start_1:
0x0: {  	(tag) =	ssettag $0x1  }
0x1: {  	s1 =	srdreg.scid;
	s5 =	rddreg [dreg:$0x0]  }
0x2: {  	s0 =	stileid.u32;
	s7 =	rddreg [dreg:$0x1]  }
0x3: {  	s2 =	rddreg [dreg:$0x2];
	s3 =	simm.s32 $0x0;
	s14 =	simm.s32 $0x80  }
0x4: {  	s15 =	simm.s32 $0x2800;
	s16 =	simm.s32 $0x6800;
	s17 =	simm.s32 $0x1  }
0x5: {  	s18 =	simm.s32 $0x3;
	s19 =	simm.s32 $0x2;
	s20 =	simm.s32 $0x2700  }
0x6: {  	s21 =	simm.s32 $0x2780;
	s22 =	simm.s32 $0x0;
	s6 =	sand.u32 $0x1, s1  }
0x7: {  	s29 =	sshll.u32 s0, $0x1;
	s9 =	smul.u32 $0x14000, s0;
	[smem:$0x7FF] =	sst s3  }
0x8: {  	s4 =	sadd.s32 $0xFAE00, s5;
	s12 =	smul.u32 $0x50000, s0;
	s31 =	sshll.u32 s0, $0x6  }
0x9: {  	s1 =	sor.u32 s6, s29;
	s10 =	smul.u32 $0x140000, s6;
	s6 =	ssub.s32 $0x2, s6  }
0xa: {  	s8 =	smul.u32 $0x280, s1;
	s1 =	rddreg [dreg:$0x3];
	_ =	strace $0x80000053  }
0xb: {  	s11 =	sshrl.u32 s6, $0x1;
	s30 =	sshrl.u32 s12, $0x2;
	s12 =	sor.u32 $0x1C04, s31  }
0xc: {  	s10 =	sadd.s32 s9, s10;
	s11 =	ssub.s32 s6, s11;
	s9 =	sshrl.u32 s9, $0x3  }
0xd: {  	s13 =	sadd.s32 s30, s2;
	s8 =	sadd.s32 s8, s5;
	s10 =	sshrl.u32 s10, $0x3  }
0xe: {  	s7 =	sadd.s32 s7, s9;
	s9 =	smax.u32 s11, $0x1;
	s11 =	simm.s32 $0x1400  }
0xf: {  	s13 =	sshrl.u32 s13, $0x3;
	s10 =	sadd.s32 s10, s5;
	s5 =	sadd.s32 $0x1AE00, s8  }
0x10: {  	s6 =	sadd.s32 $0x6600, s8;
	s8 =	sadd.s32 $0x197200, s10;
	s10 =	simm.s32 $0x4  }
.LBB2_1:
0x11: {  	[tilespmem:s3], [sflag:$0x4] =	stream.linear.gather [hbm4b:s5+s3], $0x1400, $0x38;
	[tilespmem:$0x1E800] =	vst v63  }
0x12: {  	_ =	swait.ge [sflag:s10], $0x1400  }
0x13: {  	[sflag:s10] =	ssyncset.done $0x0  }
0x14: {  	[sflag:s10] =	ssyncadd.s32 $0xFFFFEC00  }
0x15: {  	[tilespmem:s11], [sflag:$0x4] =	stream.linear.gather [hbm4b:s6+s3], $0x1400, $0x38;
	[tilespmem:$0x1E800] =	vst v63  }
0x16: {  	_ =	swait.ge [sflag:s10], $0x1400  }
0x17: {  	[sflag:s10] =	ssyncset.done $0x0  }
0x18: {  	[sflag:s10] =	ssyncadd.s32 $0xFFFFEC00  }
0x19: {  	[spmem:s13], [sflag:s12] =	dma.local [hbm:s7], $0x2800  }
0x1a: {  	_ =	swait.ge [sflag:s10], $0x2800  }
0x1b: {  	[sflag:s10] =	ssyncset.done $0x0  }
0x1c: {  	[sflag:s10] =	ssyncadd.s32 $0xFFFFD800  }
0x1d: {  	[bflag:$0x0] =	sbarrier.arrive $0xFFFF  }
0x1e: {  	[tilespmem:s15], [sflag:$0x1] =	stream.indirect.gather [hbm4b:s4+s14], $0x80, s3, s14, $0xb8;
	[tilespmem:$0x1E800] =	vst v63  }
0x1f: {  	_ = 	snop  }
0x20: {  	[tilespmem:s16], [sflag:$0x2] =	stream.indirect.gather [hbm4b:s4+s14], $0x80, s14, s14, $0xb8;
	[tilespmem:$0x1E800] =	vst v63  }
0x21: {  	_ =	swait.ge [sflag:s17], $0x4000  }
0x22: {  	[sflag:s17] =	ssyncset.done $0x0  }
0x23: {  	s23 =	simm.s32 $0x1400;
	[sflag:s17] =	ssyncadd.s32 $0xFFFFC000  }
0x24: {  	[spmem:s2] =	stream.indirect.scatter.add.f32 [tilespmem:s15], [sflag:$0x3], $0x80, s23, s14, $0xb8;
	[tilespmem:$0x1E800] =	vst v63  }
0x25: {  	_ =	swait.ge [sflag:s18], $0x4000  }
0x26: {  	[sflag:s18] =	ssyncset.done $0x0  }
0x27: {  	s30 =	simm.s32 $0x100;
	[sflag:s18] =	ssyncadd.s32 $0xFFFFC000  }
0x28: {  	[tilespmem:s15], [sflag:$0x1] =	stream.indirect.gather [hbm4b:s4+s14], $0x80, s30, s14, $0xb8;
	[tilespmem:$0x1E800] =	vst v63  }
0x29: {  	_ =	swait.ge [sflag:s19], $0x4000  }
0x2a: {  	[sflag:s19] =	ssyncset.done $0x0  }
0x2b: {  	s31 =	simm.s32 $0x1480;
	[sflag:s19] =	ssyncadd.s32 $0xFFFFC000  }
0x2c: {  	[spmem:s2] =	stream.indirect.scatter.add.f32 [tilespmem:s16], [sflag:$0x3], $0x80, s31, s14, $0xb8;
	[tilespmem:$0x1E800] =	vst v63  }
0x2d: {  	_ =	swait.ge [sflag:s18], $0x4000  }
0x2e: {  	[sflag:s18] =	ssyncset.done $0x0  }
0x2f: {  	s24 =	simm.s32 $0x180;
	s23 =	simm.s32 $0x400;
	[sflag:s18] =	ssyncadd.s32 $0xFFFFC000  }
.LBB2_2:
0x30: {  	[tilespmem:s16], [sflag:$0x2] =	stream.indirect.gather [hbm4b:s4+s14], $0x80, s24, s14, $0xb8;
	[tilespmem:$0x1E800] =	vst v63  }
0x31: {  	s24 =	smov.u32 s23  }
0x32: {  	p0 =	sne.s32 s23, $0x4800;
	s23 =	sadd.s32 $0x400, s23;
	_ =	swait.ge [sflag:s17], $0x4000  }
0x33: {  	s24 =	sshra.s32 s24, $0x2;
	[sflag:s17] =	ssyncset.done $0x0  }
0x34: {  	s25 =	sadd.s32 $0x1400, s24;
	[sflag:s17] =	ssyncadd.s32 $0xFFFFC000  }
0x35: {  	[spmem:s2] =	stream.indirect.scatter.add.f32 [tilespmem:s15], [sflag:$0x3], $0x80, s25, s14, $0xb8;
	[tilespmem:$0x1E800] =	vst v63  }
0x36: {  	_ =	swait.ge [sflag:s18], $0x4000  }
0x37: {  	[sflag:s18] =	ssyncset.done $0x0  }
0x38: {  	s25 =	sadd.s32 $0x100, s24;
	[sflag:s18] =	ssyncadd.s32 $0xFFFFC000  }
0x39: {  	[tilespmem:s15], [sflag:$0x1] =	stream.indirect.gather [hbm4b:s4+s14], $0x80, s25, s14, $0xb8;
	[tilespmem:$0x1E800] =	vst v63  }
0x3a: {  	_ =	swait.ge [sflag:s19], $0x4000  }
0x3b: {  	[sflag:s19] =	ssyncset.done $0x0  }
.Ltmp0:
0x3c: {  	s25 =	sadd.s32 $0x1480, s24;
	[sflag:s19] =	ssyncadd.s32 $0xFFFFC000;
	(pc) =	sbr.rel @p0 .LBB2_2-.Ltmp0, $4  }
0x3d: {  	[spmem:s2] =	stream.indirect.scatter.add.f32 [tilespmem:s16], [sflag:$0x3], $0x80, s25, s14, $0xb8;
	[tilespmem:$0x1E800] =	vst v63  }
0x3e: {  	_ =	swait.ge [sflag:s18], $0x4000  }
0x3f: {  	[sflag:s18] =	ssyncset.done $0x0  }
0x40: {  	s24 =	sadd.s32 $0x180, s24;
	[sflag:s18] =	ssyncadd.s32 $0xFFFFC000  }
0x41: {  	[tilespmem:s16], [sflag:$0x2] =	stream.indirect.gather [hbm4b:s4+s14], $0x80, s24, s14, $0xb8;
	[tilespmem:$0x1E800] =	vst v63  }
0x42: {  	_ =	swait.ge [sflag:s17], $0x4000  }
0x43: {  	[sflag:s17] =	ssyncset.done $0x0  }
0x44: {  	[sflag:s17] =	ssyncadd.s32 $0xFFFFC000  }
0x45: {  	[spmem:s2] =	stream.indirect.scatter.add.f32 [tilespmem:s15], [sflag:$0x3], $0x80, s20, s14, $0xb8;
	[tilespmem:$0x1E800] =	vst v63  }
0x46: {  	_ =	swait.ge [sflag:s18], $0x4000  }
0x47: {  	[sflag:s18] =	ssyncset.done $0x0  }
0x48: {  	[sflag:s18] =	ssyncadd.s32 $0xFFFFC000  }
0x49: {  	_ =	swait.ge [sflag:s19], $0x4000  }
0x4a: {  	[sflag:s19] =	ssyncset.done $0x0  }
0x4b: {  	[sflag:s19] =	ssyncadd.s32 $0xFFFFC000  }
0x4c: {  	[spmem:s2] =	stream.indirect.scatter.add.f32 [tilespmem:s16], [sflag:$0x3], $0x80, s21, s14, $0xb8;
	[tilespmem:$0x1E800] =	vst v63  }
0x4d: {  	_ =	swait.ge [sflag:s18], $0x4000  }
0x4e: {  	s22 =	sadd.s32 $0x1, s22;
	[sflag:s18] =	ssyncset.done $0x0  }
0x4f: {  	p0 =	sne.s32 s22, s9;
	[sflag:s18] =	ssyncadd.s32 $0xFFFFC000  }
.Ltmp1:
0x50: {  	[bflag:$0x0] =	sbarrier.arrive $0xFFFF;
	(pc) =	sbr.rel @p0 .LBB2_1-.Ltmp1, $4  }
0x51: {  	[hbm:s8], [sflag:s12] =	dma.local [spmem:s13], $0x2800  }
0x52: {  	_ =	swait.ge [sflag:s10], $0x2800  }
0x53: {  	[sflag:s10] =	ssyncset.done $0x0  }
0x54: {  	[sflag:s10] =	ssyncadd.s32 $0xFFFFD800  }
0x55: {  	_ =	sfence.sel $0x180000  }
0x56: {  	[bflag:$0x0] =	sbarrier.arrive $0xFFFF  }
0x57: {  	p0 =	sne.s32 s0, $0x0;
	_ =	strace $0x90000053  }
0x58: {  	s0 =	sadd.s32 @!p0 $0x100000, s1;
	[bflag:$0x2] =	sbarrier.arrive $0xFFFF  }
0x59: {  	[sflag:s0] =	ssyncadd.tile.s32 @!p0 $0x1;
	_ =	shalt  }
.Lfunc_end2:
_tile_overlayer_lowered:
.L_overlay_start_2:
0x5a: {  	(tag) =	ssettag $0x2  }
0x5b: {  	s0 =	rddreg [dreg:$0x0];
	s2 =	stileid.u32  }
0x5c: {  	s1 =	rddreg [dreg:$0x1];
	p0 =	sne.s32 s2, $0x0  }
0x5d: {  	s3 =	rddreg [dreg:$0x2];
	[bflag:$0x3] =	sbarrier.arrive $0xFFFF;
	s2 =	simm.s32 @!p0 $0x1C04  }
0x5e: {  	[timem:s3], [sflag:s2] =	dma.local @!p0 [hbm:s0], s1  }
0x5f: {  	s0 =	simm.s32 @!p0 $0x4  }
0x60: {  	_ =	swait.ge @!p0 [sflag:s0], s1  }
0x61: {  	s1 =	ssub.s32 @!p0 $0x0, s1;
	[sflag:s0] =	ssyncset.done @!p0 $0x0  }
0x62: {  	[sflag:s0] =	ssyncadd.s32 @!p0 s1  }
0x63: {  	[bflag:$0x3] =	sbarrier.arrive $0xFFFF  }
0x64: {  	_ =	shalt  }

// kernel: kernel.42.cloned.1.call-start
scs
__scs_entry_jumppad:
0x0: {  	(pc) =	sbr.rel $0x88, $3  }
0x1: {  	(tag) =	ssettag $0x0;
	lr =	simm.s32 $0x1  }
0x2: {  	[smem:$0x3F82] =	sst lr;
	_ =	strace $0xD0000000  }
0x3: {  	_ = 	snop  }
0x4: {  	_ = 	snop  }
0x5: {  	_ = 	snop  }
0x6: {  	_ = 	snop  }
0x7: {  	_ = 	snop  }
__scs_overlays_trampoline_lowered:
0x8: {  	[smem:$0x3F91] =	sst s0  }
0x9: {  	[smem:$0x3F92] =	sst s1  }
0xa: {  	[smem:$0x3F93] =	sst s2  }
0xb: {  	[smem:$0x3F94] =	sst s3  }
0xc: {  	[smem:$0x3F95] =	sst s4  }
0xd: {  	[smem:$0x3F96] =	sst s5  }
0xe: {  	[smem:$0x3F97] =	sst s6  }
0xf: {  	[smem:$0x3F98] =	sst s7  }
0x10: {  	[smem:$0x3F99] =	sst s8  }
0x11: {  	[smem:$0x3F9A] =	sst s9;
	s0 =	simm.s32 @!p0 $0x0  }
0x12: {  	s1 =	sld [smem:$0x3F80];
	s0 =	simm.s32 @p0 $0x1  }
0x13: {  	[smem:$0x3F9B] =	sst s0;
	s0 =	simm.s32 @!p1 $0x0  }
0x14: {  	s2 =	sld [smem:$0x3F7F];
	s0 =	simm.s32 @p1 $0x1  }
0x15: {  	[smem:$0x3F9C] =	sst s0;
	s0 =	simm.s32 @!p2 $0x0  }
0x16: {  	s3 =	sld [smem:$0x3FDB];
	s0 =	simm.s32 @p2 $0x1  }
0x17: {  	s4 =	simm.s32 $0x1BF5;
	[smem:$0x3F9E] =	sst s0  }
0x18: {  	s0 =	sld [smem:$0x3F81];
	_ =	swait.ge [sflag:s4], $0x0  }
0x19: {  	s7 =	sld [smem:$0x3F82]  }
0x1a: {  	s8 =	sadd.s32 $0xFFFFE003, lr  }
0x1b: {  	s9 =	sadd.s32 $0xFFFFFEF7, lr;
	s5 =	simm.s32 $0xFFFFFFFF;
	p2 =	slt.u32 s8, $0xFFFFF086  }
0x1c: {  	p1 =	slt.u32 s9, $0xF7A;
	s5 =	simm.s32 @!p2 $0x0  }
0x1d: {  	s5 =	simm.s32 @p1 $0x1;
	p0 =	seq.s32 s7, s2  }
0x1e: {  	s7 =	smul.u32 @!p0 $0xF7A, s2;
	p2 =	seq.s32 @!p0 s5, $0x0  }
0x1f: {  	s9 =	smul.u32 $0xF7A, s1;
	s8 =	simm.s32 @!p0 $0x1BF5;
	p2 =	por !p2, p0  }
0x20: {  	[sflag:s8] =	ssyncset.s32 @!p0 $0xFFFFF086;
	s6 =	sadd.s32 @!p0 s3, s7;
	s7 =	simm.s32 @!p0 $0x108  }
0x21: {  	s3 =	sadd.s32 s3, s9;
	s6 =	sadd.s32 @!p0 $0x88, s6;
	s7 =	simm.s32 @p2 $0x1082  }
0x22: {  	[simem:s7], [sflag:s8] =	dma.local @!p0 [hbm:s6], $0xF7A  }
0x23: {  	s9 =	sor.u32 $0xD0000000, s2;
	s6 =	simm.s32 $0x108;
	_ =	swait.ge @!p0 [sflag:s8], $0x0  }
0x24: {  	s3 =	sadd.s32 $0x88, s3;
	s6 =	simm.s32 @!p1 $0x1082;
	[sflag:s4] =	ssyncset.s32 $0xFFFFF086  }
0x25: {  	[simem:s6], [sflag:s4] =	dma.local [hbm:s3], $0xF7A  }
0x26: {  	[smem:$0x3F82] =	sst s1;
	(tag) =	ssettag s2;
	_ =	strace s9  }
0x27: {  	s1 =	sld [smem:$0x3F92]  }
0x28: {  	s2 =	sld [smem:$0x3F93]  }
0x29: {  	s4 =	sld [smem:$0x3F95]  }
0x2a: {  	p0 =	seq.s32 s5, $0x0;
	s5 =	sld [smem:$0x3F96]  }
0x2b: {  	s6 =	sld [smem:$0x3F97]  }
0x2c: {  	s7 =	sld [smem:$0x3F98]  }
0x2d: {  	s3 =	simm.s32 $0x108;
	s8 =	sld [smem:$0x3F99]  }
0x2e: {  	s3 =	simm.s32 @!p0 $0x1082;
	s9 =	sld [smem:$0x3F9A]  }
0x2f: {  	lr =	sadd.s32 s0, s3;
	s0 =	sld [smem:$0x3F91]  }
0x30: {  	s3 =	sld [smem:$0x3F94]  }
0x31: {  	[smem:$0x3F9D] =	sst s10  }
0x32: {  	s10 =	sld [smem:$0x3F9B];
	_ =	sdelay $0x3  }
0x33: {  	p0 =	seq.s32 s10, $0x1;
	s10 =	sld [smem:$0x3F9D];
	_ =	sdelay $0x3  }
0x34: {  	[smem:$0x3F9D] =	sst s10  }
0x35: {  	s10 =	sld [smem:$0x3F9C];
	_ =	sdelay $0x3  }
0x36: {  	p1 =	seq.s32 s10, $0x1;
	s10 =	sld [smem:$0x3F9D];
	_ =	sdelay $0x3  }
0x37: {  	[smem:$0x3F9D] =	sst s10  }
0x38: {  	s10 =	sld [smem:$0x3F9E]  }
0x39: {  	_ = 	snop;
	(pc) =	sbr.ind lr, $3  }
0x3a: {  	_ = 	snop  }
0x3b: {  	_ = 	snop  }
0x3c: {  	p2 =	seq.s32 s10, $0x1;
	s10 =	sld [smem:$0x3F9D]  }
0x3d: {  	_ =	shalt  }
0x3e: {  	_ =	shalt  }
0x3f: {  	_ =	shalt  }
0x40: {  	_ =	shalt  }
0x41: {  	_ =	shalt  }
0x42: {  	_ =	shalt  }
0x43: {  	_ =	shalt  }
0x44: {  	_ =	shalt  }
0x45: {  	_ =	shalt  }
0x46: {  	_ =	shalt  }
0x47: {  	_ =	shalt  }
0x48: {  	_ =	shalt  }
0x49: {  	_ =	shalt  }
0x4a: {  	_ =	shalt  }
0x4b: {  	_ =	shalt  }
0x4c: {  	_ =	shalt  }
0x4d: {  	_ =	shalt  }
0x4e: {  	_ =	shalt  }
0x4f: {  	_ =	shalt  }
0x50: {  	_ =	shalt  }
0x51: {  	_ =	shalt  }
0x52: {  	_ =	shalt  }
0x53: {  	_ =	shalt  }
0x54: {  	_ =	shalt  }
0x55: {  	_ =	shalt  }
0x56: {  	_ =	shalt  }
0x57: {  	_ =	shalt  }
0x58: {  	_ =	shalt  }
0x59: {  	_ =	shalt  }
0x5a: {  	_ =	shalt  }
0x5b: {  	_ =	shalt  }
0x5c: {  	_ =	shalt  }
0x5d: {  	_ =	shalt  }
0x5e: {  	_ =	shalt  }
0x5f: {  	_ =	shalt  }
0x60: {  	_ =	shalt  }
0x61: {  	_ =	shalt  }
0x62: {  	_ =	shalt  }
0x63: {  	_ =	shalt  }
0x64: {  	_ =	shalt  }
0x65: {  	_ =	shalt  }
0x66: {  	_ =	shalt  }
0x67: {  	_ =	shalt  }
0x68: {  	_ =	shalt  }
0x69: {  	_ =	shalt  }
0x6a: {  	_ =	shalt  }
0x6b: {  	_ =	shalt  }
0x6c: {  	_ =	shalt  }
0x6d: {  	_ =	shalt  }
0x6e: {  	_ =	shalt  }
0x6f: {  	_ =	shalt  }
0x70: {  	_ =	shalt  }
0x71: {  	_ =	shalt  }
0x72: {  	_ =	shalt  }
0x73: {  	_ =	shalt  }
0x74: {  	_ =	shalt  }
0x75: {  	_ =	shalt  }
0x76: {  	_ =	shalt  }
0x77: {  	_ =	shalt  }
0x78: {  	_ =	shalt  }
0x79: {  	_ =	shalt  }
0x7a: {  	_ =	shalt  }
0x7b: {  	_ =	shalt  }
0x7c: {  	_ =	shalt  }
0x7d: {  	_ =	shalt  }
0x7e: {  	_ =	shalt  }
0x7f: {  	_ =	shalt  }
0x80: {  	_ =	shalt  }
0x81: {  	_ =	shalt  }
0x82: {  	_ =	shalt  }
0x83: {  	_ =	shalt  }
0x84: {  	_ =	shalt  }
0x85: {  	_ =	shalt  }
0x86: {  	_ =	shalt  }
0x87: {  	_ =	shalt  }
.Lfunc_end0:
.L_simem_size_0:
called_computation.5_lowered:
.L_overlay_start_0:
0x88: {  	s2 =	sld [smem:$0x3FD9]  }
0x89: {  	s3 =	sld [smem:$0x3FFE];
	_ =	sdelay $0x1  }
0x8a: {  	s1 =	srdreg.scid  }
0x8b: {  	s0 =	sand.u32 $0x1, s1  }
0x8c: {  	s17 =	sshll.u32 s0, $0xA;
	s2 =	sadd.s32 s3, s2  }
0x8d: {  	s2 =	sadd.s32 s2, s17  }
0x8e: {  	[smem:$0x3FA9] =	sst s2  }
0x8f: {  	_ = 	snop  }
0x90: {  	s2 =	sld [smem:$0x3FD0];
	(tm) =	ssettm $0x1  }
0x91: {  	s18 =	sld [smem:$0x3FFB];
	_ =	sdelay $0x3  }
0x92: {  	_ =	strace s18  }
0x93: {  	s3 =	sld [smem:$0x3FFC];
	_ =	sdelay $0x3  }
0x94: {  	_ =	strace s3  }
0x95: {  	s3 =	sld [smem:$0x3FFD];
	_ =	sdelay $0x3  }
0x96: {  	_ =	strace s3  }
0x97: {  	_ =	strace $0x8FFFFFFF  }
0x98: {  	s19 =	sld [smem:$0x3FDB];
	_ =	sdelay $0x1  }
0x99: {  	s4 =	simm.s32 $_scs_section_size  }
0x9a: {  	s5 =	simm.s32 $_size__tile_overlayer_lowered;
	s6 =	simm.s32 $_tile_overlayer_lowered  }
0x9b: {  	s22 =	simm.s32 $0x1BFF;
	s21 =	sshll.u32 s6, $0x1;
	s3 =	sadd.s32 s4, s19  }
0x9c: {  	s7 =	simm.s32 $0x0;
	s20 =	sshll.u32 s5, $0x1;
	s5 =	sadd.s32 s21, s3  }
0x9d: {  	[timem:s7], [sflag:s22] =	dma.local [hbm:s5], s20  }
0x9e: {  	_ =	swait.ge [sflag:s22], s20  }
0x9f: {  	s4 =	ssub.s32 $0x0, s20;
	[sflag:s22] =	ssyncset.done $0x0  }
0xa0: {  	[sflag:s22] =	ssyncadd.s32 s4;
	_ =	sdelay $0x1  }
0xa1: {  	s23 =	simm.s32 $0x1B8B  }
0xa2: {  	_ =	swait.ge [sflag:s23], $0x1  }
0xa3: {  	[sflag:s23] =	ssyncset.done $0x0  }
0xa4: {  	s25 =	simm.s32 $0x1B8E;
	s24 =	sld [smem:$0x3FFE];
	[sflag:s23] =	ssyncadd.s32 $0xFFFFFFFF  }
0xa5: {  	s26 =	simm.s32 $execute0_lowered;
	[smem:$0x3FD2] =	sst s25  }
0xa6: {  	s5 =	sshll.u32 s26, $0x1;
	_ =	strace $0x80000055;
	[dreg:$0x1] =	wrdreg $0xFFFFFFFF  }
0xa7: {  	s28 =	simm.s32 $_size_execute0_lowered;
	s3 =	sadd.s32 s3, s5;
	[dreg:$0x0] =	wrdreg $0x0  }
0xa8: {  	s5 =	sshll.u32 s28, $0x1;
	[dreg:$0x2] =	wrdreg s3  }
0xa9: {  	[dreg:$0x3] =	wrdreg s5  }
0xaa: {  	[dreg:$0x4] =	wrdreg $0xC0  }
0xab: {  	_ =	task [dreg:s7], $0x5FFFF  }
0xac: {  	[dreg:$0x1] =	wrdreg $0xFFFFFFFF  }
0xad: {  	[dreg:$0x0] =	wrdreg $0x60  }
0xae: {  	[dreg:$0x2] =	wrdreg s24  }
0xaf: {  	[dreg:$0x3] =	wrdreg s2  }
0xb0: {  	[dreg:$0x4] =	wrdreg $0xA8000  }
0xb1: {  	[dreg:$0x5] =	wrdreg $0x9  }
0xb2: {  	_ =	task.clear_ibuf [dreg:s7], $0x6FFFF;
	_ =	strace $0x90000055  }
0xb3: {  	s29 =	simm.s32 $0x9;
	_ =	strace $0x80000057  }
0xb4: {  	_ =	swait.ge [sflag:s29], $0x1  }
0xb5: {  	[sflag:s29] =	ssyncadd.s32 $0xFFFFFFFF  }
0xb6: {  	_ =	strace $0x90000057  }
0xb7: {  	_ =	sfence  }
0xb8: {  	s30 =	sld [smem:$0x0];
	_ =	sdelay $0x2  }
0xb9: {  	s31 =	sshll.u32 s1, $0xD;
	s1 =	sshrl.u32 s1, $0x2  }
0xba: {  	s3 =	sand.u32 $0x4000, s31;
	s1 =	sadd.s32 s1, s30  }
0xbb: {  	s0 =	sor.u32 s3, s0;
	s1 =	sshll.u32 s1, $0x11  }
0xbc: {  	s0 =	sor.u32 s1, s0  }
0xbd: {  	s0 =	sadd.s32 $0x8F2B, s0  }
0xbe: {  	[sflag:s0] =	ssyncadd.remote.s32 $0x1  }
0xbf: {  	_ =	sfence.sel $0xFFFF  }
0xc0: {  	[dreg:$0x0] =	wrdreg $0xFFFFFFFF;
	(pc) =	sbr.abs _section_cstart, $3  }
0xc1: {  	[dreg:$0x1] =	wrdreg $0xFFFFFFFF  }
0xc2: {  	_ =	task.clear_ibuf [dreg:s7], $0x2FFFF;
	_ =	strace $0x9FFFFFFF  }
0xc3: {  	(tm) =	ssettm $0x7FFFFFFF  }
tec
execute0_lowered:
.L_overlay_start_1:
0x0: {  	(tag) =	ssettag $0x1  }
0x1: {  	s1 =	srdreg.scid;
	s5 =	rddreg [dreg:$0x0]  }
0x2: {  	s0 =	stileid.u32;
	s7 =	rddreg [dreg:$0x1]  }
0x3: {  	s2 =	rddreg [dreg:$0x2];
	s3 =	simm.s32 $0x0;
	s14 =	simm.s32 $0x80  }
0x4: {  	s15 =	simm.s32 $0x2800;
	s16 =	simm.s32 $0x6800;
	s17 =	simm.s32 $0x1  }
0x5: {  	s18 =	simm.s32 $0x3;
	s19 =	simm.s32 $0x2;
	s20 =	simm.s32 $0x2700  }
0x6: {  	s21 =	simm.s32 $0x2780;
	s22 =	simm.s32 $0x0;
	s6 =	sand.u32 $0x1, s1  }
0x7: {  	s29 =	sshll.u32 s0, $0x1;
	s9 =	smul.u32 $0x14000, s0;
	[smem:$0x7FF] =	sst s3  }
0x8: {  	s4 =	sadd.s32 $0x1FE00, s5;
	s12 =	smul.u32 $0x50000, s0;
	s31 =	sshll.u32 s0, $0x6  }
0x9: {  	s1 =	sor.u32 s6, s29;
	s10 =	smul.u32 $0x140000, s6;
	s6 =	ssub.s32 $0x2, s6  }
0xa: {  	s8 =	smul.u32 $0x280, s1;
	s1 =	rddreg [dreg:$0x3];
	_ =	strace $0x80000056  }
0xb: {  	s11 =	sshrl.u32 s6, $0x1;
	s30 =	sshrl.u32 s12, $0x2;
	s12 =	sor.u32 $0x1C04, s31  }
0xc: {  	s10 =	sadd.s32 s9, s10;
	s11 =	ssub.s32 s6, s11;
	s9 =	sshrl.u32 s9, $0x3  }
0xd: {  	s13 =	sadd.s32 s30, s2;
	s8 =	sadd.s32 s8, s5;
	s10 =	sshrl.u32 s10, $0x3  }
0xe: {  	s7 =	sadd.s32 s7, s9;
	s9 =	smax.u32 s11, $0x1;
	s11 =	simm.s32 $0x1400  }
0xf: {  	s13 =	sshrl.u32 s13, $0x3;
	s10 =	sadd.s32 s10, s5;
	s5 =	sadd.s32 $0x1AE00, s8  }
0x10: {  	s6 =	sadd.s32 $0x6600, s8;
	s8 =	sadd.s32 $0xBC200, s10;
	s10 =	simm.s32 $0x4  }
.LBB2_1:
0x11: {  	[tilespmem:s3], [sflag:$0x4] =	stream.linear.gather [hbm4b:s5+s3], $0x1400, $0x38;
	[tilespmem:$0x1E800] =	vst v63  }
0x12: {  	_ =	swait.ge [sflag:s10], $0x1400  }
0x13: {  	[sflag:s10] =	ssyncset.done $0x0  }
0x14: {  	[sflag:s10] =	ssyncadd.s32 $0xFFFFEC00  }
0x15: {  	[tilespmem:s11], [sflag:$0x4] =	stream.linear.gather [hbm4b:s6+s3], $0x1400, $0x38;
	[tilespmem:$0x1E800] =	vst v63  }
0x16: {  	_ =	swait.ge [sflag:s10], $0x1400  }
0x17: {  	[sflag:s10] =	ssyncset.done $0x0  }
0x18: {  	[sflag:s10] =	ssyncadd.s32 $0xFFFFEC00  }
0x19: {  	[spmem:s13], [sflag:s12] =	dma.local [hbm:s7], $0x2800  }
0x1a: {  	_ =	swait.ge [sflag:s10], $0x2800  }
0x1b: {  	[sflag:s10] =	ssyncset.done $0x0  }
0x1c: {  	[sflag:s10] =	ssyncadd.s32 $0xFFFFD800  }
0x1d: {  	[bflag:$0x0] =	sbarrier.arrive $0xFFFF  }
0x1e: {  	[tilespmem:s15], [sflag:$0x1] =	stream.indirect.gather [hbm4b:s4+s14], $0x80, s3, s14, $0xb8;
	[tilespmem:$0x1E800] =	vst v63  }
0x1f: {  	_ = 	snop  }
0x20: {  	[tilespmem:s16], [sflag:$0x2] =	stream.indirect.gather [hbm4b:s4+s14], $0x80, s14, s14, $0xb8;
	[tilespmem:$0x1E800] =	vst v63  }
0x21: {  	_ =	swait.ge [sflag:s17], $0x4000  }
0x22: {  	[sflag:s17] =	ssyncset.done $0x0  }
0x23: {  	s23 =	simm.s32 $0x1400;
	[sflag:s17] =	ssyncadd.s32 $0xFFFFC000  }
0x24: {  	[spmem:s2] =	stream.indirect.scatter.add.f32 [tilespmem:s15], [sflag:$0x3], $0x80, s23, s14, $0xb8;
	[tilespmem:$0x1E800] =	vst v63  }
0x25: {  	_ =	swait.ge [sflag:s18], $0x4000  }
0x26: {  	[sflag:s18] =	ssyncset.done $0x0  }
0x27: {  	s30 =	simm.s32 $0x100;
	[sflag:s18] =	ssyncadd.s32 $0xFFFFC000  }
0x28: {  	[tilespmem:s15], [sflag:$0x1] =	stream.indirect.gather [hbm4b:s4+s14], $0x80, s30, s14, $0xb8;
	[tilespmem:$0x1E800] =	vst v63  }
0x29: {  	_ =	swait.ge [sflag:s19], $0x4000  }
0x2a: {  	[sflag:s19] =	ssyncset.done $0x0  }
0x2b: {  	s31 =	simm.s32 $0x1480;
	[sflag:s19] =	ssyncadd.s32 $0xFFFFC000  }
0x2c: {  	[spmem:s2] =	stream.indirect.scatter.add.f32 [tilespmem:s16], [sflag:$0x3], $0x80, s31, s14, $0xb8;
	[tilespmem:$0x1E800] =	vst v63  }
0x2d: {  	_ =	swait.ge [sflag:s18], $0x4000  }
0x2e: {  	[sflag:s18] =	ssyncset.done $0x0  }
0x2f: {  	s24 =	simm.s32 $0x180;
	s23 =	simm.s32 $0x400;
	[sflag:s18] =	ssyncadd.s32 $0xFFFFC000  }
.LBB2_2:
0x30: {  	[tilespmem:s16], [sflag:$0x2] =	stream.indirect.gather [hbm4b:s4+s14], $0x80, s24, s14, $0xb8;
	[tilespmem:$0x1E800] =	vst v63  }
0x31: {  	s24 =	smov.u32 s23  }
0x32: {  	p0 =	sne.s32 s23, $0x4800;
	s23 =	sadd.s32 $0x400, s23;
	_ =	swait.ge [sflag:s17], $0x4000  }
0x33: {  	s24 =	sshra.s32 s24, $0x2;
	[sflag:s17] =	ssyncset.done $0x0  }
0x34: {  	s25 =	sadd.s32 $0x1400, s24;
	[sflag:s17] =	ssyncadd.s32 $0xFFFFC000  }
0x35: {  	[spmem:s2] =	stream.indirect.scatter.add.f32 [tilespmem:s15], [sflag:$0x3], $0x80, s25, s14, $0xb8;
	[tilespmem:$0x1E800] =	vst v63  }
0x36: {  	_ =	swait.ge [sflag:s18], $0x4000  }
0x37: {  	[sflag:s18] =	ssyncset.done $0x0  }
0x38: {  	s25 =	sadd.s32 $0x100, s24;
	[sflag:s18] =	ssyncadd.s32 $0xFFFFC000  }
0x39: {  	[tilespmem:s15], [sflag:$0x1] =	stream.indirect.gather [hbm4b:s4+s14], $0x80, s25, s14, $0xb8;
	[tilespmem:$0x1E800] =	vst v63  }
0x3a: {  	_ =	swait.ge [sflag:s19], $0x4000  }
0x3b: {  	[sflag:s19] =	ssyncset.done $0x0  }
.Ltmp0:
0x3c: {  	s25 =	sadd.s32 $0x1480, s24;
	[sflag:s19] =	ssyncadd.s32 $0xFFFFC000;
	(pc) =	sbr.rel @p0 .LBB2_2-.Ltmp0, $4  }
0x3d: {  	[spmem:s2] =	stream.indirect.scatter.add.f32 [tilespmem:s16], [sflag:$0x3], $0x80, s25, s14, $0xb8;
	[tilespmem:$0x1E800] =	vst v63  }
0x3e: {  	_ =	swait.ge [sflag:s18], $0x4000  }
0x3f: {  	[sflag:s18] =	ssyncset.done $0x0  }
0x40: {  	s24 =	sadd.s32 $0x180, s24;
	[sflag:s18] =	ssyncadd.s32 $0xFFFFC000  }
0x41: {  	[tilespmem:s16], [sflag:$0x2] =	stream.indirect.gather [hbm4b:s4+s14], $0x80, s24, s14, $0xb8;
	[tilespmem:$0x1E800] =	vst v63  }
0x42: {  	_ =	swait.ge [sflag:s17], $0x4000  }
0x43: {  	[sflag:s17] =	ssyncset.done $0x0  }
0x44: {  	[sflag:s17] =	ssyncadd.s32 $0xFFFFC000  }
0x45: {  	[spmem:s2] =	stream.indirect.scatter.add.f32 [tilespmem:s15], [sflag:$0x3], $0x80, s20, s14, $0xb8;
	[tilespmem:$0x1E800] =	vst v63  }
0x46: {  	_ =	swait.ge [sflag:s18], $0x4000  }
0x47: {  	[sflag:s18] =	ssyncset.done $0x0  }
0x48: {  	[sflag:s18] =	ssyncadd.s32 $0xFFFFC000  }
0x49: {  	_ =	swait.ge [sflag:s19], $0x4000  }
0x4a: {  	[sflag:s19] =	ssyncset.done $0x0  }
0x4b: {  	[sflag:s19] =	ssyncadd.s32 $0xFFFFC000  }
0x4c: {  	[spmem:s2] =	stream.indirect.scatter.add.f32 [tilespmem:s16], [sflag:$0x3], $0x80, s21, s14, $0xb8;
	[tilespmem:$0x1E800] =	vst v63  }
0x4d: {  	_ =	swait.ge [sflag:s18], $0x4000  }
0x4e: {  	s22 =	sadd.s32 $0x1, s22;
	[sflag:s18] =	ssyncset.done $0x0  }
0x4f: {  	p0 =	sne.s32 s22, s9;
	[sflag:s18] =	ssyncadd.s32 $0xFFFFC000  }
.Ltmp1:
0x50: {  	[bflag:$0x0] =	sbarrier.arrive $0xFFFF;
	(pc) =	sbr.rel @p0 .LBB2_1-.Ltmp1, $4  }
0x51: {  	[hbm:s8], [sflag:s12] =	dma.local [spmem:s13], $0x2800  }
0x52: {  	_ =	swait.ge [sflag:s10], $0x2800  }
0x53: {  	[sflag:s10] =	ssyncset.done $0x0  }
0x54: {  	[sflag:s10] =	ssyncadd.s32 $0xFFFFD800  }
0x55: {  	_ =	sfence.sel $0x180000  }
0x56: {  	[bflag:$0x0] =	sbarrier.arrive $0xFFFF  }
0x57: {  	p0 =	sne.s32 s0, $0x0;
	_ =	strace $0x90000056  }
0x58: {  	s0 =	sadd.s32 @!p0 $0x100000, s1;
	[bflag:$0x2] =	sbarrier.arrive $0xFFFF  }
0x59: {  	[sflag:s0] =	ssyncadd.tile.s32 @!p0 $0x1;
	_ =	shalt  }
.Lfunc_end2:
_tile_overlayer_lowered:
.L_overlay_start_2:
0x5a: {  	(tag) =	ssettag $0x2  }
0x5b: {  	s0 =	rddreg [dreg:$0x0];
	s2 =	stileid.u32  }
0x5c: {  	s1 =	rddreg [dreg:$0x1];
	p0 =	sne.s32 s2, $0x0  }
0x5d: {  	s3 =	rddreg [dreg:$0x2];
	[bflag:$0x3] =	sbarrier.arrive $0xFFFF;
	s2 =	simm.s32 @!p0 $0x1C04  }
0x5e: {  	[timem:s3], [sflag:s2] =	dma.local @!p0 [hbm:s0], s1  }
0x5f: {  	s0 =	simm.s32 @!p0 $0x4  }
0x60: {  	_ =	swait.ge @!p0 [sflag:s0], s1  }
0x61: {  	s1 =	ssub.s32 @!p0 $0x0, s1;
	[sflag:s0] =	ssyncset.done @!p0 $0x0  }
0x62: {  	[sflag:s0] =	ssyncadd.s32 @!p0 s1  }
0x63: {  	[bflag:$0x3] =	sbarrier.arrive $0xFFFF  }
0x64: {  	_ =	shalt  }

// kernel: kernel.45.cloned.1.call-start
scs
__scs_entry_jumppad:
0x0: {  	(pc) =	sbr.rel $0x88, $3  }
0x1: {  	(tag) =	ssettag $0x0;
	lr =	simm.s32 $0x1  }
0x2: {  	[smem:$0x3F82] =	sst lr;
	_ =	strace $0xD0000000  }
0x3: {  	_ = 	snop  }
0x4: {  	_ = 	snop  }
0x5: {  	_ = 	snop  }
0x6: {  	_ = 	snop  }
0x7: {  	_ = 	snop  }
__scs_overlays_trampoline_lowered:
0x8: {  	[smem:$0x3F91] =	sst s0  }
0x9: {  	[smem:$0x3F92] =	sst s1  }
0xa: {  	[smem:$0x3F93] =	sst s2  }
0xb: {  	[smem:$0x3F94] =	sst s3  }
0xc: {  	[smem:$0x3F95] =	sst s4  }
0xd: {  	[smem:$0x3F96] =	sst s5  }
0xe: {  	[smem:$0x3F97] =	sst s6  }
0xf: {  	[smem:$0x3F98] =	sst s7  }
0x10: {  	[smem:$0x3F99] =	sst s8  }
0x11: {  	[smem:$0x3F9A] =	sst s9;
	s0 =	simm.s32 @!p0 $0x0  }
0x12: {  	s1 =	sld [smem:$0x3F80];
	s0 =	simm.s32 @p0 $0x1  }
0x13: {  	[smem:$0x3F9B] =	sst s0;
	s0 =	simm.s32 @!p1 $0x0  }
0x14: {  	s2 =	sld [smem:$0x3F7F];
	s0 =	simm.s32 @p1 $0x1  }
0x15: {  	[smem:$0x3F9C] =	sst s0;
	s0 =	simm.s32 @!p2 $0x0  }
0x16: {  	s3 =	sld [smem:$0x3FDB];
	s0 =	simm.s32 @p2 $0x1  }
0x17: {  	s4 =	simm.s32 $0x1BF5;
	[smem:$0x3F9E] =	sst s0  }
0x18: {  	s0 =	sld [smem:$0x3F81];
	_ =	swait.ge [sflag:s4], $0x0  }
0x19: {  	s7 =	sld [smem:$0x3F82]  }
0x1a: {  	s8 =	sadd.s32 $0xFFFFE003, lr  }
0x1b: {  	s9 =	sadd.s32 $0xFFFFFEF7, lr;
	s5 =	simm.s32 $0xFFFFFFFF;
	p2 =	slt.u32 s8, $0xFFFFF086  }
0x1c: {  	p1 =	slt.u32 s9, $0xF7A;
	s5 =	simm.s32 @!p2 $0x0  }
0x1d: {  	s5 =	simm.s32 @p1 $0x1;
	p0 =	seq.s32 s7, s2  }
0x1e: {  	s7 =	smul.u32 @!p0 $0xF7A, s2;
	p2 =	seq.s32 @!p0 s5, $0x0  }
0x1f: {  	s9 =	smul.u32 $0xF7A, s1;
	s8 =	simm.s32 @!p0 $0x1BF5;
	p2 =	por !p2, p0  }
0x20: {  	[sflag:s8] =	ssyncset.s32 @!p0 $0xFFFFF086;
	s6 =	sadd.s32 @!p0 s3, s7;
	s7 =	simm.s32 @!p0 $0x108  }
0x21: {  	s3 =	sadd.s32 s3, s9;
	s6 =	sadd.s32 @!p0 $0x88, s6;
	s7 =	simm.s32 @p2 $0x1082  }
0x22: {  	[simem:s7], [sflag:s8] =	dma.local @!p0 [hbm:s6], $0xF7A  }
0x23: {  	s9 =	sor.u32 $0xD0000000, s2;
	s6 =	simm.s32 $0x108;
	_ =	swait.ge @!p0 [sflag:s8], $0x0  }
0x24: {  	s3 =	sadd.s32 $0x88, s3;
	s6 =	simm.s32 @!p1 $0x1082;
	[sflag:s4] =	ssyncset.s32 $0xFFFFF086  }
0x25: {  	[simem:s6], [sflag:s4] =	dma.local [hbm:s3], $0xF7A  }
0x26: {  	[smem:$0x3F82] =	sst s1;
	(tag) =	ssettag s2;
	_ =	strace s9  }
0x27: {  	s1 =	sld [smem:$0x3F92]  }
0x28: {  	s2 =	sld [smem:$0x3F93]  }
0x29: {  	s4 =	sld [smem:$0x3F95]  }
0x2a: {  	p0 =	seq.s32 s5, $0x0;
	s5 =	sld [smem:$0x3F96]  }
0x2b: {  	s6 =	sld [smem:$0x3F97]  }
0x2c: {  	s7 =	sld [smem:$0x3F98]  }
0x2d: {  	s3 =	simm.s32 $0x108;
	s8 =	sld [smem:$0x3F99]  }
0x2e: {  	s3 =	simm.s32 @!p0 $0x1082;
	s9 =	sld [smem:$0x3F9A]  }
0x2f: {  	lr =	sadd.s32 s0, s3;
	s0 =	sld [smem:$0x3F91]  }
0x30: {  	s3 =	sld [smem:$0x3F94]  }
0x31: {  	[smem:$0x3F9D] =	sst s10  }
0x32: {  	s10 =	sld [smem:$0x3F9B];
	_ =	sdelay $0x3  }
0x33: {  	p0 =	seq.s32 s10, $0x1;
	s10 =	sld [smem:$0x3F9D];
	_ =	sdelay $0x3  }
0x34: {  	[smem:$0x3F9D] =	sst s10  }
0x35: {  	s10 =	sld [smem:$0x3F9C];
	_ =	sdelay $0x3  }
0x36: {  	p1 =	seq.s32 s10, $0x1;
	s10 =	sld [smem:$0x3F9D];
	_ =	sdelay $0x3  }
0x37: {  	[smem:$0x3F9D] =	sst s10  }
0x38: {  	s10 =	sld [smem:$0x3F9E]  }
0x39: {  	_ = 	snop;
	(pc) =	sbr.ind lr, $3  }
0x3a: {  	_ = 	snop  }
0x3b: {  	_ = 	snop  }
0x3c: {  	p2 =	seq.s32 s10, $0x1;
	s10 =	sld [smem:$0x3F9D]  }
0x3d: {  	_ =	shalt  }
0x3e: {  	_ =	shalt  }
0x3f: {  	_ =	shalt  }
0x40: {  	_ =	shalt  }
0x41: {  	_ =	shalt  }
0x42: {  	_ =	shalt  }
0x43: {  	_ =	shalt  }
0x44: {  	_ =	shalt  }
0x45: {  	_ =	shalt  }
0x46: {  	_ =	shalt  }
0x47: {  	_ =	shalt  }
0x48: {  	_ =	shalt  }
0x49: {  	_ =	shalt  }
0x4a: {  	_ =	shalt  }
0x4b: {  	_ =	shalt  }
0x4c: {  	_ =	shalt  }
0x4d: {  	_ =	shalt  }
0x4e: {  	_ =	shalt  }
0x4f: {  	_ =	shalt  }
0x50: {  	_ =	shalt  }
0x51: {  	_ =	shalt  }
0x52: {  	_ =	shalt  }
0x53: {  	_ =	shalt  }
0x54: {  	_ =	shalt  }
0x55: {  	_ =	shalt  }
0x56: {  	_ =	shalt  }
0x57: {  	_ =	shalt  }
0x58: {  	_ =	shalt  }
0x59: {  	_ =	shalt  }
0x5a: {  	_ =	shalt  }
0x5b: {  	_ =	shalt  }
0x5c: {  	_ =	shalt  }
0x5d: {  	_ =	shalt  }
0x5e: {  	_ =	shalt  }
0x5f: {  	_ =	shalt  }
0x60: {  	_ =	shalt  }
0x61: {  	_ =	shalt  }
0x62: {  	_ =	shalt  }
0x63: {  	_ =	shalt  }
0x64: {  	_ =	shalt  }
0x65: {  	_ =	shalt  }
0x66: {  	_ =	shalt  }
0x67: {  	_ =	shalt  }
0x68: {  	_ =	shalt  }
0x69: {  	_ =	shalt  }
0x6a: {  	_ =	shalt  }
0x6b: {  	_ =	shalt  }
0x6c: {  	_ =	shalt  }
0x6d: {  	_ =	shalt  }
0x6e: {  	_ =	shalt  }
0x6f: {  	_ =	shalt  }
0x70: {  	_ =	shalt  }
0x71: {  	_ =	shalt  }
0x72: {  	_ =	shalt  }
0x73: {  	_ =	shalt  }
0x74: {  	_ =	shalt  }
0x75: {  	_ =	shalt  }
0x76: {  	_ =	shalt  }
0x77: {  	_ =	shalt  }
0x78: {  	_ =	shalt  }
0x79: {  	_ =	shalt  }
0x7a: {  	_ =	shalt  }
0x7b: {  	_ =	shalt  }
0x7c: {  	_ =	shalt  }
0x7d: {  	_ =	shalt  }
0x7e: {  	_ =	shalt  }
0x7f: {  	_ =	shalt  }
0x80: {  	_ =	shalt  }
0x81: {  	_ =	shalt  }
0x82: {  	_ =	shalt  }
0x83: {  	_ =	shalt  }
0x84: {  	_ =	shalt  }
0x85: {  	_ =	shalt  }
0x86: {  	_ =	shalt  }
0x87: {  	_ =	shalt  }
.Lfunc_end0:
.L_simem_size_0:
called_computation.6_lowered:
.L_overlay_start_0:
0x88: {  	s2 =	sld [smem:$0x3FD9]  }
0x89: {  	s3 =	sld [smem:$0x3FFE];
	_ =	sdelay $0x1  }
0x8a: {  	s1 =	srdreg.scid  }
0x8b: {  	s0 =	sand.u32 $0x1, s1  }
0x8c: {  	s17 =	sshll.u32 s0, $0xA;
	s2 =	sadd.s32 s3, s2  }
0x8d: {  	s2 =	sadd.s32 s2, s17  }
0x8e: {  	[smem:$0x3FA9] =	sst s2  }
0x8f: {  	_ = 	snop  }
0x90: {  	s2 =	sld [smem:$0x3FD0];
	(tm) =	ssettm $0x1  }
0x91: {  	s18 =	sld [smem:$0x3FFB];
	_ =	sdelay $0x3  }
0x92: {  	_ =	strace s18  }
0x93: {  	s3 =	sld [smem:$0x3FFC];
	_ =	sdelay $0x3  }
0x94: {  	_ =	strace s3  }
0x95: {  	s3 =	sld [smem:$0x3FFD];
	_ =	sdelay $0x3  }
0x96: {  	_ =	strace s3  }
0x97: {  	_ =	strace $0x8FFFFFFF  }
0x98: {  	s19 =	sld [smem:$0x3FDB];
	_ =	sdelay $0x1  }
0x99: {  	s4 =	simm.s32 $_scs_section_size  }
0x9a: {  	s5 =	simm.s32 $_size__tile_overlayer_lowered;
	s6 =	simm.s32 $_tile_overlayer_lowered  }
0x9b: {  	s22 =	simm.s32 $0x1BFF;
	s21 =	sshll.u32 s6, $0x1;
	s3 =	sadd.s32 s4, s19  }
0x9c: {  	s7 =	simm.s32 $0x0;
	s20 =	sshll.u32 s5, $0x1;
	s5 =	sadd.s32 s21, s3  }
0x9d: {  	[timem:s7], [sflag:s22] =	dma.local [hbm:s5], s20  }
0x9e: {  	_ =	swait.ge [sflag:s22], s20  }
0x9f: {  	s4 =	ssub.s32 $0x0, s20;
	[sflag:s22] =	ssyncset.done $0x0  }
0xa0: {  	[sflag:s22] =	ssyncadd.s32 s4;
	_ =	sdelay $0x1  }
0xa1: {  	s23 =	simm.s32 $0x1B8B  }
0xa2: {  	_ =	swait.ge [sflag:s23], $0x1  }
0xa3: {  	[sflag:s23] =	ssyncset.done $0x0  }
0xa4: {  	s25 =	simm.s32 $0x1B8E;
	s24 =	sld [smem:$0x3FFE];
	[sflag:s23] =	ssyncadd.s32 $0xFFFFFFFF  }
0xa5: {  	s26 =	simm.s32 $execute0_lowered;
	[smem:$0x3FD2] =	sst s25  }
0xa6: {  	s5 =	sshll.u32 s26, $0x1;
	_ =	strace $0x80000058;
	[dreg:$0x1] =	wrdreg $0xFFFFFFFF  }
0xa7: {  	s28 =	simm.s32 $_size_execute0_lowered;
	s3 =	sadd.s32 s3, s5;
	[dreg:$0x0] =	wrdreg $0x0  }
0xa8: {  	s5 =	sshll.u32 s28, $0x1;
	[dreg:$0x2] =	wrdreg s3  }
0xa9: {  	[dreg:$0x3] =	wrdreg s5  }
0xaa: {  	[dreg:$0x4] =	wrdreg $0xC0  }
0xab: {  	_ =	task [dreg:s7], $0x5FFFF  }
0xac: {  	[dreg:$0x1] =	wrdreg $0xFFFFFFFF  }
0xad: {  	[dreg:$0x0] =	wrdreg $0x60  }
0xae: {  	[dreg:$0x2] =	wrdreg s24  }
0xaf: {  	[dreg:$0x3] =	wrdreg s2  }
0xb0: {  	[dreg:$0x4] =	wrdreg $0xA8000  }
0xb1: {  	[dreg:$0x5] =	wrdreg $0x9  }
0xb2: {  	_ =	task.clear_ibuf [dreg:s7], $0x6FFFF;
	_ =	strace $0x90000058  }
0xb3: {  	s29 =	simm.s32 $0x9;
	_ =	strace $0x8000005A  }
0xb4: {  	_ =	swait.ge [sflag:s29], $0x1  }
0xb5: {  	[sflag:s29] =	ssyncadd.s32 $0xFFFFFFFF  }
0xb6: {  	_ =	strace $0x9000005A  }
0xb7: {  	_ =	sfence  }
0xb8: {  	s30 =	sld [smem:$0x0];
	_ =	sdelay $0x2  }
0xb9: {  	s31 =	sshll.u32 s1, $0xD;
	s1 =	sshrl.u32 s1, $0x2  }
0xba: {  	s3 =	sand.u32 $0x4000, s31;
	s1 =	sadd.s32 s1, s30  }
0xbb: {  	s0 =	sor.u32 s3, s0;
	s1 =	sshll.u32 s1, $0x11  }
0xbc: {  	s0 =	sor.u32 s1, s0  }
0xbd: {  	s0 =	sadd.s32 $0x8F2B, s0  }
0xbe: {  	[sflag:s0] =	ssyncadd.remote.s32 $0x1  }
0xbf: {  	_ =	sfence.sel $0xFFFF  }
0xc0: {  	[dreg:$0x0] =	wrdreg $0xFFFFFFFF;
	(pc) =	sbr.abs _section_cstart, $3  }
0xc1: {  	[dreg:$0x1] =	wrdreg $0xFFFFFFFF  }
0xc2: {  	_ =	task.clear_ibuf [dreg:s7], $0x2FFFF;
	_ =	strace $0x9FFFFFFF  }
0xc3: {  	(tm) =	ssettm $0x7FFFFFFF  }
tec
execute0_lowered:
.L_overlay_start_1:
0x0: {  	(tag) =	ssettag $0x1  }
0x1: {  	s1 =	srdreg.scid;
	s5 =	rddreg [dreg:$0x0]  }
0x2: {  	s0 =	stileid.u32;
	s7 =	rddreg [dreg:$0x1]  }
0x3: {  	s2 =	rddreg [dreg:$0x2];
	s3 =	simm.s32 $0x0;
	s14 =	simm.s32 $0x80  }
0x4: {  	s15 =	simm.s32 $0x2800;
	s16 =	simm.s32 $0x6800;
	s17 =	simm.s32 $0x1  }
0x5: {  	s18 =	simm.s32 $0x3;
	s19 =	simm.s32 $0x2;
	s20 =	simm.s32 $0x2700  }
0x6: {  	s21 =	simm.s32 $0x2780;
	s22 =	simm.s32 $0x0;
	s6 =	sand.u32 $0x1, s1  }
0x7: {  	s29 =	sshll.u32 s0, $0x1;
	s9 =	smul.u32 $0x14000, s0;
	[smem:$0x7FF] =	sst s3  }
0x8: {  	s4 =	sadd.s32 $0x1FE00, s5;
	s12 =	smul.u32 $0x50000, s0;
	s31 =	sshll.u32 s0, $0x6  }
0x9: {  	s1 =	sor.u32 s6, s29;
	s10 =	smul.u32 $0x140000, s6;
	s6 =	ssub.s32 $0x2, s6  }
0xa: {  	s8 =	smul.u32 $0x280, s1;
	s1 =	rddreg [dreg:$0x3];
	_ =	strace $0x80000059  }
0xb: {  	s11 =	sshrl.u32 s6, $0x1;
	s30 =	sshrl.u32 s12, $0x2;
	s12 =	sor.u32 $0x1C04, s31  }
0xc: {  	s10 =	sadd.s32 s9, s10;
	s11 =	ssub.s32 s6, s11;
	s9 =	sshrl.u32 s9, $0x3  }
0xd: {  	s13 =	sadd.s32 s30, s2;
	s8 =	sadd.s32 s8, s5;
	s10 =	sshrl.u32 s10, $0x3  }
0xe: {  	s7 =	sadd.s32 s7, s9;
	s9 =	smax.u32 s11, $0x1;
	s11 =	simm.s32 $0x1400  }
0xf: {  	s13 =	sshrl.u32 s13, $0x3;
	s10 =	sadd.s32 s10, s5;
	s5 =	sadd.s32 $0x1AE00, s8  }
0x10: {  	s6 =	sadd.s32 $0x6600, s8;
	s8 =	sadd.s32 $0xBC200, s10;
	s10 =	simm.s32 $0x4  }
.LBB2_1:
0x11: {  	[tilespmem:s3], [sflag:$0x4] =	stream.linear.gather [hbm4b:s5+s3], $0x1400, $0x38;
	[tilespmem:$0x1E800] =	vst v63  }
0x12: {  	_ =	swait.ge [sflag:s10], $0x1400  }
0x13: {  	[sflag:s10] =	ssyncset.done $0x0  }
0x14: {  	[sflag:s10] =	ssyncadd.s32 $0xFFFFEC00  }
0x15: {  	[tilespmem:s11], [sflag:$0x4] =	stream.linear.gather [hbm4b:s6+s3], $0x1400, $0x38;
	[tilespmem:$0x1E800] =	vst v63  }
0x16: {  	_ =	swait.ge [sflag:s10], $0x1400  }
0x17: {  	[sflag:s10] =	ssyncset.done $0x0  }
0x18: {  	[sflag:s10] =	ssyncadd.s32 $0xFFFFEC00  }
0x19: {  	[spmem:s13], [sflag:s12] =	dma.local [hbm:s7], $0x2800  }
0x1a: {  	_ =	swait.ge [sflag:s10], $0x2800  }
0x1b: {  	[sflag:s10] =	ssyncset.done $0x0  }
0x1c: {  	[sflag:s10] =	ssyncadd.s32 $0xFFFFD800  }
0x1d: {  	[bflag:$0x0] =	sbarrier.arrive $0xFFFF  }
0x1e: {  	[tilespmem:s15], [sflag:$0x1] =	stream.indirect.gather [hbm4b:s4+s14], $0x80, s3, s14, $0xb8;
	[tilespmem:$0x1E800] =	vst v63  }
0x1f: {  	_ = 	snop  }
0x20: {  	[tilespmem:s16], [sflag:$0x2] =	stream.indirect.gather [hbm4b:s4+s14], $0x80, s14, s14, $0xb8;
	[tilespmem:$0x1E800] =	vst v63  }
0x21: {  	_ =	swait.ge [sflag:s17], $0x4000  }
0x22: {  	[sflag:s17] =	ssyncset.done $0x0  }
0x23: {  	s23 =	simm.s32 $0x1400;
	[sflag:s17] =	ssyncadd.s32 $0xFFFFC000  }
0x24: {  	[spmem:s2] =	stream.indirect.scatter.add.f32 [tilespmem:s15], [sflag:$0x3], $0x80, s23, s14, $0xb8;
	[tilespmem:$0x1E800] =	vst v63  }
0x25: {  	_ =	swait.ge [sflag:s18], $0x4000  }
0x26: {  	[sflag:s18] =	ssyncset.done $0x0  }
0x27: {  	s30 =	simm.s32 $0x100;
	[sflag:s18] =	ssyncadd.s32 $0xFFFFC000  }
0x28: {  	[tilespmem:s15], [sflag:$0x1] =	stream.indirect.gather [hbm4b:s4+s14], $0x80, s30, s14, $0xb8;
	[tilespmem:$0x1E800] =	vst v63  }
0x29: {  	_ =	swait.ge [sflag:s19], $0x4000  }
0x2a: {  	[sflag:s19] =	ssyncset.done $0x0  }
0x2b: {  	s31 =	simm.s32 $0x1480;
	[sflag:s19] =	ssyncadd.s32 $0xFFFFC000  }
0x2c: {  	[spmem:s2] =	stream.indirect.scatter.add.f32 [tilespmem:s16], [sflag:$0x3], $0x80, s31, s14, $0xb8;
	[tilespmem:$0x1E800] =	vst v63  }
0x2d: {  	_ =	swait.ge [sflag:s18], $0x4000  }
0x2e: {  	[sflag:s18] =	ssyncset.done $0x0  }
0x2f: {  	s24 =	simm.s32 $0x180;
	s23 =	simm.s32 $0x400;
	[sflag:s18] =	ssyncadd.s32 $0xFFFFC000  }
.LBB2_2:
0x30: {  	[tilespmem:s16], [sflag:$0x2] =	stream.indirect.gather [hbm4b:s4+s14], $0x80, s24, s14, $0xb8;
	[tilespmem:$0x1E800] =	vst v63  }
0x31: {  	s24 =	smov.u32 s23  }
0x32: {  	p0 =	sne.s32 s23, $0x4800;
	s23 =	sadd.s32 $0x400, s23;
	_ =	swait.ge [sflag:s17], $0x4000  }
0x33: {  	s24 =	sshra.s32 s24, $0x2;
	[sflag:s17] =	ssyncset.done $0x0  }
0x34: {  	s25 =	sadd.s32 $0x1400, s24;
	[sflag:s17] =	ssyncadd.s32 $0xFFFFC000  }
0x35: {  	[spmem:s2] =	stream.indirect.scatter.add.f32 [tilespmem:s15], [sflag:$0x3], $0x80, s25, s14, $0xb8;
	[tilespmem:$0x1E800] =	vst v63  }
0x36: {  	_ =	swait.ge [sflag:s18], $0x4000  }
0x37: {  	[sflag:s18] =	ssyncset.done $0x0  }
0x38: {  	s25 =	sadd.s32 $0x100, s24;
	[sflag:s18] =	ssyncadd.s32 $0xFFFFC000  }
0x39: {  	[tilespmem:s15], [sflag:$0x1] =	stream.indirect.gather [hbm4b:s4+s14], $0x80, s25, s14, $0xb8;
	[tilespmem:$0x1E800] =	vst v63  }
0x3a: {  	_ =	swait.ge [sflag:s19], $0x4000  }
0x3b: {  	[sflag:s19] =	ssyncset.done $0x0  }
.Ltmp0:
0x3c: {  	s25 =	sadd.s32 $0x1480, s24;
	[sflag:s19] =	ssyncadd.s32 $0xFFFFC000;
	(pc) =	sbr.rel @p0 .LBB2_2-.Ltmp0, $4  }
0x3d: {  	[spmem:s2] =	stream.indirect.scatter.add.f32 [tilespmem:s16], [sflag:$0x3], $0x80, s25, s14, $0xb8;
	[tilespmem:$0x1E800] =	vst v63  }
0x3e: {  	_ =	swait.ge [sflag:s18], $0x4000  }
0x3f: {  	[sflag:s18] =	ssyncset.done $0x0  }
0x40: {  	s24 =	sadd.s32 $0x180, s24;
	[sflag:s18] =	ssyncadd.s32 $0xFFFFC000  }
0x41: {  	[tilespmem:s16], [sflag:$0x2] =	stream.indirect.gather [hbm4b:s4+s14], $0x80, s24, s14, $0xb8;
	[tilespmem:$0x1E800] =	vst v63  }
0x42: {  	_ =	swait.ge [sflag:s17], $0x4000  }
0x43: {  	[sflag:s17] =	ssyncset.done $0x0  }
0x44: {  	[sflag:s17] =	ssyncadd.s32 $0xFFFFC000  }
0x45: {  	[spmem:s2] =	stream.indirect.scatter.add.f32 [tilespmem:s15], [sflag:$0x3], $0x80, s20, s14, $0xb8;
	[tilespmem:$0x1E800] =	vst v63  }
0x46: {  	_ =	swait.ge [sflag:s18], $0x4000  }
0x47: {  	[sflag:s18] =	ssyncset.done $0x0  }
0x48: {  	[sflag:s18] =	ssyncadd.s32 $0xFFFFC000  }
0x49: {  	_ =	swait.ge [sflag:s19], $0x4000  }
0x4a: {  	[sflag:s19] =	ssyncset.done $0x0  }
0x4b: {  	[sflag:s19] =	ssyncadd.s32 $0xFFFFC000  }
0x4c: {  	[spmem:s2] =	stream.indirect.scatter.add.f32 [tilespmem:s16], [sflag:$0x3], $0x80, s21, s14, $0xb8;
	[tilespmem:$0x1E800] =	vst v63  }
0x4d: {  	_ =	swait.ge [sflag:s18], $0x4000  }
0x4e: {  	s22 =	sadd.s32 $0x1, s22;
	[sflag:s18] =	ssyncset.done $0x0  }
0x4f: {  	p0 =	sne.s32 s22, s9;
	[sflag:s18] =	ssyncadd.s32 $0xFFFFC000  }
.Ltmp1:
0x50: {  	[bflag:$0x0] =	sbarrier.arrive $0xFFFF;
	(pc) =	sbr.rel @p0 .LBB2_1-.Ltmp1, $4  }
0x51: {  	[hbm:s8], [sflag:s12] =	dma.local [spmem:s13], $0x2800  }
0x52: {  	_ =	swait.ge [sflag:s10], $0x2800  }
0x53: {  	[sflag:s10] =	ssyncset.done $0x0  }
0x54: {  	[sflag:s10] =	ssyncadd.s32 $0xFFFFD800  }
0x55: {  	_ =	sfence.sel $0x180000  }
0x56: {  	[bflag:$0x0] =	sbarrier.arrive $0xFFFF  }
0x57: {  	p0 =	sne.s32 s0, $0x0;
	_ =	strace $0x90000059  }
0x58: {  	s0 =	sadd.s32 @!p0 $0x100000, s1;
	[bflag:$0x2] =	sbarrier.arrive $0xFFFF  }
0x59: {  	[sflag:s0] =	ssyncadd.tile.s32 @!p0 $0x1;
	_ =	shalt  }
.Lfunc_end2:
_tile_overlayer_lowered:
.L_overlay_start_2:
0x5a: {  	(tag) =	ssettag $0x2  }
0x5b: {  	s0 =	rddreg [dreg:$0x0];
	s2 =	stileid.u32  }
0x5c: {  	s1 =	rddreg [dreg:$0x1];
	p0 =	sne.s32 s2, $0x0  }
0x5d: {  	s3 =	rddreg [dreg:$0x2];
	[bflag:$0x3] =	sbarrier.arrive $0xFFFF;
	s2 =	simm.s32 @!p0 $0x1C04  }
0x5e: {  	[timem:s3], [sflag:s2] =	dma.local @!p0 [hbm:s0], s1  }
0x5f: {  	s0 =	simm.s32 @!p0 $0x4  }
0x60: {  	_ =	swait.ge @!p0 [sflag:s0], s1  }
0x61: {  	s1 =	ssub.s32 @!p0 $0x0, s1;
	[sflag:s0] =	ssyncset.done @!p0 $0x0  }
0x62: {  	[sflag:s0] =	ssyncadd.s32 @!p0 s1  }
0x63: {  	[bflag:$0x3] =	sbarrier.arrive $0xFFFF  }
0x64: {  	_ =	shalt  }

</sc_bundles>
